<compile_context>
chip_gen: v7x
topology: tpu7x:2x2x1
jax: 0.10.2.dev20260603
libtpu: 0.0.44.dev20260713+nightly
codegen_flags: <defaults>
</compile_context>

<pallas_src>
import functools

import jax
import jax.numpy as jnp
from jax import lax
from jax.experimental import pallas as pl
from jax.experimental.pallas import tpu as pltpu
from jax.experimental.pallas import tpu_sc as plsc

N = 10000
E = 320000
D = 128
HID = 128
H = 8
C = 16
NODE_CLS = 8
EDGE_CLS = 6

NC = 2
NS = 16
NW = NC * NS
EPW = E // NW
GCH = 400
GSUB = 80
NPAD = 10240
ACCW = 144
CPT = ACCW // NS
SCH = 640
EPC = E // NC

@functools.cache
def _mesh():
    return plsc.VectorSubcoreMesh(
        core_axis_name="c", subcore_axis_name="s",
        num_cores=NC, num_subcores=NS)



def _full_spec(shape):
    nd = len(shape)
    return pl.BlockSpec(shape, lambda *_i, _nd=nd: (0,) * _nd)


def _mm_bias(a, w, b, blk):
    r, k0 = a.shape
    k = w.shape[1]

    def body(a_r, w_r, b_r, o_r):
        o_r[...] = (
            jnp.dot(a_r[...], w_r[...], preferred_element_type=jnp.float32)
            + b_r[...])

    return pl.pallas_call(
        body,
        grid=(r // blk,),
        in_specs=[
            pl.BlockSpec((blk, k0), lambda i: (i, 0)),
            _full_spec(w.shape),
            _full_spec(b.shape),
        ],
        out_specs=pl.BlockSpec((blk, k), lambda i: (i, 0)),
        out_shape=jax.ShapeDtypeStruct((r, k), jnp.float32),
    )(a, w, b)


def _fold_weights(wup, bup, we1, we2):

    def body(wu, bu, w1, w2, m1, m2, c1, c2):
        wuv = wu[...]
        buv = bu[...]
        m1[...] = jnp.dot(wuv, w1[...], preferred_element_type=jnp.float32)
        m2[...] = jnp.dot(wuv, w2[...], preferred_element_type=jnp.float32)
        c1[...] = jnp.dot(buv, w1[...], preferred_element_type=jnp.float32)
        c2[...] = jnp.dot(buv, w2[...], preferred_element_type=jnp.float32)

    return pl.pallas_call(
        body,
        in_specs=[_full_spec(wup.shape), _full_spec(bup.shape),
                  _full_spec(we1.shape), _full_spec(we2.shape)],
        out_specs=[_full_spec((HID, HID)), _full_spec((HID, HID)),
                   _full_spec((1, HID)), _full_spec((1, HID))],
        out_shape=[jax.ShapeDtypeStruct((HID, HID), jnp.float32),
                   jax.ShapeDtypeStruct((HID, HID), jnp.float32),
                   jax.ShapeDtypeStruct((1, HID), jnp.float32),
                   jax.ShapeDtypeStruct((1, HID), jnp.float32)],
    )(wup, bup, we1, we2)


def _gat_edge(ef, g1, g2, m_w, cb, att_a, blk=3200):

    def body(ef_r, g1_r, g2_r, mw_r, cb_r, a_r, o_r):
        g1v = g1_r[...]
        eap = (jnp.dot(ef_r[...], mw_r[...], preferred_element_type=jnp.float32)
               + cb_r[...])
        m = g1v + g2_r[...] + eap
        m = jnp.maximum(m, 0.2 * m)
        logits = jnp.dot(m, a_r[...], preferred_element_type=jnp.float32)
        e = jnp.exp(jnp.minimum(logits, 75.0))
        parts = [g1v[:, 16 * h:16 * (h + 1)] * e[:, h:h + 1] for h in range(H)]
        parts.append(e)
        parts.append(jnp.zeros((blk, ACCW - 136), jnp.float32))
        o_r[...] = jnp.concatenate(parts, axis=1).T

    return pl.pallas_call(
        body,
        grid=(E // blk,),
        in_specs=[
            pl.BlockSpec((blk, D), lambda i: (i, 0)),
            pl.BlockSpec((blk, HID), lambda i: (i, 0)),
            pl.BlockSpec((blk, HID), lambda i: (i, 0)),
            _full_spec(m_w.shape),
            _full_spec(cb.shape),
            _full_spec(att_a.shape),
        ],
        out_specs=pl.BlockSpec((ACCW, blk), lambda i: (0, i)),
        out_shape=jax.ShapeDtypeStruct((ACCW, E), jnp.float32),
    )(ef, g1, g2, m_w, cb, att_a)


def _finalize(a0, a1, bias, ln_g, ln_b, blk=2000):

    def body(a0_r, a1_r, b_r, g_r, bb_r, o_r):
        t = a0_r[...] + a1_r[...]
        cols = [t[:, 16 * h:16 * (h + 1)] / (t[:, 128 + h:129 + h] + 1e-16)
                for h in range(H)]
        o = jnp.concatenate(cols, axis=1) + b_r[...]
        mu = jnp.mean(o, axis=1, keepdims=True)
        var = jnp.mean((o - mu) * (o - mu), axis=1, keepdims=True)
        o = (o - mu) * lax.rsqrt(var + 1e-5) * g_r[...] + bb_r[...]
        o_r[...] = jnp.maximum(o, 0.0)

    return pl.pallas_call(
        body,
        grid=(N // blk,),
        in_specs=[
            pl.BlockSpec((blk, ACCW), lambda i: (i, 0)),
            pl.BlockSpec((blk, ACCW), lambda i: (i, 0)),
            _full_spec(bias.shape),
            _full_spec(ln_g.shape),
            _full_spec(ln_b.shape),
        ],
        out_specs=pl.BlockSpec((blk, HID), lambda i: (i, 0)),
        out_shape=jax.ShapeDtypeStruct((N, HID), jnp.float32),
    )(a0, a1, bias, ln_g, ln_b)


def _node_head(h, w_all, b_all, blk=2000):
    k = w_all.shape[1]

    def body(h_r, w_r, b_r, o_np, o_rec, o_v, o_uz):
        z = (jnp.dot(h_r[...], w_r[...], preferred_element_type=jnp.float32)
             + b_r[...])
        zn = z[:, :8]
        zn = zn - jnp.max(zn, axis=1, keepdims=True)
        ez = jnp.exp(zn)
        o_np[...] = ez / jnp.sum(ez, axis=1, keepdims=True)
        o_rec[...] = z[:, 8:136]
        o_v[...] = z[:, 136:264]
        o_uz[...] = z[:, 264:520]

    return pl.pallas_call(
        body,
        grid=(N // blk,),
        in_specs=[
            pl.BlockSpec((blk, HID), lambda i: (i, 0)),
            _full_spec(w_all.shape),
            _full_spec(b_all.shape),
        ],
        out_specs=[
            pl.BlockSpec((blk, NODE_CLS), lambda i: (i, 0)),
            pl.BlockSpec((blk, D), lambda i: (i, 0)),
            pl.BlockSpec((blk, HID), lambda i: (i, 0)),
            pl.BlockSpec((blk, 256), lambda i: (i, 0)),
        ],
        out_shape=[
            jax.ShapeDtypeStruct((N, NODE_CLS), jnp.float32),
            jax.ShapeDtypeStruct((N, D), jnp.float32),
            jax.ShapeDtypeStruct((N, HID), jnp.float32),
            jax.ShapeDtypeStruct((N, 256), jnp.float32),
        ],
    )(h, w_all, b_all)


def _head_edge(guz, gv, w2row, b2, blk=2000):

    def body(guz_r, gv_r, w2_r, b2_r, o_ep, o_ex):
        guz = guz_r[...]
        zz = guz[:, 128:128 + EDGE_CLS]
        zz = zz - jnp.max(zz, axis=1, keepdims=True)
        ez = jnp.exp(zz)
        o_ep[...] = ez / jnp.sum(ez, axis=1, keepdims=True)
        hid = jnp.maximum(guz[:, :128] + gv_r[...], 0.0)
        s = jnp.sum(hid * w2_r[...], axis=1, keepdims=True) + b2_r[...]
        o_ex[...] = 1.0 / (1.0 + jnp.exp(-s))

    return pl.pallas_call(
        body,
        grid=(E // blk,),
        in_specs=[
            pl.BlockSpec((blk, 256), lambda i: (i, 0)),
            pl.BlockSpec((blk, HID), lambda i: (i, 0)),
            _full_spec(w2row.shape),
            _full_spec(b2.shape),
        ],
        out_specs=[
            pl.BlockSpec((blk, EDGE_CLS), lambda i: (i, 0)),
            pl.BlockSpec((blk, 1), lambda i: (i, 0)),
        ],
        out_shape=[
            jax.ShapeDtypeStruct((E, EDGE_CLS), jnp.float32),
            jax.ShapeDtypeStruct((E, 1), jnp.float32),
        ],
    )(guz, gv, w2row, b2)



def _sc_gather(tables, idxs, gch=80):
    nt = len(tables)
    ks = [int(t.shape[1]) for t in tables]
    out_type = tuple(
        jax.ShapeDtypeStruct((E, k), jnp.float32) for k in ks)
    scratch = []
    for k in ks:
        scratch += [
            pltpu.VMEM((gch,), jnp.int32),
            pltpu.VMEM((gch,), jnp.int32),
            pltpu.VMEM((gch, k), jnp.float32),
            pltpu.VMEM((gch, k), jnp.float32),
            pltpu.SemaphoreType.DMA,
            pltpu.SemaphoreType.DMA,
        ]
    nch = EPW // gch

    def body(*refs):
        tabs = refs[:nt]
        idxr = refs[nt:2 * nt]
        outs = refs[2 * nt:3 * nt]
        scr = refs[3 * nt:]
        ivs = [(scr[6 * t], scr[6 * t + 1]) for t in range(nt)]
        rvs = [(scr[6 * t + 2], scr[6 * t + 3]) for t in range(nt)]
        sems = [(scr[6 * t + 4], scr[6 * t + 5]) for t in range(nt)]
        cid = lax.axis_index("c")
        sid = lax.axis_index("s")
        wid = sid * NC + cid

        def base(i):
            return pl.multiple_of(wid * EPW + i * gch, gch)

        def stage(i, b):
            for t in range(nt):
                pltpu.sync_copy(idxr[t].at[pl.ds(base(i), gch)], ivs[t][b])
                pltpu.async_copy(tabs[t].at[ivs[t][b]], rvs[t][b],
                                 sems[t][b])

        def drain(i, b):
            for t in range(nt):
                pltpu.make_async_copy(tabs[t].at[ivs[t][b]], rvs[t][b],
                                      sems[t][b]).wait()
                pltpu.sync_copy(rvs[t][b], outs[t].at[pl.ds(base(i), gch)])

        stage(0, 0)

        def pairstep(ii, carry):
            i1 = 2 * ii + 1
            stage(i1, 1)
            drain(i1 - 1, 0)
            stage(i1 + 1, 0)
            drain(i1, 1)
            return carry

        lax.fori_loop(0, (nch - 1) // 2, pairstep, 0)
        drain(nch - 1, 0)

    fn = pl.kernel(body, out_type=out_type, mesh=_mesh(),
                   scratch_types=tuple(scratch))
    return fn(*tables, *idxs)


def _sc_scatter_add(rows_t, dst):
    out_type = jax.ShapeDtypeStruct((NC, NS, NPAD * CPT), jnp.float32)
    scratch = [
        pltpu.VMEM((CPT, SCH), jnp.float32),
        pltpu.VMEM((CPT, SCH), jnp.float32),
        pltpu.VMEM((SCH,), jnp.int32),
        pltpu.VMEM((SCH,), jnp.int32),
        pltpu.VMEM((NPAD * CPT,), jnp.float32),
        pltpu.SemaphoreType.DMA,
        pltpu.SemaphoreType.DMA,
    ]
    nch = EPC // SCH

    def body(rows_r, dst_r, out_r, rv0, rv1, dv0, dv1, acc, sem0, sem1):
        cid = lax.axis_index("c")
        sid = lax.axis_index("s")
        rvs, dvs, sems = (rv0, rv1), (dv0, dv1), (sem0, sem1)

        def start(i, b):
            eb = pl.multiple_of(cid * EPC + i * SCH, SCH)
            pltpu.async_copy(rows_r.at[sid, :, pl.ds(eb, SCH)], rvs[b],
                             sems[b])
            pltpu.async_copy(dst_r.at[pl.ds(eb, SCH)], dvs[b], sems[b])

        def wait(b):
            pltpu.make_async_copy(rows_r.at[sid, :, pl.ds(0, SCH)], rvs[b],
                                  sems[b]).wait()
            pltpu.make_async_copy(dst_r.at[pl.ds(0, SCH)], dvs[b],
                                  sems[b]).wait()

        def compute(b):
            rv, dv = rvs[b], dvs[b]

            def group(g2, carry2):
                lane = lax.iota(jnp.int32, 16)
                for u in range(2):
                    off = (2 * g2 + u) * 16
                    dstv = dv[pl.ds(off, 16)]
                    base_idx = dstv * CPT
                    for k in range(CPT):
                        plsc.addupdate_scatter(acc, [base_idx + k],
                                               rv[k, pl.ds(off, 16)],
                                               mask=lane >= 0)
                return carry2

            lax.fori_loop(0, SCH // 32, group, 0)

        def zstep(i, carry):
            acc[pl.ds(i * 16, 16)] = jnp.zeros((16,), jnp.float32)
            return carry

        start(0, 0)
        lax.fori_loop(0, NPAD * CPT // 16, zstep, 0)

        def step(ii, carry):
            i0 = 2 * ii
            start(i0 + 1, 1)
            wait(0)
            compute(0)
            start(lax.rem(i0 + 2, nch), 0)
            wait(1)
            compute(1)
            return carry

        lax.fori_loop(0, nch // 2, step, 0)
        wait(0)
        pltpu.sync_copy(acc, out_r.at[cid, sid])

    fn = pl.kernel(
        body, out_type=out_type, mesh=_mesh(), scratch_types=scratch,
        compiler_params=pltpu.CompilerParams(needs_layout_passes=False))
    return fn(rows_t, dst)



def _att_matrix(att):
    eye = jnp.eye(H, dtype=jnp.float32)
    return (att[:, :, None] * eye[:, None, :]).reshape(H * C, H)


def kernel(x, edge_features, edge_index, params):
    src = edge_index[0]
    dst = edge_index[1]

    up = params["up"]
    wup = up["W"]
    bup = up["b"].reshape(1, HID)
    blk0, blk1 = params["blocks"]

    m1, m2, cb1, cb2 = _fold_weights(wup, bup, blk0["We"], blk1["We"])

    h = _mm_bias(x, wup, bup, 2000)

    for bp, m_w, cb in ((blk0, m1, cb1), (blk1, m2, cb2)):
        xl = _mm_bias(h, bp["Wl"], bp["bl"].reshape(1, H * C), 2000)
        xr = _mm_bias(h, bp["Wr"], bp["br"].reshape(1, H * C), 2000)
        g1, g2 = _sc_gather([xl, xr], [src, dst])
        wrows_t = _gat_edge(edge_features, g1, g2, m_w, cb,
                            _att_matrix(bp["att"]))
        acc3 = _sc_scatter_add(wrows_t.reshape(NS, CPT, E), dst)
        acc = (acc3.reshape(NC, NS, NPAD, CPT)
               .transpose(0, 2, 1, 3).reshape(NC, NPAD, ACCW)[:, :N])
        h = _finalize(acc[0], acc[1],
                      bp["bias"].reshape(1, H * C),
                      bp["ln_g"].reshape(1, HID), bp["ln_b"].reshape(1, HID))

    nh = params["node_head"]
    eh = params["edge_head"]
    em = params["edge_mlp"]
    rc = params["recon"]
    w6p = jnp.pad(eh["W"], ((0, 0), (0, 16 - EDGE_CLS)))
    b6p = jnp.pad(eh["b"], (0, 16 - EDGE_CLS))
    zpad = jnp.zeros((HID, 112), jnp.float32)
    w_all = jnp.concatenate(
        [nh["W"], rc["W"], em["W1"][HID:], em["W1"][:HID], w6p, zpad],
        axis=1)
    b_all = jnp.concatenate(
        [nh["b"], rc["b"], jnp.zeros((HID,), jnp.float32), em["b1"], b6p,
         jnp.zeros((112,), jnp.float32)]).reshape(1, -1)
    node_preds, recon, v, uz = _node_head(h, w_all, b_all)

    guz, gv = _sc_gather([uz, v], [src, dst])
    edge_preds, exist = _head_edge(guz, gv, em["W2"].reshape(1, HID),
                                   em["b2"].reshape(1, 1))

    return (node_preds, edge_preds, exist, recon)

# --- scband reference (transcript-rebuilt; emitter-appended) ---
"""Pipeline reference for scband-multi-task-gat-34909494182502 (READ-ONLY COPY).

The authoritative reference and input builder live on the scoring server;
editing this copy changes nothing except your own understanding.
"""

import jax, jax.numpy as jnp
import numpy as np

N = 10000
E = 320000
D = 128
HID = 128
H = 8
C = 16
NB = 2
NODE_CLASSES = 8
EDGE_CLASSES = 6


def _glorot(key, shape):
    fan_in = shape[0]
    return jax.random.normal(key, shape, dtype=jnp.float32) / jnp.sqrt(jnp.float32(fan_in))


def setup_inputs(seed: int = 0) -> dict:
    key = jax.random.key(seed)
    keys = iter(jax.random.split(key, 64))
    x = jax.random.normal(next(keys), (N, D), dtype=jnp.float32)
    edge_features = jax.random.normal(next(keys), (E, D), dtype=jnp.float32)
    edge_index = jax.random.randint(next(keys), (2, E), 0, N)
    params = {
        "up": {"W": _glorot(next(keys), (D, HID)), "b": jnp.zeros((HID,), jnp.float32)},
        "blocks": [],
    }
    for _ in range(NB):
        params["blocks"].append({
            "Wl": _glorot(next(keys), (HID, H * C)),
            "bl": jnp.zeros((H * C,), jnp.float32),
            "Wr": _glorot(next(keys), (HID, H * C)),
            "br": jnp.zeros((H * C,), jnp.float32),
            "We": _glorot(next(keys), (HID, H * C)),
            "att": _glorot(next(keys), (H, C)),
            "bias": jnp.zeros((H * C,), jnp.float32),
            "ln_g": jnp.ones((HID,), jnp.float32),
            "ln_b": jnp.zeros((HID,), jnp.float32),
        })
    params["node_head"] = {"W": _glorot(next(keys), (HID, NODE_CLASSES)), "b": jnp.zeros((NODE_CLASSES,), jnp.float32)}
    params["edge_head"] = {"W": _glorot(next(keys), (HID, EDGE_CLASSES)), "b": jnp.zeros((EDGE_CLASSES,), jnp.float32)}
    params["edge_mlp"] = {"W1": _glorot(next(keys), (2 * HID, HID)), "b1": jnp.zeros((HID,), jnp.float32), "W2": _glorot(next(keys), (HID, 1)), "b2": jnp.zeros((1,), jnp.float32)}
    params["recon"] = {"W": _glorot(next(keys), (HID, D)), "b": jnp.zeros((D,), jnp.float32)}
    return {"x": x, "edge_features": edge_features, "edge_index": edge_index, "params": params}


def _layer_norm(h, g, b, eps=1e-5):
    mu = jnp.mean(h, axis=-1, keepdims=True)
    var = jnp.var(h, axis=-1, keepdims=True)
    return (h - mu) / jnp.sqrt(var + eps) * g + b


def _segment_softmax(logits, seg, num_segments):
    m = jax.ops.segment_max(logits, seg, num_segments=num_segments)
    m = jnp.where(jnp.isfinite(m), m, 0.0)
    e = jnp.exp(logits - m[seg])
    s = jax.ops.segment_sum(e, seg, num_segments=num_segments)
    return e / (s[seg] + 1e-16)


def _gat_block(h, edge_index, edge_attr, p):
    n = h.shape[0]
    src = edge_index[0]
    dst = edge_index[1]
    xl = (h @ p["Wl"] + p["bl"]).reshape(n, H, C)
    xr = (h @ p["Wr"] + p["br"]).reshape(n, H, C)
    ea = (edge_attr @ p["We"]).reshape(-1, H, C)
    m = xl[src] + xr[dst] + ea
    m = jax.nn.leaky_relu(m, 0.2)
    logits = jnp.sum(m * p["att"][None, :, :], axis=-1)
    alpha = _segment_softmax(logits, dst, n)
    out = jax.ops.segment_sum(xl[src] * alpha[..., None], dst, num_segments=n)
    out = out.reshape(n, H * C) + p["bias"]
    out = _layer_norm(out, p["ln_g"], p["ln_b"])
    return jax.nn.relu(out)


def _forward(x, edge_features, edge_index, params):
    h = x @ params["up"]["W"] + params["up"]["b"]
    ea = edge_features @ params["up"]["W"] + params["up"]["b"]
    for p in params["blocks"]:
        h = _gat_block(h, edge_index, ea, p)
    src = edge_index[0]
    dst = edge_index[1]
    node_preds = jax.nn.softmax(h @ params["node_head"]["W"] + params["node_head"]["b"], axis=-1)
    ef = h[src]
    edge_preds = jax.nn.softmax(ef @ params["edge_head"]["W"] + params["edge_head"]["b"], axis=-1)
    comb = jnp.concatenate([h[src], h[dst]], axis=-1)
    hid = jax.nn.relu(comb @ params["edge_mlp"]["W1"] + params["edge_mlp"]["b1"])
    exist = jax.nn.sigmoid(hid @ params["edge_mlp"]["W2"] + params["edge_mlp"]["b2"])
    recon = h @ params["recon"]["W"] + params["recon"]["b"]
    return (node_preds, edge_preds, exist, recon)


def reference(x, edge_features, edge_index, params):
    return _forward(x, edge_features, edge_index, params)

if __name__ == "__main__":
    import jax
    _d = setup_inputs()
    print(jax.jit(kernel)(*tuple(_d.values())))

</pallas_src>

<mosaic_0001>
#map = affine_map<(d0, d1) -> (0, 0, 0)>
#map1 = affine_map<(d0, d1) -> (0)>
module attributes {stable_mosaic.version = 14 : i64} {
  func.func @body(%arg0: i32, %arg1: i32, %arg2: memref<16x9x320000xf32, #tpu.memory_space<hbm>>, %arg3: memref<320000xi32, #tpu.memory_space<hbm>>, %arg4: memref<2x16x92160xf32, #tpu.memory_space<hbm>>, %arg5: memref<9x640xf32, #tpu.memory_space<vmem>>, %arg6: memref<9x640xf32, #tpu.memory_space<vmem>>, %arg7: memref<640xi32, #tpu.memory_space<vmem>>, %arg8: memref<640xi32, #tpu.memory_space<vmem>>, %arg9: memref<92160xf32, #tpu.memory_space<vmem>>, %arg10: memref<!tpu.dma_semaphore, #tpu.memory_space<semaphore_mem>>, %arg11: memref<!tpu.dma_semaphore, #tpu.memory_space<semaphore_mem>>) attributes {dimension_semantics = [#tpu.dimension_semantics<core_parallel>, #tpu.dimension_semantics<subcore_parallel>], iteration_bounds = array<i64: 2, 16>, scalar_prefetch = 0 : i64, scratch_operands = 7 : i64, tpu.core_type = #tpu.core_type<sc_vector_subcore>, window_params = [{transform_indices = #map}, {transform_indices = #map1}, {transform_indices = #map}]} {
    %mul3A = arith.constant 160000 : i32
    %mul3A_0 = arith.muli %arg0, %mul3A : i32
    %add3A = arith.constant 0 : i32
    %add3A_1 = arith.addi %mul3A_0, %add3A : i32
    %multiple_of3A = tpu.assume_multiple %add3A_1, 640 : i32
    %dma_start3A = arith.constant 0 : i32
    %dma_start3A_2 = tpu.memref_slice %arg2[%arg1, %dma_start3A, %multiple_of3A] : memref<16x9x320000xf32, #tpu.memory_space<hbm>> -> memref<1x9x640xf32, #tpu.memory_space<hbm>>
    %dma_start3A_3 = tpu.memref_squeeze %dma_start3A_2 : memref<1x9x640xf32, #tpu.memory_space<hbm>> -> memref<9x640xf32, #tpu.memory_space<hbm>>
    %dma_start3A_4 = arith.constant 0 : i32
    %dma_start3A_5 = tpu.memref_slice %arg2[%arg1, %dma_start3A_4, %multiple_of3A] : memref<16x9x320000xf32, #tpu.memory_space<hbm>> -> memref<1x9x640xf32, #tpu.memory_space<hbm>>
    %dma_start3A_6 = tpu.memref_squeeze %dma_start3A_5 : memref<1x9x640xf32, #tpu.memory_space<hbm>> -> memref<9x640xf32, #tpu.memory_space<hbm>>
    tpu.enqueue_dma source(%dma_start3A_6 : memref<9x640xf32, #tpu.memory_space<hbm>>) target(%arg5 : memref<9x640xf32, #tpu.memory_space<vmem>>) target_semaphore(%arg10 : memref<!tpu.dma_semaphore, #tpu.memory_space<semaphore_mem>>)
    %dma_start3A_7 = tpu.memref_slice %arg3[%multiple_of3A] : memref<320000xi32, #tpu.memory_space<hbm>> -> memref<640xi32, #tpu.memory_space<hbm>>
    %dma_start3A_8 = tpu.memref_slice %arg3[%multiple_of3A] : memref<320000xi32, #tpu.memory_space<hbm>> -> memref<640xi32, #tpu.memory_space<hbm>>
    tpu.enqueue_dma source(%dma_start3A_8 : memref<640xi32, #tpu.memory_space<hbm>>) target(%arg7 : memref<640xi32, #tpu.memory_space<vmem>>) target_semaphore(%arg10 : memref<!tpu.dma_semaphore, #tpu.memory_space<semaphore_mem>>)
    %scan3A = arith.constant 0 : i32
    %scan3A_9 = arith.constant 0 : i32
    %scan3A_10 = arith.constant 5760 : i32
    %scan3A_11 = arith.addi %scan3A_9, %scan3A_10 : i32
    %scan3A_12 = arith.constant 1 : i32
    scf.for %scan3A_31 = %scan3A_9 to %scan3A_11 step %scan3A_12  : i32 {
      %broadcast_in_dim3A = arith.constant 0.000000e+00 : f32
      %broadcast_in_dim3A_32 = vector.broadcast %broadcast_in_dim3A : f32 to vector<16xf32>
      %mul3A_33 = arith.constant 16 : i32
      %mul3A_34 = arith.muli %scan3A_31, %mul3A_33 : i32
      %swap3A = arith.index_cast %mul3A_34 : i32 to index
      %swap3A_35 = tpu.vector_load %arg9[%swap3A] {strides = array<i32>} : memref<92160xf32, #tpu.memory_space<vmem>>, vector<16xf32>,
      tpu.vector_store %arg9[%swap3A], %broadcast_in_dim3A_32 {strides = array<i32>} : memref<92160xf32, #tpu.memory_space<vmem>>, vector<16xf32>,
    }
    %scan3A_13 = arith.constant 5760 : i32
    %scan3A_14 = arith.constant 0 : i32
    %scan3A_15 = arith.constant 0 : i32
    %scan3A_16 = arith.constant 125 : i32
    %scan3A_17 = arith.addi %scan3A_15, %scan3A_16 : i32
    %scan3A_18 = arith.constant 1 : i32
    scf.for %scan3A_31 = %scan3A_15 to %scan3A_17 step %scan3A_18  : i32 {
      %mul3A_32 = arith.constant 2 : i32
      %mul3A_33 = arith.muli %mul3A_32, %scan3A_31 : i32
      %add3A_34 = arith.constant 1 : i32
      %add3A_35 = arith.addi %mul3A_33, %add3A_34 : i32
      %mul3A_36 = arith.constant 160000 : i32
      %mul3A_37 = arith.muli %arg0, %mul3A_36 : i32
      %mul3A_38 = arith.constant 640 : i32
      %mul3A_39 = arith.muli %add3A_35, %mul3A_38 : i32
      %add3A_40 = arith.addi %mul3A_37, %mul3A_39 : i32
      %multiple_of3A_41 = tpu.assume_multiple %add3A_40, 640 : i32
      %dma_start3A_42 = arith.constant 0 : i32
      %dma_start3A_43 = tpu.memref_slice %arg2[%arg1, %dma_start3A_42, %multiple_of3A_41] : memref<16x9x320000xf32, #tpu.memory_space<hbm>> -> memref<1x9x640xf32, #tpu.memory_space<hbm>>
      %dma_start3A_44 = tpu.memref_squeeze %dma_start3A_43 : memref<1x9x640xf32, #tpu.memory_space<hbm>> -> memref<9x640xf32, #tpu.memory_space<hbm>>
      %dma_start3A_45 = arith.constant 0 : i32
      %dma_start3A_46 = tpu.memref_slice %arg2[%arg1, %dma_start3A_45, %multiple_of3A_41] : memref<16x9x320000xf32, #tpu.memory_space<hbm>> -> memref<1x9x640xf32, #tpu.memory_space<hbm>>
      %dma_start3A_47 = tpu.memref_squeeze %dma_start3A_46 : memref<1x9x640xf32, #tpu.memory_space<hbm>> -> memref<9x640xf32, #tpu.memory_space<hbm>>
      tpu.enqueue_dma source(%dma_start3A_47 : memref<9x640xf32, #tpu.memory_space<hbm>>) target(%arg6 : memref<9x640xf32, #tpu.memory_space<vmem>>) target_semaphore(%arg11 : memref<!tpu.dma_semaphore, #tpu.memory_space<semaphore_mem>>)
      %dma_start3A_48 = tpu.memref_slice %arg3[%multiple_of3A_41] : memref<320000xi32, #tpu.memory_space<hbm>> -> memref<640xi32, #tpu.memory_space<hbm>>
      %dma_start3A_49 = tpu.memref_slice %arg3[%multiple_of3A_41] : memref<320000xi32, #tpu.memory_space<hbm>> -> memref<640xi32, #tpu.memory_space<hbm>>
      tpu.enqueue_dma source(%dma_start3A_49 : memref<640xi32, #tpu.memory_space<hbm>>) target(%arg8 : memref<640xi32, #tpu.memory_space<vmem>>) target_semaphore(%arg11 : memref<!tpu.dma_semaphore, #tpu.memory_space<semaphore_mem>>)
      %dma_wait3A_50 = arith.constant 0 : i32
      %dma_wait3A_51 = arith.constant 0 : i32
      %dma_wait3A_52 = tpu.memref_slice %arg2[%arg1, %dma_wait3A_50, %dma_wait3A_51] : memref<16x9x320000xf32, #tpu.memory_space<hbm>> -> memref<1x9x640xf32, #tpu.memory_space<hbm>>
      %dma_wait3A_53 = tpu.memref_squeeze %dma_wait3A_52 : memref<1x9x640xf32, #tpu.memory_space<hbm>> -> memref<9x640xf32, #tpu.memory_space<hbm>>
      %dma_wait3A_54 = arith.constant 0 : i32
      %dma_wait3A_55 = arith.constant 0 : i32
      %dma_wait3A_56 = tpu.memref_slice %arg2[%arg1, %dma_wait3A_54, %dma_wait3A_55] : memref<16x9x320000xf32, #tpu.memory_space<hbm>> -> memref<1x9x640xf32, #tpu.memory_space<hbm>>
      %dma_wait3A_57 = tpu.memref_squeeze %dma_wait3A_56 : memref<1x9x640xf32, #tpu.memory_space<hbm>> -> memref<9x640xf32, #tpu.memory_space<hbm>>
      tpu.wait_dma2 semaphore(%arg10 : memref<!tpu.dma_semaphore, #tpu.memory_space<semaphore_mem>>) src(%dma_wait3A_57 : memref<9x640xf32, #tpu.memory_space<hbm>>) dst(%arg5 : memref<9x640xf32, #tpu.memory_space<vmem>>)
      %dma_wait3A_58 = arith.constant 0 : i32
      %dma_wait3A_59 = tpu.memref_slice %arg3[%dma_wait3A_58] : memref<320000xi32, #tpu.memory_space<hbm>> -> memref<640xi32, #tpu.memory_space<hbm>>
      %dma_wait3A_60 = arith.constant 0 : i32
      %dma_wait3A_61 = tpu.memref_slice %arg3[%dma_wait3A_60] : memref<320000xi32, #tpu.memory_space<hbm>> -> memref<640xi32, #tpu.memory_space<hbm>>
      tpu.wait_dma2 semaphore(%arg10 : memref<!tpu.dma_semaphore, #tpu.memory_space<semaphore_mem>>) src(%dma_wait3A_61 : memref<640xi32, #tpu.memory_space<hbm>>) dst(%arg7 : memref<640xi32, #tpu.memory_space<vmem>>)
      %scan3A_62 = arith.constant 0 : i32
      %scan3A_63 = arith.constant 0 : i32
      %scan3A_64 = arith.constant 20 : i32
      %scan3A_65 = arith.addi %scan3A_63, %scan3A_64 : i32
      %scan3A_66 = arith.constant 1 : i32
      scf.for %scan3A_103 = %scan3A_63 to %scan3A_65 step %scan3A_66  : i32 {
        %iota3A = tpu.iota {dimensions = array<i32: 0>} : vector<16xi32>
        %mul3A_104 = arith.constant 2 : i32
        %mul3A_105 = arith.muli %mul3A_104, %scan3A_103 : i32
        %add3A_106 = arith.constant 0 : i32
        %add3A_107 = arith.addi %mul3A_105, %add3A_106 : i32
        %mul3A_108 = arith.constant 16 : i32
        %mul3A_109 = arith.muli %add3A_107, %mul3A_108 : i32
        %get3A = arith.index_cast %mul3A_109 : i32 to index
        %get3A_110 = tpu.vector_load %arg7[%get3A] {strides = array<i32>} : memref<640xi32, #tpu.memory_space<vmem>>, vector<16xi32>,
        %mul3A_111 = arith.constant 9 : i32
        %mul3A_112 = vector.broadcast %mul3A_111 : i32 to vector<16xi32>
        %mul3A_113 = arith.muli %get3A_110, %mul3A_112 : vector<16xi32>
        %add3A_114 = arith.constant 0 : i32
        %add3A_115 = vector.broadcast %add3A_114 : i32 to vector<16xi32>
        %add3A_116 = arith.addi %mul3A_113, %add3A_115 : vector<16xi32>
        %get3A_117 = arith.constant 0 : i32
        %get3A_118 = arith.index_cast %get3A_117 : i32 to index
        %get3A_119 = arith.index_cast %mul3A_109 : i32 to index
        %get3A_120 = tpu.vector_load %arg5[%get3A_118, %get3A_119] {strides = array<i32>} : memref<9x640xf32, #tpu.memory_space<vmem>>, vector<16xf32>,
        %ge3A = arith.constant 0 : i32
        %ge3A_121 = vector.broadcast %ge3A : i32 to vector<16xi32>
        %ge3A_122 = arith.cmpi sge, %iota3A, %ge3A_121 : vector<16xi32>
        tpu.vector_store_idx %arg9[%add3A_116], %get3A_120 masked %ge3A_122 {add = true} : memref<92160xf32, #tpu.memory_space<vmem>>[vector<16xi32>], vector<16xf32>, vector<16xi1>
        %add3A_123 = arith.constant 1 : i32
        %add3A_124 = vector.broadcast %add3A_123 : i32 to vector<16xi32>
        %add3A_125 = arith.addi %mul3A_113, %add3A_124 : vector<16xi32>
        %get3A_126 = arith.constant 1 : i32
        %get3A_127 = arith.index_cast %get3A_126 : i32 to index
        %get3A_128 = arith.index_cast %mul3A_109 : i32 to index
        %get3A_129 = tpu.vector_load %arg5[%get3A_127, %get3A_128] {strides = array<i32>} : memref<9x640xf32, #tpu.memory_space<vmem>>, vector<16xf32>,
        %ge3A_130 = arith.constant 0 : i32
        %ge3A_131 = vector.broadcast %ge3A_130 : i32 to vector<16xi32>
        %ge3A_132 = arith.cmpi sge, %iota3A, %ge3A_131 : vector<16xi32>
        tpu.vector_store_idx %arg9[%add3A_125], %get3A_129 masked %ge3A_132 {add = true} : memref<92160xf32, #tpu.memory_space<vmem>>[vector<16xi32>], vector<16xf32>, vector<16xi1>
        %add3A_133 = arith.constant 2 : i32
        %add3A_134 = vector.broadcast %add3A_133 : i32 to vector<16xi32>
        %add3A_135 = arith.addi %mul3A_113, %add3A_134 : vector<16xi32>
        %get3A_136 = arith.constant 2 : i32
        %get3A_137 = arith.index_cast %get3A_136 : i32 to index
        %get3A_138 = arith.index_cast %mul3A_109 : i32 to index
        %get3A_139 = tpu.vector_load %arg5[%get3A_137, %get3A_138] {strides = array<i32>} : memref<9x640xf32, #tpu.memory_space<vmem>>, vector<16xf32>,
        %ge3A_140 = arith.constant 0 : i32
        %ge3A_141 = vector.broadcast %ge3A_140 : i32 to vector<16xi32>
        %ge3A_142 = arith.cmpi sge, %iota3A, %ge3A_141 : vector<16xi32>
        tpu.vector_store_idx %arg9[%add3A_135], %get3A_139 masked %ge3A_142 {add = true} : memref<92160xf32, #tpu.memory_space<vmem>>[vector<16xi32>], vector<16xf32>, vector<16xi1>
        %add3A_143 = arith.constant 3 : i32
        %add3A_144 = vector.broadcast %add3A_143 : i32 to vector<16xi32>
        %add3A_145 = arith.addi %mul3A_113, %add3A_144 : vector<16xi32>
        %get3A_146 = arith.constant 3 : i32
        %get3A_147 = arith.index_cast %get3A_146 : i32 to index
        %get3A_148 = arith.index_cast %mul3A_109 : i32 to index
        %get3A_149 = tpu.vector_load %arg5[%get3A_147, %get3A_148] {strides = array<i32>} : memref<9x640xf32, #tpu.memory_space<vmem>>, vector<16xf32>,
        %ge3A_150 = arith.constant 0 : i32
        %ge3A_151 = vector.broadcast %ge3A_150 : i32 to vector<16xi32>
        %ge3A_152 = arith.cmpi sge, %iota3A, %ge3A_151 : vector<16xi32>
        tpu.vector_store_idx %arg9[%add3A_145], %get3A_149 masked %ge3A_152 {add = true} : memref<92160xf32, #tpu.memory_space<vmem>>[vector<16xi32>], vector<16xf32>, vector<16xi1>
        %add3A_153 = arith.constant 4 : i32
        %add3A_154 = vector.broadcast %add3A_153 : i32 to vector<16xi32>
        %add3A_155 = arith.addi %mul3A_113, %add3A_154 : vector<16xi32>
        %get3A_156 = arith.constant 4 : i32
        %get3A_157 = arith.index_cast %get3A_156 : i32 to index
        %get3A_158 = arith.index_cast %mul3A_109 : i32 to index
        %get3A_159 = tpu.vector_load %arg5[%get3A_157, %get3A_158] {strides = array<i32>} : memref<9x640xf32, #tpu.memory_space<vmem>>, vector<16xf32>,
        %ge3A_160 = arith.constant 0 : i32
        %ge3A_161 = vector.broadcast %ge3A_160 : i32 to vector<16xi32>
        %ge3A_162 = arith.cmpi sge, %iota3A, %ge3A_161 : vector<16xi32>
        tpu.vector_store_idx %arg9[%add3A_155], %get3A_159 masked %ge3A_162 {add = true} : memref<92160xf32, #tpu.memory_space<vmem>>[vector<16xi32>], vector<16xf32>, vector<16xi1>
        %add3A_163 = arith.constant 5 : i32
        %add3A_164 = vector.broadcast %add3A_163 : i32 to vector<16xi32>
        %add3A_165 = arith.addi %mul3A_113, %add3A_164 : vector<16xi32>
        %get3A_166 = arith.constant 5 : i32
        %get3A_167 = arith.index_cast %get3A_166 : i32 to index
        %get3A_168 = arith.index_cast %mul3A_109 : i32 to index
        %get3A_169 = tpu.vector_load %arg5[%get3A_167, %get3A_168] {strides = array<i32>} : memref<9x640xf32, #tpu.memory_space<vmem>>, vector<16xf32>,
        %ge3A_170 = arith.constant 0 : i32
        %ge3A_171 = vector.broadcast %ge3A_170 : i32 to vector<16xi32>
        %ge3A_172 = arith.cmpi sge, %iota3A, %ge3A_171 : vector<16xi32>
        tpu.vector_store_idx %arg9[%add3A_165], %get3A_169 masked %ge3A_172 {add = true} : memref<92160xf32, #tpu.memory_space<vmem>>[vector<16xi32>], vector<16xf32>, vector<16xi1>
        %add3A_173 = arith.constant 6 : i32
        %add3A_174 = vector.broadcast %add3A_173 : i32 to vector<16xi32>
        %add3A_175 = arith.addi %mul3A_113, %add3A_174 : vector<16xi32>
        %get3A_176 = arith.constant 6 : i32
        %get3A_177 = arith.index_cast %get3A_176 : i32 to index
        %get3A_178 = arith.index_cast %mul3A_109 : i32 to index
        %get3A_179 = tpu.vector_load %arg5[%get3A_177, %get3A_178] {strides = array<i32>} : memref<9x640xf32, #tpu.memory_space<vmem>>, vector<16xf32>,
        %ge3A_180 = arith.constant 0 : i32
        %ge3A_181 = vector.broadcast %ge3A_180 : i32 to vector<16xi32>
        %ge3A_182 = arith.cmpi sge, %iota3A, %ge3A_181 : vector<16xi32>
        tpu.vector_store_idx %arg9[%add3A_175], %get3A_179 masked %ge3A_182 {add = true} : memref<92160xf32, #tpu.memory_space<vmem>>[vector<16xi32>], vector<16xf32>, vector<16xi1>
        %add3A_183 = arith.constant 7 : i32
        %add3A_184 = vector.broadcast %add3A_183 : i32 to vector<16xi32>
        %add3A_185 = arith.addi %mul3A_113, %add3A_184 : vector<16xi32>
        %get3A_186 = arith.constant 7 : i32
        %get3A_187 = arith.index_cast %get3A_186 : i32 to index
        %get3A_188 = arith.index_cast %mul3A_109 : i32 to index
        %get3A_189 = tpu.vector_load %arg5[%get3A_187, %get3A_188] {strides = array<i32>} : memref<9x640xf32, #tpu.memory_space<vmem>>, vector<16xf32>,
        %ge3A_190 = arith.constant 0 : i32
        %ge3A_191 = vector.broadcast %ge3A_190 : i32 to vector<16xi32>
        %ge3A_192 = arith.cmpi sge, %iota3A, %ge3A_191 : vector<16xi32>
        tpu.vector_store_idx %arg9[%add3A_185], %get3A_189 masked %ge3A_192 {add = true} : memref<92160xf32, #tpu.memory_space<vmem>>[vector<16xi32>], vector<16xf32>, vector<16xi1>
        %add3A_193 = arith.constant 8 : i32
        %add3A_194 = vector.broadcast %add3A_193 : i32 to vector<16xi32>
        %add3A_195 = arith.addi %mul3A_113, %add3A_194 : vector<16xi32>
        %get3A_196 = arith.constant 8 : i32
        %get3A_197 = arith.index_cast %get3A_196 : i32 to index
        %get3A_198 = arith.index_cast %mul3A_109 : i32 to index
        %get3A_199 = tpu.vector_load %arg5[%get3A_197, %get3A_198] {strides = array<i32>} : memref<9x640xf32, #tpu.memory_space<vmem>>, vector<16xf32>,
        %ge3A_200 = arith.constant 0 : i32
        %ge3A_201 = vector.broadcast %ge3A_200 : i32 to vector<16xi32>
        %ge3A_202 = arith.cmpi sge, %iota3A, %ge3A_201 : vector<16xi32>
        tpu.vector_store_idx %arg9[%add3A_195], %get3A_199 masked %ge3A_202 {add = true} : memref<92160xf32, #tpu.memory_space<vmem>>[vector<16xi32>], vector<16xf32>, vector<16xi1>
        %mul3A_203 = arith.constant 2 : i32
        %mul3A_204 = arith.muli %mul3A_203, %scan3A_103 : i32
        %add3A_205 = arith.constant 1 : i32
        %add3A_206 = arith.addi %mul3A_204, %add3A_205 : i32
        %mul3A_207 = arith.constant 16 : i32
        %mul3A_208 = arith.muli %add3A_206, %mul3A_207 : i32
        %get3A_209 = arith.index_cast %mul3A_208 : i32 to index
        %get3A_210 = tpu.vector_load %arg7[%get3A_209] {strides = array<i32>} : memref<640xi32, #tpu.memory_space<vmem>>, vector<16xi32>,
        %mul3A_211 = arith.constant 9 : i32
        %mul3A_212 = vector.broadcast %mul3A_211 : i32 to vector<16xi32>
        %mul3A_213 = arith.muli %get3A_210, %mul3A_212 : vector<16xi32>
        %add3A_214 = arith.constant 0 : i32
        %add3A_215 = vector.broadcast %add3A_214 : i32 to vector<16xi32>
        %add3A_216 = arith.addi %mul3A_213, %add3A_215 : vector<16xi32>
        %get3A_217 = arith.constant 0 : i32
        %get3A_218 = arith.index_cast %get3A_217 : i32 to index
        %get3A_219 = arith.index_cast %mul3A_208 : i32 to index
        %get3A_220 = tpu.vector_load %arg5[%get3A_218, %get3A_219] {strides = array<i32>} : memref<9x640xf32, #tpu.memory_space<vmem>>, vector<16xf32>,
        %ge3A_221 = arith.constant 0 : i32
        %ge3A_222 = vector.broadcast %ge3A_221 : i32 to vector<16xi32>
        %ge3A_223 = arith.cmpi sge, %iota3A, %ge3A_222 : vector<16xi32>
        tpu.vector_store_idx %arg9[%add3A_216], %get3A_220 masked %ge3A_223 {add = true} : memref<92160xf32, #tpu.memory_space<vmem>>[vector<16xi32>], vector<16xf32>, vector<16xi1>
        %add3A_224 = arith.constant 1 : i32
        %add3A_225 = vector.broadcast %add3A_224 : i32 to vector<16xi32>
        %add3A_226 = arith.addi %mul3A_213, %add3A_225 : vector<16xi32>
        %get3A_227 = arith.constant 1 : i32
        %get3A_228 = arith.index_cast %get3A_227 : i32 to index
        %get3A_229 = arith.index_cast %mul3A_208 : i32 to index
        %get3A_230 = tpu.vector_load %arg5[%get3A_228, %get3A_229] {strides = array<i32>} : memref<9x640xf32, #tpu.memory_space<vmem>>, vector<16xf32>,
        %ge3A_231 = arith.constant 0 : i32
        %ge3A_232 = vector.broadcast %ge3A_231 : i32 to vector<16xi32>
        %ge3A_233 = arith.cmpi sge, %iota3A, %ge3A_232 : vector<16xi32>
        tpu.vector_store_idx %arg9[%add3A_226], %get3A_230 masked %ge3A_233 {add = true} : memref<92160xf32, #tpu.memory_space<vmem>>[vector<16xi32>], vector<16xf32>, vector<16xi1>
        %add3A_234 = arith.constant 2 : i32
        %add3A_235 = vector.broadcast %add3A_234 : i32 to vector<16xi32>
        %add3A_236 = arith.addi %mul3A_213, %add3A_235 : vector<16xi32>
        %get3A_237 = arith.constant 2 : i32
        %get3A_238 = arith.index_cast %get3A_237 : i32 to index
        %get3A_239 = arith.index_cast %mul3A_208 : i32 to index
        %get3A_240 = tpu.vector_load %arg5[%get3A_238, %get3A_239] {strides = array<i32>} : memref<9x640xf32, #tpu.memory_space<vmem>>, vector<16xf32>,
        %ge3A_241 = arith.constant 0 : i32
        %ge3A_242 = vector.broadcast %ge3A_241 : i32 to vector<16xi32>
        %ge3A_243 = arith.cmpi sge, %iota3A, %ge3A_242 : vector<16xi32>
        tpu.vector_store_idx %arg9[%add3A_236], %get3A_240 masked %ge3A_243 {add = true} : memref<92160xf32, #tpu.memory_space<vmem>>[vector<16xi32>], vector<16xf32>, vector<16xi1>
        %add3A_244 = arith.constant 3 : i32
        %add3A_245 = vector.broadcast %add3A_244 : i32 to vector<16xi32>
        %add3A_246 = arith.addi %mul3A_213, %add3A_245 : vector<16xi32>
        %get3A_247 = arith.constant 3 : i32
        %get3A_248 = arith.index_cast %get3A_247 : i32 to index
        %get3A_249 = arith.index_cast %mul3A_208 : i32 to index
        %get3A_250 = tpu.vector_load %arg5[%get3A_248, %get3A_249] {strides = array<i32>} : memref<9x640xf32, #tpu.memory_space<vmem>>, vector<16xf32>,
        %ge3A_251 = arith.constant 0 : i32
        %ge3A_252 = vector.broadcast %ge3A_251 : i32 to vector<16xi32>
        %ge3A_253 = arith.cmpi sge, %iota3A, %ge3A_252 : vector<16xi32>
        tpu.vector_store_idx %arg9[%add3A_246], %get3A_250 masked %ge3A_253 {add = true} : memref<92160xf32, #tpu.memory_space<vmem>>[vector<16xi32>], vector<16xf32>, vector<16xi1>
        %add3A_254 = arith.constant 4 : i32
        %add3A_255 = vector.broadcast %add3A_254 : i32 to vector<16xi32>
        %add3A_256 = arith.addi %mul3A_213, %add3A_255 : vector<16xi32>
        %get3A_257 = arith.constant 4 : i32
        %get3A_258 = arith.index_cast %get3A_257 : i32 to index
        %get3A_259 = arith.index_cast %mul3A_208 : i32 to index
        %get3A_260 = tpu.vector_load %arg5[%get3A_258, %get3A_259] {strides = array<i32>} : memref<9x640xf32, #tpu.memory_space<vmem>>, vector<16xf32>,
        %ge3A_261 = arith.constant 0 : i32
        %ge3A_262 = vector.broadcast %ge3A_261 : i32 to vector<16xi32>
        %ge3A_263 = arith.cmpi sge, %iota3A, %ge3A_262 : vector<16xi32>
        tpu.vector_store_idx %arg9[%add3A_256], %get3A_260 masked %ge3A_263 {add = true} : memref<92160xf32, #tpu.memory_space<vmem>>[vector<16xi32>], vector<16xf32>, vector<16xi1>
        %add3A_264 = arith.constant 5 : i32
        %add3A_265 = vector.broadcast %add3A_264 : i32 to vector<16xi32>
        %add3A_266 = arith.addi %mul3A_213, %add3A_265 : vector<16xi32>
        %get3A_267 = arith.constant 5 : i32
        %get3A_268 = arith.index_cast %get3A_267 : i32 to index
        %get3A_269 = arith.index_cast %mul3A_208 : i32 to index
        %get3A_270 = tpu.vector_load %arg5[%get3A_268, %get3A_269] {strides = array<i32>} : memref<9x640xf32, #tpu.memory_space<vmem>>, vector<16xf32>,
        %ge3A_271 = arith.constant 0 : i32
        %ge3A_272 = vector.broadcast %ge3A_271 : i32 to vector<16xi32>
        %ge3A_273 = arith.cmpi sge, %iota3A, %ge3A_272 : vector<16xi32>
        tpu.vector_store_idx %arg9[%add3A_266], %get3A_270 masked %ge3A_273 {add = true} : memref<92160xf32, #tpu.memory_space<vmem>>[vector<16xi32>], vector<16xf32>, vector<16xi1>
        %add3A_274 = arith.constant 6 : i32
        %add3A_275 = vector.broadcast %add3A_274 : i32 to vector<16xi32>
        %add3A_276 = arith.addi %mul3A_213, %add3A_275 : vector<16xi32>
        %get3A_277 = arith.constant 6 : i32
        %get3A_278 = arith.index_cast %get3A_277 : i32 to index
        %get3A_279 = arith.index_cast %mul3A_208 : i32 to index
        %get3A_280 = tpu.vector_load %arg5[%get3A_278, %get3A_279] {strides = array<i32>} : memref<9x640xf32, #tpu.memory_space<vmem>>, vector<16xf32>,
        %ge3A_281 = arith.constant 0 : i32
        %ge3A_282 = vector.broadcast %ge3A_281 : i32 to vector<16xi32>
        %ge3A_283 = arith.cmpi sge, %iota3A, %ge3A_282 : vector<16xi32>
        tpu.vector_store_idx %arg9[%add3A_276], %get3A_280 masked %ge3A_283 {add = true} : memref<92160xf32, #tpu.memory_space<vmem>>[vector<16xi32>], vector<16xf32>, vector<16xi1>
        %add3A_284 = arith.constant 7 : i32
        %add3A_285 = vector.broadcast %add3A_284 : i32 to vector<16xi32>
        %add3A_286 = arith.addi %mul3A_213, %add3A_285 : vector<16xi32>
        %get3A_287 = arith.constant 7 : i32
        %get3A_288 = arith.index_cast %get3A_287 : i32 to index
        %get3A_289 = arith.index_cast %mul3A_208 : i32 to index
        %get3A_290 = tpu.vector_load %arg5[%get3A_288, %get3A_289] {strides = array<i32>} : memref<9x640xf32, #tpu.memory_space<vmem>>, vector<16xf32>,
        %ge3A_291 = arith.constant 0 : i32
        %ge3A_292 = vector.broadcast %ge3A_291 : i32 to vector<16xi32>
        %ge3A_293 = arith.cmpi sge, %iota3A, %ge3A_292 : vector<16xi32>
        tpu.vector_store_idx %arg9[%add3A_286], %get3A_290 masked %ge3A_293 {add = true} : memref<92160xf32, #tpu.memory_space<vmem>>[vector<16xi32>], vector<16xf32>, vector<16xi1>
        %add3A_294 = arith.constant 8 : i32
        %add3A_295 = vector.broadcast %add3A_294 : i32 to vector<16xi32>
        %add3A_296 = arith.addi %mul3A_213, %add3A_295 : vector<16xi32>
        %get3A_297 = arith.constant 8 : i32
        %get3A_298 = arith.index_cast %get3A_297 : i32 to index
        %get3A_299 = arith.index_cast %mul3A_208 : i32 to index
        %get3A_300 = tpu.vector_load %arg5[%get3A_298, %get3A_299] {strides = array<i32>} : memref<9x640xf32, #tpu.memory_space<vmem>>, vector<16xf32>,
        %ge3A_301 = arith.constant 0 : i32
        %ge3A_302 = vector.broadcast %ge3A_301 : i32 to vector<16xi32>
        %ge3A_303 = arith.cmpi sge, %iota3A, %ge3A_302 : vector<16xi32>
        tpu.vector_store_idx %arg9[%add3A_296], %get3A_300 masked %ge3A_303 {add = true} : memref<92160xf32, #tpu.memory_space<vmem>>[vector<16xi32>], vector<16xf32>, vector<16xi1>
      }
      %scan3A_67 = arith.constant 20 : i32
      %add3A_68 = arith.constant 2 : i32
      %add3A_69 = arith.addi %mul3A_33, %add3A_68 : i32
      %rem3A = arith.constant 250 : i32
      %rem3A_70 = arith.remsi %add3A_69, %rem3A : i32
      %mul3A_71 = arith.constant 160000 : i32
      %mul3A_72 = arith.muli %arg0, %mul3A_71 : i32
      %mul3A_73 = arith.constant 640 : i32
      %mul3A_74 = arith.muli %rem3A_70, %mul3A_73 : i32
      %add3A_75 = arith.addi %mul3A_72, %mul3A_74 : i32
      %multiple_of3A_76 = tpu.assume_multiple %add3A_75, 640 : i32
      %dma_start3A_77 = arith.constant 0 : i32
      %dma_start3A_78 = tpu.memref_slice %arg2[%arg1, %dma_start3A_77, %multiple_of3A_76] : memref<16x9x320000xf32, #tpu.memory_space<hbm>> -> memref<1x9x640xf32, #tpu.memory_space<hbm>>
      %dma_start3A_79 = tpu.memref_squeeze %dma_start3A_78 : memref<1x9x640xf32, #tpu.memory_space<hbm>> -> memref<9x640xf32, #tpu.memory_space<hbm>>
      %dma_start3A_80 = arith.constant 0 : i32
      %dma_start3A_81 = tpu.memref_slice %arg2[%arg1, %dma_start3A_80, %multiple_of3A_76] : memref<16x9x320000xf32, #tpu.memory_space<hbm>> -> memref<1x9x640xf32, #tpu.memory_space<hbm>>
      %dma_start3A_82 = tpu.memref_squeeze %dma_start3A_81 : memref<1x9x640xf32, #tpu.memory_space<hbm>> -> memref<9x640xf32, #tpu.memory_space<hbm>>
      tpu.enqueue_dma source(%dma_start3A_82 : memref<9x640xf32, #tpu.memory_space<hbm>>) target(%arg5 : memref<9x640xf32, #tpu.memory_space<vmem>>) target_semaphore(%arg10 : memref<!tpu.dma_semaphore, #tpu.memory_space<semaphore_mem>>)
      %dma_start3A_83 = tpu.memref_slice %arg3[%multiple_of3A_76] : memref<320000xi32, #tpu.memory_space<hbm>> -> memref<640xi32, #tpu.memory_space<hbm>>
      %dma_start3A_84 = tpu.memref_slice %arg3[%multiple_of3A_76] : memref<320000xi32, #tpu.memory_space<hbm>> -> memref<640xi32, #tpu.memory_space<hbm>>
      tpu.enqueue_dma source(%dma_start3A_84 : memref<640xi32, #tpu.memory_space<hbm>>) target(%arg7 : memref<640xi32, #tpu.memory_space<vmem>>) target_semaphore(%arg10 : memref<!tpu.dma_semaphore, #tpu.memory_space<semaphore_mem>>)
      %dma_wait3A_85 = arith.constant 0 : i32
      %dma_wait3A_86 = arith.constant 0 : i32
      %dma_wait3A_87 = tpu.memref_slice %arg2[%arg1, %dma_wait3A_85, %dma_wait3A_86] : memref<16x9x320000xf32, #tpu.memory_space<hbm>> -> memref<1x9x640xf32, #tpu.memory_space<hbm>>
      %dma_wait3A_88 = tpu.memref_squeeze %dma_wait3A_87 : memref<1x9x640xf32, #tpu.memory_space<hbm>> -> memref<9x640xf32, #tpu.memory_space<hbm>>
      %dma_wait3A_89 = arith.constant 0 : i32
      %dma_wait3A_90 = arith.constant 0 : i32
      %dma_wait3A_91 = tpu.memref_slice %arg2[%arg1, %dma_wait3A_89, %dma_wait3A_90] : memref<16x9x320000xf32, #tpu.memory_space<hbm>> -> memref<1x9x640xf32, #tpu.memory_space<hbm>>
      %dma_wait3A_92 = tpu.memref_squeeze %dma_wait3A_91 : memref<1x9x640xf32, #tpu.memory_space<hbm>> -> memref<9x640xf32, #tpu.memory_space<hbm>>
      tpu.wait_dma2 semaphore(%arg11 : memref<!tpu.dma_semaphore, #tpu.memory_space<semaphore_mem>>) src(%dma_wait3A_92 : memref<9x640xf32, #tpu.memory_space<hbm>>) dst(%arg6 : memref<9x640xf32, #tpu.memory_space<vmem>>)
      %dma_wait3A_93 = arith.constant 0 : i32
      %dma_wait3A_94 = tpu.memref_slice %arg3[%dma_wait3A_93] : memref<320000xi32, #tpu.memory_space<hbm>> -> memref<640xi32, #tpu.memory_space<hbm>>
      %dma_wait3A_95 = arith.constant 0 : i32
      %dma_wait3A_96 = tpu.memref_slice %arg3[%dma_wait3A_95] : memref<320000xi32, #tpu.memory_space<hbm>> -> memref<640xi32, #tpu.memory_space<hbm>>
      tpu.wait_dma2 semaphore(%arg11 : memref<!tpu.dma_semaphore, #tpu.memory_space<semaphore_mem>>) src(%dma_wait3A_96 : memref<640xi32, #tpu.memory_space<hbm>>) dst(%arg8 : memref<640xi32, #tpu.memory_space<vmem>>)
      %scan3A_97 = arith.constant 0 : i32
      %scan3A_98 = arith.constant 0 : i32
      %scan3A_99 = arith.constant 20 : i32
      %scan3A_100 = arith.addi %scan3A_98, %scan3A_99 : i32
      %scan3A_101 = arith.constant 1 : i32
      scf.for %scan3A_103 = %scan3A_98 to %scan3A_100 step %scan3A_101  : i32 {
        %iota3A = tpu.iota {dimensions = array<i32: 0>} : vector<16xi32>
        %mul3A_104 = arith.constant 2 : i32
        %mul3A_105 = arith.muli %mul3A_104, %scan3A_103 : i32
        %add3A_106 = arith.constant 0 : i32
        %add3A_107 = arith.addi %mul3A_105, %add3A_106 : i32
        %mul3A_108 = arith.constant 16 : i32
        %mul3A_109 = arith.muli %add3A_107, %mul3A_108 : i32
        %get3A = arith.index_cast %mul3A_109 : i32 to index
        %get3A_110 = tpu.vector_load %arg8[%get3A] {strides = array<i32>} : memref<640xi32, #tpu.memory_space<vmem>>, vector<16xi32>,
        %mul3A_111 = arith.constant 9 : i32
        %mul3A_112 = vector.broadcast %mul3A_111 : i32 to vector<16xi32>
        %mul3A_113 = arith.muli %get3A_110, %mul3A_112 : vector<16xi32>
        %add3A_114 = arith.constant 0 : i32
        %add3A_115 = vector.broadcast %add3A_114 : i32 to vector<16xi32>
        %add3A_116 = arith.addi %mul3A_113, %add3A_115 : vector<16xi32>
        %get3A_117 = arith.constant 0 : i32
        %get3A_118 = arith.index_cast %get3A_117 : i32 to index
        %get3A_119 = arith.index_cast %mul3A_109 : i32 to index
        %get3A_120 = tpu.vector_load %arg6[%get3A_118, %get3A_119] {strides = array<i32>} : memref<9x640xf32, #tpu.memory_space<vmem>>, vector<16xf32>,
        %ge3A = arith.constant 0 : i32
        %ge3A_121 = vector.broadcast %ge3A : i32 to vector<16xi32>
        %ge3A_122 = arith.cmpi sge, %iota3A, %ge3A_121 : vector<16xi32>
        tpu.vector_store_idx %arg9[%add3A_116], %get3A_120 masked %ge3A_122 {add = true} : memref<92160xf32, #tpu.memory_space<vmem>>[vector<16xi32>], vector<16xf32>, vector<16xi1>
        %add3A_123 = arith.constant 1 : i32
        %add3A_124 = vector.broadcast %add3A_123 : i32 to vector<16xi32>
        %add3A_125 = arith.addi %mul3A_113, %add3A_124 : vector<16xi32>
        %get3A_126 = arith.constant 1 : i32
        %get3A_127 = arith.index_cast %get3A_126 : i32 to index
        %get3A_128 = arith.index_cast %mul3A_109 : i32 to index
        %get3A_129 = tpu.vector_load %arg6[%get3A_127, %get3A_128] {strides = array<i32>} : memref<9x640xf32, #tpu.memory_space<vmem>>, vector<16xf32>,
        %ge3A_130 = arith.constant 0 : i32
        %ge3A_131 = vector.broadcast %ge3A_130 : i32 to vector<16xi32>
        %ge3A_132 = arith.cmpi sge, %iota3A, %ge3A_131 : vector<16xi32>
        tpu.vector_store_idx %arg9[%add3A_125], %get3A_129 masked %ge3A_132 {add = true} : memref<92160xf32, #tpu.memory_space<vmem>>[vector<16xi32>], vector<16xf32>, vector<16xi1>
        %add3A_133 = arith.constant 2 : i32
        %add3A_134 = vector.broadcast %add3A_133 : i32 to vector<16xi32>
        %add3A_135 = arith.addi %mul3A_113, %add3A_134 : vector<16xi32>
        %get3A_136 = arith.constant 2 : i32
        %get3A_137 = arith.index_cast %get3A_136 : i32 to index
        %get3A_138 = arith.index_cast %mul3A_109 : i32 to index
        %get3A_139 = tpu.vector_load %arg6[%get3A_137, %get3A_138] {strides = array<i32>} : memref<9x640xf32, #tpu.memory_space<vmem>>, vector<16xf32>,
        %ge3A_140 = arith.constant 0 : i32
        %ge3A_141 = vector.broadcast %ge3A_140 : i32 to vector<16xi32>
        %ge3A_142 = arith.cmpi sge, %iota3A, %ge3A_141 : vector<16xi32>
        tpu.vector_store_idx %arg9[%add3A_135], %get3A_139 masked %ge3A_142 {add = true} : memref<92160xf32, #tpu.memory_space<vmem>>[vector<16xi32>], vector<16xf32>, vector<16xi1>
        %add3A_143 = arith.constant 3 : i32
        %add3A_144 = vector.broadcast %add3A_143 : i32 to vector<16xi32>
        %add3A_145 = arith.addi %mul3A_113, %add3A_144 : vector<16xi32>
        %get3A_146 = arith.constant 3 : i32
        %get3A_147 = arith.index_cast %get3A_146 : i32 to index
        %get3A_148 = arith.index_cast %mul3A_109 : i32 to index
        %get3A_149 = tpu.vector_load %arg6[%get3A_147, %get3A_148] {strides = array<i32>} : memref<9x640xf32, #tpu.memory_space<vmem>>, vector<16xf32>,
        %ge3A_150 = arith.constant 0 : i32
        %ge3A_151 = vector.broadcast %ge3A_150 : i32 to vector<16xi32>
        %ge3A_152 = arith.cmpi sge, %iota3A, %ge3A_151 : vector<16xi32>
        tpu.vector_store_idx %arg9[%add3A_145], %get3A_149 masked %ge3A_152 {add = true} : memref<92160xf32, #tpu.memory_space<vmem>>[vector<16xi32>], vector<16xf32>, vector<16xi1>
        %add3A_153 = arith.constant 4 : i32
        %add3A_154 = vector.broadcast %add3A_153 : i32 to vector<16xi32>
        %add3A_155 = arith.addi %mul3A_113, %add3A_154 : vector<16xi32>
        %get3A_156 = arith.constant 4 : i32
        %get3A_157 = arith.index_cast %get3A_156 : i32 to index
        %get3A_158 = arith.index_cast %mul3A_109 : i32 to index
        %get3A_159 = tpu.vector_load %arg6[%get3A_157, %get3A_158] {strides = array<i32>} : memref<9x640xf32, #tpu.memory_space<vmem>>, vector<16xf32>,
        %ge3A_160 = arith.constant 0 : i32
        %ge3A_161 = vector.broadcast %ge3A_160 : i32 to vector<16xi32>
        %ge3A_162 = arith.cmpi sge, %iota3A, %ge3A_161 : vector<16xi32>
        tpu.vector_store_idx %arg9[%add3A_155], %get3A_159 masked %ge3A_162 {add = true} : memref<92160xf32, #tpu.memory_space<vmem>>[vector<16xi32>], vector<16xf32>, vector<16xi1>
        %add3A_163 = arith.constant 5 : i32
        %add3A_164 = vector.broadcast %add3A_163 : i32 to vector<16xi32>
        %add3A_165 = arith.addi %mul3A_113, %add3A_164 : vector<16xi32>
        %get3A_166 = arith.constant 5 : i32
        %get3A_167 = arith.index_cast %get3A_166 : i32 to index
        %get3A_168 = arith.index_cast %mul3A_109 : i32 to index
        %get3A_169 = tpu.vector_load %arg6[%get3A_167, %get3A_168] {strides = array<i32>} : memref<9x640xf32, #tpu.memory_space<vmem>>, vector<16xf32>,
        %ge3A_170 = arith.constant 0 : i32
        %ge3A_171 = vector.broadcast %ge3A_170 : i32 to vector<16xi32>
        %ge3A_172 = arith.cmpi sge, %iota3A, %ge3A_171 : vector<16xi32>
        tpu.vector_store_idx %arg9[%add3A_165], %get3A_169 masked %ge3A_172 {add = true} : memref<92160xf32, #tpu.memory_space<vmem>>[vector<16xi32>], vector<16xf32>, vector<16xi1>
        %add3A_173 = arith.constant 6 : i32
        %add3A_174 = vector.broadcast %add3A_173 : i32 to vector<16xi32>
        %add3A_175 = arith.addi %mul3A_113, %add3A_174 : vector<16xi32>
        %get3A_176 = arith.constant 6 : i32
        %get3A_177 = arith.index_cast %get3A_176 : i32 to index
        %get3A_178 = arith.index_cast %mul3A_109 : i32 to index
        %get3A_179 = tpu.vector_load %arg6[%get3A_177, %get3A_178] {strides = array<i32>} : memref<9x640xf32, #tpu.memory_space<vmem>>, vector<16xf32>,
        %ge3A_180 = arith.constant 0 : i32
        %ge3A_181 = vector.broadcast %ge3A_180 : i32 to vector<16xi32>
        %ge3A_182 = arith.cmpi sge, %iota3A, %ge3A_181 : vector<16xi32>
        tpu.vector_store_idx %arg9[%add3A_175], %get3A_179 masked %ge3A_182 {add = true} : memref<92160xf32, #tpu.memory_space<vmem>>[vector<16xi32>], vector<16xf32>, vector<16xi1>
        %add3A_183 = arith.constant 7 : i32
        %add3A_184 = vector.broadcast %add3A_183 : i32 to vector<16xi32>
        %add3A_185 = arith.addi %mul3A_113, %add3A_184 : vector<16xi32>
        %get3A_186 = arith.constant 7 : i32
        %get3A_187 = arith.index_cast %get3A_186 : i32 to index
        %get3A_188 = arith.index_cast %mul3A_109 : i32 to index
        %get3A_189 = tpu.vector_load %arg6[%get3A_187, %get3A_188] {strides = array<i32>} : memref<9x640xf32, #tpu.memory_space<vmem>>, vector<16xf32>,
        %ge3A_190 = arith.constant 0 : i32
        %ge3A_191 = vector.broadcast %ge3A_190 : i32 to vector<16xi32>
        %ge3A_192 = arith.cmpi sge, %iota3A, %ge3A_191 : vector<16xi32>
        tpu.vector_store_idx %arg9[%add3A_185], %get3A_189 masked %ge3A_192 {add = true} : memref<92160xf32, #tpu.memory_space<vmem>>[vector<16xi32>], vector<16xf32>, vector<16xi1>
        %add3A_193 = arith.constant 8 : i32
        %add3A_194 = vector.broadcast %add3A_193 : i32 to vector<16xi32>
        %add3A_195 = arith.addi %mul3A_113, %add3A_194 : vector<16xi32>
        %get3A_196 = arith.constant 8 : i32
        %get3A_197 = arith.index_cast %get3A_196 : i32 to index
        %get3A_198 = arith.index_cast %mul3A_109 : i32 to index
        %get3A_199 = tpu.vector_load %arg6[%get3A_197, %get3A_198] {strides = array<i32>} : memref<9x640xf32, #tpu.memory_space<vmem>>, vector<16xf32>,
        %ge3A_200 = arith.constant 0 : i32
        %ge3A_201 = vector.broadcast %ge3A_200 : i32 to vector<16xi32>
        %ge3A_202 = arith.cmpi sge, %iota3A, %ge3A_201 : vector<16xi32>
        tpu.vector_store_idx %arg9[%add3A_195], %get3A_199 masked %ge3A_202 {add = true} : memref<92160xf32, #tpu.memory_space<vmem>>[vector<16xi32>], vector<16xf32>, vector<16xi1>
        %mul3A_203 = arith.constant 2 : i32
        %mul3A_204 = arith.muli %mul3A_203, %scan3A_103 : i32
        %add3A_205 = arith.constant 1 : i32
        %add3A_206 = arith.addi %mul3A_204, %add3A_205 : i32
        %mul3A_207 = arith.constant 16 : i32
        %mul3A_208 = arith.muli %add3A_206, %mul3A_207 : i32
        %get3A_209 = arith.index_cast %mul3A_208 : i32 to index
        %get3A_210 = tpu.vector_load %arg8[%get3A_209] {strides = array<i32>} : memref<640xi32, #tpu.memory_space<vmem>>, vector<16xi32>,
        %mul3A_211 = arith.constant 9 : i32
        %mul3A_212 = vector.broadcast %mul3A_211 : i32 to vector<16xi32>
        %mul3A_213 = arith.muli %get3A_210, %mul3A_212 : vector<16xi32>
        %add3A_214 = arith.constant 0 : i32
        %add3A_215 = vector.broadcast %add3A_214 : i32 to vector<16xi32>
        %add3A_216 = arith.addi %mul3A_213, %add3A_215 : vector<16xi32>
        %get3A_217 = arith.constant 0 : i32
        %get3A_218 = arith.index_cast %get3A_217 : i32 to index
        %get3A_219 = arith.index_cast %mul3A_208 : i32 to index
        %get3A_220 = tpu.vector_load %arg6[%get3A_218, %get3A_219] {strides = array<i32>} : memref<9x640xf32, #tpu.memory_space<vmem>>, vector<16xf32>,
        %ge3A_221 = arith.constant 0 : i32
        %ge3A_222 = vector.broadcast %ge3A_221 : i32 to vector<16xi32>
        %ge3A_223 = arith.cmpi sge, %iota3A, %ge3A_222 : vector<16xi32>
        tpu.vector_store_idx %arg9[%add3A_216], %get3A_220 masked %ge3A_223 {add = true} : memref<92160xf32, #tpu.memory_space<vmem>>[vector<16xi32>], vector<16xf32>, vector<16xi1>
        %add3A_224 = arith.constant 1 : i32
        %add3A_225 = vector.broadcast %add3A_224 : i32 to vector<16xi32>
        %add3A_226 = arith.addi %mul3A_213, %add3A_225 : vector<16xi32>
        %get3A_227 = arith.constant 1 : i32
        %get3A_228 = arith.index_cast %get3A_227 : i32 to index
        %get3A_229 = arith.index_cast %mul3A_208 : i32 to index
        %get3A_230 = tpu.vector_load %arg6[%get3A_228, %get3A_229] {strides = array<i32>} : memref<9x640xf32, #tpu.memory_space<vmem>>, vector<16xf32>,
        %ge3A_231 = arith.constant 0 : i32
        %ge3A_232 = vector.broadcast %ge3A_231 : i32 to vector<16xi32>
        %ge3A_233 = arith.cmpi sge, %iota3A, %ge3A_232 : vector<16xi32>
        tpu.vector_store_idx %arg9[%add3A_226], %get3A_230 masked %ge3A_233 {add = true} : memref<92160xf32, #tpu.memory_space<vmem>>[vector<16xi32>], vector<16xf32>, vector<16xi1>
        %add3A_234 = arith.constant 2 : i32
        %add3A_235 = vector.broadcast %add3A_234 : i32 to vector<16xi32>
        %add3A_236 = arith.addi %mul3A_213, %add3A_235 : vector<16xi32>
        %get3A_237 = arith.constant 2 : i32
        %get3A_238 = arith.index_cast %get3A_237 : i32 to index
        %get3A_239 = arith.index_cast %mul3A_208 : i32 to index
        %get3A_240 = tpu.vector_load %arg6[%get3A_238, %get3A_239] {strides = array<i32>} : memref<9x640xf32, #tpu.memory_space<vmem>>, vector<16xf32>,
        %ge3A_241 = arith.constant 0 : i32
        %ge3A_242 = vector.broadcast %ge3A_241 : i32 to vector<16xi32>
        %ge3A_243 = arith.cmpi sge, %iota3A, %ge3A_242 : vector<16xi32>
        tpu.vector_store_idx %arg9[%add3A_236], %get3A_240 masked %ge3A_243 {add = true} : memref<92160xf32, #tpu.memory_space<vmem>>[vector<16xi32>], vector<16xf32>, vector<16xi1>
        %add3A_244 = arith.constant 3 : i32
        %add3A_245 = vector.broadcast %add3A_244 : i32 to vector<16xi32>
        %add3A_246 = arith.addi %mul3A_213, %add3A_245 : vector<16xi32>
        %get3A_247 = arith.constant 3 : i32
        %get3A_248 = arith.index_cast %get3A_247 : i32 to index
        %get3A_249 = arith.index_cast %mul3A_208 : i32 to index
        %get3A_250 = tpu.vector_load %arg6[%get3A_248, %get3A_249] {strides = array<i32>} : memref<9x640xf32, #tpu.memory_space<vmem>>, vector<16xf32>,
        %ge3A_251 = arith.constant 0 : i32
        %ge3A_252 = vector.broadcast %ge3A_251 : i32 to vector<16xi32>
        %ge3A_253 = arith.cmpi sge, %iota3A, %ge3A_252 : vector<16xi32>
        tpu.vector_store_idx %arg9[%add3A_246], %get3A_250 masked %ge3A_253 {add = true} : memref<92160xf32, #tpu.memory_space<vmem>>[vector<16xi32>], vector<16xf32>, vector<16xi1>
        %add3A_254 = arith.constant 4 : i32
        %add3A_255 = vector.broadcast %add3A_254 : i32 to vector<16xi32>
        %add3A_256 = arith.addi %mul3A_213, %add3A_255 : vector<16xi32>
        %get3A_257 = arith.constant 4 : i32
        %get3A_258 = arith.index_cast %get3A_257 : i32 to index
        %get3A_259 = arith.index_cast %mul3A_208 : i32 to index
        %get3A_260 = tpu.vector_load %arg6[%get3A_258, %get3A_259] {strides = array<i32>} : memref<9x640xf32, #tpu.memory_space<vmem>>, vector<16xf32>,
        %ge3A_261 = arith.constant 0 : i32
        %ge3A_262 = vector.broadcast %ge3A_261 : i32 to vector<16xi32>
        %ge3A_263 = arith.cmpi sge, %iota3A, %ge3A_262 : vector<16xi32>
        tpu.vector_store_idx %arg9[%add3A_256], %get3A_260 masked %ge3A_263 {add = true} : memref<92160xf32, #tpu.memory_space<vmem>>[vector<16xi32>], vector<16xf32>, vector<16xi1>
        %add3A_264 = arith.constant 5 : i32
        %add3A_265 = vector.broadcast %add3A_264 : i32 to vector<16xi32>
        %add3A_266 = arith.addi %mul3A_213, %add3A_265 : vector<16xi32>
        %get3A_267 = arith.constant 5 : i32
        %get3A_268 = arith.index_cast %get3A_267 : i32 to index
        %get3A_269 = arith.index_cast %mul3A_208 : i32 to index
        %get3A_270 = tpu.vector_load %arg6[%get3A_268, %get3A_269] {strides = array<i32>} : memref<9x640xf32, #tpu.memory_space<vmem>>, vector<16xf32>,
        %ge3A_271 = arith.constant 0 : i32
        %ge3A_272 = vector.broadcast %ge3A_271 : i32 to vector<16xi32>
        %ge3A_273 = arith.cmpi sge, %iota3A, %ge3A_272 : vector<16xi32>
        tpu.vector_store_idx %arg9[%add3A_266], %get3A_270 masked %ge3A_273 {add = true} : memref<92160xf32, #tpu.memory_space<vmem>>[vector<16xi32>], vector<16xf32>, vector<16xi1>
        %add3A_274 = arith.constant 6 : i32
        %add3A_275 = vector.broadcast %add3A_274 : i32 to vector<16xi32>
        %add3A_276 = arith.addi %mul3A_213, %add3A_275 : vector<16xi32>
        %get3A_277 = arith.constant 6 : i32
        %get3A_278 = arith.index_cast %get3A_277 : i32 to index
        %get3A_279 = arith.index_cast %mul3A_208 : i32 to index
        %get3A_280 = tpu.vector_load %arg6[%get3A_278, %get3A_279] {strides = array<i32>} : memref<9x640xf32, #tpu.memory_space<vmem>>, vector<16xf32>,
        %ge3A_281 = arith.constant 0 : i32
        %ge3A_282 = vector.broadcast %ge3A_281 : i32 to vector<16xi32>
        %ge3A_283 = arith.cmpi sge, %iota3A, %ge3A_282 : vector<16xi32>
        tpu.vector_store_idx %arg9[%add3A_276], %get3A_280 masked %ge3A_283 {add = true} : memref<92160xf32, #tpu.memory_space<vmem>>[vector<16xi32>], vector<16xf32>, vector<16xi1>
        %add3A_284 = arith.constant 7 : i32
        %add3A_285 = vector.broadcast %add3A_284 : i32 to vector<16xi32>
        %add3A_286 = arith.addi %mul3A_213, %add3A_285 : vector<16xi32>
        %get3A_287 = arith.constant 7 : i32
        %get3A_288 = arith.index_cast %get3A_287 : i32 to index
        %get3A_289 = arith.index_cast %mul3A_208 : i32 to index
        %get3A_290 = tpu.vector_load %arg6[%get3A_288, %get3A_289] {strides = array<i32>} : memref<9x640xf32, #tpu.memory_space<vmem>>, vector<16xf32>,
        %ge3A_291 = arith.constant 0 : i32
        %ge3A_292 = vector.broadcast %ge3A_291 : i32 to vector<16xi32>
        %ge3A_293 = arith.cmpi sge, %iota3A, %ge3A_292 : vector<16xi32>
        tpu.vector_store_idx %arg9[%add3A_286], %get3A_290 masked %ge3A_293 {add = true} : memref<92160xf32, #tpu.memory_space<vmem>>[vector<16xi32>], vector<16xf32>, vector<16xi1>
        %add3A_294 = arith.constant 8 : i32
        %add3A_295 = vector.broadcast %add3A_294 : i32 to vector<16xi32>
        %add3A_296 = arith.addi %mul3A_213, %add3A_295 : vector<16xi32>
        %get3A_297 = arith.constant 8 : i32
        %get3A_298 = arith.index_cast %get3A_297 : i32 to index
        %get3A_299 = arith.index_cast %mul3A_208 : i32 to index
        %get3A_300 = tpu.vector_load %arg6[%get3A_298, %get3A_299] {strides = array<i32>} : memref<9x640xf32, #tpu.memory_space<vmem>>, vector<16xf32>,
        %ge3A_301 = arith.constant 0 : i32
        %ge3A_302 = vector.broadcast %ge3A_301 : i32 to vector<16xi32>
        %ge3A_303 = arith.cmpi sge, %iota3A, %ge3A_302 : vector<16xi32>
        tpu.vector_store_idx %arg9[%add3A_296], %get3A_300 masked %ge3A_303 {add = true} : memref<92160xf32, #tpu.memory_space<vmem>>[vector<16xi32>], vector<16xf32>, vector<16xi1>
      }
      %scan3A_102 = arith.constant 20 : i32
    }
    %scan3A_19 = arith.constant 125 : i32
    %dma_wait3A = arith.constant 0 : i32
    %dma_wait3A_20 = arith.constant 0 : i32
    %dma_wait3A_21 = tpu.memref_slice %arg2[%arg1, %dma_wait3A, %dma_wait3A_20] : memref<16x9x320000xf32, #tpu.memory_space<hbm>> -> memref<1x9x640xf32, #tpu.memory_space<hbm>>
    %dma_wait3A_22 = tpu.memref_squeeze %dma_wait3A_21 : memref<1x9x640xf32, #tpu.memory_space<hbm>> -> memref<9x640xf32, #tpu.memory_space<hbm>>
    %dma_wait3A_23 = arith.constant 0 : i32
    %dma_wait3A_24 = arith.constant 0 : i32
    %dma_wait3A_25 = tpu.memref_slice %arg2[%arg1, %dma_wait3A_23, %dma_wait3A_24] : memref<16x9x320000xf32, #tpu.memory_space<hbm>> -> memref<1x9x640xf32, #tpu.memory_space<hbm>>
    %dma_wait3A_26 = tpu.memref_squeeze %dma_wait3A_25 : memref<1x9x640xf32, #tpu.memory_space<hbm>> -> memref<9x640xf32, #tpu.memory_space<hbm>>
    tpu.wait_dma2 semaphore(%arg10 : memref<!tpu.dma_semaphore, #tpu.memory_space<semaphore_mem>>) src(%dma_wait3A_26 : memref<9x640xf32, #tpu.memory_space<hbm>>) dst(%arg5 : memref<9x640xf32, #tpu.memory_space<vmem>>)
    %dma_wait3A_27 = arith.constant 0 : i32
    %dma_wait3A_28 = tpu.memref_slice %arg3[%dma_wait3A_27] : memref<320000xi32, #tpu.memory_space<hbm>> -> memref<640xi32, #tpu.memory_space<hbm>>
    %dma_wait3A_29 = arith.constant 0 : i32
    %dma_wait3A_30 = tpu.memref_slice %arg3[%dma_wait3A_29] : memref<320000xi32, #tpu.memory_space<hbm>> -> memref<640xi32, #tpu.memory_space<hbm>>
    tpu.wait_dma2 semaphore(%arg10 : memref<!tpu.dma_semaphore, #tpu.memory_space<semaphore_mem>>) src(%dma_wait3A_30 : memref<640xi32, #tpu.memory_space<hbm>>) dst(%arg7 : memref<640xi32, #tpu.memory_space<vmem>>)
    "tpu.region"() ({
      %run_scoped3A = tpu.sem_alloc : memref<!tpu.dma_semaphore, #tpu.memory_space<semaphore_mem>>
      %dma_start3A_31 = arith.constant 0 : i32
      %dma_start3A_32 = tpu.memref_slice %arg4[%arg0, %arg1, %dma_start3A_31] : memref<2x16x92160xf32, #tpu.memory_space<hbm>> -> memref<1x1x92160xf32, #tpu.memory_space<hbm>>
      %dma_start3A_33 = tpu.memref_squeeze %dma_start3A_32 : memref<1x1x92160xf32, #tpu.memory_space<hbm>> -> memref<92160xf32, #tpu.memory_space<hbm>>
      %dma_start3A_34 = arith.constant 0 : i32
      %dma_start3A_35 = tpu.memref_slice %arg4[%arg0, %arg1, %dma_start3A_34] : memref<2x16x92160xf32, #tpu.memory_space<hbm>> -> memref<1x1x92160xf32, #tpu.memory_space<hbm>>
      %dma_start3A_36 = tpu.memref_squeeze %dma_start3A_35 : memref<1x1x92160xf32, #tpu.memory_space<hbm>> -> memref<92160xf32, #tpu.memory_space<hbm>>
      tpu.enqueue_dma source(%arg9 : memref<92160xf32, #tpu.memory_space<vmem>>) target(%dma_start3A_36 : memref<92160xf32, #tpu.memory_space<hbm>>) target_semaphore(%run_scoped3A : memref<!tpu.dma_semaphore, #tpu.memory_space<semaphore_mem>>)
      %dma_wait3A_37 = arith.constant 0 : i32
      %dma_wait3A_38 = tpu.memref_slice %arg4[%arg0, %arg1, %dma_wait3A_37] : memref<2x16x92160xf32, #tpu.memory_space<hbm>> -> memref<1x1x92160xf32, #tpu.memory_space<hbm>>
      %dma_wait3A_39 = tpu.memref_squeeze %dma_wait3A_38 : memref<1x1x92160xf32, #tpu.memory_space<hbm>> -> memref<92160xf32, #tpu.memory_space<hbm>>
      %dma_wait3A_40 = arith.constant 0 : i32
      %dma_wait3A_41 = tpu.memref_slice %arg4[%arg0, %arg1, %dma_wait3A_40] : memref<2x16x92160xf32, #tpu.memory_space<hbm>> -> memref<1x1x92160xf32, #tpu.memory_space<hbm>>
      %dma_wait3A_42 = tpu.memref_squeeze %dma_wait3A_41 : memref<1x1x92160xf32, #tpu.memory_space<hbm>> -> memref<92160xf32, #tpu.memory_space<hbm>>
      tpu.wait_dma2 semaphore(%run_scoped3A : memref<!tpu.dma_semaphore, #tpu.memory_space<semaphore_mem>>) src(%arg9 : memref<92160xf32, #tpu.memory_space<vmem>>) dst(%dma_wait3A_42 : memref<92160xf32, #tpu.memory_space<hbm>>)
      tpu.yield
    }) : () -> ()
    return
  }
}

#map = affine_map<(d0, d1) -> (0, 0)>
#map1 = affine_map<(d0, d1) -> (0)>
module attributes {stable_mosaic.version = 14 : i64} {
  func.func @body(%arg0: i32, %arg1: i32, %arg2: memref<10000x128xf32, #tpu.memory_space<hbm>>, %arg3: memref<10000x128xf32, #tpu.memory_space<hbm>>, %arg4: memref<320000xi32, #tpu.memory_space<hbm>>, %arg5: memref<320000xi32, #tpu.memory_space<hbm>>, %arg6: memref<320000x128xf32, #tpu.memory_space<hbm>>, %arg7: memref<320000x128xf32, #tpu.memory_space<hbm>>, %arg8: memref<80xi32, #tpu.memory_space<vmem>>, %arg9: memref<80xi32, #tpu.memory_space<vmem>>, %arg10: memref<80x128xf32, #tpu.memory_space<vmem>>, %arg11: memref<80x128xf32, #tpu.memory_space<vmem>>, %arg12: memref<!tpu.dma_semaphore, #tpu.memory_space<semaphore_mem>>, %arg13: memref<!tpu.dma_semaphore, #tpu.memory_space<semaphore_mem>>, %arg14: memref<80xi32, #tpu.memory_space<vmem>>, %arg15: memref<80xi32, #tpu.memory_space<vmem>>, %arg16: memref<80x128xf32, #tpu.memory_space<vmem>>, %arg17: memref<80x128xf32, #tpu.memory_space<vmem>>, %arg18: memref<!tpu.dma_semaphore, #tpu.memory_space<semaphore_mem>>, %arg19: memref<!tpu.dma_semaphore, #tpu.memory_space<semaphore_mem>>) attributes {dimension_semantics = [#tpu.dimension_semantics<core_parallel>, #tpu.dimension_semantics<subcore_parallel>], iteration_bounds = array<i64: 2, 16>, scalar_prefetch = 0 : i64, scratch_operands = 12 : i64, tpu.core_type = #tpu.core_type<sc_vector_subcore>, window_params = [{transform_indices = #map}, {transform_indices = #map}, {transform_indices = #map1}, {transform_indices = #map1}, {transform_indices = #map}, {transform_indices = #map}]} {
    %mul3A = arith.constant 2 : i32
    %mul3A_0 = arith.muli %arg1, %mul3A : i32
    %add3A = arith.addi %mul3A_0, %arg0 : i32
    %mul3A_1 = arith.constant 10000 : i32
    %mul3A_2 = arith.muli %add3A, %mul3A_1 : i32
    %add3A_3 = arith.constant 0 : i32
    %add3A_4 = arith.addi %mul3A_2, %add3A_3 : i32
    %multiple_of3A = tpu.assume_multiple %add3A_4, 80 : i32
    "tpu.region"() ({
      %run_scoped3A = tpu.sem_alloc : memref<!tpu.dma_semaphore, #tpu.memory_space<semaphore_mem>>
      %dma_start3A_35 = tpu.memref_slice %arg4[%multiple_of3A] : memref<320000xi32, #tpu.memory_space<hbm>> -> memref<80xi32, #tpu.memory_space<hbm>>
      %dma_start3A_36 = tpu.memref_slice %arg4[%multiple_of3A] : memref<320000xi32, #tpu.memory_space<hbm>> -> memref<80xi32, #tpu.memory_space<hbm>>
      tpu.enqueue_dma source(%dma_start3A_36 : memref<80xi32, #tpu.memory_space<hbm>>) target(%arg8 : memref<80xi32, #tpu.memory_space<vmem>>) target_semaphore(%run_scoped3A : memref<!tpu.dma_semaphore, #tpu.memory_space<semaphore_mem>>)
      %dma_wait3A_37 = tpu.memref_slice %arg4[%multiple_of3A] : memref<320000xi32, #tpu.memory_space<hbm>> -> memref<80xi32, #tpu.memory_space<hbm>>
      %dma_wait3A_38 = tpu.memref_slice %arg4[%multiple_of3A] : memref<320000xi32, #tpu.memory_space<hbm>> -> memref<80xi32, #tpu.memory_space<hbm>>
      tpu.wait_dma2 semaphore(%run_scoped3A : memref<!tpu.dma_semaphore, #tpu.memory_space<semaphore_mem>>) src(%dma_wait3A_38 : memref<80xi32, #tpu.memory_space<hbm>>) dst(%arg8 : memref<80xi32, #tpu.memory_space<vmem>>)
      tpu.yield
    }) : () -> ()
    %dma_start3A = arith.constant 0 : i32
    %dma_start3A_5 = arith.constant 0 : i32
    %dma_start3A_6 = tpu.memref_slice %arg2[%dma_start3A, %dma_start3A_5] : memref<10000x128xf32, #tpu.memory_space<hbm>> -> memref<10000x128xf32, #tpu.memory_space<hbm>>
    tpu.enqueue_indirect_dma source(%dma_start3A_6 : memref<10000x128xf32, #tpu.memory_space<hbm>>) target(%arg10 : memref<80x128xf32, #tpu.memory_space<vmem>>) offsets(%arg8 : memref<80xi32, #tpu.memory_space<vmem>>) semaphore(%arg12 : memref<!tpu.dma_semaphore, #tpu.memory_space<semaphore_mem>>)
    %mul3A_7 = arith.constant 10000 : i32
    %mul3A_8 = arith.muli %add3A, %mul3A_7 : i32
    %add3A_9 = arith.constant 0 : i32
    %add3A_10 = arith.addi %mul3A_8, %add3A_9 : i32
    %multiple_of3A_11 = tpu.assume_multiple %add3A_10, 80 : i32
    "tpu.region"() ({
      %run_scoped3A = tpu.sem_alloc : memref<!tpu.dma_semaphore, #tpu.memory_space<semaphore_mem>>
      %dma_start3A_35 = tpu.memref_slice %arg5[%multiple_of3A_11] : memref<320000xi32, #tpu.memory_space<hbm>> -> memref<80xi32, #tpu.memory_space<hbm>>
      %dma_start3A_36 = tpu.memref_slice %arg5[%multiple_of3A_11] : memref<320000xi32, #tpu.memory_space<hbm>> -> memref<80xi32, #tpu.memory_space<hbm>>
      tpu.enqueue_dma source(%dma_start3A_36 : memref<80xi32, #tpu.memory_space<hbm>>) target(%arg14 : memref<80xi32, #tpu.memory_space<vmem>>) target_semaphore(%run_scoped3A : memref<!tpu.dma_semaphore, #tpu.memory_space<semaphore_mem>>)
      %dma_wait3A_37 = tpu.memref_slice %arg5[%multiple_of3A_11] : memref<320000xi32, #tpu.memory_space<hbm>> -> memref<80xi32, #tpu.memory_space<hbm>>
      %dma_wait3A_38 = tpu.memref_slice %arg5[%multiple_of3A_11] : memref<320000xi32, #tpu.memory_space<hbm>> -> memref<80xi32, #tpu.memory_space<hbm>>
      tpu.wait_dma2 semaphore(%run_scoped3A : memref<!tpu.dma_semaphore, #tpu.memory_space<semaphore_mem>>) src(%dma_wait3A_38 : memref<80xi32, #tpu.memory_space<hbm>>) dst(%arg14 : memref<80xi32, #tpu.memory_space<vmem>>)
      tpu.yield
    }) : () -> ()
    %dma_start3A_12 = arith.constant 0 : i32
    %dma_start3A_13 = arith.constant 0 : i32
    %dma_start3A_14 = tpu.memref_slice %arg3[%dma_start3A_12, %dma_start3A_13] : memref<10000x128xf32, #tpu.memory_space<hbm>> -> memref<10000x128xf32, #tpu.memory_space<hbm>>
    tpu.enqueue_indirect_dma source(%dma_start3A_14 : memref<10000x128xf32, #tpu.memory_space<hbm>>) target(%arg16 : memref<80x128xf32, #tpu.memory_space<vmem>>) offsets(%arg14 : memref<80xi32, #tpu.memory_space<vmem>>) semaphore(%arg18 : memref<!tpu.dma_semaphore, #tpu.memory_space<semaphore_mem>>)
    %scan3A = arith.constant 0 : i32
    %scan3A_15 = arith.constant 0 : i32
    %scan3A_16 = arith.constant 62 : i32
    %scan3A_17 = arith.addi %scan3A_15, %scan3A_16 : i32
    %scan3A_18 = arith.constant 1 : i32
    scf.for %scan3A_35 = %scan3A_15 to %scan3A_17 step %scan3A_18  : i32 {
      %mul3A_36 = arith.constant 2 : i32
      %mul3A_37 = arith.muli %mul3A_36, %scan3A_35 : i32
      %add3A_38 = arith.constant 1 : i32
      %add3A_39 = arith.addi %mul3A_37, %add3A_38 : i32
      %mul3A_40 = arith.constant 10000 : i32
      %mul3A_41 = arith.muli %add3A, %mul3A_40 : i32
      %mul3A_42 = arith.constant 80 : i32
      %mul3A_43 = arith.muli %add3A_39, %mul3A_42 : i32
      %add3A_44 = arith.addi %mul3A_41, %mul3A_43 : i32
      %multiple_of3A_45 = tpu.assume_multiple %add3A_44, 80 : i32
      "tpu.region"() ({
        %run_scoped3A = tpu.sem_alloc : memref<!tpu.dma_semaphore, #tpu.memory_space<semaphore_mem>>
        %dma_start3A_115 = tpu.memref_slice %arg4[%multiple_of3A_45] : memref<320000xi32, #tpu.memory_space<hbm>> -> memref<80xi32, #tpu.memory_space<hbm>>
        %dma_start3A_116 = tpu.memref_slice %arg4[%multiple_of3A_45] : memref<320000xi32, #tpu.memory_space<hbm>> -> memref<80xi32, #tpu.memory_space<hbm>>
        tpu.enqueue_dma source(%dma_start3A_116 : memref<80xi32, #tpu.memory_space<hbm>>) target(%arg9 : memref<80xi32, #tpu.memory_space<vmem>>) target_semaphore(%run_scoped3A : memref<!tpu.dma_semaphore, #tpu.memory_space<semaphore_mem>>)
        %dma_wait3A_117 = tpu.memref_slice %arg4[%multiple_of3A_45] : memref<320000xi32, #tpu.memory_space<hbm>> -> memref<80xi32, #tpu.memory_space<hbm>>
        %dma_wait3A_118 = tpu.memref_slice %arg4[%multiple_of3A_45] : memref<320000xi32, #tpu.memory_space<hbm>> -> memref<80xi32, #tpu.memory_space<hbm>>
        tpu.wait_dma2 semaphore(%run_scoped3A : memref<!tpu.dma_semaphore, #tpu.memory_space<semaphore_mem>>) src(%dma_wait3A_118 : memref<80xi32, #tpu.memory_space<hbm>>) dst(%arg9 : memref<80xi32, #tpu.memory_space<vmem>>)
        tpu.yield
      }) : () -> ()
      %dma_start3A_46 = arith.constant 0 : i32
      %dma_start3A_47 = arith.constant 0 : i32
      %dma_start3A_48 = tpu.memref_slice %arg2[%dma_start3A_46, %dma_start3A_47] : memref<10000x128xf32, #tpu.memory_space<hbm>> -> memref<10000x128xf32, #tpu.memory_space<hbm>>
      tpu.enqueue_indirect_dma source(%dma_start3A_48 : memref<10000x128xf32, #tpu.memory_space<hbm>>) target(%arg11 : memref<80x128xf32, #tpu.memory_space<vmem>>) offsets(%arg9 : memref<80xi32, #tpu.memory_space<vmem>>) semaphore(%arg13 : memref<!tpu.dma_semaphore, #tpu.memory_space<semaphore_mem>>)
      %mul3A_49 = arith.constant 10000 : i32
      %mul3A_50 = arith.muli %add3A, %mul3A_49 : i32
      %mul3A_51 = arith.constant 80 : i32
      %mul3A_52 = arith.muli %add3A_39, %mul3A_51 : i32
      %add3A_53 = arith.addi %mul3A_50, %mul3A_52 : i32
      %multiple_of3A_54 = tpu.assume_multiple %add3A_53, 80 : i32
      "tpu.region"() ({
        %run_scoped3A = tpu.sem_alloc : memref<!tpu.dma_semaphore, #tpu.memory_space<semaphore_mem>>
        %dma_start3A_115 = tpu.memref_slice %arg5[%multiple_of3A_54] : memref<320000xi32, #tpu.memory_space<hbm>> -> memref<80xi32, #tpu.memory_space<hbm>>
        %dma_start3A_116 = tpu.memref_slice %arg5[%multiple_of3A_54] : memref<320000xi32, #tpu.memory_space<hbm>> -> memref<80xi32, #tpu.memory_space<hbm>>
        tpu.enqueue_dma source(%dma_start3A_116 : memref<80xi32, #tpu.memory_space<hbm>>) target(%arg15 : memref<80xi32, #tpu.memory_space<vmem>>) target_semaphore(%run_scoped3A : memref<!tpu.dma_semaphore, #tpu.memory_space<semaphore_mem>>)
        %dma_wait3A_117 = tpu.memref_slice %arg5[%multiple_of3A_54] : memref<320000xi32, #tpu.memory_space<hbm>> -> memref<80xi32, #tpu.memory_space<hbm>>
        %dma_wait3A_118 = tpu.memref_slice %arg5[%multiple_of3A_54] : memref<320000xi32, #tpu.memory_space<hbm>> -> memref<80xi32, #tpu.memory_space<hbm>>
        tpu.wait_dma2 semaphore(%run_scoped3A : memref<!tpu.dma_semaphore, #tpu.memory_space<semaphore_mem>>) src(%dma_wait3A_118 : memref<80xi32, #tpu.memory_space<hbm>>) dst(%arg15 : memref<80xi32, #tpu.memory_space<vmem>>)
        tpu.yield
      }) : () -> ()
      %dma_start3A_55 = arith.constant 0 : i32
      %dma_start3A_56 = arith.constant 0 : i32
      %dma_start3A_57 = tpu.memref_slice %arg3[%dma_start3A_55, %dma_start3A_56] : memref<10000x128xf32, #tpu.memory_space<hbm>> -> memref<10000x128xf32, #tpu.memory_space<hbm>>
      tpu.enqueue_indirect_dma source(%dma_start3A_57 : memref<10000x128xf32, #tpu.memory_space<hbm>>) target(%arg17 : memref<80x128xf32, #tpu.memory_space<vmem>>) offsets(%arg15 : memref<80xi32, #tpu.memory_space<vmem>>) semaphore(%arg19 : memref<!tpu.dma_semaphore, #tpu.memory_space<semaphore_mem>>)
      %sub3A = arith.constant 1 : i32
      %sub3A_58 = arith.subi %add3A_39, %sub3A : i32
      %dma_wait3A_59 = arith.constant 0 : i32
      %dma_wait3A_60 = arith.constant 0 : i32
      %dma_wait3A_61 = tpu.memref_slice %arg2[%dma_wait3A_59, %dma_wait3A_60] : memref<10000x128xf32, #tpu.memory_space<hbm>> -> memref<10000x128xf32, #tpu.memory_space<hbm>>
      tpu.wait_indirect_dma semaphore(%arg12 : memref<!tpu.dma_semaphore, #tpu.memory_space<semaphore_mem>>) src(%dma_wait3A_61 : memref<10000x128xf32, #tpu.memory_space<hbm>>) dst(%arg10 : memref<80x128xf32, #tpu.memory_space<vmem>>)
      %mul3A_62 = arith.constant 10000 : i32
      %mul3A_63 = arith.muli %add3A, %mul3A_62 : i32
      %mul3A_64 = arith.constant 80 : i32
      %mul3A_65 = arith.muli %sub3A_58, %mul3A_64 : i32
      %add3A_66 = arith.addi %mul3A_63, %mul3A_65 : i32
      %multiple_of3A_67 = tpu.assume_multiple %add3A_66, 80 : i32
      "tpu.region"() ({
        %run_scoped3A = tpu.sem_alloc : memref<!tpu.dma_semaphore, #tpu.memory_space<semaphore_mem>>
        %dma_start3A_115 = arith.constant 0 : i32
        %dma_start3A_116 = tpu.memref_slice %arg6[%multiple_of3A_67, %dma_start3A_115] : memref<320000x128xf32, #tpu.memory_space<hbm>> -> memref<80x128xf32, #tpu.memory_space<hbm>>
        %dma_start3A_117 = arith.constant 0 : i32
        %dma_start3A_118 = tpu.memref_slice %arg6[%multiple_of3A_67, %dma_start3A_117] : memref<320000x128xf32, #tpu.memory_space<hbm>> -> memref<80x128xf32, #tpu.memory_space<hbm>>
        tpu.enqueue_dma source(%arg10 : memref<80x128xf32, #tpu.memory_space<vmem>>) target(%dma_start3A_118 : memref<80x128xf32, #tpu.memory_space<hbm>>) target_semaphore(%run_scoped3A : memref<!tpu.dma_semaphore, #tpu.memory_space<semaphore_mem>>)
        %dma_wait3A_119 = arith.constant 0 : i32
        %dma_wait3A_120 = tpu.memref_slice %arg6[%multiple_of3A_67, %dma_wait3A_119] : memref<320000x128xf32, #tpu.memory_space<hbm>> -> memref<80x128xf32, #tpu.memory_space<hbm>>
        %dma_wait3A_121 = arith.constant 0 : i32
        %dma_wait3A_122 = tpu.memref_slice %arg6[%multiple_of3A_67, %dma_wait3A_121] : memref<320000x128xf32, #tpu.memory_space<hbm>> -> memref<80x128xf32, #tpu.memory_space<hbm>>
        tpu.wait_dma2 semaphore(%run_scoped3A : memref<!tpu.dma_semaphore, #tpu.memory_space<semaphore_mem>>) src(%arg10 : memref<80x128xf32, #tpu.memory_space<vmem>>) dst(%dma_wait3A_122 : memref<80x128xf32, #tpu.memory_space<hbm>>)
        tpu.yield
      }) : () -> ()
      %dma_wait3A_68 = arith.constant 0 : i32
      %dma_wait3A_69 = arith.constant 0 : i32
      %dma_wait3A_70 = tpu.memref_slice %arg3[%dma_wait3A_68, %dma_wait3A_69] : memref<10000x128xf32, #tpu.memory_space<hbm>> -> memref<10000x128xf32, #tpu.memory_space<hbm>>
      tpu.wait_indirect_dma semaphore(%arg18 : memref<!tpu.dma_semaphore, #tpu.memory_space<semaphore_mem>>) src(%dma_wait3A_70 : memref<10000x128xf32, #tpu.memory_space<hbm>>) dst(%arg16 : memref<80x128xf32, #tpu.memory_space<vmem>>)
      %mul3A_71 = arith.constant 10000 : i32
      %mul3A_72 = arith.muli %add3A, %mul3A_71 : i32
      %mul3A_73 = arith.constant 80 : i32
      %mul3A_74 = arith.muli %sub3A_58, %mul3A_73 : i32
      %add3A_75 = arith.addi %mul3A_72, %mul3A_74 : i32
      %multiple_of3A_76 = tpu.assume_multiple %add3A_75, 80 : i32
      "tpu.region"() ({
        %run_scoped3A = tpu.sem_alloc : memref<!tpu.dma_semaphore, #tpu.memory_space<semaphore_mem>>
        %dma_start3A_115 = arith.constant 0 : i32
        %dma_start3A_116 = tpu.memref_slice %arg7[%multiple_of3A_76, %dma_start3A_115] : memref<320000x128xf32, #tpu.memory_space<hbm>> -> memref<80x128xf32, #tpu.memory_space<hbm>>
        %dma_start3A_117 = arith.constant 0 : i32
        %dma_start3A_118 = tpu.memref_slice %arg7[%multiple_of3A_76, %dma_start3A_117] : memref<320000x128xf32, #tpu.memory_space<hbm>> -> memref<80x128xf32, #tpu.memory_space<hbm>>
        tpu.enqueue_dma source(%arg16 : memref<80x128xf32, #tpu.memory_space<vmem>>) target(%dma_start3A_118 : memref<80x128xf32, #tpu.memory_space<hbm>>) target_semaphore(%run_scoped3A : memref<!tpu.dma_semaphore, #tpu.memory_space<semaphore_mem>>)
        %dma_wait3A_119 = arith.constant 0 : i32
        %dma_wait3A_120 = tpu.memref_slice %arg7[%multiple_of3A_76, %dma_wait3A_119] : memref<320000x128xf32, #tpu.memory_space<hbm>> -> memref<80x128xf32, #tpu.memory_space<hbm>>
        %dma_wait3A_121 = arith.constant 0 : i32
        %dma_wait3A_122 = tpu.memref_slice %arg7[%multiple_of3A_76, %dma_wait3A_121] : memref<320000x128xf32, #tpu.memory_space<hbm>> -> memref<80x128xf32, #tpu.memory_space<hbm>>
        tpu.wait_dma2 semaphore(%run_scoped3A : memref<!tpu.dma_semaphore, #tpu.memory_space<semaphore_mem>>) src(%arg16 : memref<80x128xf32, #tpu.memory_space<vmem>>) dst(%dma_wait3A_122 : memref<80x128xf32, #tpu.memory_space<hbm>>)
        tpu.yield
      }) : () -> ()
      %add3A_77 = arith.constant 1 : i32
      %add3A_78 = arith.addi %add3A_39, %add3A_77 : i32
      %mul3A_79 = arith.constant 10000 : i32
      %mul3A_80 = arith.muli %add3A, %mul3A_79 : i32
      %mul3A_81 = arith.constant 80 : i32
      %mul3A_82 = arith.muli %add3A_78, %mul3A_81 : i32
      %add3A_83 = arith.addi %mul3A_80, %mul3A_82 : i32
      %multiple_of3A_84 = tpu.assume_multiple %add3A_83, 80 : i32
      "tpu.region"() ({
        %run_scoped3A = tpu.sem_alloc : memref<!tpu.dma_semaphore, #tpu.memory_space<semaphore_mem>>
        %dma_start3A_115 = tpu.memref_slice %arg4[%multiple_of3A_84] : memref<320000xi32, #tpu.memory_space<hbm>> -> memref<80xi32, #tpu.memory_space<hbm>>
        %dma_start3A_116 = tpu.memref_slice %arg4[%multiple_of3A_84] : memref<320000xi32, #tpu.memory_space<hbm>> -> memref<80xi32, #tpu.memory_space<hbm>>
        tpu.enqueue_dma source(%dma_start3A_116 : memref<80xi32, #tpu.memory_space<hbm>>) target(%arg8 : memref<80xi32, #tpu.memory_space<vmem>>) target_semaphore(%run_scoped3A : memref<!tpu.dma_semaphore, #tpu.memory_space<semaphore_mem>>)
        %dma_wait3A_117 = tpu.memref_slice %arg4[%multiple_of3A_84] : memref<320000xi32, #tpu.memory_space<hbm>> -> memref<80xi32, #tpu.memory_space<hbm>>
        %dma_wait3A_118 = tpu.memref_slice %arg4[%multiple_of3A_84] : memref<320000xi32, #tpu.memory_space<hbm>> -> memref<80xi32, #tpu.memory_space<hbm>>
        tpu.wait_dma2 semaphore(%run_scoped3A : memref<!tpu.dma_semaphore, #tpu.memory_space<semaphore_mem>>) src(%dma_wait3A_118 : memref<80xi32, #tpu.memory_space<hbm>>) dst(%arg8 : memref<80xi32, #tpu.memory_space<vmem>>)
        tpu.yield
      }) : () -> ()
      %dma_start3A_85 = arith.constant 0 : i32
      %dma_start3A_86 = arith.constant 0 : i32
      %dma_start3A_87 = tpu.memref_slice %arg2[%dma_start3A_85, %dma_start3A_86] : memref<10000x128xf32, #tpu.memory_space<hbm>> -> memref<10000x128xf32, #tpu.memory_space<hbm>>
      tpu.enqueue_indirect_dma source(%dma_start3A_87 : memref<10000x128xf32, #tpu.memory_space<hbm>>) target(%arg10 : memref<80x128xf32, #tpu.memory_space<vmem>>) offsets(%arg8 : memref<80xi32, #tpu.memory_space<vmem>>) semaphore(%arg12 : memref<!tpu.dma_semaphore, #tpu.memory_space<semaphore_mem>>)
      %mul3A_88 = arith.constant 10000 : i32
      %mul3A_89 = arith.muli %add3A, %mul3A_88 : i32
      %mul3A_90 = arith.constant 80 : i32
      %mul3A_91 = arith.muli %add3A_78, %mul3A_90 : i32
      %add3A_92 = arith.addi %mul3A_89, %mul3A_91 : i32
      %multiple_of3A_93 = tpu.assume_multiple %add3A_92, 80 : i32
      "tpu.region"() ({
        %run_scoped3A = tpu.sem_alloc : memref<!tpu.dma_semaphore, #tpu.memory_space<semaphore_mem>>
        %dma_start3A_115 = tpu.memref_slice %arg5[%multiple_of3A_93] : memref<320000xi32, #tpu.memory_space<hbm>> -> memref<80xi32, #tpu.memory_space<hbm>>
        %dma_start3A_116 = tpu.memref_slice %arg5[%multiple_of3A_93] : memref<320000xi32, #tpu.memory_space<hbm>> -> memref<80xi32, #tpu.memory_space<hbm>>
        tpu.enqueue_dma source(%dma_start3A_116 : memref<80xi32, #tpu.memory_space<hbm>>) target(%arg14 : memref<80xi32, #tpu.memory_space<vmem>>) target_semaphore(%run_scoped3A : memref<!tpu.dma_semaphore, #tpu.memory_space<semaphore_mem>>)
        %dma_wait3A_117 = tpu.memref_slice %arg5[%multiple_of3A_93] : memref<320000xi32, #tpu.memory_space<hbm>> -> memref<80xi32, #tpu.memory_space<hbm>>
        %dma_wait3A_118 = tpu.memref_slice %arg5[%multiple_of3A_93] : memref<320000xi32, #tpu.memory_space<hbm>> -> memref<80xi32, #tpu.memory_space<hbm>>
        tpu.wait_dma2 semaphore(%run_scoped3A : memref<!tpu.dma_semaphore, #tpu.memory_space<semaphore_mem>>) src(%dma_wait3A_118 : memref<80xi32, #tpu.memory_space<hbm>>) dst(%arg14 : memref<80xi32, #tpu.memory_space<vmem>>)
        tpu.yield
      }) : () -> ()
      %dma_start3A_94 = arith.constant 0 : i32
      %dma_start3A_95 = arith.constant 0 : i32
      %dma_start3A_96 = tpu.memref_slice %arg3[%dma_start3A_94, %dma_start3A_95] : memref<10000x128xf32, #tpu.memory_space<hbm>> -> memref<10000x128xf32, #tpu.memory_space<hbm>>
      tpu.enqueue_indirect_dma source(%dma_start3A_96 : memref<10000x128xf32, #tpu.memory_space<hbm>>) target(%arg16 : memref<80x128xf32, #tpu.memory_space<vmem>>) offsets(%arg14 : memref<80xi32, #tpu.memory_space<vmem>>) semaphore(%arg18 : memref<!tpu.dma_semaphore, #tpu.memory_space<semaphore_mem>>)
      %dma_wait3A_97 = arith.constant 0 : i32
      %dma_wait3A_98 = arith.constant 0 : i32
      %dma_wait3A_99 = tpu.memref_slice %arg2[%dma_wait3A_97, %dma_wait3A_98] : memref<10000x128xf32, #tpu.memory_space<hbm>> -> memref<10000x128xf32, #tpu.memory_space<hbm>>
      tpu.wait_indirect_dma semaphore(%arg13 : memref<!tpu.dma_semaphore, #tpu.memory_space<semaphore_mem>>) src(%dma_wait3A_99 : memref<10000x128xf32, #tpu.memory_space<hbm>>) dst(%arg11 : memref<80x128xf32, #tpu.memory_space<vmem>>)
      %mul3A_100 = arith.constant 10000 : i32
      %mul3A_101 = arith.muli %add3A, %mul3A_100 : i32
      %mul3A_102 = arith.constant 80 : i32
      %mul3A_103 = arith.muli %add3A_39, %mul3A_102 : i32
      %add3A_104 = arith.addi %mul3A_101, %mul3A_103 : i32
      %multiple_of3A_105 = tpu.assume_multiple %add3A_104, 80 : i32
      "tpu.region"() ({
        %run_scoped3A = tpu.sem_alloc : memref<!tpu.dma_semaphore, #tpu.memory_space<semaphore_mem>>
        %dma_start3A_115 = arith.constant 0 : i32
        %dma_start3A_116 = tpu.memref_slice %arg6[%multiple_of3A_105, %dma_start3A_115] : memref<320000x128xf32, #tpu.memory_space<hbm>> -> memref<80x128xf32, #tpu.memory_space<hbm>>
        %dma_start3A_117 = arith.constant 0 : i32
        %dma_start3A_118 = tpu.memref_slice %arg6[%multiple_of3A_105, %dma_start3A_117] : memref<320000x128xf32, #tpu.memory_space<hbm>> -> memref<80x128xf32, #tpu.memory_space<hbm>>
        tpu.enqueue_dma source(%arg11 : memref<80x128xf32, #tpu.memory_space<vmem>>) target(%dma_start3A_118 : memref<80x128xf32, #tpu.memory_space<hbm>>) target_semaphore(%run_scoped3A : memref<!tpu.dma_semaphore, #tpu.memory_space<semaphore_mem>>)
        %dma_wait3A_119 = arith.constant 0 : i32
        %dma_wait3A_120 = tpu.memref_slice %arg6[%multiple_of3A_105, %dma_wait3A_119] : memref<320000x128xf32, #tpu.memory_space<hbm>> -> memref<80x128xf32, #tpu.memory_space<hbm>>
        %dma_wait3A_121 = arith.constant 0 : i32
        %dma_wait3A_122 = tpu.memref_slice %arg6[%multiple_of3A_105, %dma_wait3A_121] : memref<320000x128xf32, #tpu.memory_space<hbm>> -> memref<80x128xf32, #tpu.memory_space<hbm>>
        tpu.wait_dma2 semaphore(%run_scoped3A : memref<!tpu.dma_semaphore, #tpu.memory_space<semaphore_mem>>) src(%arg11 : memref<80x128xf32, #tpu.memory_space<vmem>>) dst(%dma_wait3A_122 : memref<80x128xf32, #tpu.memory_space<hbm>>)
        tpu.yield
      }) : () -> ()
      %dma_wait3A_106 = arith.constant 0 : i32
      %dma_wait3A_107 = arith.constant 0 : i32
      %dma_wait3A_108 = tpu.memref_slice %arg3[%dma_wait3A_106, %dma_wait3A_107] : memref<10000x128xf32, #tpu.memory_space<hbm>> -> memref<10000x128xf32, #tpu.memory_space<hbm>>
      tpu.wait_indirect_dma semaphore(%arg19 : memref<!tpu.dma_semaphore, #tpu.memory_space<semaphore_mem>>) src(%dma_wait3A_108 : memref<10000x128xf32, #tpu.memory_space<hbm>>) dst(%arg17 : memref<80x128xf32, #tpu.memory_space<vmem>>)
      %mul3A_109 = arith.constant 10000 : i32
      %mul3A_110 = arith.muli %add3A, %mul3A_109 : i32
      %mul3A_111 = arith.constant 80 : i32
      %mul3A_112 = arith.muli %add3A_39, %mul3A_111 : i32
      %add3A_113 = arith.addi %mul3A_110, %mul3A_112 : i32
      %multiple_of3A_114 = tpu.assume_multiple %add3A_113, 80 : i32
      "tpu.region"() ({
        %run_scoped3A = tpu.sem_alloc : memref<!tpu.dma_semaphore, #tpu.memory_space<semaphore_mem>>
        %dma_start3A_115 = arith.constant 0 : i32
        %dma_start3A_116 = tpu.memref_slice %arg7[%multiple_of3A_114, %dma_start3A_115] : memref<320000x128xf32, #tpu.memory_space<hbm>> -> memref<80x128xf32, #tpu.memory_space<hbm>>
        %dma_start3A_117 = arith.constant 0 : i32
        %dma_start3A_118 = tpu.memref_slice %arg7[%multiple_of3A_114, %dma_start3A_117] : memref<320000x128xf32, #tpu.memory_space<hbm>> -> memref<80x128xf32, #tpu.memory_space<hbm>>
        tpu.enqueue_dma source(%arg17 : memref<80x128xf32, #tpu.memory_space<vmem>>) target(%dma_start3A_118 : memref<80x128xf32, #tpu.memory_space<hbm>>) target_semaphore(%run_scoped3A : memref<!tpu.dma_semaphore, #tpu.memory_space<semaphore_mem>>)
        %dma_wait3A_119 = arith.constant 0 : i32
        %dma_wait3A_120 = tpu.memref_slice %arg7[%multiple_of3A_114, %dma_wait3A_119] : memref<320000x128xf32, #tpu.memory_space<hbm>> -> memref<80x128xf32, #tpu.memory_space<hbm>>
        %dma_wait3A_121 = arith.constant 0 : i32
        %dma_wait3A_122 = tpu.memref_slice %arg7[%multiple_of3A_114, %dma_wait3A_121] : memref<320000x128xf32, #tpu.memory_space<hbm>> -> memref<80x128xf32, #tpu.memory_space<hbm>>
        tpu.wait_dma2 semaphore(%run_scoped3A : memref<!tpu.dma_semaphore, #tpu.memory_space<semaphore_mem>>) src(%arg17 : memref<80x128xf32, #tpu.memory_space<vmem>>) dst(%dma_wait3A_122 : memref<80x128xf32, #tpu.memory_space<hbm>>)
        tpu.yield
      }) : () -> ()
    }
    %scan3A_19 = arith.constant 62 : i32
    %dma_wait3A = arith.constant 0 : i32
    %dma_wait3A_20 = arith.constant 0 : i32
    %dma_wait3A_21 = tpu.memref_slice %arg2[%dma_wait3A, %dma_wait3A_20] : memref<10000x128xf32, #tpu.memory_space<hbm>> -> memref<10000x128xf32, #tpu.memory_space<hbm>>
    tpu.wait_indirect_dma semaphore(%arg12 : memref<!tpu.dma_semaphore, #tpu.memory_space<semaphore_mem>>) src(%dma_wait3A_21 : memref<10000x128xf32, #tpu.memory_space<hbm>>) dst(%arg10 : memref<80x128xf32, #tpu.memory_space<vmem>>)
    %mul3A_22 = arith.constant 10000 : i32
    %mul3A_23 = arith.muli %add3A, %mul3A_22 : i32
    %add3A_24 = arith.constant 9920 : i32
    %add3A_25 = arith.addi %mul3A_23, %add3A_24 : i32
    %multiple_of3A_26 = tpu.assume_multiple %add3A_25, 80 : i32
    "tpu.region"() ({
      %run_scoped3A = tpu.sem_alloc : memref<!tpu.dma_semaphore, #tpu.memory_space<semaphore_mem>>
      %dma_start3A_35 = arith.constant 0 : i32
      %dma_start3A_36 = tpu.memref_slice %arg6[%multiple_of3A_26, %dma_start3A_35] : memref<320000x128xf32, #tpu.memory_space<hbm>> -> memref<80x128xf32, #tpu.memory_space<hbm>>
      %dma_start3A_37 = arith.constant 0 : i32
      %dma_start3A_38 = tpu.memref_slice %arg6[%multiple_of3A_26, %dma_start3A_37] : memref<320000x128xf32, #tpu.memory_space<hbm>> -> memref<80x128xf32, #tpu.memory_space<hbm>>
      tpu.enqueue_dma source(%arg10 : memref<80x128xf32, #tpu.memory_space<vmem>>) target(%dma_start3A_38 : memref<80x128xf32, #tpu.memory_space<hbm>>) target_semaphore(%run_scoped3A : memref<!tpu.dma_semaphore, #tpu.memory_space<semaphore_mem>>)
      %dma_wait3A_39 = arith.constant 0 : i32
      %dma_wait3A_40 = tpu.memref_slice %arg6[%multiple_of3A_26, %dma_wait3A_39] : memref<320000x128xf32, #tpu.memory_space<hbm>> -> memref<80x128xf32, #tpu.memory_space<hbm>>
      %dma_wait3A_41 = arith.constant 0 : i32
      %dma_wait3A_42 = tpu.memref_slice %arg6[%multiple_of3A_26, %dma_wait3A_41] : memref<320000x128xf32, #tpu.memory_space<hbm>> -> memref<80x128xf32, #tpu.memory_space<hbm>>
      tpu.wait_dma2 semaphore(%run_scoped3A : memref<!tpu.dma_semaphore, #tpu.memory_space<semaphore_mem>>) src(%arg10 : memref<80x128xf32, #tpu.memory_space<vmem>>) dst(%dma_wait3A_42 : memref<80x128xf32, #tpu.memory_space<hbm>>)
      tpu.yield
    }) : () -> ()
    %dma_wait3A_27 = arith.constant 0 : i32
    %dma_wait3A_28 = arith.constant 0 : i32
    %dma_wait3A_29 = tpu.memref_slice %arg3[%dma_wait3A_27, %dma_wait3A_28] : memref<10000x128xf32, #tpu.memory_space<hbm>> -> memref<10000x128xf32, #tpu.memory_space<hbm>>
    tpu.wait_indirect_dma semaphore(%arg18 : memref<!tpu.dma_semaphore, #tpu.memory_space<semaphore_mem>>) src(%dma_wait3A_29 : memref<10000x128xf32, #tpu.memory_space<hbm>>) dst(%arg16 : memref<80x128xf32, #tpu.memory_space<vmem>>)
    %mul3A_30 = arith.constant 10000 : i32
    %mul3A_31 = arith.muli %add3A, %mul3A_30 : i32
    %add3A_32 = arith.constant 9920 : i32
    %add3A_33 = arith.addi %mul3A_31, %add3A_32 : i32
    %multiple_of3A_34 = tpu.assume_multiple %add3A_33, 80 : i32
    "tpu.region"() ({
      %run_scoped3A = tpu.sem_alloc : memref<!tpu.dma_semaphore, #tpu.memory_space<semaphore_mem>>
      %dma_start3A_35 = arith.constant 0 : i32
      %dma_start3A_36 = tpu.memref_slice %arg7[%multiple_of3A_34, %dma_start3A_35] : memref<320000x128xf32, #tpu.memory_space<hbm>> -> memref<80x128xf32, #tpu.memory_space<hbm>>
      %dma_start3A_37 = arith.constant 0 : i32
      %dma_start3A_38 = tpu.memref_slice %arg7[%multiple_of3A_34, %dma_start3A_37] : memref<320000x128xf32, #tpu.memory_space<hbm>> -> memref<80x128xf32, #tpu.memory_space<hbm>>
      tpu.enqueue_dma source(%arg16 : memref<80x128xf32, #tpu.memory_space<vmem>>) target(%dma_start3A_38 : memref<80x128xf32, #tpu.memory_space<hbm>>) target_semaphore(%run_scoped3A : memref<!tpu.dma_semaphore, #tpu.memory_space<semaphore_mem>>)
      %dma_wait3A_39 = arith.constant 0 : i32
      %dma_wait3A_40 = tpu.memref_slice %arg7[%multiple_of3A_34, %dma_wait3A_39] : memref<320000x128xf32, #tpu.memory_space<hbm>> -> memref<80x128xf32, #tpu.memory_space<hbm>>
      %dma_wait3A_41 = arith.constant 0 : i32
      %dma_wait3A_42 = tpu.memref_slice %arg7[%multiple_of3A_34, %dma_wait3A_41] : memref<320000x128xf32, #tpu.memory_space<hbm>> -> memref<80x128xf32, #tpu.memory_space<hbm>>
      tpu.wait_dma2 semaphore(%run_scoped3A : memref<!tpu.dma_semaphore, #tpu.memory_space<semaphore_mem>>) src(%arg16 : memref<80x128xf32, #tpu.memory_space<vmem>>) dst(%dma_wait3A_42 : memref<80x128xf32, #tpu.memory_space<hbm>>)
      tpu.yield
    }) : () -> ()
    return
  }
}

#map = affine_map<(d0, d1) -> (0, 0, 0)>
#map1 = affine_map<(d0, d1) -> (0)>
module attributes {stable_mosaic.version = 14 : i64} {
  func.func @body(%arg0: i32, %arg1: i32, %arg2: memref<16x9x320000xf32, #tpu.memory_space<hbm>>, %arg3: memref<320000xi32, #tpu.memory_space<hbm>>, %arg4: memref<2x16x92160xf32, #tpu.memory_space<hbm>>, %arg5: memref<9x640xf32, #tpu.memory_space<vmem>>, %arg6: memref<9x640xf32, #tpu.memory_space<vmem>>, %arg7: memref<640xi32, #tpu.memory_space<vmem>>, %arg8: memref<640xi32, #tpu.memory_space<vmem>>, %arg9: memref<92160xf32, #tpu.memory_space<vmem>>, %arg10: memref<!tpu.dma_semaphore, #tpu.memory_space<semaphore_mem>>, %arg11: memref<!tpu.dma_semaphore, #tpu.memory_space<semaphore_mem>>) attributes {dimension_semantics = [#tpu.dimension_semantics<core_parallel>, #tpu.dimension_semantics<subcore_parallel>], iteration_bounds = array<i64: 2, 16>, scalar_prefetch = 0 : i64, scratch_operands = 7 : i64, tpu.core_type = #tpu.core_type<sc_vector_subcore>, window_params = [{transform_indices = #map}, {transform_indices = #map1}, {transform_indices = #map}]} {
    %mul3A = arith.constant 160000 : i32
    %mul3A_0 = arith.muli %arg0, %mul3A : i32
    %add3A = arith.constant 0 : i32
    %add3A_1 = arith.addi %mul3A_0, %add3A : i32
    %multiple_of3A = tpu.assume_multiple %add3A_1, 640 : i32
    %dma_start3A = arith.constant 0 : i32
    %dma_start3A_2 = tpu.memref_slice %arg2[%arg1, %dma_start3A, %multiple_of3A] : memref<16x9x320000xf32, #tpu.memory_space<hbm>> -> memref<1x9x640xf32, #tpu.memory_space<hbm>>
    %dma_start3A_3 = tpu.memref_squeeze %dma_start3A_2 : memref<1x9x640xf32, #tpu.memory_space<hbm>> -> memref<9x640xf32, #tpu.memory_space<hbm>>
    %dma_start3A_4 = arith.constant 0 : i32
    %dma_start3A_5 = tpu.memref_slice %arg2[%arg1, %dma_start3A_4, %multiple_of3A] : memref<16x9x320000xf32, #tpu.memory_space<hbm>> -> memref<1x9x640xf32, #tpu.memory_space<hbm>>
    %dma_start3A_6 = tpu.memref_squeeze %dma_start3A_5 : memref<1x9x640xf32, #tpu.memory_space<hbm>> -> memref<9x640xf32, #tpu.memory_space<hbm>>
    tpu.enqueue_dma source(%dma_start3A_6 : memref<9x640xf32, #tpu.memory_space<hbm>>) target(%arg5 : memref<9x640xf32, #tpu.memory_space<vmem>>) target_semaphore(%arg10 : memref<!tpu.dma_semaphore, #tpu.memory_space<semaphore_mem>>)
    %dma_start3A_7 = tpu.memref_slice %arg3[%multiple_of3A] : memref<320000xi32, #tpu.memory_space<hbm>> -> memref<640xi32, #tpu.memory_space<hbm>>
    %dma_start3A_8 = tpu.memref_slice %arg3[%multiple_of3A] : memref<320000xi32, #tpu.memory_space<hbm>> -> memref<640xi32, #tpu.memory_space<hbm>>
    tpu.enqueue_dma source(%dma_start3A_8 : memref<640xi32, #tpu.memory_space<hbm>>) target(%arg7 : memref<640xi32, #tpu.memory_space<vmem>>) target_semaphore(%arg10 : memref<!tpu.dma_semaphore, #tpu.memory_space<semaphore_mem>>)
    %scan3A = arith.constant 0 : i32
    %scan3A_9 = arith.constant 0 : i32
    %scan3A_10 = arith.constant 5760 : i32
    %scan3A_11 = arith.addi %scan3A_9, %scan3A_10 : i32
    %scan3A_12 = arith.constant 1 : i32
    scf.for %scan3A_31 = %scan3A_9 to %scan3A_11 step %scan3A_12  : i32 {
      %broadcast_in_dim3A = arith.constant 0.000000e+00 : f32
      %broadcast_in_dim3A_32 = vector.broadcast %broadcast_in_dim3A : f32 to vector<16xf32>
      %mul3A_33 = arith.constant 16 : i32
      %mul3A_34 = arith.muli %scan3A_31, %mul3A_33 : i32
      %swap3A = arith.index_cast %mul3A_34 : i32 to index
      %swap3A_35 = tpu.vector_load %arg9[%swap3A] {strides = array<i32>} : memref<92160xf32, #tpu.memory_space<vmem>>, vector<16xf32>,
      tpu.vector_store %arg9[%swap3A], %broadcast_in_dim3A_32 {strides = array<i32>} : memref<92160xf32, #tpu.memory_space<vmem>>, vector<16xf32>,
    }
    %scan3A_13 = arith.constant 5760 : i32
    %scan3A_14 = arith.constant 0 : i32
    %scan3A_15 = arith.constant 0 : i32
    %scan3A_16 = arith.constant 125 : i32
    %scan3A_17 = arith.addi %scan3A_15, %scan3A_16 : i32
    %scan3A_18 = arith.constant 1 : i32
    scf.for %scan3A_31 = %scan3A_15 to %scan3A_17 step %scan3A_18  : i32 {
      %mul3A_32 = arith.constant 2 : i32
      %mul3A_33 = arith.muli %mul3A_32, %scan3A_31 : i32
      %add3A_34 = arith.constant 1 : i32
      %add3A_35 = arith.addi %mul3A_33, %add3A_34 : i32
      %mul3A_36 = arith.constant 160000 : i32
      %mul3A_37 = arith.muli %arg0, %mul3A_36 : i32
      %mul3A_38 = arith.constant 640 : i32
      %mul3A_39 = arith.muli %add3A_35, %mul3A_38 : i32
      %add3A_40 = arith.addi %mul3A_37, %mul3A_39 : i32
      %multiple_of3A_41 = tpu.assume_multiple %add3A_40, 640 : i32
      %dma_start3A_42 = arith.constant 0 : i32
      %dma_start3A_43 = tpu.memref_slice %arg2[%arg1, %dma_start3A_42, %multiple_of3A_41] : memref<16x9x320000xf32, #tpu.memory_space<hbm>> -> memref<1x9x640xf32, #tpu.memory_space<hbm>>
      %dma_start3A_44 = tpu.memref_squeeze %dma_start3A_43 : memref<1x9x640xf32, #tpu.memory_space<hbm>> -> memref<9x640xf32, #tpu.memory_space<hbm>>
      %dma_start3A_45 = arith.constant 0 : i32
      %dma_start3A_46 = tpu.memref_slice %arg2[%arg1, %dma_start3A_45, %multiple_of3A_41] : memref<16x9x320000xf32, #tpu.memory_space<hbm>> -> memref<1x9x640xf32, #tpu.memory_space<hbm>>
      %dma_start3A_47 = tpu.memref_squeeze %dma_start3A_46 : memref<1x9x640xf32, #tpu.memory_space<hbm>> -> memref<9x640xf32, #tpu.memory_space<hbm>>
      tpu.enqueue_dma source(%dma_start3A_47 : memref<9x640xf32, #tpu.memory_space<hbm>>) target(%arg6 : memref<9x640xf32, #tpu.memory_space<vmem>>) target_semaphore(%arg11 : memref<!tpu.dma_semaphore, #tpu.memory_space<semaphore_mem>>)
      %dma_start3A_48 = tpu.memref_slice %arg3[%multiple_of3A_41] : memref<320000xi32, #tpu.memory_space<hbm>> -> memref<640xi32, #tpu.memory_space<hbm>>
      %dma_start3A_49 = tpu.memref_slice %arg3[%multiple_of3A_41] : memref<320000xi32, #tpu.memory_space<hbm>> -> memref<640xi32, #tpu.memory_space<hbm>>
      tpu.enqueue_dma source(%dma_start3A_49 : memref<640xi32, #tpu.memory_space<hbm>>) target(%arg8 : memref<640xi32, #tpu.memory_space<vmem>>) target_semaphore(%arg11 : memref<!tpu.dma_semaphore, #tpu.memory_space<semaphore_mem>>)
      %dma_wait3A_50 = arith.constant 0 : i32
      %dma_wait3A_51 = arith.constant 0 : i32
      %dma_wait3A_52 = tpu.memref_slice %arg2[%arg1, %dma_wait3A_50, %dma_wait3A_51] : memref<16x9x320000xf32, #tpu.memory_space<hbm>> -> memref<1x9x640xf32, #tpu.memory_space<hbm>>
      %dma_wait3A_53 = tpu.memref_squeeze %dma_wait3A_52 : memref<1x9x640xf32, #tpu.memory_space<hbm>> -> memref<9x640xf32, #tpu.memory_space<hbm>>
      %dma_wait3A_54 = arith.constant 0 : i32
      %dma_wait3A_55 = arith.constant 0 : i32
      %dma_wait3A_56 = tpu.memref_slice %arg2[%arg1, %dma_wait3A_54, %dma_wait3A_55] : memref<16x9x320000xf32, #tpu.memory_space<hbm>> -> memref<1x9x640xf32, #tpu.memory_space<hbm>>
      %dma_wait3A_57 = tpu.memref_squeeze %dma_wait3A_56 : memref<1x9x640xf32, #tpu.memory_space<hbm>> -> memref<9x640xf32, #tpu.memory_space<hbm>>
      tpu.wait_dma2 semaphore(%arg10 : memref<!tpu.dma_semaphore, #tpu.memory_space<semaphore_mem>>) src(%dma_wait3A_57 : memref<9x640xf32, #tpu.memory_space<hbm>>) dst(%arg5 : memref<9x640xf32, #tpu.memory_space<vmem>>)
      %dma_wait3A_58 = arith.constant 0 : i32
      %dma_wait3A_59 = tpu.memref_slice %arg3[%dma_wait3A_58] : memref<320000xi32, #tpu.memory_space<hbm>> -> memref<640xi32, #tpu.memory_space<hbm>>
      %dma_wait3A_60 = arith.constant 0 : i32
      %dma_wait3A_61 = tpu.memref_slice %arg3[%dma_wait3A_60] : memref<320000xi32, #tpu.memory_space<hbm>> -> memref<640xi32, #tpu.memory_space<hbm>>
      tpu.wait_dma2 semaphore(%arg10 : memref<!tpu.dma_semaphore, #tpu.memory_space<semaphore_mem>>) src(%dma_wait3A_61 : memref<640xi32, #tpu.memory_space<hbm>>) dst(%arg7 : memref<640xi32, #tpu.memory_space<vmem>>)
      %scan3A_62 = arith.constant 0 : i32
      %scan3A_63 = arith.constant 0 : i32
      %scan3A_64 = arith.constant 20 : i32
      %scan3A_65 = arith.addi %scan3A_63, %scan3A_64 : i32
      %scan3A_66 = arith.constant 1 : i32
      scf.for %scan3A_103 = %scan3A_63 to %scan3A_65 step %scan3A_66  : i32 {
        %iota3A = tpu.iota {dimensions = array<i32: 0>} : vector<16xi32>
        %mul3A_104 = arith.constant 2 : i32
        %mul3A_105 = arith.muli %mul3A_104, %scan3A_103 : i32
        %add3A_106 = arith.constant 0 : i32
        %add3A_107 = arith.addi %mul3A_105, %add3A_106 : i32
        %mul3A_108 = arith.constant 16 : i32
        %mul3A_109 = arith.muli %add3A_107, %mul3A_108 : i32
        %get3A = arith.index_cast %mul3A_109 : i32 to index
        %get3A_110 = tpu.vector_load %arg7[%get3A] {strides = array<i32>} : memref<640xi32, #tpu.memory_space<vmem>>, vector<16xi32>,
        %mul3A_111 = arith.constant 9 : i32
        %mul3A_112 = vector.broadcast %mul3A_111 : i32 to vector<16xi32>
        %mul3A_113 = arith.muli %get3A_110, %mul3A_112 : vector<16xi32>
        %add3A_114 = arith.constant 0 : i32
        %add3A_115 = vector.broadcast %add3A_114 : i32 to vector<16xi32>
        %add3A_116 = arith.addi %mul3A_113, %add3A_115 : vector<16xi32>
        %get3A_117 = arith.constant 0 : i32
        %get3A_118 = arith.index_cast %get3A_117 : i32 to index
        %get3A_119 = arith.index_cast %mul3A_109 : i32 to index
        %get3A_120 = tpu.vector_load %arg5[%get3A_118, %get3A_119] {strides = array<i32>} : memref<9x640xf32, #tpu.memory_space<vmem>>, vector<16xf32>,
        %ge3A = arith.constant 0 : i32
        %ge3A_121 = vector.broadcast %ge3A : i32 to vector<16xi32>
        %ge3A_122 = arith.cmpi sge, %iota3A, %ge3A_121 : vector<16xi32>
        tpu.vector_store_idx %arg9[%add3A_116], %get3A_120 masked %ge3A_122 {add = true} : memref<92160xf32, #tpu.memory_space<vmem>>[vector<16xi32>], vector<16xf32>, vector<16xi1>
        %add3A_123 = arith.constant 1 : i32
        %add3A_124 = vector.broadcast %add3A_123 : i32 to vector<16xi32>
        %add3A_125 = arith.addi %mul3A_113, %add3A_124 : vector<16xi32>
        %get3A_126 = arith.constant 1 : i32
        %get3A_127 = arith.index_cast %get3A_126 : i32 to index
        %get3A_128 = arith.index_cast %mul3A_109 : i32 to index
        %get3A_129 = tpu.vector_load %arg5[%get3A_127, %get3A_128] {strides = array<i32>} : memref<9x640xf32, #tpu.memory_space<vmem>>, vector<16xf32>,
        %ge3A_130 = arith.constant 0 : i32
        %ge3A_131 = vector.broadcast %ge3A_130 : i32 to vector<16xi32>
        %ge3A_132 = arith.cmpi sge, %iota3A, %ge3A_131 : vector<16xi32>
        tpu.vector_store_idx %arg9[%add3A_125], %get3A_129 masked %ge3A_132 {add = true} : memref<92160xf32, #tpu.memory_space<vmem>>[vector<16xi32>], vector<16xf32>, vector<16xi1>
        %add3A_133 = arith.constant 2 : i32
        %add3A_134 = vector.broadcast %add3A_133 : i32 to vector<16xi32>
        %add3A_135 = arith.addi %mul3A_113, %add3A_134 : vector<16xi32>
        %get3A_136 = arith.constant 2 : i32
        %get3A_137 = arith.index_cast %get3A_136 : i32 to index
        %get3A_138 = arith.index_cast %mul3A_109 : i32 to index
        %get3A_139 = tpu.vector_load %arg5[%get3A_137, %get3A_138] {strides = array<i32>} : memref<9x640xf32, #tpu.memory_space<vmem>>, vector<16xf32>,
        %ge3A_140 = arith.constant 0 : i32
        %ge3A_141 = vector.broadcast %ge3A_140 : i32 to vector<16xi32>
        %ge3A_142 = arith.cmpi sge, %iota3A, %ge3A_141 : vector<16xi32>
        tpu.vector_store_idx %arg9[%add3A_135], %get3A_139 masked %ge3A_142 {add = true} : memref<92160xf32, #tpu.memory_space<vmem>>[vector<16xi32>], vector<16xf32>, vector<16xi1>
        %add3A_143 = arith.constant 3 : i32
        %add3A_144 = vector.broadcast %add3A_143 : i32 to vector<16xi32>
        %add3A_145 = arith.addi %mul3A_113, %add3A_144 : vector<16xi32>
        %get3A_146 = arith.constant 3 : i32
        %get3A_147 = arith.index_cast %get3A_146 : i32 to index
        %get3A_148 = arith.index_cast %mul3A_109 : i32 to index
        %get3A_149 = tpu.vector_load %arg5[%get3A_147, %get3A_148] {strides = array<i32>} : memref<9x640xf32, #tpu.memory_space<vmem>>, vector<16xf32>,
        %ge3A_150 = arith.constant 0 : i32
        %ge3A_151 = vector.broadcast %ge3A_150 : i32 to vector<16xi32>
        %ge3A_152 = arith.cmpi sge, %iota3A, %ge3A_151 : vector<16xi32>
        tpu.vector_store_idx %arg9[%add3A_145], %get3A_149 masked %ge3A_152 {add = true} : memref<92160xf32, #tpu.memory_space<vmem>>[vector<16xi32>], vector<16xf32>, vector<16xi1>
        %add3A_153 = arith.constant 4 : i32
        %add3A_154 = vector.broadcast %add3A_153 : i32 to vector<16xi32>
        %add3A_155 = arith.addi %mul3A_113, %add3A_154 : vector<16xi32>
        %get3A_156 = arith.constant 4 : i32
        %get3A_157 = arith.index_cast %get3A_156 : i32 to index
        %get3A_158 = arith.index_cast %mul3A_109 : i32 to index
        %get3A_159 = tpu.vector_load %arg5[%get3A_157, %get3A_158] {strides = array<i32>} : memref<9x640xf32, #tpu.memory_space<vmem>>, vector<16xf32>,
        %ge3A_160 = arith.constant 0 : i32
        %ge3A_161 = vector.broadcast %ge3A_160 : i32 to vector<16xi32>
        %ge3A_162 = arith.cmpi sge, %iota3A, %ge3A_161 : vector<16xi32>
        tpu.vector_store_idx %arg9[%add3A_155], %get3A_159 masked %ge3A_162 {add = true} : memref<92160xf32, #tpu.memory_space<vmem>>[vector<16xi32>], vector<16xf32>, vector<16xi1>
        %add3A_163 = arith.constant 5 : i32
        %add3A_164 = vector.broadcast %add3A_163 : i32 to vector<16xi32>
        %add3A_165 = arith.addi %mul3A_113, %add3A_164 : vector<16xi32>
        %get3A_166 = arith.constant 5 : i32
        %get3A_167 = arith.index_cast %get3A_166 : i32 to index
        %get3A_168 = arith.index_cast %mul3A_109 : i32 to index
        %get3A_169 = tpu.vector_load %arg5[%get3A_167, %get3A_168] {strides = array<i32>} : memref<9x640xf32, #tpu.memory_space<vmem>>, vector<16xf32>,
        %ge3A_170 = arith.constant 0 : i32
        %ge3A_171 = vector.broadcast %ge3A_170 : i32 to vector<16xi32>
        %ge3A_172 = arith.cmpi sge, %iota3A, %ge3A_171 : vector<16xi32>
        tpu.vector_store_idx %arg9[%add3A_165], %get3A_169 masked %ge3A_172 {add = true} : memref<92160xf32, #tpu.memory_space<vmem>>[vector<16xi32>], vector<16xf32>, vector<16xi1>
        %add3A_173 = arith.constant 6 : i32
        %add3A_174 = vector.broadcast %add3A_173 : i32 to vector<16xi32>
        %add3A_175 = arith.addi %mul3A_113, %add3A_174 : vector<16xi32>
        %get3A_176 = arith.constant 6 : i32
        %get3A_177 = arith.index_cast %get3A_176 : i32 to index
        %get3A_178 = arith.index_cast %mul3A_109 : i32 to index
        %get3A_179 = tpu.vector_load %arg5[%get3A_177, %get3A_178] {strides = array<i32>} : memref<9x640xf32, #tpu.memory_space<vmem>>, vector<16xf32>,
        %ge3A_180 = arith.constant 0 : i32
        %ge3A_181 = vector.broadcast %ge3A_180 : i32 to vector<16xi32>
        %ge3A_182 = arith.cmpi sge, %iota3A, %ge3A_181 : vector<16xi32>
        tpu.vector_store_idx %arg9[%add3A_175], %get3A_179 masked %ge3A_182 {add = true} : memref<92160xf32, #tpu.memory_space<vmem>>[vector<16xi32>], vector<16xf32>, vector<16xi1>
        %add3A_183 = arith.constant 7 : i32
        %add3A_184 = vector.broadcast %add3A_183 : i32 to vector<16xi32>
        %add3A_185 = arith.addi %mul3A_113, %add3A_184 : vector<16xi32>
        %get3A_186 = arith.constant 7 : i32
        %get3A_187 = arith.index_cast %get3A_186 : i32 to index
        %get3A_188 = arith.index_cast %mul3A_109 : i32 to index
        %get3A_189 = tpu.vector_load %arg5[%get3A_187, %get3A_188] {strides = array<i32>} : memref<9x640xf32, #tpu.memory_space<vmem>>, vector<16xf32>,
        %ge3A_190 = arith.constant 0 : i32
        %ge3A_191 = vector.broadcast %ge3A_190 : i32 to vector<16xi32>
        %ge3A_192 = arith.cmpi sge, %iota3A, %ge3A_191 : vector<16xi32>
        tpu.vector_store_idx %arg9[%add3A_185], %get3A_189 masked %ge3A_192 {add = true} : memref<92160xf32, #tpu.memory_space<vmem>>[vector<16xi32>], vector<16xf32>, vector<16xi1>
        %add3A_193 = arith.constant 8 : i32
        %add3A_194 = vector.broadcast %add3A_193 : i32 to vector<16xi32>
        %add3A_195 = arith.addi %mul3A_113, %add3A_194 : vector<16xi32>
        %get3A_196 = arith.constant 8 : i32
        %get3A_197 = arith.index_cast %get3A_196 : i32 to index
        %get3A_198 = arith.index_cast %mul3A_109 : i32 to index
        %get3A_199 = tpu.vector_load %arg5[%get3A_197, %get3A_198] {strides = array<i32>} : memref<9x640xf32, #tpu.memory_space<vmem>>, vector<16xf32>,
        %ge3A_200 = arith.constant 0 : i32
        %ge3A_201 = vector.broadcast %ge3A_200 : i32 to vector<16xi32>
        %ge3A_202 = arith.cmpi sge, %iota3A, %ge3A_201 : vector<16xi32>
        tpu.vector_store_idx %arg9[%add3A_195], %get3A_199 masked %ge3A_202 {add = true} : memref<92160xf32, #tpu.memory_space<vmem>>[vector<16xi32>], vector<16xf32>, vector<16xi1>
        %mul3A_203 = arith.constant 2 : i32
        %mul3A_204 = arith.muli %mul3A_203, %scan3A_103 : i32
        %add3A_205 = arith.constant 1 : i32
        %add3A_206 = arith.addi %mul3A_204, %add3A_205 : i32
        %mul3A_207 = arith.constant 16 : i32
        %mul3A_208 = arith.muli %add3A_206, %mul3A_207 : i32
        %get3A_209 = arith.index_cast %mul3A_208 : i32 to index
        %get3A_210 = tpu.vector_load %arg7[%get3A_209] {strides = array<i32>} : memref<640xi32, #tpu.memory_space<vmem>>, vector<16xi32>,
        %mul3A_211 = arith.constant 9 : i32
        %mul3A_212 = vector.broadcast %mul3A_211 : i32 to vector<16xi32>
        %mul3A_213 = arith.muli %get3A_210, %mul3A_212 : vector<16xi32>
        %add3A_214 = arith.constant 0 : i32
        %add3A_215 = vector.broadcast %add3A_214 : i32 to vector<16xi32>
        %add3A_216 = arith.addi %mul3A_213, %add3A_215 : vector<16xi32>
        %get3A_217 = arith.constant 0 : i32
        %get3A_218 = arith.index_cast %get3A_217 : i32 to index
        %get3A_219 = arith.index_cast %mul3A_208 : i32 to index
        %get3A_220 = tpu.vector_load %arg5[%get3A_218, %get3A_219] {strides = array<i32>} : memref<9x640xf32, #tpu.memory_space<vmem>>, vector<16xf32>,
        %ge3A_221 = arith.constant 0 : i32
        %ge3A_222 = vector.broadcast %ge3A_221 : i32 to vector<16xi32>
        %ge3A_223 = arith.cmpi sge, %iota3A, %ge3A_222 : vector<16xi32>
        tpu.vector_store_idx %arg9[%add3A_216], %get3A_220 masked %ge3A_223 {add = true} : memref<92160xf32, #tpu.memory_space<vmem>>[vector<16xi32>], vector<16xf32>, vector<16xi1>
        %add3A_224 = arith.constant 1 : i32
        %add3A_225 = vector.broadcast %add3A_224 : i32 to vector<16xi32>
        %add3A_226 = arith.addi %mul3A_213, %add3A_225 : vector<16xi32>
        %get3A_227 = arith.constant 1 : i32
        %get3A_228 = arith.index_cast %get3A_227 : i32 to index
        %get3A_229 = arith.index_cast %mul3A_208 : i32 to index
        %get3A_230 = tpu.vector_load %arg5[%get3A_228, %get3A_229] {strides = array<i32>} : memref<9x640xf32, #tpu.memory_space<vmem>>, vector<16xf32>,
        %ge3A_231 = arith.constant 0 : i32
        %ge3A_232 = vector.broadcast %ge3A_231 : i32 to vector<16xi32>
        %ge3A_233 = arith.cmpi sge, %iota3A, %ge3A_232 : vector<16xi32>
        tpu.vector_store_idx %arg9[%add3A_226], %get3A_230 masked %ge3A_233 {add = true} : memref<92160xf32, #tpu.memory_space<vmem>>[vector<16xi32>], vector<16xf32>, vector<16xi1>
        %add3A_234 = arith.constant 2 : i32
        %add3A_235 = vector.broadcast %add3A_234 : i32 to vector<16xi32>
        %add3A_236 = arith.addi %mul3A_213, %add3A_235 : vector<16xi32>
        %get3A_237 = arith.constant 2 : i32
        %get3A_238 = arith.index_cast %get3A_237 : i32 to index
        %get3A_239 = arith.index_cast %mul3A_208 : i32 to index
        %get3A_240 = tpu.vector_load %arg5[%get3A_238, %get3A_239] {strides = array<i32>} : memref<9x640xf32, #tpu.memory_space<vmem>>, vector<16xf32>,
        %ge3A_241 = arith.constant 0 : i32
        %ge3A_242 = vector.broadcast %ge3A_241 : i32 to vector<16xi32>
        %ge3A_243 = arith.cmpi sge, %iota3A, %ge3A_242 : vector<16xi32>
        tpu.vector_store_idx %arg9[%add3A_236], %get3A_240 masked %ge3A_243 {add = true} : memref<92160xf32, #tpu.memory_space<vmem>>[vector<16xi32>], vector<16xf32>, vector<16xi1>
        %add3A_244 = arith.constant 3 : i32
        %add3A_245 = vector.broadcast %add3A_244 : i32 to vector<16xi32>
        %add3A_246 = arith.addi %mul3A_213, %add3A_245 : vector<16xi32>
        %get3A_247 = arith.constant 3 : i32
        %get3A_248 = arith.index_cast %get3A_247 : i32 to index
        %get3A_249 = arith.index_cast %mul3A_208 : i32 to index
        %get3A_250 = tpu.vector_load %arg5[%get3A_248, %get3A_249] {strides = array<i32>} : memref<9x640xf32, #tpu.memory_space<vmem>>, vector<16xf32>,
        %ge3A_251 = arith.constant 0 : i32
        %ge3A_252 = vector.broadcast %ge3A_251 : i32 to vector<16xi32>
        %ge3A_253 = arith.cmpi sge, %iota3A, %ge3A_252 : vector<16xi32>
        tpu.vector_store_idx %arg9[%add3A_246], %get3A_250 masked %ge3A_253 {add = true} : memref<92160xf32, #tpu.memory_space<vmem>>[vector<16xi32>], vector<16xf32>, vector<16xi1>
        %add3A_254 = arith.constant 4 : i32
        %add3A_255 = vector.broadcast %add3A_254 : i32 to vector<16xi32>
        %add3A_256 = arith.addi %mul3A_213, %add3A_255 : vector<16xi32>
        %get3A_257 = arith.constant 4 : i32
        %get3A_258 = arith.index_cast %get3A_257 : i32 to index
        %get3A_259 = arith.index_cast %mul3A_208 : i32 to index
        %get3A_260 = tpu.vector_load %arg5[%get3A_258, %get3A_259] {strides = array<i32>} : memref<9x640xf32, #tpu.memory_space<vmem>>, vector<16xf32>,
        %ge3A_261 = arith.constant 0 : i32
        %ge3A_262 = vector.broadcast %ge3A_261 : i32 to vector<16xi32>
        %ge3A_263 = arith.cmpi sge, %iota3A, %ge3A_262 : vector<16xi32>
        tpu.vector_store_idx %arg9[%add3A_256], %get3A_260 masked %ge3A_263 {add = true} : memref<92160xf32, #tpu.memory_space<vmem>>[vector<16xi32>], vector<16xf32>, vector<16xi1>
        %add3A_264 = arith.constant 5 : i32
        %add3A_265 = vector.broadcast %add3A_264 : i32 to vector<16xi32>
        %add3A_266 = arith.addi %mul3A_213, %add3A_265 : vector<16xi32>
        %get3A_267 = arith.constant 5 : i32
        %get3A_268 = arith.index_cast %get3A_267 : i32 to index
        %get3A_269 = arith.index_cast %mul3A_208 : i32 to index
        %get3A_270 = tpu.vector_load %arg5[%get3A_268, %get3A_269] {strides = array<i32>} : memref<9x640xf32, #tpu.memory_space<vmem>>, vector<16xf32>,
        %ge3A_271 = arith.constant 0 : i32
        %ge3A_272 = vector.broadcast %ge3A_271 : i32 to vector<16xi32>
        %ge3A_273 = arith.cmpi sge, %iota3A, %ge3A_272 : vector<16xi32>
        tpu.vector_store_idx %arg9[%add3A_266], %get3A_270 masked %ge3A_273 {add = true} : memref<92160xf32, #tpu.memory_space<vmem>>[vector<16xi32>], vector<16xf32>, vector<16xi1>
        %add3A_274 = arith.constant 6 : i32
        %add3A_275 = vector.broadcast %add3A_274 : i32 to vector<16xi32>
        %add3A_276 = arith.addi %mul3A_213, %add3A_275 : vector<16xi32>
        %get3A_277 = arith.constant 6 : i32
        %get3A_278 = arith.index_cast %get3A_277 : i32 to index
        %get3A_279 = arith.index_cast %mul3A_208 : i32 to index
        %get3A_280 = tpu.vector_load %arg5[%get3A_278, %get3A_279] {strides = array<i32>} : memref<9x640xf32, #tpu.memory_space<vmem>>, vector<16xf32>,
        %ge3A_281 = arith.constant 0 : i32
        %ge3A_282 = vector.broadcast %ge3A_281 : i32 to vector<16xi32>
        %ge3A_283 = arith.cmpi sge, %iota3A, %ge3A_282 : vector<16xi32>
        tpu.vector_store_idx %arg9[%add3A_276], %get3A_280 masked %ge3A_283 {add = true} : memref<92160xf32, #tpu.memory_space<vmem>>[vector<16xi32>], vector<16xf32>, vector<16xi1>
        %add3A_284 = arith.constant 7 : i32
        %add3A_285 = vector.broadcast %add3A_284 : i32 to vector<16xi32>
        %add3A_286 = arith.addi %mul3A_213, %add3A_285 : vector<16xi32>
        %get3A_287 = arith.constant 7 : i32
        %get3A_288 = arith.index_cast %get3A_287 : i32 to index
        %get3A_289 = arith.index_cast %mul3A_208 : i32 to index
        %get3A_290 = tpu.vector_load %arg5[%get3A_288, %get3A_289] {strides = array<i32>} : memref<9x640xf32, #tpu.memory_space<vmem>>, vector<16xf32>,
        %ge3A_291 = arith.constant 0 : i32
        %ge3A_292 = vector.broadcast %ge3A_291 : i32 to vector<16xi32>
        %ge3A_293 = arith.cmpi sge, %iota3A, %ge3A_292 : vector<16xi32>
        tpu.vector_store_idx %arg9[%add3A_286], %get3A_290 masked %ge3A_293 {add = true} : memref<92160xf32, #tpu.memory_space<vmem>>[vector<16xi32>], vector<16xf32>, vector<16xi1>
        %add3A_294 = arith.constant 8 : i32
        %add3A_295 = vector.broadcast %add3A_294 : i32 to vector<16xi32>
        %add3A_296 = arith.addi %mul3A_213, %add3A_295 : vector<16xi32>
        %get3A_297 = arith.constant 8 : i32
        %get3A_298 = arith.index_cast %get3A_297 : i32 to index
        %get3A_299 = arith.index_cast %mul3A_208 : i32 to index
        %get3A_300 = tpu.vector_load %arg5[%get3A_298, %get3A_299] {strides = array<i32>} : memref<9x640xf32, #tpu.memory_space<vmem>>, vector<16xf32>,
        %ge3A_301 = arith.constant 0 : i32
        %ge3A_302 = vector.broadcast %ge3A_301 : i32 to vector<16xi32>
        %ge3A_303 = arith.cmpi sge, %iota3A, %ge3A_302 : vector<16xi32>
        tpu.vector_store_idx %arg9[%add3A_296], %get3A_300 masked %ge3A_303 {add = true} : memref<92160xf32, #tpu.memory_space<vmem>>[vector<16xi32>], vector<16xf32>, vector<16xi1>
      }
      %scan3A_67 = arith.constant 20 : i32
      %add3A_68 = arith.constant 2 : i32
      %add3A_69 = arith.addi %mul3A_33, %add3A_68 : i32
      %rem3A = arith.constant 250 : i32
      %rem3A_70 = arith.remsi %add3A_69, %rem3A : i32
      %mul3A_71 = arith.constant 160000 : i32
      %mul3A_72 = arith.muli %arg0, %mul3A_71 : i32
      %mul3A_73 = arith.constant 640 : i32
      %mul3A_74 = arith.muli %rem3A_70, %mul3A_73 : i32
      %add3A_75 = arith.addi %mul3A_72, %mul3A_74 : i32
      %multiple_of3A_76 = tpu.assume_multiple %add3A_75, 640 : i32
      %dma_start3A_77 = arith.constant 0 : i32
      %dma_start3A_78 = tpu.memref_slice %arg2[%arg1, %dma_start3A_77, %multiple_of3A_76] : memref<16x9x320000xf32, #tpu.memory_space<hbm>> -> memref<1x9x640xf32, #tpu.memory_space<hbm>>
      %dma_start3A_79 = tpu.memref_squeeze %dma_start3A_78 : memref<1x9x640xf32, #tpu.memory_space<hbm>> -> memref<9x640xf32, #tpu.memory_space<hbm>>
      %dma_start3A_80 = arith.constant 0 : i32
      %dma_start3A_81 = tpu.memref_slice %arg2[%arg1, %dma_start3A_80, %multiple_of3A_76] : memref<16x9x320000xf32, #tpu.memory_space<hbm>> -> memref<1x9x640xf32, #tpu.memory_space<hbm>>
      %dma_start3A_82 = tpu.memref_squeeze %dma_start3A_81 : memref<1x9x640xf32, #tpu.memory_space<hbm>> -> memref<9x640xf32, #tpu.memory_space<hbm>>
      tpu.enqueue_dma source(%dma_start3A_82 : memref<9x640xf32, #tpu.memory_space<hbm>>) target(%arg5 : memref<9x640xf32, #tpu.memory_space<vmem>>) target_semaphore(%arg10 : memref<!tpu.dma_semaphore, #tpu.memory_space<semaphore_mem>>)
      %dma_start3A_83 = tpu.memref_slice %arg3[%multiple_of3A_76] : memref<320000xi32, #tpu.memory_space<hbm>> -> memref<640xi32, #tpu.memory_space<hbm>>
      %dma_start3A_84 = tpu.memref_slice %arg3[%multiple_of3A_76] : memref<320000xi32, #tpu.memory_space<hbm>> -> memref<640xi32, #tpu.memory_space<hbm>>
      tpu.enqueue_dma source(%dma_start3A_84 : memref<640xi32, #tpu.memory_space<hbm>>) target(%arg7 : memref<640xi32, #tpu.memory_space<vmem>>) target_semaphore(%arg10 : memref<!tpu.dma_semaphore, #tpu.memory_space<semaphore_mem>>)
      %dma_wait3A_85 = arith.constant 0 : i32
      %dma_wait3A_86 = arith.constant 0 : i32
      %dma_wait3A_87 = tpu.memref_slice %arg2[%arg1, %dma_wait3A_85, %dma_wait3A_86] : memref<16x9x320000xf32, #tpu.memory_space<hbm>> -> memref<1x9x640xf32, #tpu.memory_space<hbm>>
      %dma_wait3A_88 = tpu.memref_squeeze %dma_wait3A_87 : memref<1x9x640xf32, #tpu.memory_space<hbm>> -> memref<9x640xf32, #tpu.memory_space<hbm>>
      %dma_wait3A_89 = arith.constant 0 : i32
      %dma_wait3A_90 = arith.constant 0 : i32
      %dma_wait3A_91 = tpu.memref_slice %arg2[%arg1, %dma_wait3A_89, %dma_wait3A_90] : memref<16x9x320000xf32, #tpu.memory_space<hbm>> -> memref<1x9x640xf32, #tpu.memory_space<hbm>>
      %dma_wait3A_92 = tpu.memref_squeeze %dma_wait3A_91 : memref<1x9x640xf32, #tpu.memory_space<hbm>> -> memref<9x640xf32, #tpu.memory_space<hbm>>
      tpu.wait_dma2 semaphore(%arg11 : memref<!tpu.dma_semaphore, #tpu.memory_space<semaphore_mem>>) src(%dma_wait3A_92 : memref<9x640xf32, #tpu.memory_space<hbm>>) dst(%arg6 : memref<9x640xf32, #tpu.memory_space<vmem>>)
      %dma_wait3A_93 = arith.constant 0 : i32
      %dma_wait3A_94 = tpu.memref_slice %arg3[%dma_wait3A_93] : memref<320000xi32, #tpu.memory_space<hbm>> -> memref<640xi32, #tpu.memory_space<hbm>>
      %dma_wait3A_95 = arith.constant 0 : i32
      %dma_wait3A_96 = tpu.memref_slice %arg3[%dma_wait3A_95] : memref<320000xi32, #tpu.memory_space<hbm>> -> memref<640xi32, #tpu.memory_space<hbm>>
      tpu.wait_dma2 semaphore(%arg11 : memref<!tpu.dma_semaphore, #tpu.memory_space<semaphore_mem>>) src(%dma_wait3A_96 : memref<640xi32, #tpu.memory_space<hbm>>) dst(%arg8 : memref<640xi32, #tpu.memory_space<vmem>>)
      %scan3A_97 = arith.constant 0 : i32
      %scan3A_98 = arith.constant 0 : i32
      %scan3A_99 = arith.constant 20 : i32
      %scan3A_100 = arith.addi %scan3A_98, %scan3A_99 : i32
      %scan3A_101 = arith.constant 1 : i32
      scf.for %scan3A_103 = %scan3A_98 to %scan3A_100 step %scan3A_101  : i32 {
        %iota3A = tpu.iota {dimensions = array<i32: 0>} : vector<16xi32>
        %mul3A_104 = arith.constant 2 : i32
        %mul3A_105 = arith.muli %mul3A_104, %scan3A_103 : i32
        %add3A_106 = arith.constant 0 : i32
        %add3A_107 = arith.addi %mul3A_105, %add3A_106 : i32
        %mul3A_108 = arith.constant 16 : i32
        %mul3A_109 = arith.muli %add3A_107, %mul3A_108 : i32
        %get3A = arith.index_cast %mul3A_109 : i32 to index
        %get3A_110 = tpu.vector_load %arg8[%get3A] {strides = array<i32>} : memref<640xi32, #tpu.memory_space<vmem>>, vector<16xi32>,
        %mul3A_111 = arith.constant 9 : i32
        %mul3A_112 = vector.broadcast %mul3A_111 : i32 to vector<16xi32>
        %mul3A_113 = arith.muli %get3A_110, %mul3A_112 : vector<16xi32>
        %add3A_114 = arith.constant 0 : i32
        %add3A_115 = vector.broadcast %add3A_114 : i32 to vector<16xi32>
        %add3A_116 = arith.addi %mul3A_113, %add3A_115 : vector<16xi32>
        %get3A_117 = arith.constant 0 : i32
        %get3A_118 = arith.index_cast %get3A_117 : i32 to index
        %get3A_119 = arith.index_cast %mul3A_109 : i32 to index
        %get3A_120 = tpu.vector_load %arg6[%get3A_118, %get3A_119] {strides = array<i32>} : memref<9x640xf32, #tpu.memory_space<vmem>>, vector<16xf32>,
        %ge3A = arith.constant 0 : i32
        %ge3A_121 = vector.broadcast %ge3A : i32 to vector<16xi32>
        %ge3A_122 = arith.cmpi sge, %iota3A, %ge3A_121 : vector<16xi32>
        tpu.vector_store_idx %arg9[%add3A_116], %get3A_120 masked %ge3A_122 {add = true} : memref<92160xf32, #tpu.memory_space<vmem>>[vector<16xi32>], vector<16xf32>, vector<16xi1>
        %add3A_123 = arith.constant 1 : i32
        %add3A_124 = vector.broadcast %add3A_123 : i32 to vector<16xi32>
        %add3A_125 = arith.addi %mul3A_113, %add3A_124 : vector<16xi32>
        %get3A_126 = arith.constant 1 : i32
        %get3A_127 = arith.index_cast %get3A_126 : i32 to index
        %get3A_128 = arith.index_cast %mul3A_109 : i32 to index
        %get3A_129 = tpu.vector_load %arg6[%get3A_127, %get3A_128] {strides = array<i32>} : memref<9x640xf32, #tpu.memory_space<vmem>>, vector<16xf32>,
        %ge3A_130 = arith.constant 0 : i32
        %ge3A_131 = vector.broadcast %ge3A_130 : i32 to vector<16xi32>
        %ge3A_132 = arith.cmpi sge, %iota3A, %ge3A_131 : vector<16xi32>
        tpu.vector_store_idx %arg9[%add3A_125], %get3A_129 masked %ge3A_132 {add = true} : memref<92160xf32, #tpu.memory_space<vmem>>[vector<16xi32>], vector<16xf32>, vector<16xi1>
        %add3A_133 = arith.constant 2 : i32
        %add3A_134 = vector.broadcast %add3A_133 : i32 to vector<16xi32>
        %add3A_135 = arith.addi %mul3A_113, %add3A_134 : vector<16xi32>
        %get3A_136 = arith.constant 2 : i32
        %get3A_137 = arith.index_cast %get3A_136 : i32 to index
        %get3A_138 = arith.index_cast %mul3A_109 : i32 to index
        %get3A_139 = tpu.vector_load %arg6[%get3A_137, %get3A_138] {strides = array<i32>} : memref<9x640xf32, #tpu.memory_space<vmem>>, vector<16xf32>,
        %ge3A_140 = arith.constant 0 : i32
        %ge3A_141 = vector.broadcast %ge3A_140 : i32 to vector<16xi32>
        %ge3A_142 = arith.cmpi sge, %iota3A, %ge3A_141 : vector<16xi32>
        tpu.vector_store_idx %arg9[%add3A_135], %get3A_139 masked %ge3A_142 {add = true} : memref<92160xf32, #tpu.memory_space<vmem>>[vector<16xi32>], vector<16xf32>, vector<16xi1>
        %add3A_143 = arith.constant 3 : i32
        %add3A_144 = vector.broadcast %add3A_143 : i32 to vector<16xi32>
        %add3A_145 = arith.addi %mul3A_113, %add3A_144 : vector<16xi32>
        %get3A_146 = arith.constant 3 : i32
        %get3A_147 = arith.index_cast %get3A_146 : i32 to index
        %get3A_148 = arith.index_cast %mul3A_109 : i32 to index
        %get3A_149 = tpu.vector_load %arg6[%get3A_147, %get3A_148] {strides = array<i32>} : memref<9x640xf32, #tpu.memory_space<vmem>>, vector<16xf32>,
        %ge3A_150 = arith.constant 0 : i32
        %ge3A_151 = vector.broadcast %ge3A_150 : i32 to vector<16xi32>
        %ge3A_152 = arith.cmpi sge, %iota3A, %ge3A_151 : vector<16xi32>
        tpu.vector_store_idx %arg9[%add3A_145], %get3A_149 masked %ge3A_152 {add = true} : memref<92160xf32, #tpu.memory_space<vmem>>[vector<16xi32>], vector<16xf32>, vector<16xi1>
        %add3A_153 = arith.constant 4 : i32
        %add3A_154 = vector.broadcast %add3A_153 : i32 to vector<16xi32>
        %add3A_155 = arith.addi %mul3A_113, %add3A_154 : vector<16xi32>
        %get3A_156 = arith.constant 4 : i32
        %get3A_157 = arith.index_cast %get3A_156 : i32 to index
        %get3A_158 = arith.index_cast %mul3A_109 : i32 to index
        %get3A_159 = tpu.vector_load %arg6[%get3A_157, %get3A_158] {strides = array<i32>} : memref<9x640xf32, #tpu.memory_space<vmem>>, vector<16xf32>,
        %ge3A_160 = arith.constant 0 : i32
        %ge3A_161 = vector.broadcast %ge3A_160 : i32 to vector<16xi32>
        %ge3A_162 = arith.cmpi sge, %iota3A, %ge3A_161 : vector<16xi32>
        tpu.vector_store_idx %arg9[%add3A_155], %get3A_159 masked %ge3A_162 {add = true} : memref<92160xf32, #tpu.memory_space<vmem>>[vector<16xi32>], vector<16xf32>, vector<16xi1>
        %add3A_163 = arith.constant 5 : i32
        %add3A_164 = vector.broadcast %add3A_163 : i32 to vector<16xi32>
        %add3A_165 = arith.addi %mul3A_113, %add3A_164 : vector<16xi32>
        %get3A_166 = arith.constant 5 : i32
        %get3A_167 = arith.index_cast %get3A_166 : i32 to index
        %get3A_168 = arith.index_cast %mul3A_109 : i32 to index
        %get3A_169 = tpu.vector_load %arg6[%get3A_167, %get3A_168] {strides = array<i32>} : memref<9x640xf32, #tpu.memory_space<vmem>>, vector<16xf32>,
        %ge3A_170 = arith.constant 0 : i32
        %ge3A_171 = vector.broadcast %ge3A_170 : i32 to vector<16xi32>
        %ge3A_172 = arith.cmpi sge, %iota3A, %ge3A_171 : vector<16xi32>
        tpu.vector_store_idx %arg9[%add3A_165], %get3A_169 masked %ge3A_172 {add = true} : memref<92160xf32, #tpu.memory_space<vmem>>[vector<16xi32>], vector<16xf32>, vector<16xi1>
        %add3A_173 = arith.constant 6 : i32
        %add3A_174 = vector.broadcast %add3A_173 : i32 to vector<16xi32>
        %add3A_175 = arith.addi %mul3A_113, %add3A_174 : vector<16xi32>
        %get3A_176 = arith.constant 6 : i32
        %get3A_177 = arith.index_cast %get3A_176 : i32 to index
        %get3A_178 = arith.index_cast %mul3A_109 : i32 to index
        %get3A_179 = tpu.vector_load %arg6[%get3A_177, %get3A_178] {strides = array<i32>} : memref<9x640xf32, #tpu.memory_space<vmem>>, vector<16xf32>,
        %ge3A_180 = arith.constant 0 : i32
        %ge3A_181 = vector.broadcast %ge3A_180 : i32 to vector<16xi32>
        %ge3A_182 = arith.cmpi sge, %iota3A, %ge3A_181 : vector<16xi32>
        tpu.vector_store_idx %arg9[%add3A_175], %get3A_179 masked %ge3A_182 {add = true} : memref<92160xf32, #tpu.memory_space<vmem>>[vector<16xi32>], vector<16xf32>, vector<16xi1>
        %add3A_183 = arith.constant 7 : i32
        %add3A_184 = vector.broadcast %add3A_183 : i32 to vector<16xi32>
        %add3A_185 = arith.addi %mul3A_113, %add3A_184 : vector<16xi32>
        %get3A_186 = arith.constant 7 : i32
        %get3A_187 = arith.index_cast %get3A_186 : i32 to index
        %get3A_188 = arith.index_cast %mul3A_109 : i32 to index
        %get3A_189 = tpu.vector_load %arg6[%get3A_187, %get3A_188] {strides = array<i32>} : memref<9x640xf32, #tpu.memory_space<vmem>>, vector<16xf32>,
        %ge3A_190 = arith.constant 0 : i32
        %ge3A_191 = vector.broadcast %ge3A_190 : i32 to vector<16xi32>
        %ge3A_192 = arith.cmpi sge, %iota3A, %ge3A_191 : vector<16xi32>
        tpu.vector_store_idx %arg9[%add3A_185], %get3A_189 masked %ge3A_192 {add = true} : memref<92160xf32, #tpu.memory_space<vmem>>[vector<16xi32>], vector<16xf32>, vector<16xi1>
        %add3A_193 = arith.constant 8 : i32
        %add3A_194 = vector.broadcast %add3A_193 : i32 to vector<16xi32>
        %add3A_195 = arith.addi %mul3A_113, %add3A_194 : vector<16xi32>
        %get3A_196 = arith.constant 8 : i32
        %get3A_197 = arith.index_cast %get3A_196 : i32 to index
        %get3A_198 = arith.index_cast %mul3A_109 : i32 to index
        %get3A_199 = tpu.vector_load %arg6[%get3A_197, %get3A_198] {strides = array<i32>} : memref<9x640xf32, #tpu.memory_space<vmem>>, vector<16xf32>,
        %ge3A_200 = arith.constant 0 : i32
        %ge3A_201 = vector.broadcast %ge3A_200 : i32 to vector<16xi32>
        %ge3A_202 = arith.cmpi sge, %iota3A, %ge3A_201 : vector<16xi32>
        tpu.vector_store_idx %arg9[%add3A_195], %get3A_199 masked %ge3A_202 {add = true} : memref<92160xf32, #tpu.memory_space<vmem>>[vector<16xi32>], vector<16xf32>, vector<16xi1>
        %mul3A_203 = arith.constant 2 : i32
        %mul3A_204 = arith.muli %mul3A_203, %scan3A_103 : i32
        %add3A_205 = arith.constant 1 : i32
        %add3A_206 = arith.addi %mul3A_204, %add3A_205 : i32
        %mul3A_207 = arith.constant 16 : i32
        %mul3A_208 = arith.muli %add3A_206, %mul3A_207 : i32
        %get3A_209 = arith.index_cast %mul3A_208 : i32 to index
        %get3A_210 = tpu.vector_load %arg8[%get3A_209] {strides = array<i32>} : memref<640xi32, #tpu.memory_space<vmem>>, vector<16xi32>,
        %mul3A_211 = arith.constant 9 : i32
        %mul3A_212 = vector.broadcast %mul3A_211 : i32 to vector<16xi32>
        %mul3A_213 = arith.muli %get3A_210, %mul3A_212 : vector<16xi32>
        %add3A_214 = arith.constant 0 : i32
        %add3A_215 = vector.broadcast %add3A_214 : i32 to vector<16xi32>
        %add3A_216 = arith.addi %mul3A_213, %add3A_215 : vector<16xi32>
        %get3A_217 = arith.constant 0 : i32
        %get3A_218 = arith.index_cast %get3A_217 : i32 to index
        %get3A_219 = arith.index_cast %mul3A_208 : i32 to index
        %get3A_220 = tpu.vector_load %arg6[%get3A_218, %get3A_219] {strides = array<i32>} : memref<9x640xf32, #tpu.memory_space<vmem>>, vector<16xf32>,
        %ge3A_221 = arith.constant 0 : i32
        %ge3A_222 = vector.broadcast %ge3A_221 : i32 to vector<16xi32>
        %ge3A_223 = arith.cmpi sge, %iota3A, %ge3A_222 : vector<16xi32>
        tpu.vector_store_idx %arg9[%add3A_216], %get3A_220 masked %ge3A_223 {add = true} : memref<92160xf32, #tpu.memory_space<vmem>>[vector<16xi32>], vector<16xf32>, vector<16xi1>
        %add3A_224 = arith.constant 1 : i32
        %add3A_225 = vector.broadcast %add3A_224 : i32 to vector<16xi32>
        %add3A_226 = arith.addi %mul3A_213, %add3A_225 : vector<16xi32>
        %get3A_227 = arith.constant 1 : i32
        %get3A_228 = arith.index_cast %get3A_227 : i32 to index
        %get3A_229 = arith.index_cast %mul3A_208 : i32 to index
        %get3A_230 = tpu.vector_load %arg6[%get3A_228, %get3A_229] {strides = array<i32>} : memref<9x640xf32, #tpu.memory_space<vmem>>, vector<16xf32>,
        %ge3A_231 = arith.constant 0 : i32
        %ge3A_232 = vector.broadcast %ge3A_231 : i32 to vector<16xi32>
        %ge3A_233 = arith.cmpi sge, %iota3A, %ge3A_232 : vector<16xi32>
        tpu.vector_store_idx %arg9[%add3A_226], %get3A_230 masked %ge3A_233 {add = true} : memref<92160xf32, #tpu.memory_space<vmem>>[vector<16xi32>], vector<16xf32>, vector<16xi1>
        %add3A_234 = arith.constant 2 : i32
        %add3A_235 = vector.broadcast %add3A_234 : i32 to vector<16xi32>
        %add3A_236 = arith.addi %mul3A_213, %add3A_235 : vector<16xi32>
        %get3A_237 = arith.constant 2 : i32
        %get3A_238 = arith.index_cast %get3A_237 : i32 to index
        %get3A_239 = arith.index_cast %mul3A_208 : i32 to index
        %get3A_240 = tpu.vector_load %arg6[%get3A_238, %get3A_239] {strides = array<i32>} : memref<9x640xf32, #tpu.memory_space<vmem>>, vector<16xf32>,
        %ge3A_241 = arith.constant 0 : i32
        %ge3A_242 = vector.broadcast %ge3A_241 : i32 to vector<16xi32>
        %ge3A_243 = arith.cmpi sge, %iota3A, %ge3A_242 : vector<16xi32>
        tpu.vector_store_idx %arg9[%add3A_236], %get3A_240 masked %ge3A_243 {add = true} : memref<92160xf32, #tpu.memory_space<vmem>>[vector<16xi32>], vector<16xf32>, vector<16xi1>
        %add3A_244 = arith.constant 3 : i32
        %add3A_245 = vector.broadcast %add3A_244 : i32 to vector<16xi32>
        %add3A_246 = arith.addi %mul3A_213, %add3A_245 : vector<16xi32>
        %get3A_247 = arith.constant 3 : i32
        %get3A_248 = arith.index_cast %get3A_247 : i32 to index
        %get3A_249 = arith.index_cast %mul3A_208 : i32 to index
        %get3A_250 = tpu.vector_load %arg6[%get3A_248, %get3A_249] {strides = array<i32>} : memref<9x640xf32, #tpu.memory_space<vmem>>, vector<16xf32>,
        %ge3A_251 = arith.constant 0 : i32
        %ge3A_252 = vector.broadcast %ge3A_251 : i32 to vector<16xi32>
        %ge3A_253 = arith.cmpi sge, %iota3A, %ge3A_252 : vector<16xi32>
        tpu.vector_store_idx %arg9[%add3A_246], %get3A_250 masked %ge3A_253 {add = true} : memref<92160xf32, #tpu.memory_space<vmem>>[vector<16xi32>], vector<16xf32>, vector<16xi1>
        %add3A_254 = arith.constant 4 : i32
        %add3A_255 = vector.broadcast %add3A_254 : i32 to vector<16xi32>
        %add3A_256 = arith.addi %mul3A_213, %add3A_255 : vector<16xi32>
        %get3A_257 = arith.constant 4 : i32
        %get3A_258 = arith.index_cast %get3A_257 : i32 to index
        %get3A_259 = arith.index_cast %mul3A_208 : i32 to index
        %get3A_260 = tpu.vector_load %arg6[%get3A_258, %get3A_259] {strides = array<i32>} : memref<9x640xf32, #tpu.memory_space<vmem>>, vector<16xf32>,
        %ge3A_261 = arith.constant 0 : i32
        %ge3A_262 = vector.broadcast %ge3A_261 : i32 to vector<16xi32>
        %ge3A_263 = arith.cmpi sge, %iota3A, %ge3A_262 : vector<16xi32>
        tpu.vector_store_idx %arg9[%add3A_256], %get3A_260 masked %ge3A_263 {add = true} : memref<92160xf32, #tpu.memory_space<vmem>>[vector<16xi32>], vector<16xf32>, vector<16xi1>
        %add3A_264 = arith.constant 5 : i32
        %add3A_265 = vector.broadcast %add3A_264 : i32 to vector<16xi32>
        %add3A_266 = arith.addi %mul3A_213, %add3A_265 : vector<16xi32>
        %get3A_267 = arith.constant 5 : i32
        %get3A_268 = arith.index_cast %get3A_267 : i32 to index
        %get3A_269 = arith.index_cast %mul3A_208 : i32 to index
        %get3A_270 = tpu.vector_load %arg6[%get3A_268, %get3A_269] {strides = array<i32>} : memref<9x640xf32, #tpu.memory_space<vmem>>, vector<16xf32>,
        %ge3A_271 = arith.constant 0 : i32
        %ge3A_272 = vector.broadcast %ge3A_271 : i32 to vector<16xi32>
        %ge3A_273 = arith.cmpi sge, %iota3A, %ge3A_272 : vector<16xi32>
        tpu.vector_store_idx %arg9[%add3A_266], %get3A_270 masked %ge3A_273 {add = true} : memref<92160xf32, #tpu.memory_space<vmem>>[vector<16xi32>], vector<16xf32>, vector<16xi1>
        %add3A_274 = arith.constant 6 : i32
        %add3A_275 = vector.broadcast %add3A_274 : i32 to vector<16xi32>
        %add3A_276 = arith.addi %mul3A_213, %add3A_275 : vector<16xi32>
        %get3A_277 = arith.constant 6 : i32
        %get3A_278 = arith.index_cast %get3A_277 : i32 to index
        %get3A_279 = arith.index_cast %mul3A_208 : i32 to index
        %get3A_280 = tpu.vector_load %arg6[%get3A_278, %get3A_279] {strides = array<i32>} : memref<9x640xf32, #tpu.memory_space<vmem>>, vector<16xf32>,
        %ge3A_281 = arith.constant 0 : i32
        %ge3A_282 = vector.broadcast %ge3A_281 : i32 to vector<16xi32>
        %ge3A_283 = arith.cmpi sge, %iota3A, %ge3A_282 : vector<16xi32>
        tpu.vector_store_idx %arg9[%add3A_276], %get3A_280 masked %ge3A_283 {add = true} : memref<92160xf32, #tpu.memory_space<vmem>>[vector<16xi32>], vector<16xf32>, vector<16xi1>
        %add3A_284 = arith.constant 7 : i32
        %add3A_285 = vector.broadcast %add3A_284 : i32 to vector<16xi32>
        %add3A_286 = arith.addi %mul3A_213, %add3A_285 : vector<16xi32>
        %get3A_287 = arith.constant 7 : i32
        %get3A_288 = arith.index_cast %get3A_287 : i32 to index
        %get3A_289 = arith.index_cast %mul3A_208 : i32 to index
        %get3A_290 = tpu.vector_load %arg6[%get3A_288, %get3A_289] {strides = array<i32>} : memref<9x640xf32, #tpu.memory_space<vmem>>, vector<16xf32>,
        %ge3A_291 = arith.constant 0 : i32
        %ge3A_292 = vector.broadcast %ge3A_291 : i32 to vector<16xi32>
        %ge3A_293 = arith.cmpi sge, %iota3A, %ge3A_292 : vector<16xi32>
        tpu.vector_store_idx %arg9[%add3A_286], %get3A_290 masked %ge3A_293 {add = true} : memref<92160xf32, #tpu.memory_space<vmem>>[vector<16xi32>], vector<16xf32>, vector<16xi1>
        %add3A_294 = arith.constant 8 : i32
        %add3A_295 = vector.broadcast %add3A_294 : i32 to vector<16xi32>
        %add3A_296 = arith.addi %mul3A_213, %add3A_295 : vector<16xi32>
        %get3A_297 = arith.constant 8 : i32
        %get3A_298 = arith.index_cast %get3A_297 : i32 to index
        %get3A_299 = arith.index_cast %mul3A_208 : i32 to index
        %get3A_300 = tpu.vector_load %arg6[%get3A_298, %get3A_299] {strides = array<i32>} : memref<9x640xf32, #tpu.memory_space<vmem>>, vector<16xf32>,
        %ge3A_301 = arith.constant 0 : i32
        %ge3A_302 = vector.broadcast %ge3A_301 : i32 to vector<16xi32>
        %ge3A_303 = arith.cmpi sge, %iota3A, %ge3A_302 : vector<16xi32>
        tpu.vector_store_idx %arg9[%add3A_296], %get3A_300 masked %ge3A_303 {add = true} : memref<92160xf32, #tpu.memory_space<vmem>>[vector<16xi32>], vector<16xf32>, vector<16xi1>
      }
      %scan3A_102 = arith.constant 20 : i32
    }
    %scan3A_19 = arith.constant 125 : i32
    %dma_wait3A = arith.constant 0 : i32
    %dma_wait3A_20 = arith.constant 0 : i32
    %dma_wait3A_21 = tpu.memref_slice %arg2[%arg1, %dma_wait3A, %dma_wait3A_20] : memref<16x9x320000xf32, #tpu.memory_space<hbm>> -> memref<1x9x640xf32, #tpu.memory_space<hbm>>
    %dma_wait3A_22 = tpu.memref_squeeze %dma_wait3A_21 : memref<1x9x640xf32, #tpu.memory_space<hbm>> -> memref<9x640xf32, #tpu.memory_space<hbm>>
    %dma_wait3A_23 = arith.constant 0 : i32
    %dma_wait3A_24 = arith.constant 0 : i32
    %dma_wait3A_25 = tpu.memref_slice %arg2[%arg1, %dma_wait3A_23, %dma_wait3A_24] : memref<16x9x320000xf32, #tpu.memory_space<hbm>> -> memref<1x9x640xf32, #tpu.memory_space<hbm>>
    %dma_wait3A_26 = tpu.memref_squeeze %dma_wait3A_25 : memref<1x9x640xf32, #tpu.memory_space<hbm>> -> memref<9x640xf32, #tpu.memory_space<hbm>>
    tpu.wait_dma2 semaphore(%arg10 : memref<!tpu.dma_semaphore, #tpu.memory_space<semaphore_mem>>) src(%dma_wait3A_26 : memref<9x640xf32, #tpu.memory_space<hbm>>) dst(%arg5 : memref<9x640xf32, #tpu.memory_space<vmem>>)
    %dma_wait3A_27 = arith.constant 0 : i32
    %dma_wait3A_28 = tpu.memref_slice %arg3[%dma_wait3A_27] : memref<320000xi32, #tpu.memory_space<hbm>> -> memref<640xi32, #tpu.memory_space<hbm>>
    %dma_wait3A_29 = arith.constant 0 : i32
    %dma_wait3A_30 = tpu.memref_slice %arg3[%dma_wait3A_29] : memref<320000xi32, #tpu.memory_space<hbm>> -> memref<640xi32, #tpu.memory_space<hbm>>
    tpu.wait_dma2 semaphore(%arg10 : memref<!tpu.dma_semaphore, #tpu.memory_space<semaphore_mem>>) src(%dma_wait3A_30 : memref<640xi32, #tpu.memory_space<hbm>>) dst(%arg7 : memref<640xi32, #tpu.memory_space<vmem>>)
    "tpu.region"() ({
      %run_scoped3A = tpu.sem_alloc : memref<!tpu.dma_semaphore, #tpu.memory_space<semaphore_mem>>
      %dma_start3A_31 = arith.constant 0 : i32
      %dma_start3A_32 = tpu.memref_slice %arg4[%arg0, %arg1, %dma_start3A_31] : memref<2x16x92160xf32, #tpu.memory_space<hbm>> -> memref<1x1x92160xf32, #tpu.memory_space<hbm>>
      %dma_start3A_33 = tpu.memref_squeeze %dma_start3A_32 : memref<1x1x92160xf32, #tpu.memory_space<hbm>> -> memref<92160xf32, #tpu.memory_space<hbm>>
      %dma_start3A_34 = arith.constant 0 : i32
      %dma_start3A_35 = tpu.memref_slice %arg4[%arg0, %arg1, %dma_start3A_34] : memref<2x16x92160xf32, #tpu.memory_space<hbm>> -> memref<1x1x92160xf32, #tpu.memory_space<hbm>>
      %dma_start3A_36 = tpu.memref_squeeze %dma_start3A_35 : memref<1x1x92160xf32, #tpu.memory_space<hbm>> -> memref<92160xf32, #tpu.memory_space<hbm>>
      tpu.enqueue_dma source(%arg9 : memref<92160xf32, #tpu.memory_space<vmem>>) target(%dma_start3A_36 : memref<92160xf32, #tpu.memory_space<hbm>>) target_semaphore(%run_scoped3A : memref<!tpu.dma_semaphore, #tpu.memory_space<semaphore_mem>>)
      %dma_wait3A_37 = arith.constant 0 : i32
      %dma_wait3A_38 = tpu.memref_slice %arg4[%arg0, %arg1, %dma_wait3A_37] : memref<2x16x92160xf32, #tpu.memory_space<hbm>> -> memref<1x1x92160xf32, #tpu.memory_space<hbm>>
      %dma_wait3A_39 = tpu.memref_squeeze %dma_wait3A_38 : memref<1x1x92160xf32, #tpu.memory_space<hbm>> -> memref<92160xf32, #tpu.memory_space<hbm>>
      %dma_wait3A_40 = arith.constant 0 : i32
      %dma_wait3A_41 = tpu.memref_slice %arg4[%arg0, %arg1, %dma_wait3A_40] : memref<2x16x92160xf32, #tpu.memory_space<hbm>> -> memref<1x1x92160xf32, #tpu.memory_space<hbm>>
      %dma_wait3A_42 = tpu.memref_squeeze %dma_wait3A_41 : memref<1x1x92160xf32, #tpu.memory_space<hbm>> -> memref<92160xf32, #tpu.memory_space<hbm>>
      tpu.wait_dma2 semaphore(%run_scoped3A : memref<!tpu.dma_semaphore, #tpu.memory_space<semaphore_mem>>) src(%arg9 : memref<92160xf32, #tpu.memory_space<vmem>>) dst(%dma_wait3A_42 : memref<92160xf32, #tpu.memory_space<hbm>>)
      tpu.yield
    }) : () -> ()
    return
  }
}

#map = affine_map<(d0, d1) -> (0, 0)>
#map1 = affine_map<(d0, d1) -> (0)>
module attributes {stable_mosaic.version = 14 : i64} {
  func.func @body(%arg0: i32, %arg1: i32, %arg2: memref<10000x128xf32, #tpu.memory_space<hbm>>, %arg3: memref<10000x128xf32, #tpu.memory_space<hbm>>, %arg4: memref<320000xi32, #tpu.memory_space<hbm>>, %arg5: memref<320000xi32, #tpu.memory_space<hbm>>, %arg6: memref<320000x128xf32, #tpu.memory_space<hbm>>, %arg7: memref<320000x128xf32, #tpu.memory_space<hbm>>, %arg8: memref<80xi32, #tpu.memory_space<vmem>>, %arg9: memref<80xi32, #tpu.memory_space<vmem>>, %arg10: memref<80x128xf32, #tpu.memory_space<vmem>>, %arg11: memref<80x128xf32, #tpu.memory_space<vmem>>, %arg12: memref<!tpu.dma_semaphore, #tpu.memory_space<semaphore_mem>>, %arg13: memref<!tpu.dma_semaphore, #tpu.memory_space<semaphore_mem>>, %arg14: memref<80xi32, #tpu.memory_space<vmem>>, %arg15: memref<80xi32, #tpu.memory_space<vmem>>, %arg16: memref<80x128xf32, #tpu.memory_space<vmem>>, %arg17: memref<80x128xf32, #tpu.memory_space<vmem>>, %arg18: memref<!tpu.dma_semaphore, #tpu.memory_space<semaphore_mem>>, %arg19: memref<!tpu.dma_semaphore, #tpu.memory_space<semaphore_mem>>) attributes {dimension_semantics = [#tpu.dimension_semantics<core_parallel>, #tpu.dimension_semantics<subcore_parallel>], iteration_bounds = array<i64: 2, 16>, scalar_prefetch = 0 : i64, scratch_operands = 12 : i64, tpu.core_type = #tpu.core_type<sc_vector_subcore>, window_params = [{transform_indices = #map}, {transform_indices = #map}, {transform_indices = #map1}, {transform_indices = #map1}, {transform_indices = #map}, {transform_indices = #map}]} {
    %mul3A = arith.constant 2 : i32
    %mul3A_0 = arith.muli %arg1, %mul3A : i32
    %add3A = arith.addi %mul3A_0, %arg0 : i32
    %mul3A_1 = arith.constant 10000 : i32
    %mul3A_2 = arith.muli %add3A, %mul3A_1 : i32
    %add3A_3 = arith.constant 0 : i32
    %add3A_4 = arith.addi %mul3A_2, %add3A_3 : i32
    %multiple_of3A = tpu.assume_multiple %add3A_4, 80 : i32
    "tpu.region"() ({
      %run_scoped3A = tpu.sem_alloc : memref<!tpu.dma_semaphore, #tpu.memory_space<semaphore_mem>>
      %dma_start3A_35 = tpu.memref_slice %arg4[%multiple_of3A] : memref<320000xi32, #tpu.memory_space<hbm>> -> memref<80xi32, #tpu.memory_space<hbm>>
      %dma_start3A_36 = tpu.memref_slice %arg4[%multiple_of3A] : memref<320000xi32, #tpu.memory_space<hbm>> -> memref<80xi32, #tpu.memory_space<hbm>>
      tpu.enqueue_dma source(%dma_start3A_36 : memref<80xi32, #tpu.memory_space<hbm>>) target(%arg8 : memref<80xi32, #tpu.memory_space<vmem>>) target_semaphore(%run_scoped3A : memref<!tpu.dma_semaphore, #tpu.memory_space<semaphore_mem>>)
      %dma_wait3A_37 = tpu.memref_slice %arg4[%multiple_of3A] : memref<320000xi32, #tpu.memory_space<hbm>> -> memref<80xi32, #tpu.memory_space<hbm>>
      %dma_wait3A_38 = tpu.memref_slice %arg4[%multiple_of3A] : memref<320000xi32, #tpu.memory_space<hbm>> -> memref<80xi32, #tpu.memory_space<hbm>>
      tpu.wait_dma2 semaphore(%run_scoped3A : memref<!tpu.dma_semaphore, #tpu.memory_space<semaphore_mem>>) src(%dma_wait3A_38 : memref<80xi32, #tpu.memory_space<hbm>>) dst(%arg8 : memref<80xi32, #tpu.memory_space<vmem>>)
      tpu.yield
    }) : () -> ()
    %dma_start3A = arith.constant 0 : i32
    %dma_start3A_5 = arith.constant 0 : i32
    %dma_start3A_6 = tpu.memref_slice %arg2[%dma_start3A, %dma_start3A_5] : memref<10000x128xf32, #tpu.memory_space<hbm>> -> memref<10000x128xf32, #tpu.memory_space<hbm>>
    tpu.enqueue_indirect_dma source(%dma_start3A_6 : memref<10000x128xf32, #tpu.memory_space<hbm>>) target(%arg10 : memref<80x128xf32, #tpu.memory_space<vmem>>) offsets(%arg8 : memref<80xi32, #tpu.memory_space<vmem>>) semaphore(%arg12 : memref<!tpu.dma_semaphore, #tpu.memory_space<semaphore_mem>>)
    %mul3A_7 = arith.constant 10000 : i32
    %mul3A_8 = arith.muli %add3A, %mul3A_7 : i32
    %add3A_9 = arith.constant 0 : i32
    %add3A_10 = arith.addi %mul3A_8, %add3A_9 : i32
    %multiple_of3A_11 = tpu.assume_multiple %add3A_10, 80 : i32
    "tpu.region"() ({
      %run_scoped3A = tpu.sem_alloc : memref<!tpu.dma_semaphore, #tpu.memory_space<semaphore_mem>>
      %dma_start3A_35 = tpu.memref_slice %arg5[%multiple_of3A_11] : memref<320000xi32, #tpu.memory_space<hbm>> -> memref<80xi32, #tpu.memory_space<hbm>>
      %dma_start3A_36 = tpu.memref_slice %arg5[%multiple_of3A_11] : memref<320000xi32, #tpu.memory_space<hbm>> -> memref<80xi32, #tpu.memory_space<hbm>>
      tpu.enqueue_dma source(%dma_start3A_36 : memref<80xi32, #tpu.memory_space<hbm>>) target(%arg14 : memref<80xi32, #tpu.memory_space<vmem>>) target_semaphore(%run_scoped3A : memref<!tpu.dma_semaphore, #tpu.memory_space<semaphore_mem>>)
      %dma_wait3A_37 = tpu.memref_slice %arg5[%multiple_of3A_11] : memref<320000xi32, #tpu.memory_space<hbm>> -> memref<80xi32, #tpu.memory_space<hbm>>
      %dma_wait3A_38 = tpu.memref_slice %arg5[%multiple_of3A_11] : memref<320000xi32, #tpu.memory_space<hbm>> -> memref<80xi32, #tpu.memory_space<hbm>>
      tpu.wait_dma2 semaphore(%run_scoped3A : memref<!tpu.dma_semaphore, #tpu.memory_space<semaphore_mem>>) src(%dma_wait3A_38 : memref<80xi32, #tpu.memory_space<hbm>>) dst(%arg14 : memref<80xi32, #tpu.memory_space<vmem>>)
      tpu.yield
    }) : () -> ()
    %dma_start3A_12 = arith.constant 0 : i32
    %dma_start3A_13 = arith.constant 0 : i32
    %dma_start3A_14 = tpu.memref_slice %arg3[%dma_start3A_12, %dma_start3A_13] : memref<10000x128xf32, #tpu.memory_space<hbm>> -> memref<10000x128xf32, #tpu.memory_space<hbm>>
    tpu.enqueue_indirect_dma source(%dma_start3A_14 : memref<10000x128xf32, #tpu.memory_space<hbm>>) target(%arg16 : memref<80x128xf32, #tpu.memory_space<vmem>>) offsets(%arg14 : memref<80xi32, #tpu.memory_space<vmem>>) semaphore(%arg18 : memref<!tpu.dma_semaphore, #tpu.memory_space<semaphore_mem>>)
    %scan3A = arith.constant 0 : i32
    %scan3A_15 = arith.constant 0 : i32
    %scan3A_16 = arith.constant 62 : i32
    %scan3A_17 = arith.addi %scan3A_15, %scan3A_16 : i32
    %scan3A_18 = arith.constant 1 : i32
    scf.for %scan3A_35 = %scan3A_15 to %scan3A_17 step %scan3A_18  : i32 {
      %mul3A_36 = arith.constant 2 : i32
      %mul3A_37 = arith.muli %mul3A_36, %scan3A_35 : i32
      %add3A_38 = arith.constant 1 : i32
      %add3A_39 = arith.addi %mul3A_37, %add3A_38 : i32
      %mul3A_40 = arith.constant 10000 : i32
      %mul3A_41 = arith.muli %add3A, %mul3A_40 : i32
      %mul3A_42 = arith.constant 80 : i32
      %mul3A_43 = arith.muli %add3A_39, %mul3A_42 : i32
      %add3A_44 = arith.addi %mul3A_41, %mul3A_43 : i32
      %multiple_of3A_45 = tpu.assume_multiple %add3A_44, 80 : i32
      "tpu.region"() ({
        %run_scoped3A = tpu.sem_alloc : memref<!tpu.dma_semaphore, #tpu.memory_space<semaphore_mem>>
        %dma_start3A_115 = tpu.memref_slice %arg4[%multiple_of3A_45] : memref<320000xi32, #tpu.memory_space<hbm>> -> memref<80xi32, #tpu.memory_space<hbm>>
        %dma_start3A_116 = tpu.memref_slice %arg4[%multiple_of3A_45] : memref<320000xi32, #tpu.memory_space<hbm>> -> memref<80xi32, #tpu.memory_space<hbm>>
        tpu.enqueue_dma source(%dma_start3A_116 : memref<80xi32, #tpu.memory_space<hbm>>) target(%arg9 : memref<80xi32, #tpu.memory_space<vmem>>) target_semaphore(%run_scoped3A : memref<!tpu.dma_semaphore, #tpu.memory_space<semaphore_mem>>)
        %dma_wait3A_117 = tpu.memref_slice %arg4[%multiple_of3A_45] : memref<320000xi32, #tpu.memory_space<hbm>> -> memref<80xi32, #tpu.memory_space<hbm>>
        %dma_wait3A_118 = tpu.memref_slice %arg4[%multiple_of3A_45] : memref<320000xi32, #tpu.memory_space<hbm>> -> memref<80xi32, #tpu.memory_space<hbm>>
        tpu.wait_dma2 semaphore(%run_scoped3A : memref<!tpu.dma_semaphore, #tpu.memory_space<semaphore_mem>>) src(%dma_wait3A_118 : memref<80xi32, #tpu.memory_space<hbm>>) dst(%arg9 : memref<80xi32, #tpu.memory_space<vmem>>)
        tpu.yield
      }) : () -> ()
      %dma_start3A_46 = arith.constant 0 : i32
      %dma_start3A_47 = arith.constant 0 : i32
      %dma_start3A_48 = tpu.memref_slice %arg2[%dma_start3A_46, %dma_start3A_47] : memref<10000x128xf32, #tpu.memory_space<hbm>> -> memref<10000x128xf32, #tpu.memory_space<hbm>>
      tpu.enqueue_indirect_dma source(%dma_start3A_48 : memref<10000x128xf32, #tpu.memory_space<hbm>>) target(%arg11 : memref<80x128xf32, #tpu.memory_space<vmem>>) offsets(%arg9 : memref<80xi32, #tpu.memory_space<vmem>>) semaphore(%arg13 : memref<!tpu.dma_semaphore, #tpu.memory_space<semaphore_mem>>)
      %mul3A_49 = arith.constant 10000 : i32
      %mul3A_50 = arith.muli %add3A, %mul3A_49 : i32
      %mul3A_51 = arith.constant 80 : i32
      %mul3A_52 = arith.muli %add3A_39, %mul3A_51 : i32
      %add3A_53 = arith.addi %mul3A_50, %mul3A_52 : i32
      %multiple_of3A_54 = tpu.assume_multiple %add3A_53, 80 : i32
      "tpu.region"() ({
        %run_scoped3A = tpu.sem_alloc : memref<!tpu.dma_semaphore, #tpu.memory_space<semaphore_mem>>
        %dma_start3A_115 = tpu.memref_slice %arg5[%multiple_of3A_54] : memref<320000xi32, #tpu.memory_space<hbm>> -> memref<80xi32, #tpu.memory_space<hbm>>
        %dma_start3A_116 = tpu.memref_slice %arg5[%multiple_of3A_54] : memref<320000xi32, #tpu.memory_space<hbm>> -> memref<80xi32, #tpu.memory_space<hbm>>
        tpu.enqueue_dma source(%dma_start3A_116 : memref<80xi32, #tpu.memory_space<hbm>>) target(%arg15 : memref<80xi32, #tpu.memory_space<vmem>>) target_semaphore(%run_scoped3A : memref<!tpu.dma_semaphore, #tpu.memory_space<semaphore_mem>>)
        %dma_wait3A_117 = tpu.memref_slice %arg5[%multiple_of3A_54] : memref<320000xi32, #tpu.memory_space<hbm>> -> memref<80xi32, #tpu.memory_space<hbm>>
        %dma_wait3A_118 = tpu.memref_slice %arg5[%multiple_of3A_54] : memref<320000xi32, #tpu.memory_space<hbm>> -> memref<80xi32, #tpu.memory_space<hbm>>
        tpu.wait_dma2 semaphore(%run_scoped3A : memref<!tpu.dma_semaphore, #tpu.memory_space<semaphore_mem>>) src(%dma_wait3A_118 : memref<80xi32, #tpu.memory_space<hbm>>) dst(%arg15 : memref<80xi32, #tpu.memory_space<vmem>>)
        tpu.yield
      }) : () -> ()
      %dma_start3A_55 = arith.constant 0 : i32
      %dma_start3A_56 = arith.constant 0 : i32
      %dma_start3A_57 = tpu.memref_slice %arg3[%dma_start3A_55, %dma_start3A_56] : memref<10000x128xf32, #tpu.memory_space<hbm>> -> memref<10000x128xf32, #tpu.memory_space<hbm>>
      tpu.enqueue_indirect_dma source(%dma_start3A_57 : memref<10000x128xf32, #tpu.memory_space<hbm>>) target(%arg17 : memref<80x128xf32, #tpu.memory_space<vmem>>) offsets(%arg15 : memref<80xi32, #tpu.memory_space<vmem>>) semaphore(%arg19 : memref<!tpu.dma_semaphore, #tpu.memory_space<semaphore_mem>>)
      %sub3A = arith.constant 1 : i32
      %sub3A_58 = arith.subi %add3A_39, %sub3A : i32
      %dma_wait3A_59 = arith.constant 0 : i32
      %dma_wait3A_60 = arith.constant 0 : i32
      %dma_wait3A_61 = tpu.memref_slice %arg2[%dma_wait3A_59, %dma_wait3A_60] : memref<10000x128xf32, #tpu.memory_space<hbm>> -> memref<10000x128xf32, #tpu.memory_space<hbm>>
      tpu.wait_indirect_dma semaphore(%arg12 : memref<!tpu.dma_semaphore, #tpu.memory_space<semaphore_mem>>) src(%dma_wait3A_61 : memref<10000x128xf32, #tpu.memory_space<hbm>>) dst(%arg10 : memref<80x128xf32, #tpu.memory_space<vmem>>)
      %mul3A_62 = arith.constant 10000 : i32
      %mul3A_63 = arith.muli %add3A, %mul3A_62 : i32
      %mul3A_64 = arith.constant 80 : i32
      %mul3A_65 = arith.muli %sub3A_58, %mul3A_64 : i32
      %add3A_66 = arith.addi %mul3A_63, %mul3A_65 : i32
      %multiple_of3A_67 = tpu.assume_multiple %add3A_66, 80 : i32
      "tpu.region"() ({
        %run_scoped3A = tpu.sem_alloc : memref<!tpu.dma_semaphore, #tpu.memory_space<semaphore_mem>>
        %dma_start3A_115 = arith.constant 0 : i32
        %dma_start3A_116 = tpu.memref_slice %arg6[%multiple_of3A_67, %dma_start3A_115] : memref<320000x128xf32, #tpu.memory_space<hbm>> -> memref<80x128xf32, #tpu.memory_space<hbm>>
        %dma_start3A_117 = arith.constant 0 : i32
        %dma_start3A_118 = tpu.memref_slice %arg6[%multiple_of3A_67, %dma_start3A_117] : memref<320000x128xf32, #tpu.memory_space<hbm>> -> memref<80x128xf32, #tpu.memory_space<hbm>>
        tpu.enqueue_dma source(%arg10 : memref<80x128xf32, #tpu.memory_space<vmem>>) target(%dma_start3A_118 : memref<80x128xf32, #tpu.memory_space<hbm>>) target_semaphore(%run_scoped3A : memref<!tpu.dma_semaphore, #tpu.memory_space<semaphore_mem>>)
        %dma_wait3A_119 = arith.constant 0 : i32
        %dma_wait3A_120 = tpu.memref_slice %arg6[%multiple_of3A_67, %dma_wait3A_119] : memref<320000x128xf32, #tpu.memory_space<hbm>> -> memref<80x128xf32, #tpu.memory_space<hbm>>
        %dma_wait3A_121 = arith.constant 0 : i32
        %dma_wait3A_122 = tpu.memref_slice %arg6[%multiple_of3A_67, %dma_wait3A_121] : memref<320000x128xf32, #tpu.memory_space<hbm>> -> memref<80x128xf32, #tpu.memory_space<hbm>>
        tpu.wait_dma2 semaphore(%run_scoped3A : memref<!tpu.dma_semaphore, #tpu.memory_space<semaphore_mem>>) src(%arg10 : memref<80x128xf32, #tpu.memory_space<vmem>>) dst(%dma_wait3A_122 : memref<80x128xf32, #tpu.memory_space<hbm>>)
        tpu.yield
      }) : () -> ()
      %dma_wait3A_68 = arith.constant 0 : i32
      %dma_wait3A_69 = arith.constant 0 : i32
      %dma_wait3A_70 = tpu.memref_slice %arg3[%dma_wait3A_68, %dma_wait3A_69] : memref<10000x128xf32, #tpu.memory_space<hbm>> -> memref<10000x128xf32, #tpu.memory_space<hbm>>
      tpu.wait_indirect_dma semaphore(%arg18 : memref<!tpu.dma_semaphore, #tpu.memory_space<semaphore_mem>>) src(%dma_wait3A_70 : memref<10000x128xf32, #tpu.memory_space<hbm>>) dst(%arg16 : memref<80x128xf32, #tpu.memory_space<vmem>>)
      %mul3A_71 = arith.constant 10000 : i32
      %mul3A_72 = arith.muli %add3A, %mul3A_71 : i32
      %mul3A_73 = arith.constant 80 : i32
      %mul3A_74 = arith.muli %sub3A_58, %mul3A_73 : i32
      %add3A_75 = arith.addi %mul3A_72, %mul3A_74 : i32
      %multiple_of3A_76 = tpu.assume_multiple %add3A_75, 80 : i32
      "tpu.region"() ({
        %run_scoped3A = tpu.sem_alloc : memref<!tpu.dma_semaphore, #tpu.memory_space<semaphore_mem>>
        %dma_start3A_115 = arith.constant 0 : i32
        %dma_start3A_116 = tpu.memref_slice %arg7[%multiple_of3A_76, %dma_start3A_115] : memref<320000x128xf32, #tpu.memory_space<hbm>> -> memref<80x128xf32, #tpu.memory_space<hbm>>
        %dma_start3A_117 = arith.constant 0 : i32
        %dma_start3A_118 = tpu.memref_slice %arg7[%multiple_of3A_76, %dma_start3A_117] : memref<320000x128xf32, #tpu.memory_space<hbm>> -> memref<80x128xf32, #tpu.memory_space<hbm>>
        tpu.enqueue_dma source(%arg16 : memref<80x128xf32, #tpu.memory_space<vmem>>) target(%dma_start3A_118 : memref<80x128xf32, #tpu.memory_space<hbm>>) target_semaphore(%run_scoped3A : memref<!tpu.dma_semaphore, #tpu.memory_space<semaphore_mem>>)
        %dma_wait3A_119 = arith.constant 0 : i32
        %dma_wait3A_120 = tpu.memref_slice %arg7[%multiple_of3A_76, %dma_wait3A_119] : memref<320000x128xf32, #tpu.memory_space<hbm>> -> memref<80x128xf32, #tpu.memory_space<hbm>>
        %dma_wait3A_121 = arith.constant 0 : i32
        %dma_wait3A_122 = tpu.memref_slice %arg7[%multiple_of3A_76, %dma_wait3A_121] : memref<320000x128xf32, #tpu.memory_space<hbm>> -> memref<80x128xf32, #tpu.memory_space<hbm>>
        tpu.wait_dma2 semaphore(%run_scoped3A : memref<!tpu.dma_semaphore, #tpu.memory_space<semaphore_mem>>) src(%arg16 : memref<80x128xf32, #tpu.memory_space<vmem>>) dst(%dma_wait3A_122 : memref<80x128xf32, #tpu.memory_space<hbm>>)
        tpu.yield
      }) : () -> ()
      %add3A_77 = arith.constant 1 : i32
      %add3A_78 = arith.addi %add3A_39, %add3A_77 : i32
      %mul3A_79 = arith.constant 10000 : i32
      %mul3A_80 = arith.muli %add3A, %mul3A_79 : i32
      %mul3A_81 = arith.constant 80 : i32
      %mul3A_82 = arith.muli %add3A_78, %mul3A_81 : i32
      %add3A_83 = arith.addi %mul3A_80, %mul3A_82 : i32
      %multiple_of3A_84 = tpu.assume_multiple %add3A_83, 80 : i32
      "tpu.region"() ({
        %run_scoped3A = tpu.sem_alloc : memref<!tpu.dma_semaphore, #tpu.memory_space<semaphore_mem>>
        %dma_start3A_115 = tpu.memref_slice %arg4[%multiple_of3A_84] : memref<320000xi32, #tpu.memory_space<hbm>> -> memref<80xi32, #tpu.memory_space<hbm>>
        %dma_start3A_116 = tpu.memref_slice %arg4[%multiple_of3A_84] : memref<320000xi32, #tpu.memory_space<hbm>> -> memref<80xi32, #tpu.memory_space<hbm>>
        tpu.enqueue_dma source(%dma_start3A_116 : memref<80xi32, #tpu.memory_space<hbm>>) target(%arg8 : memref<80xi32, #tpu.memory_space<vmem>>) target_semaphore(%run_scoped3A : memref<!tpu.dma_semaphore, #tpu.memory_space<semaphore_mem>>)
        %dma_wait3A_117 = tpu.memref_slice %arg4[%multiple_of3A_84] : memref<320000xi32, #tpu.memory_space<hbm>> -> memref<80xi32, #tpu.memory_space<hbm>>
        %dma_wait3A_118 = tpu.memref_slice %arg4[%multiple_of3A_84] : memref<320000xi32, #tpu.memory_space<hbm>> -> memref<80xi32, #tpu.memory_space<hbm>>
        tpu.wait_dma2 semaphore(%run_scoped3A : memref<!tpu.dma_semaphore, #tpu.memory_space<semaphore_mem>>) src(%dma_wait3A_118 : memref<80xi32, #tpu.memory_space<hbm>>) dst(%arg8 : memref<80xi32, #tpu.memory_space<vmem>>)
        tpu.yield
      }) : () -> ()
      %dma_start3A_85 = arith.constant 0 : i32
      %dma_start3A_86 = arith.constant 0 : i32
      %dma_start3A_87 = tpu.memref_slice %arg2[%dma_start3A_85, %dma_start3A_86] : memref<10000x128xf32, #tpu.memory_space<hbm>> -> memref<10000x128xf32, #tpu.memory_space<hbm>>
      tpu.enqueue_indirect_dma source(%dma_start3A_87 : memref<10000x128xf32, #tpu.memory_space<hbm>>) target(%arg10 : memref<80x128xf32, #tpu.memory_space<vmem>>) offsets(%arg8 : memref<80xi32, #tpu.memory_space<vmem>>) semaphore(%arg12 : memref<!tpu.dma_semaphore, #tpu.memory_space<semaphore_mem>>)
      %mul3A_88 = arith.constant 10000 : i32
      %mul3A_89 = arith.muli %add3A, %mul3A_88 : i32
      %mul3A_90 = arith.constant 80 : i32
      %mul3A_91 = arith.muli %add3A_78, %mul3A_90 : i32
      %add3A_92 = arith.addi %mul3A_89, %mul3A_91 : i32
      %multiple_of3A_93 = tpu.assume_multiple %add3A_92, 80 : i32
      "tpu.region"() ({
        %run_scoped3A = tpu.sem_alloc : memref<!tpu.dma_semaphore, #tpu.memory_space<semaphore_mem>>
        %dma_start3A_115 = tpu.memref_slice %arg5[%multiple_of3A_93] : memref<320000xi32, #tpu.memory_space<hbm>> -> memref<80xi32, #tpu.memory_space<hbm>>
        %dma_start3A_116 = tpu.memref_slice %arg5[%multiple_of3A_93] : memref<320000xi32, #tpu.memory_space<hbm>> -> memref<80xi32, #tpu.memory_space<hbm>>
        tpu.enqueue_dma source(%dma_start3A_116 : memref<80xi32, #tpu.memory_space<hbm>>) target(%arg14 : memref<80xi32, #tpu.memory_space<vmem>>) target_semaphore(%run_scoped3A : memref<!tpu.dma_semaphore, #tpu.memory_space<semaphore_mem>>)
        %dma_wait3A_117 = tpu.memref_slice %arg5[%multiple_of3A_93] : memref<320000xi32, #tpu.memory_space<hbm>> -> memref<80xi32, #tpu.memory_space<hbm>>
        %dma_wait3A_118 = tpu.memref_slice %arg5[%multiple_of3A_93] : memref<320000xi32, #tpu.memory_space<hbm>> -> memref<80xi32, #tpu.memory_space<hbm>>
        tpu.wait_dma2 semaphore(%run_scoped3A : memref<!tpu.dma_semaphore, #tpu.memory_space<semaphore_mem>>) src(%dma_wait3A_118 : memref<80xi32, #tpu.memory_space<hbm>>) dst(%arg14 : memref<80xi32, #tpu.memory_space<vmem>>)
        tpu.yield
      }) : () -> ()
      %dma_start3A_94 = arith.constant 0 : i32
      %dma_start3A_95 = arith.constant 0 : i32
      %dma_start3A_96 = tpu.memref_slice %arg3[%dma_start3A_94, %dma_start3A_95] : memref<10000x128xf32, #tpu.memory_space<hbm>> -> memref<10000x128xf32, #tpu.memory_space<hbm>>
      tpu.enqueue_indirect_dma source(%dma_start3A_96 : memref<10000x128xf32, #tpu.memory_space<hbm>>) target(%arg16 : memref<80x128xf32, #tpu.memory_space<vmem>>) offsets(%arg14 : memref<80xi32, #tpu.memory_space<vmem>>) semaphore(%arg18 : memref<!tpu.dma_semaphore, #tpu.memory_space<semaphore_mem>>)
      %dma_wait3A_97 = arith.constant 0 : i32
      %dma_wait3A_98 = arith.constant 0 : i32
      %dma_wait3A_99 = tpu.memref_slice %arg2[%dma_wait3A_97, %dma_wait3A_98] : memref<10000x128xf32, #tpu.memory_space<hbm>> -> memref<10000x128xf32, #tpu.memory_space<hbm>>
      tpu.wait_indirect_dma semaphore(%arg13 : memref<!tpu.dma_semaphore, #tpu.memory_space<semaphore_mem>>) src(%dma_wait3A_99 : memref<10000x128xf32, #tpu.memory_space<hbm>>) dst(%arg11 : memref<80x128xf32, #tpu.memory_space<vmem>>)
      %mul3A_100 = arith.constant 10000 : i32
      %mul3A_101 = arith.muli %add3A, %mul3A_100 : i32
      %mul3A_102 = arith.constant 80 : i32
      %mul3A_103 = arith.muli %add3A_39, %mul3A_102 : i32
      %add3A_104 = arith.addi %mul3A_101, %mul3A_103 : i32
      %multiple_of3A_105 = tpu.assume_multiple %add3A_104, 80 : i32
      "tpu.region"() ({
        %run_scoped3A = tpu.sem_alloc : memref<!tpu.dma_semaphore, #tpu.memory_space<semaphore_mem>>
        %dma_start3A_115 = arith.constant 0 : i32
        %dma_start3A_116 = tpu.memref_slice %arg6[%multiple_of3A_105, %dma_start3A_115] : memref<320000x128xf32, #tpu.memory_space<hbm>> -> memref<80x128xf32, #tpu.memory_space<hbm>>
        %dma_start3A_117 = arith.constant 0 : i32
        %dma_start3A_118 = tpu.memref_slice %arg6[%multiple_of3A_105, %dma_start3A_117] : memref<320000x128xf32, #tpu.memory_space<hbm>> -> memref<80x128xf32, #tpu.memory_space<hbm>>
        tpu.enqueue_dma source(%arg11 : memref<80x128xf32, #tpu.memory_space<vmem>>) target(%dma_start3A_118 : memref<80x128xf32, #tpu.memory_space<hbm>>) target_semaphore(%run_scoped3A : memref<!tpu.dma_semaphore, #tpu.memory_space<semaphore_mem>>)
        %dma_wait3A_119 = arith.constant 0 : i32
        %dma_wait3A_120 = tpu.memref_slice %arg6[%multiple_of3A_105, %dma_wait3A_119] : memref<320000x128xf32, #tpu.memory_space<hbm>> -> memref<80x128xf32, #tpu.memory_space<hbm>>
        %dma_wait3A_121 = arith.constant 0 : i32
        %dma_wait3A_122 = tpu.memref_slice %arg6[%multiple_of3A_105, %dma_wait3A_121] : memref<320000x128xf32, #tpu.memory_space<hbm>> -> memref<80x128xf32, #tpu.memory_space<hbm>>
        tpu.wait_dma2 semaphore(%run_scoped3A : memref<!tpu.dma_semaphore, #tpu.memory_space<semaphore_mem>>) src(%arg11 : memref<80x128xf32, #tpu.memory_space<vmem>>) dst(%dma_wait3A_122 : memref<80x128xf32, #tpu.memory_space<hbm>>)
        tpu.yield
      }) : () -> ()
      %dma_wait3A_106 = arith.constant 0 : i32
      %dma_wait3A_107 = arith.constant 0 : i32
      %dma_wait3A_108 = tpu.memref_slice %arg3[%dma_wait3A_106, %dma_wait3A_107] : memref<10000x128xf32, #tpu.memory_space<hbm>> -> memref<10000x128xf32, #tpu.memory_space<hbm>>
      tpu.wait_indirect_dma semaphore(%arg19 : memref<!tpu.dma_semaphore, #tpu.memory_space<semaphore_mem>>) src(%dma_wait3A_108 : memref<10000x128xf32, #tpu.memory_space<hbm>>) dst(%arg17 : memref<80x128xf32, #tpu.memory_space<vmem>>)
      %mul3A_109 = arith.constant 10000 : i32
      %mul3A_110 = arith.muli %add3A, %mul3A_109 : i32
      %mul3A_111 = arith.constant 80 : i32
      %mul3A_112 = arith.muli %add3A_39, %mul3A_111 : i32
      %add3A_113 = arith.addi %mul3A_110, %mul3A_112 : i32
      %multiple_of3A_114 = tpu.assume_multiple %add3A_113, 80 : i32
      "tpu.region"() ({
        %run_scoped3A = tpu.sem_alloc : memref<!tpu.dma_semaphore, #tpu.memory_space<semaphore_mem>>
        %dma_start3A_115 = arith.constant 0 : i32
        %dma_start3A_116 = tpu.memref_slice %arg7[%multiple_of3A_114, %dma_start3A_115] : memref<320000x128xf32, #tpu.memory_space<hbm>> -> memref<80x128xf32, #tpu.memory_space<hbm>>
        %dma_start3A_117 = arith.constant 0 : i32
        %dma_start3A_118 = tpu.memref_slice %arg7[%multiple_of3A_114, %dma_start3A_117] : memref<320000x128xf32, #tpu.memory_space<hbm>> -> memref<80x128xf32, #tpu.memory_space<hbm>>
        tpu.enqueue_dma source(%arg17 : memref<80x128xf32, #tpu.memory_space<vmem>>) target(%dma_start3A_118 : memref<80x128xf32, #tpu.memory_space<hbm>>) target_semaphore(%run_scoped3A : memref<!tpu.dma_semaphore, #tpu.memory_space<semaphore_mem>>)
        %dma_wait3A_119 = arith.constant 0 : i32
        %dma_wait3A_120 = tpu.memref_slice %arg7[%multiple_of3A_114, %dma_wait3A_119] : memref<320000x128xf32, #tpu.memory_space<hbm>> -> memref<80x128xf32, #tpu.memory_space<hbm>>
        %dma_wait3A_121 = arith.constant 0 : i32
        %dma_wait3A_122 = tpu.memref_slice %arg7[%multiple_of3A_114, %dma_wait3A_121] : memref<320000x128xf32, #tpu.memory_space<hbm>> -> memref<80x128xf32, #tpu.memory_space<hbm>>
        tpu.wait_dma2 semaphore(%run_scoped3A : memref<!tpu.dma_semaphore, #tpu.memory_space<semaphore_mem>>) src(%arg17 : memref<80x128xf32, #tpu.memory_space<vmem>>) dst(%dma_wait3A_122 : memref<80x128xf32, #tpu.memory_space<hbm>>)
        tpu.yield
      }) : () -> ()
    }
    %scan3A_19 = arith.constant 62 : i32
    %dma_wait3A = arith.constant 0 : i32
    %dma_wait3A_20 = arith.constant 0 : i32
    %dma_wait3A_21 = tpu.memref_slice %arg2[%dma_wait3A, %dma_wait3A_20] : memref<10000x128xf32, #tpu.memory_space<hbm>> -> memref<10000x128xf32, #tpu.memory_space<hbm>>
    tpu.wait_indirect_dma semaphore(%arg12 : memref<!tpu.dma_semaphore, #tpu.memory_space<semaphore_mem>>) src(%dma_wait3A_21 : memref<10000x128xf32, #tpu.memory_space<hbm>>) dst(%arg10 : memref<80x128xf32, #tpu.memory_space<vmem>>)
    %mul3A_22 = arith.constant 10000 : i32
    %mul3A_23 = arith.muli %add3A, %mul3A_22 : i32
    %add3A_24 = arith.constant 9920 : i32
    %add3A_25 = arith.addi %mul3A_23, %add3A_24 : i32
    %multiple_of3A_26 = tpu.assume_multiple %add3A_25, 80 : i32
    "tpu.region"() ({
      %run_scoped3A = tpu.sem_alloc : memref<!tpu.dma_semaphore, #tpu.memory_space<semaphore_mem>>
      %dma_start3A_35 = arith.constant 0 : i32
      %dma_start3A_36 = tpu.memref_slice %arg6[%multiple_of3A_26, %dma_start3A_35] : memref<320000x128xf32, #tpu.memory_space<hbm>> -> memref<80x128xf32, #tpu.memory_space<hbm>>
      %dma_start3A_37 = arith.constant 0 : i32
      %dma_start3A_38 = tpu.memref_slice %arg6[%multiple_of3A_26, %dma_start3A_37] : memref<320000x128xf32, #tpu.memory_space<hbm>> -> memref<80x128xf32, #tpu.memory_space<hbm>>
      tpu.enqueue_dma source(%arg10 : memref<80x128xf32, #tpu.memory_space<vmem>>) target(%dma_start3A_38 : memref<80x128xf32, #tpu.memory_space<hbm>>) target_semaphore(%run_scoped3A : memref<!tpu.dma_semaphore, #tpu.memory_space<semaphore_mem>>)
      %dma_wait3A_39 = arith.constant 0 : i32
      %dma_wait3A_40 = tpu.memref_slice %arg6[%multiple_of3A_26, %dma_wait3A_39] : memref<320000x128xf32, #tpu.memory_space<hbm>> -> memref<80x128xf32, #tpu.memory_space<hbm>>
      %dma_wait3A_41 = arith.constant 0 : i32
      %dma_wait3A_42 = tpu.memref_slice %arg6[%multiple_of3A_26, %dma_wait3A_41] : memref<320000x128xf32, #tpu.memory_space<hbm>> -> memref<80x128xf32, #tpu.memory_space<hbm>>
      tpu.wait_dma2 semaphore(%run_scoped3A : memref<!tpu.dma_semaphore, #tpu.memory_space<semaphore_mem>>) src(%arg10 : memref<80x128xf32, #tpu.memory_space<vmem>>) dst(%dma_wait3A_42 : memref<80x128xf32, #tpu.memory_space<hbm>>)
      tpu.yield
    }) : () -> ()
    %dma_wait3A_27 = arith.constant 0 : i32
    %dma_wait3A_28 = arith.constant 0 : i32
    %dma_wait3A_29 = tpu.memref_slice %arg3[%dma_wait3A_27, %dma_wait3A_28] : memref<10000x128xf32, #tpu.memory_space<hbm>> -> memref<10000x128xf32, #tpu.memory_space<hbm>>
    tpu.wait_indirect_dma semaphore(%arg18 : memref<!tpu.dma_semaphore, #tpu.memory_space<semaphore_mem>>) src(%dma_wait3A_29 : memref<10000x128xf32, #tpu.memory_space<hbm>>) dst(%arg16 : memref<80x128xf32, #tpu.memory_space<vmem>>)
    %mul3A_30 = arith.constant 10000 : i32
    %mul3A_31 = arith.muli %add3A, %mul3A_30 : i32
    %add3A_32 = arith.constant 9920 : i32
    %add3A_33 = arith.addi %mul3A_31, %add3A_32 : i32
    %multiple_of3A_34 = tpu.assume_multiple %add3A_33, 80 : i32
    "tpu.region"() ({
      %run_scoped3A = tpu.sem_alloc : memref<!tpu.dma_semaphore, #tpu.memory_space<semaphore_mem>>
      %dma_start3A_35 = arith.constant 0 : i32
      %dma_start3A_36 = tpu.memref_slice %arg7[%multiple_of3A_34, %dma_start3A_35] : memref<320000x128xf32, #tpu.memory_space<hbm>> -> memref<80x128xf32, #tpu.memory_space<hbm>>
      %dma_start3A_37 = arith.constant 0 : i32
      %dma_start3A_38 = tpu.memref_slice %arg7[%multiple_of3A_34, %dma_start3A_37] : memref<320000x128xf32, #tpu.memory_space<hbm>> -> memref<80x128xf32, #tpu.memory_space<hbm>>
      tpu.enqueue_dma source(%arg16 : memref<80x128xf32, #tpu.memory_space<vmem>>) target(%dma_start3A_38 : memref<80x128xf32, #tpu.memory_space<hbm>>) target_semaphore(%run_scoped3A : memref<!tpu.dma_semaphore, #tpu.memory_space<semaphore_mem>>)
      %dma_wait3A_39 = arith.constant 0 : i32
      %dma_wait3A_40 = tpu.memref_slice %arg7[%multiple_of3A_34, %dma_wait3A_39] : memref<320000x128xf32, #tpu.memory_space<hbm>> -> memref<80x128xf32, #tpu.memory_space<hbm>>
      %dma_wait3A_41 = arith.constant 0 : i32
      %dma_wait3A_42 = tpu.memref_slice %arg7[%multiple_of3A_34, %dma_wait3A_41] : memref<320000x128xf32, #tpu.memory_space<hbm>> -> memref<80x128xf32, #tpu.memory_space<hbm>>
      tpu.wait_dma2 semaphore(%run_scoped3A : memref<!tpu.dma_semaphore, #tpu.memory_space<semaphore_mem>>) src(%arg16 : memref<80x128xf32, #tpu.memory_space<vmem>>) dst(%dma_wait3A_42 : memref<80x128xf32, #tpu.memory_space<hbm>>)
      tpu.yield
    }) : () -> ()
    return
  }
}

#map = affine_map<(d0, d1) -> (0, 0)>
#map1 = affine_map<(d0, d1) -> (0)>
module attributes {stable_mosaic.version = 14 : i64} {
  func.func @body(%arg0: i32, %arg1: i32, %arg2: memref<10000x256xf32, #tpu.memory_space<hbm>>, %arg3: memref<10000x128xf32, #tpu.memory_space<hbm>>, %arg4: memref<320000xi32, #tpu.memory_space<hbm>>, %arg5: memref<320000xi32, #tpu.memory_space<hbm>>, %arg6: memref<320000x256xf32, #tpu.memory_space<hbm>>, %arg7: memref<320000x128xf32, #tpu.memory_space<hbm>>, %arg8: memref<80xi32, #tpu.memory_space<vmem>>, %arg9: memref<80xi32, #tpu.memory_space<vmem>>, %arg10: memref<80x256xf32, #tpu.memory_space<vmem>>, %arg11: memref<80x256xf32, #tpu.memory_space<vmem>>, %arg12: memref<!tpu.dma_semaphore, #tpu.memory_space<semaphore_mem>>, %arg13: memref<!tpu.dma_semaphore, #tpu.memory_space<semaphore_mem>>, %arg14: memref<80xi32, #tpu.memory_space<vmem>>, %arg15: memref<80xi32, #tpu.memory_space<vmem>>, %arg16: memref<80x128xf32, #tpu.memory_space<vmem>>, %arg17: memref<80x128xf32, #tpu.memory_space<vmem>>, %arg18: memref<!tpu.dma_semaphore, #tpu.memory_space<semaphore_mem>>, %arg19: memref<!tpu.dma_semaphore, #tpu.memory_space<semaphore_mem>>) attributes {dimension_semantics = [#tpu.dimension_semantics<core_parallel>, #tpu.dimension_semantics<subcore_parallel>], iteration_bounds = array<i64: 2, 16>, scalar_prefetch = 0 : i64, scratch_operands = 12 : i64, tpu.core_type = #tpu.core_type<sc_vector_subcore>, window_params = [{transform_indices = #map}, {transform_indices = #map}, {transform_indices = #map1}, {transform_indices = #map1}, {transform_indices = #map}, {transform_indices = #map}]} {
    %mul3A = arith.constant 2 : i32
    %mul3A_0 = arith.muli %arg1, %mul3A : i32
    %add3A = arith.addi %mul3A_0, %arg0 : i32
    %mul3A_1 = arith.constant 10000 : i32
    %mul3A_2 = arith.muli %add3A, %mul3A_1 : i32
    %add3A_3 = arith.constant 0 : i32
    %add3A_4 = arith.addi %mul3A_2, %add3A_3 : i32
    %multiple_of3A = tpu.assume_multiple %add3A_4, 80 : i32
    "tpu.region"() ({
      %run_scoped3A = tpu.sem_alloc : memref<!tpu.dma_semaphore, #tpu.memory_space<semaphore_mem>>
      %dma_start3A_35 = tpu.memref_slice %arg4[%multiple_of3A] : memref<320000xi32, #tpu.memory_space<hbm>> -> memref<80xi32, #tpu.memory_space<hbm>>
      %dma_start3A_36 = tpu.memref_slice %arg4[%multiple_of3A] : memref<320000xi32, #tpu.memory_space<hbm>> -> memref<80xi32, #tpu.memory_space<hbm>>
      tpu.enqueue_dma source(%dma_start3A_36 : memref<80xi32, #tpu.memory_space<hbm>>) target(%arg8 : memref<80xi32, #tpu.memory_space<vmem>>) target_semaphore(%run_scoped3A : memref<!tpu.dma_semaphore, #tpu.memory_space<semaphore_mem>>)
      %dma_wait3A_37 = tpu.memref_slice %arg4[%multiple_of3A] : memref<320000xi32, #tpu.memory_space<hbm>> -> memref<80xi32, #tpu.memory_space<hbm>>
      %dma_wait3A_38 = tpu.memref_slice %arg4[%multiple_of3A] : memref<320000xi32, #tpu.memory_space<hbm>> -> memref<80xi32, #tpu.memory_space<hbm>>
      tpu.wait_dma2 semaphore(%run_scoped3A : memref<!tpu.dma_semaphore, #tpu.memory_space<semaphore_mem>>) src(%dma_wait3A_38 : memref<80xi32, #tpu.memory_space<hbm>>) dst(%arg8 : memref<80xi32, #tpu.memory_space<vmem>>)
      tpu.yield
    }) : () -> ()
    %dma_start3A = arith.constant 0 : i32
    %dma_start3A_5 = arith.constant 0 : i32
    %dma_start3A_6 = tpu.memref_slice %arg2[%dma_start3A, %dma_start3A_5] : memref<10000x256xf32, #tpu.memory_space<hbm>> -> memref<10000x256xf32, #tpu.memory_space<hbm>>
    tpu.enqueue_indirect_dma source(%dma_start3A_6 : memref<10000x256xf32, #tpu.memory_space<hbm>>) target(%arg10 : memref<80x256xf32, #tpu.memory_space<vmem>>) offsets(%arg8 : memref<80xi32, #tpu.memory_space<vmem>>) semaphore(%arg12 : memref<!tpu.dma_semaphore, #tpu.memory_space<semaphore_mem>>)
    %mul3A_7 = arith.constant 10000 : i32
    %mul3A_8 = arith.muli %add3A, %mul3A_7 : i32
    %add3A_9 = arith.constant 0 : i32
    %add3A_10 = arith.addi %mul3A_8, %add3A_9 : i32
    %multiple_of3A_11 = tpu.assume_multiple %add3A_10, 80 : i32
    "tpu.region"() ({
      %run_scoped3A = tpu.sem_alloc : memref<!tpu.dma_semaphore, #tpu.memory_space<semaphore_mem>>
      %dma_start3A_35 = tpu.memref_slice %arg5[%multiple_of3A_11] : memref<320000xi32, #tpu.memory_space<hbm>> -> memref<80xi32, #tpu.memory_space<hbm>>
      %dma_start3A_36 = tpu.memref_slice %arg5[%multiple_of3A_11] : memref<320000xi32, #tpu.memory_space<hbm>> -> memref<80xi32, #tpu.memory_space<hbm>>
      tpu.enqueue_dma source(%dma_start3A_36 : memref<80xi32, #tpu.memory_space<hbm>>) target(%arg14 : memref<80xi32, #tpu.memory_space<vmem>>) target_semaphore(%run_scoped3A : memref<!tpu.dma_semaphore, #tpu.memory_space<semaphore_mem>>)
      %dma_wait3A_37 = tpu.memref_slice %arg5[%multiple_of3A_11] : memref<320000xi32, #tpu.memory_space<hbm>> -> memref<80xi32, #tpu.memory_space<hbm>>
      %dma_wait3A_38 = tpu.memref_slice %arg5[%multiple_of3A_11] : memref<320000xi32, #tpu.memory_space<hbm>> -> memref<80xi32, #tpu.memory_space<hbm>>
      tpu.wait_dma2 semaphore(%run_scoped3A : memref<!tpu.dma_semaphore, #tpu.memory_space<semaphore_mem>>) src(%dma_wait3A_38 : memref<80xi32, #tpu.memory_space<hbm>>) dst(%arg14 : memref<80xi32, #tpu.memory_space<vmem>>)
      tpu.yield
    }) : () -> ()
    %dma_start3A_12 = arith.constant 0 : i32
    %dma_start3A_13 = arith.constant 0 : i32
    %dma_start3A_14 = tpu.memref_slice %arg3[%dma_start3A_12, %dma_start3A_13] : memref<10000x128xf32, #tpu.memory_space<hbm>> -> memref<10000x128xf32, #tpu.memory_space<hbm>>
    tpu.enqueue_indirect_dma source(%dma_start3A_14 : memref<10000x128xf32, #tpu.memory_space<hbm>>) target(%arg16 : memref<80x128xf32, #tpu.memory_space<vmem>>) offsets(%arg14 : memref<80xi32, #tpu.memory_space<vmem>>) semaphore(%arg18 : memref<!tpu.dma_semaphore, #tpu.memory_space<semaphore_mem>>)
    %scan3A = arith.constant 0 : i32
    %scan3A_15 = arith.constant 0 : i32
    %scan3A_16 = arith.constant 62 : i32
    %scan3A_17 = arith.addi %scan3A_15, %scan3A_16 : i32
    %scan3A_18 = arith.constant 1 : i32
    scf.for %scan3A_35 = %scan3A_15 to %scan3A_17 step %scan3A_18  : i32 {
      %mul3A_36 = arith.constant 2 : i32
      %mul3A_37 = arith.muli %mul3A_36, %scan3A_35 : i32
      %add3A_38 = arith.constant 1 : i32
      %add3A_39 = arith.addi %mul3A_37, %add3A_38 : i32
      %mul3A_40 = arith.constant 10000 : i32
      %mul3A_41 = arith.muli %add3A, %mul3A_40 : i32
      %mul3A_42 = arith.constant 80 : i32
      %mul3A_43 = arith.muli %add3A_39, %mul3A_42 : i32
      %add3A_44 = arith.addi %mul3A_41, %mul3A_43 : i32
      %multiple_of3A_45 = tpu.assume_multiple %add3A_44, 80 : i32
      "tpu.region"() ({
        %run_scoped3A = tpu.sem_alloc : memref<!tpu.dma_semaphore, #tpu.memory_space<semaphore_mem>>
        %dma_start3A_115 = tpu.memref_slice %arg4[%multiple_of3A_45] : memref<320000xi32, #tpu.memory_space<hbm>> -> memref<80xi32, #tpu.memory_space<hbm>>
        %dma_start3A_116 = tpu.memref_slice %arg4[%multiple_of3A_45] : memref<320000xi32, #tpu.memory_space<hbm>> -> memref<80xi32, #tpu.memory_space<hbm>>
        tpu.enqueue_dma source(%dma_start3A_116 : memref<80xi32, #tpu.memory_space<hbm>>) target(%arg9 : memref<80xi32, #tpu.memory_space<vmem>>) target_semaphore(%run_scoped3A : memref<!tpu.dma_semaphore, #tpu.memory_space<semaphore_mem>>)
        %dma_wait3A_117 = tpu.memref_slice %arg4[%multiple_of3A_45] : memref<320000xi32, #tpu.memory_space<hbm>> -> memref<80xi32, #tpu.memory_space<hbm>>
        %dma_wait3A_118 = tpu.memref_slice %arg4[%multiple_of3A_45] : memref<320000xi32, #tpu.memory_space<hbm>> -> memref<80xi32, #tpu.memory_space<hbm>>
        tpu.wait_dma2 semaphore(%run_scoped3A : memref<!tpu.dma_semaphore, #tpu.memory_space<semaphore_mem>>) src(%dma_wait3A_118 : memref<80xi32, #tpu.memory_space<hbm>>) dst(%arg9 : memref<80xi32, #tpu.memory_space<vmem>>)
        tpu.yield
      }) : () -> ()
      %dma_start3A_46 = arith.constant 0 : i32
      %dma_start3A_47 = arith.constant 0 : i32
      %dma_start3A_48 = tpu.memref_slice %arg2[%dma_start3A_46, %dma_start3A_47] : memref<10000x256xf32, #tpu.memory_space<hbm>> -> memref<10000x256xf32, #tpu.memory_space<hbm>>
      tpu.enqueue_indirect_dma source(%dma_start3A_48 : memref<10000x256xf32, #tpu.memory_space<hbm>>) target(%arg11 : memref<80x256xf32, #tpu.memory_space<vmem>>) offsets(%arg9 : memref<80xi32, #tpu.memory_space<vmem>>) semaphore(%arg13 : memref<!tpu.dma_semaphore, #tpu.memory_space<semaphore_mem>>)
      %mul3A_49 = arith.constant 10000 : i32
      %mul3A_50 = arith.muli %add3A, %mul3A_49 : i32
      %mul3A_51 = arith.constant 80 : i32
      %mul3A_52 = arith.muli %add3A_39, %mul3A_51 : i32
      %add3A_53 = arith.addi %mul3A_50, %mul3A_52 : i32
      %multiple_of3A_54 = tpu.assume_multiple %add3A_53, 80 : i32
      "tpu.region"() ({
        %run_scoped3A = tpu.sem_alloc : memref<!tpu.dma_semaphore, #tpu.memory_space<semaphore_mem>>
        %dma_start3A_115 = tpu.memref_slice %arg5[%multiple_of3A_54] : memref<320000xi32, #tpu.memory_space<hbm>> -> memref<80xi32, #tpu.memory_space<hbm>>
        %dma_start3A_116 = tpu.memref_slice %arg5[%multiple_of3A_54] : memref<320000xi32, #tpu.memory_space<hbm>> -> memref<80xi32, #tpu.memory_space<hbm>>
        tpu.enqueue_dma source(%dma_start3A_116 : memref<80xi32, #tpu.memory_space<hbm>>) target(%arg15 : memref<80xi32, #tpu.memory_space<vmem>>) target_semaphore(%run_scoped3A : memref<!tpu.dma_semaphore, #tpu.memory_space<semaphore_mem>>)
        %dma_wait3A_117 = tpu.memref_slice %arg5[%multiple_of3A_54] : memref<320000xi32, #tpu.memory_space<hbm>> -> memref<80xi32, #tpu.memory_space<hbm>>
        %dma_wait3A_118 = tpu.memref_slice %arg5[%multiple_of3A_54] : memref<320000xi32, #tpu.memory_space<hbm>> -> memref<80xi32, #tpu.memory_space<hbm>>
        tpu.wait_dma2 semaphore(%run_scoped3A : memref<!tpu.dma_semaphore, #tpu.memory_space<semaphore_mem>>) src(%dma_wait3A_118 : memref<80xi32, #tpu.memory_space<hbm>>) dst(%arg15 : memref<80xi32, #tpu.memory_space<vmem>>)
        tpu.yield
      }) : () -> ()
      %dma_start3A_55 = arith.constant 0 : i32
      %dma_start3A_56 = arith.constant 0 : i32
      %dma_start3A_57 = tpu.memref_slice %arg3[%dma_start3A_55, %dma_start3A_56] : memref<10000x128xf32, #tpu.memory_space<hbm>> -> memref<10000x128xf32, #tpu.memory_space<hbm>>
      tpu.enqueue_indirect_dma source(%dma_start3A_57 : memref<10000x128xf32, #tpu.memory_space<hbm>>) target(%arg17 : memref<80x128xf32, #tpu.memory_space<vmem>>) offsets(%arg15 : memref<80xi32, #tpu.memory_space<vmem>>) semaphore(%arg19 : memref<!tpu.dma_semaphore, #tpu.memory_space<semaphore_mem>>)
      %sub3A = arith.constant 1 : i32
      %sub3A_58 = arith.subi %add3A_39, %sub3A : i32
      %dma_wait3A_59 = arith.constant 0 : i32
      %dma_wait3A_60 = arith.constant 0 : i32
      %dma_wait3A_61 = tpu.memref_slice %arg2[%dma_wait3A_59, %dma_wait3A_60] : memref<10000x256xf32, #tpu.memory_space<hbm>> -> memref<10000x256xf32, #tpu.memory_space<hbm>>
      tpu.wait_indirect_dma semaphore(%arg12 : memref<!tpu.dma_semaphore, #tpu.memory_space<semaphore_mem>>) src(%dma_wait3A_61 : memref<10000x256xf32, #tpu.memory_space<hbm>>) dst(%arg10 : memref<80x256xf32, #tpu.memory_space<vmem>>)
      %mul3A_62 = arith.constant 10000 : i32
      %mul3A_63 = arith.muli %add3A, %mul3A_62 : i32
      %mul3A_64 = arith.constant 80 : i32
      %mul3A_65 = arith.muli %sub3A_58, %mul3A_64 : i32
      %add3A_66 = arith.addi %mul3A_63, %mul3A_65 : i32
      %multiple_of3A_67 = tpu.assume_multiple %add3A_66, 80 : i32
      "tpu.region"() ({
        %run_scoped3A = tpu.sem_alloc : memref<!tpu.dma_semaphore, #tpu.memory_space<semaphore_mem>>
        %dma_start3A_115 = arith.constant 0 : i32
        %dma_start3A_116 = tpu.memref_slice %arg6[%multiple_of3A_67, %dma_start3A_115] : memref<320000x256xf32, #tpu.memory_space<hbm>> -> memref<80x256xf32, #tpu.memory_space<hbm>>
        %dma_start3A_117 = arith.constant 0 : i32
        %dma_start3A_118 = tpu.memref_slice %arg6[%multiple_of3A_67, %dma_start3A_117] : memref<320000x256xf32, #tpu.memory_space<hbm>> -> memref<80x256xf32, #tpu.memory_space<hbm>>
        tpu.enqueue_dma source(%arg10 : memref<80x256xf32, #tpu.memory_space<vmem>>) target(%dma_start3A_118 : memref<80x256xf32, #tpu.memory_space<hbm>>) target_semaphore(%run_scoped3A : memref<!tpu.dma_semaphore, #tpu.memory_space<semaphore_mem>>)
        %dma_wait3A_119 = arith.constant 0 : i32
        %dma_wait3A_120 = tpu.memref_slice %arg6[%multiple_of3A_67, %dma_wait3A_119] : memref<320000x256xf32, #tpu.memory_space<hbm>> -> memref<80x256xf32, #tpu.memory_space<hbm>>
        %dma_wait3A_121 = arith.constant 0 : i32
        %dma_wait3A_122 = tpu.memref_slice %arg6[%multiple_of3A_67, %dma_wait3A_121] : memref<320000x256xf32, #tpu.memory_space<hbm>> -> memref<80x256xf32, #tpu.memory_space<hbm>>
        tpu.wait_dma2 semaphore(%run_scoped3A : memref<!tpu.dma_semaphore, #tpu.memory_space<semaphore_mem>>) src(%arg10 : memref<80x256xf32, #tpu.memory_space<vmem>>) dst(%dma_wait3A_122 : memref<80x256xf32, #tpu.memory_space<hbm>>)
        tpu.yield
      }) : () -> ()
      %dma_wait3A_68 = arith.constant 0 : i32
      %dma_wait3A_69 = arith.constant 0 : i32
      %dma_wait3A_70 = tpu.memref_slice %arg3[%dma_wait3A_68, %dma_wait3A_69] : memref<10000x128xf32, #tpu.memory_space<hbm>> -> memref<10000x128xf32, #tpu.memory_space<hbm>>
      tpu.wait_indirect_dma semaphore(%arg18 : memref<!tpu.dma_semaphore, #tpu.memory_space<semaphore_mem>>) src(%dma_wait3A_70 : memref<10000x128xf32, #tpu.memory_space<hbm>>) dst(%arg16 : memref<80x128xf32, #tpu.memory_space<vmem>>)
      %mul3A_71 = arith.constant 10000 : i32
      %mul3A_72 = arith.muli %add3A, %mul3A_71 : i32
      %mul3A_73 = arith.constant 80 : i32
      %mul3A_74 = arith.muli %sub3A_58, %mul3A_73 : i32
      %add3A_75 = arith.addi %mul3A_72, %mul3A_74 : i32
      %multiple_of3A_76 = tpu.assume_multiple %add3A_75, 80 : i32
      "tpu.region"() ({
        %run_scoped3A = tpu.sem_alloc : memref<!tpu.dma_semaphore, #tpu.memory_space<semaphore_mem>>
        %dma_start3A_115 = arith.constant 0 : i32
        %dma_start3A_116 = tpu.memref_slice %arg7[%multiple_of3A_76, %dma_start3A_115] : memref<320000x128xf32, #tpu.memory_space<hbm>> -> memref<80x128xf32, #tpu.memory_space<hbm>>
        %dma_start3A_117 = arith.constant 0 : i32
        %dma_start3A_118 = tpu.memref_slice %arg7[%multiple_of3A_76, %dma_start3A_117] : memref<320000x128xf32, #tpu.memory_space<hbm>> -> memref<80x128xf32, #tpu.memory_space<hbm>>
        tpu.enqueue_dma source(%arg16 : memref<80x128xf32, #tpu.memory_space<vmem>>) target(%dma_start3A_118 : memref<80x128xf32, #tpu.memory_space<hbm>>) target_semaphore(%run_scoped3A : memref<!tpu.dma_semaphore, #tpu.memory_space<semaphore_mem>>)
        %dma_wait3A_119 = arith.constant 0 : i32
        %dma_wait3A_120 = tpu.memref_slice %arg7[%multiple_of3A_76, %dma_wait3A_119] : memref<320000x128xf32, #tpu.memory_space<hbm>> -> memref<80x128xf32, #tpu.memory_space<hbm>>
        %dma_wait3A_121 = arith.constant 0 : i32
        %dma_wait3A_122 = tpu.memref_slice %arg7[%multiple_of3A_76, %dma_wait3A_121] : memref<320000x128xf32, #tpu.memory_space<hbm>> -> memref<80x128xf32, #tpu.memory_space<hbm>>
        tpu.wait_dma2 semaphore(%run_scoped3A : memref<!tpu.dma_semaphore, #tpu.memory_space<semaphore_mem>>) src(%arg16 : memref<80x128xf32, #tpu.memory_space<vmem>>) dst(%dma_wait3A_122 : memref<80x128xf32, #tpu.memory_space<hbm>>)
        tpu.yield
      }) : () -> ()
      %add3A_77 = arith.constant 1 : i32
      %add3A_78 = arith.addi %add3A_39, %add3A_77 : i32
      %mul3A_79 = arith.constant 10000 : i32
      %mul3A_80 = arith.muli %add3A, %mul3A_79 : i32
      %mul3A_81 = arith.constant 80 : i32
      %mul3A_82 = arith.muli %add3A_78, %mul3A_81 : i32
      %add3A_83 = arith.addi %mul3A_80, %mul3A_82 : i32
      %multiple_of3A_84 = tpu.assume_multiple %add3A_83, 80 : i32
      "tpu.region"() ({
        %run_scoped3A = tpu.sem_alloc : memref<!tpu.dma_semaphore, #tpu.memory_space<semaphore_mem>>
        %dma_start3A_115 = tpu.memref_slice %arg4[%multiple_of3A_84] : memref<320000xi32, #tpu.memory_space<hbm>> -> memref<80xi32, #tpu.memory_space<hbm>>
        %dma_start3A_116 = tpu.memref_slice %arg4[%multiple_of3A_84] : memref<320000xi32, #tpu.memory_space<hbm>> -> memref<80xi32, #tpu.memory_space<hbm>>
        tpu.enqueue_dma source(%dma_start3A_116 : memref<80xi32, #tpu.memory_space<hbm>>) target(%arg8 : memref<80xi32, #tpu.memory_space<vmem>>) target_semaphore(%run_scoped3A : memref<!tpu.dma_semaphore, #tpu.memory_space<semaphore_mem>>)
        %dma_wait3A_117 = tpu.memref_slice %arg4[%multiple_of3A_84] : memref<320000xi32, #tpu.memory_space<hbm>> -> memref<80xi32, #tpu.memory_space<hbm>>
        %dma_wait3A_118 = tpu.memref_slice %arg4[%multiple_of3A_84] : memref<320000xi32, #tpu.memory_space<hbm>> -> memref<80xi32, #tpu.memory_space<hbm>>
        tpu.wait_dma2 semaphore(%run_scoped3A : memref<!tpu.dma_semaphore, #tpu.memory_space<semaphore_mem>>) src(%dma_wait3A_118 : memref<80xi32, #tpu.memory_space<hbm>>) dst(%arg8 : memref<80xi32, #tpu.memory_space<vmem>>)
        tpu.yield
      }) : () -> ()
      %dma_start3A_85 = arith.constant 0 : i32
      %dma_start3A_86 = arith.constant 0 : i32
      %dma_start3A_87 = tpu.memref_slice %arg2[%dma_start3A_85, %dma_start3A_86] : memref<10000x256xf32, #tpu.memory_space<hbm>> -> memref<10000x256xf32, #tpu.memory_space<hbm>>
      tpu.enqueue_indirect_dma source(%dma_start3A_87 : memref<10000x256xf32, #tpu.memory_space<hbm>>) target(%arg10 : memref<80x256xf32, #tpu.memory_space<vmem>>) offsets(%arg8 : memref<80xi32, #tpu.memory_space<vmem>>) semaphore(%arg12 : memref<!tpu.dma_semaphore, #tpu.memory_space<semaphore_mem>>)
      %mul3A_88 = arith.constant 10000 : i32
      %mul3A_89 = arith.muli %add3A, %mul3A_88 : i32
      %mul3A_90 = arith.constant 80 : i32
      %mul3A_91 = arith.muli %add3A_78, %mul3A_90 : i32
      %add3A_92 = arith.addi %mul3A_89, %mul3A_91 : i32
      %multiple_of3A_93 = tpu.assume_multiple %add3A_92, 80 : i32
      "tpu.region"() ({
        %run_scoped3A = tpu.sem_alloc : memref<!tpu.dma_semaphore, #tpu.memory_space<semaphore_mem>>
        %dma_start3A_115 = tpu.memref_slice %arg5[%multiple_of3A_93] : memref<320000xi32, #tpu.memory_space<hbm>> -> memref<80xi32, #tpu.memory_space<hbm>>
        %dma_start3A_116 = tpu.memref_slice %arg5[%multiple_of3A_93] : memref<320000xi32, #tpu.memory_space<hbm>> -> memref<80xi32, #tpu.memory_space<hbm>>
        tpu.enqueue_dma source(%dma_start3A_116 : memref<80xi32, #tpu.memory_space<hbm>>) target(%arg14 : memref<80xi32, #tpu.memory_space<vmem>>) target_semaphore(%run_scoped3A : memref<!tpu.dma_semaphore, #tpu.memory_space<semaphore_mem>>)
        %dma_wait3A_117 = tpu.memref_slice %arg5[%multiple_of3A_93] : memref<320000xi32, #tpu.memory_space<hbm>> -> memref<80xi32, #tpu.memory_space<hbm>>
        %dma_wait3A_118 = tpu.memref_slice %arg5[%multiple_of3A_93] : memref<320000xi32, #tpu.memory_space<hbm>> -> memref<80xi32, #tpu.memory_space<hbm>>
        tpu.wait_dma2 semaphore(%run_scoped3A : memref<!tpu.dma_semaphore, #tpu.memory_space<semaphore_mem>>) src(%dma_wait3A_118 : memref<80xi32, #tpu.memory_space<hbm>>) dst(%arg14 : memref<80xi32, #tpu.memory_space<vmem>>)
        tpu.yield
      }) : () -> ()
      %dma_start3A_94 = arith.constant 0 : i32
      %dma_start3A_95 = arith.constant 0 : i32
      %dma_start3A_96 = tpu.memref_slice %arg3[%dma_start3A_94, %dma_start3A_95] : memref<10000x128xf32, #tpu.memory_space<hbm>> -> memref<10000x128xf32, #tpu.memory_space<hbm>>
      tpu.enqueue_indirect_dma source(%dma_start3A_96 : memref<10000x128xf32, #tpu.memory_space<hbm>>) target(%arg16 : memref<80x128xf32, #tpu.memory_space<vmem>>) offsets(%arg14 : memref<80xi32, #tpu.memory_space<vmem>>) semaphore(%arg18 : memref<!tpu.dma_semaphore, #tpu.memory_space<semaphore_mem>>)
      %dma_wait3A_97 = arith.constant 0 : i32
      %dma_wait3A_98 = arith.constant 0 : i32
      %dma_wait3A_99 = tpu.memref_slice %arg2[%dma_wait3A_97, %dma_wait3A_98] : memref<10000x256xf32, #tpu.memory_space<hbm>> -> memref<10000x256xf32, #tpu.memory_space<hbm>>
      tpu.wait_indirect_dma semaphore(%arg13 : memref<!tpu.dma_semaphore, #tpu.memory_space<semaphore_mem>>) src(%dma_wait3A_99 : memref<10000x256xf32, #tpu.memory_space<hbm>>) dst(%arg11 : memref<80x256xf32, #tpu.memory_space<vmem>>)
      %mul3A_100 = arith.constant 10000 : i32
      %mul3A_101 = arith.muli %add3A, %mul3A_100 : i32
      %mul3A_102 = arith.constant 80 : i32
      %mul3A_103 = arith.muli %add3A_39, %mul3A_102 : i32
      %add3A_104 = arith.addi %mul3A_101, %mul3A_103 : i32
      %multiple_of3A_105 = tpu.assume_multiple %add3A_104, 80 : i32
      "tpu.region"() ({
        %run_scoped3A = tpu.sem_alloc : memref<!tpu.dma_semaphore, #tpu.memory_space<semaphore_mem>>
        %dma_start3A_115 = arith.constant 0 : i32
        %dma_start3A_116 = tpu.memref_slice %arg6[%multiple_of3A_105, %dma_start3A_115] : memref<320000x256xf32, #tpu.memory_space<hbm>> -> memref<80x256xf32, #tpu.memory_space<hbm>>
        %dma_start3A_117 = arith.constant 0 : i32
        %dma_start3A_118 = tpu.memref_slice %arg6[%multiple_of3A_105, %dma_start3A_117] : memref<320000x256xf32, #tpu.memory_space<hbm>> -> memref<80x256xf32, #tpu.memory_space<hbm>>
        tpu.enqueue_dma source(%arg11 : memref<80x256xf32, #tpu.memory_space<vmem>>) target(%dma_start3A_118 : memref<80x256xf32, #tpu.memory_space<hbm>>) target_semaphore(%run_scoped3A : memref<!tpu.dma_semaphore, #tpu.memory_space<semaphore_mem>>)
        %dma_wait3A_119 = arith.constant 0 : i32
        %dma_wait3A_120 = tpu.memref_slice %arg6[%multiple_of3A_105, %dma_wait3A_119] : memref<320000x256xf32, #tpu.memory_space<hbm>> -> memref<80x256xf32, #tpu.memory_space<hbm>>
        %dma_wait3A_121 = arith.constant 0 : i32
        %dma_wait3A_122 = tpu.memref_slice %arg6[%multiple_of3A_105, %dma_wait3A_121] : memref<320000x256xf32, #tpu.memory_space<hbm>> -> memref<80x256xf32, #tpu.memory_space<hbm>>
        tpu.wait_dma2 semaphore(%run_scoped3A : memref<!tpu.dma_semaphore, #tpu.memory_space<semaphore_mem>>) src(%arg11 : memref<80x256xf32, #tpu.memory_space<vmem>>) dst(%dma_wait3A_122 : memref<80x256xf32, #tpu.memory_space<hbm>>)
        tpu.yield
      }) : () -> ()
      %dma_wait3A_106 = arith.constant 0 : i32
      %dma_wait3A_107 = arith.constant 0 : i32
      %dma_wait3A_108 = tpu.memref_slice %arg3[%dma_wait3A_106, %dma_wait3A_107] : memref<10000x128xf32, #tpu.memory_space<hbm>> -> memref<10000x128xf32, #tpu.memory_space<hbm>>
      tpu.wait_indirect_dma semaphore(%arg19 : memref<!tpu.dma_semaphore, #tpu.memory_space<semaphore_mem>>) src(%dma_wait3A_108 : memref<10000x128xf32, #tpu.memory_space<hbm>>) dst(%arg17 : memref<80x128xf32, #tpu.memory_space<vmem>>)
      %mul3A_109 = arith.constant 10000 : i32
      %mul3A_110 = arith.muli %add3A, %mul3A_109 : i32
      %mul3A_111 = arith.constant 80 : i32
      %mul3A_112 = arith.muli %add3A_39, %mul3A_111 : i32
      %add3A_113 = arith.addi %mul3A_110, %mul3A_112 : i32
      %multiple_of3A_114 = tpu.assume_multiple %add3A_113, 80 : i32
      "tpu.region"() ({
        %run_scoped3A = tpu.sem_alloc : memref<!tpu.dma_semaphore, #tpu.memory_space<semaphore_mem>>
        %dma_start3A_115 = arith.constant 0 : i32
        %dma_start3A_116 = tpu.memref_slice %arg7[%multiple_of3A_114, %dma_start3A_115] : memref<320000x128xf32, #tpu.memory_space<hbm>> -> memref<80x128xf32, #tpu.memory_space<hbm>>
        %dma_start3A_117 = arith.constant 0 : i32
        %dma_start3A_118 = tpu.memref_slice %arg7[%multiple_of3A_114, %dma_start3A_117] : memref<320000x128xf32, #tpu.memory_space<hbm>> -> memref<80x128xf32, #tpu.memory_space<hbm>>
        tpu.enqueue_dma source(%arg17 : memref<80x128xf32, #tpu.memory_space<vmem>>) target(%dma_start3A_118 : memref<80x128xf32, #tpu.memory_space<hbm>>) target_semaphore(%run_scoped3A : memref<!tpu.dma_semaphore, #tpu.memory_space<semaphore_mem>>)
        %dma_wait3A_119 = arith.constant 0 : i32
        %dma_wait3A_120 = tpu.memref_slice %arg7[%multiple_of3A_114, %dma_wait3A_119] : memref<320000x128xf32, #tpu.memory_space<hbm>> -> memref<80x128xf32, #tpu.memory_space<hbm>>
        %dma_wait3A_121 = arith.constant 0 : i32
        %dma_wait3A_122 = tpu.memref_slice %arg7[%multiple_of3A_114, %dma_wait3A_121] : memref<320000x128xf32, #tpu.memory_space<hbm>> -> memref<80x128xf32, #tpu.memory_space<hbm>>
        tpu.wait_dma2 semaphore(%run_scoped3A : memref<!tpu.dma_semaphore, #tpu.memory_space<semaphore_mem>>) src(%arg17 : memref<80x128xf32, #tpu.memory_space<vmem>>) dst(%dma_wait3A_122 : memref<80x128xf32, #tpu.memory_space<hbm>>)
        tpu.yield
      }) : () -> ()
    }
    %scan3A_19 = arith.constant 62 : i32
    %dma_wait3A = arith.constant 0 : i32
    %dma_wait3A_20 = arith.constant 0 : i32
    %dma_wait3A_21 = tpu.memref_slice %arg2[%dma_wait3A, %dma_wait3A_20] : memref<10000x256xf32, #tpu.memory_space<hbm>> -> memref<10000x256xf32, #tpu.memory_space<hbm>>
    tpu.wait_indirect_dma semaphore(%arg12 : memref<!tpu.dma_semaphore, #tpu.memory_space<semaphore_mem>>) src(%dma_wait3A_21 : memref<10000x256xf32, #tpu.memory_space<hbm>>) dst(%arg10 : memref<80x256xf32, #tpu.memory_space<vmem>>)
    %mul3A_22 = arith.constant 10000 : i32
    %mul3A_23 = arith.muli %add3A, %mul3A_22 : i32
    %add3A_24 = arith.constant 9920 : i32
    %add3A_25 = arith.addi %mul3A_23, %add3A_24 : i32
    %multiple_of3A_26 = tpu.assume_multiple %add3A_25, 80 : i32
    "tpu.region"() ({
      %run_scoped3A = tpu.sem_alloc : memref<!tpu.dma_semaphore, #tpu.memory_space<semaphore_mem>>
      %dma_start3A_35 = arith.constant 0 : i32
      %dma_start3A_36 = tpu.memref_slice %arg6[%multiple_of3A_26, %dma_start3A_35] : memref<320000x256xf32, #tpu.memory_space<hbm>> -> memref<80x256xf32, #tpu.memory_space<hbm>>
      %dma_start3A_37 = arith.constant 0 : i32
      %dma_start3A_38 = tpu.memref_slice %arg6[%multiple_of3A_26, %dma_start3A_37] : memref<320000x256xf32, #tpu.memory_space<hbm>> -> memref<80x256xf32, #tpu.memory_space<hbm>>
      tpu.enqueue_dma source(%arg10 : memref<80x256xf32, #tpu.memory_space<vmem>>) target(%dma_start3A_38 : memref<80x256xf32, #tpu.memory_space<hbm>>) target_semaphore(%run_scoped3A : memref<!tpu.dma_semaphore, #tpu.memory_space<semaphore_mem>>)
      %dma_wait3A_39 = arith.constant 0 : i32
      %dma_wait3A_40 = tpu.memref_slice %arg6[%multiple_of3A_26, %dma_wait3A_39] : memref<320000x256xf32, #tpu.memory_space<hbm>> -> memref<80x256xf32, #tpu.memory_space<hbm>>
      %dma_wait3A_41 = arith.constant 0 : i32
      %dma_wait3A_42 = tpu.memref_slice %arg6[%multiple_of3A_26, %dma_wait3A_41] : memref<320000x256xf32, #tpu.memory_space<hbm>> -> memref<80x256xf32, #tpu.memory_space<hbm>>
      tpu.wait_dma2 semaphore(%run_scoped3A : memref<!tpu.dma_semaphore, #tpu.memory_space<semaphore_mem>>) src(%arg10 : memref<80x256xf32, #tpu.memory_space<vmem>>) dst(%dma_wait3A_42 : memref<80x256xf32, #tpu.memory_space<hbm>>)
      tpu.yield
    }) : () -> ()
    %dma_wait3A_27 = arith.constant 0 : i32
    %dma_wait3A_28 = arith.constant 0 : i32
    %dma_wait3A_29 = tpu.memref_slice %arg3[%dma_wait3A_27, %dma_wait3A_28] : memref<10000x128xf32, #tpu.memory_space<hbm>> -> memref<10000x128xf32, #tpu.memory_space<hbm>>
    tpu.wait_indirect_dma semaphore(%arg18 : memref<!tpu.dma_semaphore, #tpu.memory_space<semaphore_mem>>) src(%dma_wait3A_29 : memref<10000x128xf32, #tpu.memory_space<hbm>>) dst(%arg16 : memref<80x128xf32, #tpu.memory_space<vmem>>)
    %mul3A_30 = arith.constant 10000 : i32
    %mul3A_31 = arith.muli %add3A, %mul3A_30 : i32
    %add3A_32 = arith.constant 9920 : i32
    %add3A_33 = arith.addi %mul3A_31, %add3A_32 : i32
    %multiple_of3A_34 = tpu.assume_multiple %add3A_33, 80 : i32
    "tpu.region"() ({
      %run_scoped3A = tpu.sem_alloc : memref<!tpu.dma_semaphore, #tpu.memory_space<semaphore_mem>>
      %dma_start3A_35 = arith.constant 0 : i32
      %dma_start3A_36 = tpu.memref_slice %arg7[%multiple_of3A_34, %dma_start3A_35] : memref<320000x128xf32, #tpu.memory_space<hbm>> -> memref<80x128xf32, #tpu.memory_space<hbm>>
      %dma_start3A_37 = arith.constant 0 : i32
      %dma_start3A_38 = tpu.memref_slice %arg7[%multiple_of3A_34, %dma_start3A_37] : memref<320000x128xf32, #tpu.memory_space<hbm>> -> memref<80x128xf32, #tpu.memory_space<hbm>>
      tpu.enqueue_dma source(%arg16 : memref<80x128xf32, #tpu.memory_space<vmem>>) target(%dma_start3A_38 : memref<80x128xf32, #tpu.memory_space<hbm>>) target_semaphore(%run_scoped3A : memref<!tpu.dma_semaphore, #tpu.memory_space<semaphore_mem>>)
      %dma_wait3A_39 = arith.constant 0 : i32
      %dma_wait3A_40 = tpu.memref_slice %arg7[%multiple_of3A_34, %dma_wait3A_39] : memref<320000x128xf32, #tpu.memory_space<hbm>> -> memref<80x128xf32, #tpu.memory_space<hbm>>
      %dma_wait3A_41 = arith.constant 0 : i32
      %dma_wait3A_42 = tpu.memref_slice %arg7[%multiple_of3A_34, %dma_wait3A_41] : memref<320000x128xf32, #tpu.memory_space<hbm>> -> memref<80x128xf32, #tpu.memory_space<hbm>>
      tpu.wait_dma2 semaphore(%run_scoped3A : memref<!tpu.dma_semaphore, #tpu.memory_space<semaphore_mem>>) src(%arg16 : memref<80x128xf32, #tpu.memory_space<vmem>>) dst(%dma_wait3A_42 : memref<80x128xf32, #tpu.memory_space<hbm>>)
      tpu.yield
    }) : () -> ()
    return
  }
}

module attributes {stable_mosaic.version = 14 : i64} {
  func.func @body(%arg0: i32, %arg1: memref<2000x128xf32, #tpu.memory_space<vmem>>, %arg2: memref<128x128xf32, #tpu.memory_space<vmem>>, %arg3: memref<1x128xf32, #tpu.memory_space<vmem>>, %arg4: memref<2000x128xf32, #tpu.memory_space<vmem>>) attributes {dimension_semantics = [#tpu.dimension_semantics<arbitrary>], iteration_bounds = array<i64: 5>, scalar_prefetch = 0 : i64, scratch_operands = 0 : i64, tpu.core_type = #tpu.core_type<tc>, window_params = [{transform_indices = @transform_0, window_bounds = array<i64: 2000, 128>}, {pipeline_mode = #tpu.pipeline_mode<synchronous>, transform_indices = @transform_1, window_bounds = array<i64: 128, 128>}, {pipeline_mode = #tpu.pipeline_mode<synchronous>, transform_indices = @transform_2, window_bounds = array<i64: 1, 128>}, {transform_indices = @transform_3, window_bounds = array<i64: 2000, 128>}]} {
    %get3A = arith.constant 0 : index
    %get3A_0 = arith.constant 0 : index
    %get3A_1 = vector.load %arg1[%get3A, %get3A_0] : memref<2000x128xf32, #tpu.memory_space<vmem>>, vector<2000x128xf32>
    %get3A_2 = arith.constant 0 : index
    %get3A_3 = arith.constant 0 : index
    %get3A_4 = vector.load %arg2[%get3A_2, %get3A_3] : memref<128x128xf32, #tpu.memory_space<vmem>>, vector<128x128xf32>
    %dot_general3A = arith.constant dense<0.000000e+00> : vector<2000x128xf32>
    %dot_general3A_5 = tpu.matmul %get3A_1, %get3A_4, %dot_general3A {dimension_numbers = #tpu.dot_dimension_numbers<[1], [0], [0], [1], [0, 0, 1, 1], [], []>, transpose_lhs_hint = false} : vector<2000x128xf32>, vector<128x128xf32>, vector<2000x128xf32> -> vector<2000x128xf32>
    %get3A_6 = arith.constant 0 : index
    %get3A_7 = arith.constant 0 : index
    %get3A_8 = vector.load %arg3[%get3A_6, %get3A_7] : memref<1x128xf32, #tpu.memory_space<vmem>>, vector<1x128xf32>
    %add3A = vector.broadcast %get3A_8 : vector<1x128xf32> to vector<2000x128xf32>
    %add3A_9 = arith.addf %dot_general3A_5, %add3A : vector<2000x128xf32>
    %swap3A = arith.constant 0 : index
    %swap3A_10 = arith.constant 0 : index
    %swap3A_11 = vector.load %arg4[%swap3A, %swap3A_10] : memref<2000x128xf32, #tpu.memory_space<vmem>>, vector<2000x128xf32>
    tpu.vector_store %arg4[%swap3A, %swap3A_10], %add3A_9 {strides = array<i32>} : memref<2000x128xf32, #tpu.memory_space<vmem>>, vector<2000x128xf32>,
    return
  }
  func.func @transform_0(%arg0: i32) -> (i32, i32) {
    %c0_i32 = arith.constant 0 : i32
    %c0_i32_0 = arith.constant 0 : i32
    return %arg0, %c0_i32 : i32, i32
  }
  func.func @transform_1(%arg0: i32) -> (i32, i32) {
    %c0_i32 = arith.constant 0 : i32
    %c0_i32_0 = arith.constant 0 : i32
    %c0_i32_1 = arith.constant 0 : i32
    return %c0_i32, %c0_i32_0 : i32, i32
  }
  func.func @transform_2(%arg0: i32) -> (i32, i32) {
    %c0_i32 = arith.constant 0 : i32
    %c0_i32_0 = arith.constant 0 : i32
    %c0_i32_1 = arith.constant 0 : i32
    return %c0_i32, %c0_i32_0 : i32, i32
  }
  func.func @transform_3(%arg0: i32) -> (i32, i32) {
    %c0_i32 = arith.constant 0 : i32
    %c0_i32_0 = arith.constant 0 : i32
    return %arg0, %c0_i32 : i32, i32
  }
}

module attributes {stable_mosaic.version = 14 : i64} {
  func.func @body(%arg0: memref<128x128xf32, #tpu.memory_space<vmem>>, %arg1: memref<1x128xf32, #tpu.memory_space<vmem>>, %arg2: memref<128x128xf32, #tpu.memory_space<vmem>>, %arg3: memref<128x128xf32, #tpu.memory_space<vmem>>, %arg4: memref<128x128xf32, #tpu.memory_space<vmem>>, %arg5: memref<128x128xf32, #tpu.memory_space<vmem>>, %arg6: memref<1x128xf32, #tpu.memory_space<vmem>>, %arg7: memref<1x128xf32, #tpu.memory_space<vmem>>) attributes {dimension_semantics = [], scalar_prefetch = 0 : i64, scratch_operands = 0 : i64, tpu.core_type = #tpu.core_type<tc>} {
    %get3A = arith.constant 0 : index
    %get3A_0 = arith.constant 0 : index
    %get3A_1 = vector.load %arg0[%get3A, %get3A_0] : memref<128x128xf32, #tpu.memory_space<vmem>>, vector<128x128xf32>
    %get3A_2 = arith.constant 0 : index
    %get3A_3 = arith.constant 0 : index
    %get3A_4 = vector.load %arg1[%get3A_2, %get3A_3] : memref<1x128xf32, #tpu.memory_space<vmem>>, vector<1x128xf32>
    %get3A_5 = arith.constant 0 : index
    %get3A_6 = arith.constant 0 : index
    %get3A_7 = vector.load %arg2[%get3A_5, %get3A_6] : memref<128x128xf32, #tpu.memory_space<vmem>>, vector<128x128xf32>
    %dot_general3A = arith.constant dense<0.000000e+00> : vector<128x128xf32>
    %dot_general3A_8 = tpu.matmul %get3A_1, %get3A_7, %dot_general3A {dimension_numbers = #tpu.dot_dimension_numbers<[1], [0], [0], [1], [0, 0, 1, 1], [], []>, transpose_lhs_hint = false} : vector<128x128xf32>, vector<128x128xf32>, vector<128x128xf32> -> vector<128x128xf32>
    %swap3A = arith.constant 0 : index
    %swap3A_9 = arith.constant 0 : index
    %swap3A_10 = vector.load %arg4[%swap3A, %swap3A_9] : memref<128x128xf32, #tpu.memory_space<vmem>>, vector<128x128xf32>
    tpu.vector_store %arg4[%swap3A, %swap3A_9], %dot_general3A_8 {strides = array<i32>} : memref<128x128xf32, #tpu.memory_space<vmem>>, vector<128x128xf32>,
    %get3A_11 = arith.constant 0 : index
    %get3A_12 = arith.constant 0 : index
    %get3A_13 = vector.load %arg3[%get3A_11, %get3A_12] : memref<128x128xf32, #tpu.memory_space<vmem>>, vector<128x128xf32>
    %dot_general3A_14 = arith.constant dense<0.000000e+00> : vector<128x128xf32>
    %dot_general3A_15 = tpu.matmul %get3A_1, %get3A_13, %dot_general3A_14 {dimension_numbers = #tpu.dot_dimension_numbers<[1], [0], [0], [1], [0, 0, 1, 1], [], []>, transpose_lhs_hint = false} : vector<128x128xf32>, vector<128x128xf32>, vector<128x128xf32> -> vector<128x128xf32>
    %swap3A_16 = arith.constant 0 : index
    %swap3A_17 = arith.constant 0 : index
    %swap3A_18 = vector.load %arg5[%swap3A_16, %swap3A_17] : memref<128x128xf32, #tpu.memory_space<vmem>>, vector<128x128xf32>
    tpu.vector_store %arg5[%swap3A_16, %swap3A_17], %dot_general3A_15 {strides = array<i32>} : memref<128x128xf32, #tpu.memory_space<vmem>>, vector<128x128xf32>,
    %get3A_19 = arith.constant 0 : index
    %get3A_20 = arith.constant 0 : index
    %get3A_21 = vector.load %arg2[%get3A_19, %get3A_20] : memref<128x128xf32, #tpu.memory_space<vmem>>, vector<128x128xf32>
    %dot_general3A_22 = arith.constant dense<0.000000e+00> : vector<1x128xf32>
    %dot_general3A_23 = tpu.matmul %get3A_4, %get3A_21, %dot_general3A_22 {dimension_numbers = #tpu.dot_dimension_numbers<[1], [0], [0], [1], [0, 0, 1, 1], [], []>, transpose_lhs_hint = false} : vector<1x128xf32>, vector<128x128xf32>, vector<1x128xf32> -> vector<1x128xf32>
    %swap3A_24 = arith.constant 0 : index
    %swap3A_25 = arith.constant 0 : index
    %swap3A_26 = vector.load %arg6[%swap3A_24, %swap3A_25] : memref<1x128xf32, #tpu.memory_space<vmem>>, vector<1x128xf32>
    tpu.vector_store %arg6[%swap3A_24, %swap3A_25], %dot_general3A_23 {strides = array<i32>} : memref<1x128xf32, #tpu.memory_space<vmem>>, vector<1x128xf32>,
    %get3A_27 = arith.constant 0 : index
    %get3A_28 = arith.constant 0 : index
    %get3A_29 = vector.load %arg3[%get3A_27, %get3A_28] : memref<128x128xf32, #tpu.memory_space<vmem>>, vector<128x128xf32>
    %dot_general3A_30 = arith.constant dense<0.000000e+00> : vector<1x128xf32>
    %dot_general3A_31 = tpu.matmul %get3A_4, %get3A_29, %dot_general3A_30 {dimension_numbers = #tpu.dot_dimension_numbers<[1], [0], [0], [1], [0, 0, 1, 1], [], []>, transpose_lhs_hint = false} : vector<1x128xf32>, vector<128x128xf32>, vector<1x128xf32> -> vector<1x128xf32>
    %swap3A_32 = arith.constant 0 : index
    %swap3A_33 = arith.constant 0 : index
    %swap3A_34 = vector.load %arg7[%swap3A_32, %swap3A_33] : memref<1x128xf32, #tpu.memory_space<vmem>>, vector<1x128xf32>
    tpu.vector_store %arg7[%swap3A_32, %swap3A_33], %dot_general3A_31 {strides = array<i32>} : memref<1x128xf32, #tpu.memory_space<vmem>>, vector<1x128xf32>,
    return
  }
}

module attributes {stable_mosaic.version = 14 : i64} {
  func.func @body(%arg0: i32, %arg1: memref<3200x128xf32, #tpu.memory_space<vmem>>, %arg2: memref<3200x128xf32, #tpu.memory_space<vmem>>, %arg3: memref<3200x128xf32, #tpu.memory_space<vmem>>, %arg4: memref<128x128xf32, #tpu.memory_space<vmem>>, %arg5: memref<1x128xf32, #tpu.memory_space<vmem>>, %arg6: memref<128x8xf32, #tpu.memory_space<vmem>>, %arg7: memref<144x3200xf32, #tpu.memory_space<vmem>>) attributes {dimension_semantics = [#tpu.dimension_semantics<arbitrary>], iteration_bounds = array<i64: 100>, scalar_prefetch = 0 : i64, scratch_operands = 0 : i64, tpu.core_type = #tpu.core_type<tc>, window_params = [{transform_indices = @transform_0, window_bounds = array<i64: 3200, 128>}, {transform_indices = @transform_1, window_bounds = array<i64: 3200, 128>}, {transform_indices = @transform_2, window_bounds = array<i64: 3200, 128>}, {pipeline_mode = #tpu.pipeline_mode<synchronous>, transform_indices = @transform_3, window_bounds = array<i64: 128, 128>}, {pipeline_mode = #tpu.pipeline_mode<synchronous>, transform_indices = @transform_4, window_bounds = array<i64: 1, 128>}, {pipeline_mode = #tpu.pipeline_mode<synchronous>, transform_indices = @transform_5, window_bounds = array<i64: 128, 8>}, {transform_indices = @transform_6, window_bounds = array<i64: 144, 3200>}]} {
    %get3A = arith.constant 0 : index
    %get3A_0 = arith.constant 0 : index
    %get3A_1 = vector.load %arg2[%get3A, %get3A_0] : memref<3200x128xf32, #tpu.memory_space<vmem>>, vector<3200x128xf32>
    %get3A_2 = arith.constant 0 : index
    %get3A_3 = arith.constant 0 : index
    %get3A_4 = vector.load %arg1[%get3A_2, %get3A_3] : memref<3200x128xf32, #tpu.memory_space<vmem>>, vector<3200x128xf32>
    %get3A_5 = arith.constant 0 : index
    %get3A_6 = arith.constant 0 : index
    %get3A_7 = vector.load %arg4[%get3A_5, %get3A_6] : memref<128x128xf32, #tpu.memory_space<vmem>>, vector<128x128xf32>
    %dot_general3A = arith.constant dense<0.000000e+00> : vector<3200x128xf32>
    %dot_general3A_8 = tpu.matmul %get3A_4, %get3A_7, %dot_general3A {dimension_numbers = #tpu.dot_dimension_numbers<[1], [0], [0], [1], [0, 0, 1, 1], [], []>, transpose_lhs_hint = false} : vector<3200x128xf32>, vector<128x128xf32>, vector<3200x128xf32> -> vector<3200x128xf32>
    %get3A_9 = arith.constant 0 : index
    %get3A_10 = arith.constant 0 : index
    %get3A_11 = vector.load %arg5[%get3A_9, %get3A_10] : memref<1x128xf32, #tpu.memory_space<vmem>>, vector<1x128xf32>
    %add3A = vector.broadcast %get3A_11 : vector<1x128xf32> to vector<3200x128xf32>
    %add3A_12 = arith.addf %dot_general3A_8, %add3A : vector<3200x128xf32>
    %get3A_13 = arith.constant 0 : index
    %get3A_14 = arith.constant 0 : index
    %get3A_15 = vector.load %arg3[%get3A_13, %get3A_14] : memref<3200x128xf32, #tpu.memory_space<vmem>>, vector<3200x128xf32>
    %add3A_16 = arith.addf %get3A_1, %get3A_15 : vector<3200x128xf32>
    %add3A_17 = arith.addf %add3A_16, %add3A_12 : vector<3200x128xf32>
    %mul3A = arith.constant 2.000000e-01 : f32
    %mul3A_18 = vector.broadcast %mul3A : f32 to vector<3200x128xf32>
    %mul3A_19 = arith.mulf %mul3A_18, %add3A_17 : vector<3200x128xf32>
    %max3A = arith.maximumf %add3A_17, %mul3A_19 : vector<3200x128xf32>
    %get3A_20 = arith.constant 0 : index
    %get3A_21 = arith.constant 0 : index
    %get3A_22 = vector.load %arg6[%get3A_20, %get3A_21] : memref<128x8xf32, #tpu.memory_space<vmem>>, vector<128x8xf32>
    %dot_general3A_23 = arith.constant dense<0.000000e+00> : vector<3200x8xf32>
    %dot_general3A_24 = tpu.matmul %max3A, %get3A_22, %dot_general3A_23 {dimension_numbers = #tpu.dot_dimension_numbers<[1], [0], [0], [1], [0, 0, 1, 1], [], []>, transpose_lhs_hint = false} : vector<3200x128xf32>, vector<128x8xf32>, vector<3200x8xf32> -> vector<3200x8xf32>
    %min3A = arith.constant 7.500000e+01 : f32
    %min3A_25 = vector.broadcast %min3A : f32 to vector<3200x8xf32>
    %min3A_26 = arith.minimumf %dot_general3A_24, %min3A_25 : vector<3200x8xf32>
    %exp3A = math.exp %min3A_26 : vector<3200x8xf32>
    %slice3A = vector.extract_strided_slice %get3A_1 {offsets = [0, 0], sizes = [3200, 16], strides = [1, 1]} : vector<3200x128xf32> to vector<3200x16xf32>
    %slice3A_27 = vector.extract_strided_slice %exp3A {offsets = [0, 0], sizes = [3200, 1], strides = [1, 1]} : vector<3200x8xf32> to vector<3200x1xf32>
    %mul3A_28 = vector.broadcast %slice3A_27 : vector<3200x1xf32> to vector<3200x16xf32>
    %mul3A_29 = arith.mulf %slice3A, %mul3A_28 : vector<3200x16xf32>
    %slice3A_30 = vector.extract_strided_slice %get3A_1 {offsets = [0, 16], sizes = [3200, 16], strides = [1, 1]} : vector<3200x128xf32> to vector<3200x16xf32>
    %slice3A_31 = vector.extract_strided_slice %exp3A {offsets = [0, 1], sizes = [3200, 1], strides = [1, 1]} : vector<3200x8xf32> to vector<3200x1xf32>
    %mul3A_32 = vector.broadcast %slice3A_31 : vector<3200x1xf32> to vector<3200x16xf32>
    %mul3A_33 = arith.mulf %slice3A_30, %mul3A_32 : vector<3200x16xf32>
    %slice3A_34 = vector.extract_strided_slice %get3A_1 {offsets = [0, 32], sizes = [3200, 16], strides = [1, 1]} : vector<3200x128xf32> to vector<3200x16xf32>
    %slice3A_35 = vector.extract_strided_slice %exp3A {offsets = [0, 2], sizes = [3200, 1], strides = [1, 1]} : vector<3200x8xf32> to vector<3200x1xf32>
    %mul3A_36 = vector.broadcast %slice3A_35 : vector<3200x1xf32> to vector<3200x16xf32>
    %mul3A_37 = arith.mulf %slice3A_34, %mul3A_36 : vector<3200x16xf32>
    %slice3A_38 = vector.extract_strided_slice %get3A_1 {offsets = [0, 48], sizes = [3200, 16], strides = [1, 1]} : vector<3200x128xf32> to vector<3200x16xf32>
    %slice3A_39 = vector.extract_strided_slice %exp3A {offsets = [0, 3], sizes = [3200, 1], strides = [1, 1]} : vector<3200x8xf32> to vector<3200x1xf32>
    %mul3A_40 = vector.broadcast %slice3A_39 : vector<3200x1xf32> to vector<3200x16xf32>
    %mul3A_41 = arith.mulf %slice3A_38, %mul3A_40 : vector<3200x16xf32>
    %slice3A_42 = vector.extract_strided_slice %get3A_1 {offsets = [0, 64], sizes = [3200, 16], strides = [1, 1]} : vector<3200x128xf32> to vector<3200x16xf32>
    %slice3A_43 = vector.extract_strided_slice %exp3A {offsets = [0, 4], sizes = [3200, 1], strides = [1, 1]} : vector<3200x8xf32> to vector<3200x1xf32>
    %mul3A_44 = vector.broadcast %slice3A_43 : vector<3200x1xf32> to vector<3200x16xf32>
    %mul3A_45 = arith.mulf %slice3A_42, %mul3A_44 : vector<3200x16xf32>
    %slice3A_46 = vector.extract_strided_slice %get3A_1 {offsets = [0, 80], sizes = [3200, 16], strides = [1, 1]} : vector<3200x128xf32> to vector<3200x16xf32>
    %slice3A_47 = vector.extract_strided_slice %exp3A {offsets = [0, 5], sizes = [3200, 1], strides = [1, 1]} : vector<3200x8xf32> to vector<3200x1xf32>
    %mul3A_48 = vector.broadcast %slice3A_47 : vector<3200x1xf32> to vector<3200x16xf32>
    %mul3A_49 = arith.mulf %slice3A_46, %mul3A_48 : vector<3200x16xf32>
    %slice3A_50 = vector.extract_strided_slice %get3A_1 {offsets = [0, 96], sizes = [3200, 16], strides = [1, 1]} : vector<3200x128xf32> to vector<3200x16xf32>
    %slice3A_51 = vector.extract_strided_slice %exp3A {offsets = [0, 6], sizes = [3200, 1], strides = [1, 1]} : vector<3200x8xf32> to vector<3200x1xf32>
    %mul3A_52 = vector.broadcast %slice3A_51 : vector<3200x1xf32> to vector<3200x16xf32>
    %mul3A_53 = arith.mulf %slice3A_50, %mul3A_52 : vector<3200x16xf32>
    %slice3A_54 = vector.extract_strided_slice %get3A_1 {offsets = [0, 112], sizes = [3200, 16], strides = [1, 1]} : vector<3200x128xf32> to vector<3200x16xf32>
    %slice3A_55 = vector.extract_strided_slice %exp3A {offsets = [0, 7], sizes = [3200, 1], strides = [1, 1]} : vector<3200x8xf32> to vector<3200x1xf32>
    %mul3A_56 = vector.broadcast %slice3A_55 : vector<3200x1xf32> to vector<3200x16xf32>
    %mul3A_57 = arith.mulf %slice3A_54, %mul3A_56 : vector<3200x16xf32>
    %broadcast_in_dim3A = arith.constant 0.000000e+00 : f32
    %broadcast_in_dim3A_58 = vector.broadcast %broadcast_in_dim3A : f32 to vector<3200x8xf32>
    %concatenate3A = tpu.concatenate %mul3A_29, %mul3A_33, %mul3A_37, %mul3A_41, %mul3A_45, %mul3A_49, %mul3A_53, %mul3A_57, %exp3A, %broadcast_in_dim3A_58 in 1 : vector<3200x16xf32>, vector<3200x16xf32>, vector<3200x16xf32>, vector<3200x16xf32>, vector<3200x16xf32>, vector<3200x16xf32>, vector<3200x16xf32>, vector<3200x16xf32>, vector<3200x8xf32>, vector<3200x8xf32> -> vector<3200x144xf32>
    %transpose3A = tpu.transpose %concatenate3A, [1, 0] : vector<3200x144xf32> -> vector<144x3200xf32>
    %swap3A = arith.constant 0 : index
    %swap3A_59 = arith.constant 0 : index
    %swap3A_60 = vector.load %arg7[%swap3A, %swap3A_59] : memref<144x3200xf32, #tpu.memory_space<vmem>>, vector<144x3200xf32>
    tpu.vector_store %arg7[%swap3A, %swap3A_59], %transpose3A {strides = array<i32>} : memref<144x3200xf32, #tpu.memory_space<vmem>>, vector<144x3200xf32>,
    return
  }
  func.func @transform_0(%arg0: i32) -> (i32, i32) {
    %c0_i32 = arith.constant 0 : i32
    %c0_i32_0 = arith.constant 0 : i32
    return %arg0, %c0_i32 : i32, i32
  }
  func.func @transform_1(%arg0: i32) -> (i32, i32) {
    %c0_i32 = arith.constant 0 : i32
    %c0_i32_0 = arith.constant 0 : i32
    return %arg0, %c0_i32 : i32, i32
  }
  func.func @transform_2(%arg0: i32) -> (i32, i32) {
    %c0_i32 = arith.constant 0 : i32
    %c0_i32_0 = arith.constant 0 : i32
    return %arg0, %c0_i32 : i32, i32
  }
  func.func @transform_3(%arg0: i32) -> (i32, i32) {
    %c0_i32 = arith.constant 0 : i32
    %c0_i32_0 = arith.constant 0 : i32
    %c0_i32_1 = arith.constant 0 : i32
    return %c0_i32, %c0_i32_0 : i32, i32
  }
  func.func @transform_4(%arg0: i32) -> (i32, i32) {
    %c0_i32 = arith.constant 0 : i32
    %c0_i32_0 = arith.constant 0 : i32
    %c0_i32_1 = arith.constant 0 : i32
    return %c0_i32, %c0_i32_0 : i32, i32
  }
  func.func @transform_5(%arg0: i32) -> (i32, i32) {
    %c0_i32 = arith.constant 0 : i32
    %c0_i32_0 = arith.constant 0 : i32
    %c0_i32_1 = arith.constant 0 : i32
    return %c0_i32, %c0_i32_0 : i32, i32
  }
  func.func @transform_6(%arg0: i32) -> (i32, i32) {
    %c0_i32 = arith.constant 0 : i32
    %c0_i32_0 = arith.constant 0 : i32
    return %c0_i32, %arg0 : i32, i32
  }
}

module attributes {stable_mosaic.version = 14 : i64} {
  func.func @body(%arg0: i32, %arg1: memref<2000x144xf32, #tpu.memory_space<vmem>>, %arg2: memref<2000x144xf32, #tpu.memory_space<vmem>>, %arg3: memref<1x128xf32, #tpu.memory_space<vmem>>, %arg4: memref<1x128xf32, #tpu.memory_space<vmem>>, %arg5: memref<1x128xf32, #tpu.memory_space<vmem>>, %arg6: memref<2000x128xf32, #tpu.memory_space<vmem>>) attributes {dimension_semantics = [#tpu.dimension_semantics<arbitrary>], iteration_bounds = array<i64: 5>, scalar_prefetch = 0 : i64, scratch_operands = 0 : i64, tpu.core_type = #tpu.core_type<tc>, window_params = [{transform_indices = @transform_0, window_bounds = array<i64: 2000, 144>}, {transform_indices = @transform_1, window_bounds = array<i64: 2000, 144>}, {pipeline_mode = #tpu.pipeline_mode<synchronous>, transform_indices = @transform_2, window_bounds = array<i64: 1, 128>}, {pipeline_mode = #tpu.pipeline_mode<synchronous>, transform_indices = @transform_3, window_bounds = array<i64: 1, 128>}, {pipeline_mode = #tpu.pipeline_mode<synchronous>, transform_indices = @transform_4, window_bounds = array<i64: 1, 128>}, {transform_indices = @transform_5, window_bounds = array<i64: 2000, 128>}]} {
    %get3A = arith.constant 0 : index
    %get3A_0 = arith.constant 0 : index
    %get3A_1 = vector.load %arg1[%get3A, %get3A_0] : memref<2000x144xf32, #tpu.memory_space<vmem>>, vector<2000x144xf32>
    %get3A_2 = arith.constant 0 : index
    %get3A_3 = arith.constant 0 : index
    %get3A_4 = vector.load %arg2[%get3A_2, %get3A_3] : memref<2000x144xf32, #tpu.memory_space<vmem>>, vector<2000x144xf32>
    %add3A = arith.addf %get3A_1, %get3A_4 : vector<2000x144xf32>
    %slice3A = vector.extract_strided_slice %add3A {offsets = [0, 0], sizes = [2000, 16], strides = [1, 1]} : vector<2000x144xf32> to vector<2000x16xf32>
    %slice3A_5 = vector.extract_strided_slice %add3A {offsets = [0, 128], sizes = [2000, 1], strides = [1, 1]} : vector<2000x144xf32> to vector<2000x1xf32>
    %add3A_6 = arith.constant 1.000000e-16 : f32
    %add3A_7 = vector.broadcast %add3A_6 : f32 to vector<2000x1xf32>
    %add3A_8 = arith.addf %slice3A_5, %add3A_7 : vector<2000x1xf32>
    %div3A = vector.broadcast %add3A_8 : vector<2000x1xf32> to vector<2000x16xf32>
    %div3A_9 = arith.divf %slice3A, %div3A : vector<2000x16xf32>
    %slice3A_10 = vector.extract_strided_slice %add3A {offsets = [0, 16], sizes = [2000, 16], strides = [1, 1]} : vector<2000x144xf32> to vector<2000x16xf32>
    %slice3A_11 = vector.extract_strided_slice %add3A {offsets = [0, 129], sizes = [2000, 1], strides = [1, 1]} : vector<2000x144xf32> to vector<2000x1xf32>
    %add3A_12 = arith.constant 1.000000e-16 : f32
    %add3A_13 = vector.broadcast %add3A_12 : f32 to vector<2000x1xf32>
    %add3A_14 = arith.addf %slice3A_11, %add3A_13 : vector<2000x1xf32>
    %div3A_15 = vector.broadcast %add3A_14 : vector<2000x1xf32> to vector<2000x16xf32>
    %div3A_16 = arith.divf %slice3A_10, %div3A_15 : vector<2000x16xf32>
    %slice3A_17 = vector.extract_strided_slice %add3A {offsets = [0, 32], sizes = [2000, 16], strides = [1, 1]} : vector<2000x144xf32> to vector<2000x16xf32>
    %slice3A_18 = vector.extract_strided_slice %add3A {offsets = [0, 130], sizes = [2000, 1], strides = [1, 1]} : vector<2000x144xf32> to vector<2000x1xf32>
    %add3A_19 = arith.constant 1.000000e-16 : f32
    %add3A_20 = vector.broadcast %add3A_19 : f32 to vector<2000x1xf32>
    %add3A_21 = arith.addf %slice3A_18, %add3A_20 : vector<2000x1xf32>
    %div3A_22 = vector.broadcast %add3A_21 : vector<2000x1xf32> to vector<2000x16xf32>
    %div3A_23 = arith.divf %slice3A_17, %div3A_22 : vector<2000x16xf32>
    %slice3A_24 = vector.extract_strided_slice %add3A {offsets = [0, 48], sizes = [2000, 16], strides = [1, 1]} : vector<2000x144xf32> to vector<2000x16xf32>
    %slice3A_25 = vector.extract_strided_slice %add3A {offsets = [0, 131], sizes = [2000, 1], strides = [1, 1]} : vector<2000x144xf32> to vector<2000x1xf32>
    %add3A_26 = arith.constant 1.000000e-16 : f32
    %add3A_27 = vector.broadcast %add3A_26 : f32 to vector<2000x1xf32>
    %add3A_28 = arith.addf %slice3A_25, %add3A_27 : vector<2000x1xf32>
    %div3A_29 = vector.broadcast %add3A_28 : vector<2000x1xf32> to vector<2000x16xf32>
    %div3A_30 = arith.divf %slice3A_24, %div3A_29 : vector<2000x16xf32>
    %slice3A_31 = vector.extract_strided_slice %add3A {offsets = [0, 64], sizes = [2000, 16], strides = [1, 1]} : vector<2000x144xf32> to vector<2000x16xf32>
    %slice3A_32 = vector.extract_strided_slice %add3A {offsets = [0, 132], sizes = [2000, 1], strides = [1, 1]} : vector<2000x144xf32> to vector<2000x1xf32>
    %add3A_33 = arith.constant 1.000000e-16 : f32
    %add3A_34 = vector.broadcast %add3A_33 : f32 to vector<2000x1xf32>
    %add3A_35 = arith.addf %slice3A_32, %add3A_34 : vector<2000x1xf32>
    %div3A_36 = vector.broadcast %add3A_35 : vector<2000x1xf32> to vector<2000x16xf32>
    %div3A_37 = arith.divf %slice3A_31, %div3A_36 : vector<2000x16xf32>
    %slice3A_38 = vector.extract_strided_slice %add3A {offsets = [0, 80], sizes = [2000, 16], strides = [1, 1]} : vector<2000x144xf32> to vector<2000x16xf32>
    %slice3A_39 = vector.extract_strided_slice %add3A {offsets = [0, 133], sizes = [2000, 1], strides = [1, 1]} : vector<2000x144xf32> to vector<2000x1xf32>
    %add3A_40 = arith.constant 1.000000e-16 : f32
    %add3A_41 = vector.broadcast %add3A_40 : f32 to vector<2000x1xf32>
    %add3A_42 = arith.addf %slice3A_39, %add3A_41 : vector<2000x1xf32>
    %div3A_43 = vector.broadcast %add3A_42 : vector<2000x1xf32> to vector<2000x16xf32>
    %div3A_44 = arith.divf %slice3A_38, %div3A_43 : vector<2000x16xf32>
    %slice3A_45 = vector.extract_strided_slice %add3A {offsets = [0, 96], sizes = [2000, 16], strides = [1, 1]} : vector<2000x144xf32> to vector<2000x16xf32>
    %slice3A_46 = vector.extract_strided_slice %add3A {offsets = [0, 134], sizes = [2000, 1], strides = [1, 1]} : vector<2000x144xf32> to vector<2000x1xf32>
    %add3A_47 = arith.constant 1.000000e-16 : f32
    %add3A_48 = vector.broadcast %add3A_47 : f32 to vector<2000x1xf32>
    %add3A_49 = arith.addf %slice3A_46, %add3A_48 : vector<2000x1xf32>
    %div3A_50 = vector.broadcast %add3A_49 : vector<2000x1xf32> to vector<2000x16xf32>
    %div3A_51 = arith.divf %slice3A_45, %div3A_50 : vector<2000x16xf32>
    %slice3A_52 = vector.extract_strided_slice %add3A {offsets = [0, 112], sizes = [2000, 16], strides = [1, 1]} : vector<2000x144xf32> to vector<2000x16xf32>
    %slice3A_53 = vector.extract_strided_slice %add3A {offsets = [0, 135], sizes = [2000, 1], strides = [1, 1]} : vector<2000x144xf32> to vector<2000x1xf32>
    %add3A_54 = arith.constant 1.000000e-16 : f32
    %add3A_55 = vector.broadcast %add3A_54 : f32 to vector<2000x1xf32>
    %add3A_56 = arith.addf %slice3A_53, %add3A_55 : vector<2000x1xf32>
    %div3A_57 = vector.broadcast %add3A_56 : vector<2000x1xf32> to vector<2000x16xf32>
    %div3A_58 = arith.divf %slice3A_52, %div3A_57 : vector<2000x16xf32>
    %concatenate3A = tpu.concatenate %div3A_9, %div3A_16, %div3A_23, %div3A_30, %div3A_37, %div3A_44, %div3A_51, %div3A_58 in 1 : vector<2000x16xf32>, vector<2000x16xf32>, vector<2000x16xf32>, vector<2000x16xf32>, vector<2000x16xf32>, vector<2000x16xf32>, vector<2000x16xf32>, vector<2000x16xf32> -> vector<2000x128xf32>
    %get3A_59 = arith.constant 0 : index
    %get3A_60 = arith.constant 0 : index
    %get3A_61 = vector.load %arg3[%get3A_59, %get3A_60] : memref<1x128xf32, #tpu.memory_space<vmem>>, vector<1x128xf32>
    %add3A_62 = vector.broadcast %get3A_61 : vector<1x128xf32> to vector<2000x128xf32>
    %add3A_63 = arith.addf %concatenate3A, %add3A_62 : vector<2000x128xf32>
    %reduce_sum3A = arith.constant dense<0.000000e+00> : vector<2000xf32>
    %reduce_sum3A_64 = vector.multi_reduction <add>, %add3A_63, %reduce_sum3A [1] : vector<2000x128xf32> to vector<2000xf32>
    %broadcast_in_dim3A = vector.shape_cast %reduce_sum3A_64 : vector<2000xf32> to vector<2000x1xf32>
    %div3A_65 = arith.constant 1.280000e+02 : f32
    %div3A_66 = vector.broadcast %div3A_65 : f32 to vector<2000x1xf32>
    %div3A_67 = arith.divf %broadcast_in_dim3A, %div3A_66 : vector<2000x1xf32>
    %sub3A = vector.broadcast %div3A_67 : vector<2000x1xf32> to vector<2000x128xf32>
    %sub3A_68 = arith.subf %add3A_63, %sub3A : vector<2000x128xf32>
    %sub3A_69 = vector.broadcast %div3A_67 : vector<2000x1xf32> to vector<2000x128xf32>
    %sub3A_70 = arith.subf %add3A_63, %sub3A_69 : vector<2000x128xf32>
    %mul3A = arith.mulf %sub3A_68, %sub3A_70 : vector<2000x128xf32>
    %reduce_sum3A_71 = arith.constant dense<0.000000e+00> : vector<2000xf32>
    %reduce_sum3A_72 = vector.multi_reduction <add>, %mul3A, %reduce_sum3A_71 [1] : vector<2000x128xf32> to vector<2000xf32>
    %broadcast_in_dim3A_73 = vector.shape_cast %reduce_sum3A_72 : vector<2000xf32> to vector<2000x1xf32>
    %div3A_74 = arith.constant 1.280000e+02 : f32
    %div3A_75 = vector.broadcast %div3A_74 : f32 to vector<2000x1xf32>
    %div3A_76 = arith.divf %broadcast_in_dim3A_73, %div3A_75 : vector<2000x1xf32>
    %sub3A_77 = vector.broadcast %div3A_67 : vector<2000x1xf32> to vector<2000x128xf32>
    %sub3A_78 = arith.subf %add3A_63, %sub3A_77 : vector<2000x128xf32>
    %add3A_79 = arith.constant 9.99999974E-6 : f32
    %add3A_80 = vector.broadcast %add3A_79 : f32 to vector<2000x1xf32>
    %add3A_81 = arith.addf %div3A_76, %add3A_80 : vector<2000x1xf32>
    %rsqrt3A = math.rsqrt %add3A_81 : vector<2000x1xf32>
    %mul3A_82 = vector.broadcast %rsqrt3A : vector<2000x1xf32> to vector<2000x128xf32>
    %mul3A_83 = arith.mulf %sub3A_78, %mul3A_82 : vector<2000x128xf32>
    %get3A_84 = arith.constant 0 : index
    %get3A_85 = arith.constant 0 : index
    %get3A_86 = vector.load %arg4[%get3A_84, %get3A_85] : memref<1x128xf32, #tpu.memory_space<vmem>>, vector<1x128xf32>
    %mul3A_87 = vector.broadcast %get3A_86 : vector<1x128xf32> to vector<2000x128xf32>
    %mul3A_88 = arith.mulf %mul3A_83, %mul3A_87 : vector<2000x128xf32>
    %get3A_89 = arith.constant 0 : index
    %get3A_90 = arith.constant 0 : index
    %get3A_91 = vector.load %arg5[%get3A_89, %get3A_90] : memref<1x128xf32, #tpu.memory_space<vmem>>, vector<1x128xf32>
    %add3A_92 = vector.broadcast %get3A_91 : vector<1x128xf32> to vector<2000x128xf32>
    %add3A_93 = arith.addf %mul3A_88, %add3A_92 : vector<2000x128xf32>
    %max3A = arith.constant 0.000000e+00 : f32
    %max3A_94 = vector.broadcast %max3A : f32 to vector<2000x128xf32>
    %max3A_95 = arith.maximumf %add3A_93, %max3A_94 : vector<2000x128xf32>
    %swap3A = arith.constant 0 : index
    %swap3A_96 = arith.constant 0 : index
    %swap3A_97 = vector.load %arg6[%swap3A, %swap3A_96] : memref<2000x128xf32, #tpu.memory_space<vmem>>, vector<2000x128xf32>
    tpu.vector_store %arg6[%swap3A, %swap3A_96], %max3A_95 {strides = array<i32>} : memref<2000x128xf32, #tpu.memory_space<vmem>>, vector<2000x128xf32>,
    return
  }
  func.func @transform_0(%arg0: i32) -> (i32, i32) {
    %c0_i32 = arith.constant 0 : i32
    %c0_i32_0 = arith.constant 0 : i32
    return %arg0, %c0_i32 : i32, i32
  }
  func.func @transform_1(%arg0: i32) -> (i32, i32) {
    %c0_i32 = arith.constant 0 : i32
    %c0_i32_0 = arith.constant 0 : i32
    return %arg0, %c0_i32 : i32, i32
  }
  func.func @transform_2(%arg0: i32) -> (i32, i32) {
    %c0_i32 = arith.constant 0 : i32
    %c0_i32_0 = arith.constant 0 : i32
    %c0_i32_1 = arith.constant 0 : i32
    return %c0_i32, %c0_i32_0 : i32, i32
  }
  func.func @transform_3(%arg0: i32) -> (i32, i32) {
    %c0_i32 = arith.constant 0 : i32
    %c0_i32_0 = arith.constant 0 : i32
    %c0_i32_1 = arith.constant 0 : i32
    return %c0_i32, %c0_i32_0 : i32, i32
  }
  func.func @transform_4(%arg0: i32) -> (i32, i32) {
    %c0_i32 = arith.constant 0 : i32
    %c0_i32_0 = arith.constant 0 : i32
    %c0_i32_1 = arith.constant 0 : i32
    return %c0_i32, %c0_i32_0 : i32, i32
  }
  func.func @transform_5(%arg0: i32) -> (i32, i32) {
    %c0_i32 = arith.constant 0 : i32
    %c0_i32_0 = arith.constant 0 : i32
    return %arg0, %c0_i32 : i32, i32
  }
}

module attributes {stable_mosaic.version = 14 : i64} {
  func.func @body(%arg0: i32, %arg1: memref<2000x128xf32, #tpu.memory_space<vmem>>, %arg2: memref<128x520xf32, #tpu.memory_space<vmem>>, %arg3: memref<1x520xf32, #tpu.memory_space<vmem>>, %arg4: memref<2000x8xf32, #tpu.memory_space<vmem>>, %arg5: memref<2000x128xf32, #tpu.memory_space<vmem>>, %arg6: memref<2000x128xf32, #tpu.memory_space<vmem>>, %arg7: memref<2000x256xf32, #tpu.memory_space<vmem>>) attributes {dimension_semantics = [#tpu.dimension_semantics<arbitrary>], iteration_bounds = array<i64: 5>, scalar_prefetch = 0 : i64, scratch_operands = 0 : i64, tpu.core_type = #tpu.core_type<tc>, window_params = [{transform_indices = @transform_0, window_bounds = array<i64: 2000, 128>}, {pipeline_mode = #tpu.pipeline_mode<synchronous>, transform_indices = @transform_1, window_bounds = array<i64: 128, 520>}, {pipeline_mode = #tpu.pipeline_mode<synchronous>, transform_indices = @transform_2, window_bounds = array<i64: 1, 520>}, {transform_indices = @transform_3, window_bounds = array<i64: 2000, 8>}, {transform_indices = @transform_4, window_bounds = array<i64: 2000, 128>}, {transform_indices = @transform_5, window_bounds = array<i64: 2000, 128>}, {transform_indices = @transform_6, window_bounds = array<i64: 2000, 256>}]} {
    %get3A = arith.constant 0 : index
    %get3A_0 = arith.constant 0 : index
    %get3A_1 = vector.load %arg1[%get3A, %get3A_0] : memref<2000x128xf32, #tpu.memory_space<vmem>>, vector<2000x128xf32>
    %get3A_2 = arith.constant 0 : index
    %get3A_3 = arith.constant 0 : index
    %get3A_4 = vector.load %arg2[%get3A_2, %get3A_3] : memref<128x520xf32, #tpu.memory_space<vmem>>, vector<128x520xf32>
    %dot_general3A = arith.constant dense<0.000000e+00> : vector<2000x520xf32>
    %dot_general3A_5 = tpu.matmul %get3A_1, %get3A_4, %dot_general3A {dimension_numbers = #tpu.dot_dimension_numbers<[1], [0], [0], [1], [0, 0, 1, 1], [], []>, transpose_lhs_hint = false} : vector<2000x128xf32>, vector<128x520xf32>, vector<2000x520xf32> -> vector<2000x520xf32>
    %get3A_6 = arith.constant 0 : index
    %get3A_7 = arith.constant 0 : index
    %get3A_8 = vector.load %arg3[%get3A_6, %get3A_7] : memref<1x520xf32, #tpu.memory_space<vmem>>, vector<1x520xf32>
    %add3A = vector.broadcast %get3A_8 : vector<1x520xf32> to vector<2000x520xf32>
    %add3A_9 = arith.addf %dot_general3A_5, %add3A : vector<2000x520xf32>
    %slice3A = vector.extract_strided_slice %add3A_9 {offsets = [0, 0], sizes = [2000, 8], strides = [1, 1]} : vector<2000x520xf32> to vector<2000x8xf32>
    %reduce_max3A = arith.constant dense<0xFF800000> : vector<2000xf32>
    %reduce_max3A_10 = vector.multi_reduction <maximumf>, %slice3A, %reduce_max3A [1] : vector<2000x8xf32> to vector<2000xf32>
    %broadcast_in_dim3A = vector.shape_cast %reduce_max3A_10 : vector<2000xf32> to vector<2000x1xf32>
    %sub3A = vector.broadcast %broadcast_in_dim3A : vector<2000x1xf32> to vector<2000x8xf32>
    %sub3A_11 = arith.subf %slice3A, %sub3A : vector<2000x8xf32>
    %exp3A = math.exp %sub3A_11 : vector<2000x8xf32>
    %reduce_sum3A = arith.constant dense<0.000000e+00> : vector<2000xf32>
    %reduce_sum3A_12 = vector.multi_reduction <add>, %exp3A, %reduce_sum3A [1] : vector<2000x8xf32> to vector<2000xf32>
    %broadcast_in_dim3A_13 = vector.shape_cast %reduce_sum3A_12 : vector<2000xf32> to vector<2000x1xf32>
    %div3A = vector.broadcast %broadcast_in_dim3A_13 : vector<2000x1xf32> to vector<2000x8xf32>
    %div3A_14 = arith.divf %exp3A, %div3A : vector<2000x8xf32>
    %swap3A = arith.constant 0 : index
    %swap3A_15 = arith.constant 0 : index
    %swap3A_16 = vector.load %arg4[%swap3A, %swap3A_15] : memref<2000x8xf32, #tpu.memory_space<vmem>>, vector<2000x8xf32>
    tpu.vector_store %arg4[%swap3A, %swap3A_15], %div3A_14 {strides = array<i32>} : memref<2000x8xf32, #tpu.memory_space<vmem>>, vector<2000x8xf32>,
    %slice3A_17 = vector.extract_strided_slice %add3A_9 {offsets = [0, 8], sizes = [2000, 128], strides = [1, 1]} : vector<2000x520xf32> to vector<2000x128xf32>
    %swap3A_18 = arith.constant 0 : index
    %swap3A_19 = arith.constant 0 : index
    %swap3A_20 = vector.load %arg5[%swap3A_18, %swap3A_19] : memref<2000x128xf32, #tpu.memory_space<vmem>>, vector<2000x128xf32>
    tpu.vector_store %arg5[%swap3A_18, %swap3A_19], %slice3A_17 {strides = array<i32>} : memref<2000x128xf32, #tpu.memory_space<vmem>>, vector<2000x128xf32>,
    %slice3A_21 = vector.extract_strided_slice %add3A_9 {offsets = [0, 136], sizes = [2000, 128], strides = [1, 1]} : vector<2000x520xf32> to vector<2000x128xf32>
    %swap3A_22 = arith.constant 0 : index
    %swap3A_23 = arith.constant 0 : index
    %swap3A_24 = vector.load %arg6[%swap3A_22, %swap3A_23] : memref<2000x128xf32, #tpu.memory_space<vmem>>, vector<2000x128xf32>
    tpu.vector_store %arg6[%swap3A_22, %swap3A_23], %slice3A_21 {strides = array<i32>} : memref<2000x128xf32, #tpu.memory_space<vmem>>, vector<2000x128xf32>,
    %slice3A_25 = vector.extract_strided_slice %add3A_9 {offsets = [0, 264], sizes = [2000, 256], strides = [1, 1]} : vector<2000x520xf32> to vector<2000x256xf32>
    %swap3A_26 = arith.constant 0 : index
    %swap3A_27 = arith.constant 0 : index
    %swap3A_28 = vector.load %arg7[%swap3A_26, %swap3A_27] : memref<2000x256xf32, #tpu.memory_space<vmem>>, vector<2000x256xf32>
    tpu.vector_store %arg7[%swap3A_26, %swap3A_27], %slice3A_25 {strides = array<i32>} : memref<2000x256xf32, #tpu.memory_space<vmem>>, vector<2000x256xf32>,
    return
  }
  func.func @transform_0(%arg0: i32) -> (i32, i32) {
    %c0_i32 = arith.constant 0 : i32
    %c0_i32_0 = arith.constant 0 : i32
    return %arg0, %c0_i32 : i32, i32
  }
  func.func @transform_1(%arg0: i32) -> (i32, i32) {
    %c0_i32 = arith.constant 0 : i32
    %c0_i32_0 = arith.constant 0 : i32
    %c0_i32_1 = arith.constant 0 : i32
    return %c0_i32, %c0_i32_0 : i32, i32
  }
  func.func @transform_2(%arg0: i32) -> (i32, i32) {
    %c0_i32 = arith.constant 0 : i32
    %c0_i32_0 = arith.constant 0 : i32
    %c0_i32_1 = arith.constant 0 : i32
    return %c0_i32, %c0_i32_0 : i32, i32
  }
  func.func @transform_3(%arg0: i32) -> (i32, i32) {
    %c0_i32 = arith.constant 0 : i32
    %c0_i32_0 = arith.constant 0 : i32
    return %arg0, %c0_i32 : i32, i32
  }
  func.func @transform_4(%arg0: i32) -> (i32, i32) {
    %c0_i32 = arith.constant 0 : i32
    %c0_i32_0 = arith.constant 0 : i32
    return %arg0, %c0_i32 : i32, i32
  }
  func.func @transform_5(%arg0: i32) -> (i32, i32) {
    %c0_i32 = arith.constant 0 : i32
    %c0_i32_0 = arith.constant 0 : i32
    return %arg0, %c0_i32 : i32, i32
  }
  func.func @transform_6(%arg0: i32) -> (i32, i32) {
    %c0_i32 = arith.constant 0 : i32
    %c0_i32_0 = arith.constant 0 : i32
    return %arg0, %c0_i32 : i32, i32
  }
}

module attributes {stable_mosaic.version = 14 : i64} {
  func.func @body(%arg0: i32, %arg1: memref<2000x256xf32, #tpu.memory_space<vmem>>, %arg2: memref<2000x128xf32, #tpu.memory_space<vmem>>, %arg3: memref<1x128xf32, #tpu.memory_space<vmem>>, %arg4: memref<1x1xf32, #tpu.memory_space<vmem>>, %arg5: memref<2000x6xf32, #tpu.memory_space<vmem>>, %arg6: memref<2000x1xf32, #tpu.memory_space<vmem>>) attributes {dimension_semantics = [#tpu.dimension_semantics<arbitrary>], iteration_bounds = array<i64: 160>, scalar_prefetch = 0 : i64, scratch_operands = 0 : i64, tpu.core_type = #tpu.core_type<tc>, window_params = [{transform_indices = @transform_0, window_bounds = array<i64: 2000, 256>}, {transform_indices = @transform_1, window_bounds = array<i64: 2000, 128>}, {pipeline_mode = #tpu.pipeline_mode<synchronous>, transform_indices = @transform_2, window_bounds = array<i64: 1, 128>}, {pipeline_mode = #tpu.pipeline_mode<synchronous>, transform_indices = @transform_3, window_bounds = array<i64: 1, 1>}, {transform_indices = @transform_4, window_bounds = array<i64: 2000, 6>}, {transform_indices = @transform_5, window_bounds = array<i64: 2000, 1>}]} {
    %get3A = arith.constant 0 : index
    %get3A_0 = arith.constant 0 : index
    %get3A_1 = vector.load %arg1[%get3A, %get3A_0] : memref<2000x256xf32, #tpu.memory_space<vmem>>, vector<2000x256xf32>
    %slice3A = vector.extract_strided_slice %get3A_1 {offsets = [0, 128], sizes = [2000, 6], strides = [1, 1]} : vector<2000x256xf32> to vector<2000x6xf32>
    %reduce_max3A = arith.constant dense<0xFF800000> : vector<2000xf32>
    %reduce_max3A_2 = vector.multi_reduction <maximumf>, %slice3A, %reduce_max3A [1] : vector<2000x6xf32> to vector<2000xf32>
    %broadcast_in_dim3A = vector.shape_cast %reduce_max3A_2 : vector<2000xf32> to vector<2000x1xf32>
    %sub3A = vector.broadcast %broadcast_in_dim3A : vector<2000x1xf32> to vector<2000x6xf32>
    %sub3A_3 = arith.subf %slice3A, %sub3A : vector<2000x6xf32>
    %exp3A = math.exp %sub3A_3 : vector<2000x6xf32>
    %reduce_sum3A = arith.constant dense<0.000000e+00> : vector<2000xf32>
    %reduce_sum3A_4 = vector.multi_reduction <add>, %exp3A, %reduce_sum3A [1] : vector<2000x6xf32> to vector<2000xf32>
    %broadcast_in_dim3A_5 = vector.shape_cast %reduce_sum3A_4 : vector<2000xf32> to vector<2000x1xf32>
    %div3A = vector.broadcast %broadcast_in_dim3A_5 : vector<2000x1xf32> to vector<2000x6xf32>
    %div3A_6 = arith.divf %exp3A, %div3A : vector<2000x6xf32>
    %swap3A = arith.constant 0 : index
    %swap3A_7 = arith.constant 0 : index
    %swap3A_8 = vector.load %arg5[%swap3A, %swap3A_7] : memref<2000x6xf32, #tpu.memory_space<vmem>>, vector<2000x6xf32>
    tpu.vector_store %arg5[%swap3A, %swap3A_7], %div3A_6 {strides = array<i32>} : memref<2000x6xf32, #tpu.memory_space<vmem>>, vector<2000x6xf32>,
    %slice3A_9 = vector.extract_strided_slice %get3A_1 {offsets = [0, 0], sizes = [2000, 128], strides = [1, 1]} : vector<2000x256xf32> to vector<2000x128xf32>
    %get3A_10 = arith.constant 0 : index
    %get3A_11 = arith.constant 0 : index
    %get3A_12 = vector.load %arg2[%get3A_10, %get3A_11] : memref<2000x128xf32, #tpu.memory_space<vmem>>, vector<2000x128xf32>
    %add3A = arith.addf %slice3A_9, %get3A_12 : vector<2000x128xf32>
    %max3A = arith.constant 0.000000e+00 : f32
    %max3A_13 = vector.broadcast %max3A : f32 to vector<2000x128xf32>
    %max3A_14 = arith.maximumf %add3A, %max3A_13 : vector<2000x128xf32>
    %get3A_15 = arith.constant 0 : index
    %get3A_16 = arith.constant 0 : index
    %get3A_17 = vector.load %arg3[%get3A_15, %get3A_16] : memref<1x128xf32, #tpu.memory_space<vmem>>, vector<1x128xf32>
    %mul3A = vector.broadcast %get3A_17 : vector<1x128xf32> to vector<2000x128xf32>
    %mul3A_18 = arith.mulf %max3A_14, %mul3A : vector<2000x128xf32>
    %reduce_sum3A_19 = arith.constant dense<0.000000e+00> : vector<2000xf32>
    %reduce_sum3A_20 = vector.multi_reduction <add>, %mul3A_18, %reduce_sum3A_19 [1] : vector<2000x128xf32> to vector<2000xf32>
    %broadcast_in_dim3A_21 = vector.shape_cast %reduce_sum3A_20 : vector<2000xf32> to vector<2000x1xf32>
    %get3A_22 = arith.constant 0 : index
    %get3A_23 = arith.constant 0 : index
    %get3A_24 = vector.load %arg4[%get3A_22, %get3A_23] : memref<1x1xf32, #tpu.memory_space<vmem>>, vector<1x1xf32>
    %add3A_25 = vector.broadcast %get3A_24 : vector<1x1xf32> to vector<2000x1xf32>
    %add3A_26 = arith.addf %broadcast_in_dim3A_21, %add3A_25 : vector<2000x1xf32>
    %neg3A = arith.constant 0.000000e+00 : f32
    %neg3A_27 = vector.broadcast %neg3A : f32 to vector<2000x1xf32>
    %neg3A_28 = arith.subf %neg3A_27, %add3A_26 : vector<2000x1xf32>
    %exp3A_29 = math.exp %neg3A_28 : vector<2000x1xf32>
    %add3A_30 = arith.constant 1.000000e+00 : f32
    %add3A_31 = vector.broadcast %add3A_30 : f32 to vector<2000x1xf32>
    %add3A_32 = arith.addf %add3A_31, %exp3A_29 : vector<2000x1xf32>
    %div3A_33 = arith.constant 1.000000e+00 : f32
    %div3A_34 = vector.broadcast %div3A_33 : f32 to vector<2000x1xf32>
    %div3A_35 = arith.divf %div3A_34, %add3A_32 : vector<2000x1xf32>
    %swap3A_36 = arith.constant 0 : index
    %swap3A_37 = arith.constant 0 : index
    %swap3A_38 = vector.load %arg6[%swap3A_36, %swap3A_37] : memref<2000x1xf32, #tpu.memory_space<vmem>>, vector<2000x1xf32>
    tpu.vector_store %arg6[%swap3A_36, %swap3A_37], %div3A_35 {strides = array<i32>} : memref<2000x1xf32, #tpu.memory_space<vmem>>, vector<2000x1xf32>,
    return
  }
  func.func @transform_0(%arg0: i32) -> (i32, i32) {
    %c0_i32 = arith.constant 0 : i32
    %c0_i32_0 = arith.constant 0 : i32
    return %arg0, %c0_i32 : i32, i32
  }
  func.func @transform_1(%arg0: i32) -> (i32, i32) {
    %c0_i32 = arith.constant 0 : i32
    %c0_i32_0 = arith.constant 0 : i32
    return %arg0, %c0_i32 : i32, i32
  }
  func.func @transform_2(%arg0: i32) -> (i32, i32) {
    %c0_i32 = arith.constant 0 : i32
    %c0_i32_0 = arith.constant 0 : i32
    %c0_i32_1 = arith.constant 0 : i32
    return %c0_i32, %c0_i32_0 : i32, i32
  }
  func.func @transform_3(%arg0: i32) -> (i32, i32) {
    %c0_i32 = arith.constant 0 : i32
    %c0_i32_0 = arith.constant 0 : i32
    %c0_i32_1 = arith.constant 0 : i32
    return %c0_i32, %c0_i32_0 : i32, i32
  }
  func.func @transform_4(%arg0: i32) -> (i32, i32) {
    %c0_i32 = arith.constant 0 : i32
    %c0_i32_0 = arith.constant 0 : i32
    return %arg0, %c0_i32 : i32, i32
  }
  func.func @transform_5(%arg0: i32) -> (i32, i32) {
    %c0_i32 = arith.constant 0 : i32
    %c0_i32_0 = arith.constant 0 : i32
    return %arg0, %c0_i32 : i32, i32
  }
}

</mosaic_0001>

<sc_bundles>
// kernel: kernel.19.cloned.1.call-start
scs
__scs_entry_jumppad:
0x0: {  	(pc) =	sbr.rel $0x88, $3  }
0x1: {  	(tag) =	ssettag $0x0;
	lr =	simm.s32 $0x1  }
0x2: {  	[smem:$0x3F80] =	sst lr;
	_ =	strace $0xD0000000  }
0x3: {  	_ = 	snop  }
0x4: {  	_ = 	snop  }
0x5: {  	_ = 	snop  }
0x6: {  	_ = 	snop  }
0x7: {  	_ = 	snop  }
__scs_overlays_trampoline_lowered:
0x8: {  	[smem:$0x3F8F] =	sst s0  }
0x9: {  	[smem:$0x3F90] =	sst s1  }
0xa: {  	[smem:$0x3F91] =	sst s2  }
0xb: {  	[smem:$0x3F92] =	sst s3  }
0xc: {  	[smem:$0x3F93] =	sst s4  }
0xd: {  	[smem:$0x3F94] =	sst s5  }
0xe: {  	[smem:$0x3F95] =	sst s6  }
0xf: {  	[smem:$0x3F96] =	sst s7  }
0x10: {  	[smem:$0x3F97] =	sst s8  }
0x11: {  	[smem:$0x3F98] =	sst s9;
	s0 =	simm.s32 @!p0 $0x0  }
0x12: {  	s1 =	sld [smem:$0x3F7E];
	s0 =	simm.s32 @p0 $0x1  }
0x13: {  	[smem:$0x3F99] =	sst s0;
	s0 =	simm.s32 @!p1 $0x0  }
0x14: {  	s2 =	sld [smem:$0x3F7D];
	s0 =	simm.s32 @p1 $0x1  }
0x15: {  	[smem:$0x3F9A] =	sst s0;
	s0 =	simm.s32 @!p2 $0x0  }
0x16: {  	s3 =	sld [smem:$0x3FDB];
	s0 =	simm.s32 @p2 $0x1  }
0x17: {  	s4 =	simm.s32 $0x1BF5;
	[smem:$0x3F9C] =	sst s0  }
0x18: {  	s0 =	sld [smem:$0x3F7F];
	_ =	swait.ge [sflag:s4], $0x0  }
0x19: {  	s7 =	sld [smem:$0x3F80]  }
0x1a: {  	s8 =	sadd.s32 $0xFFFFE003, lr  }
0x1b: {  	s9 =	sadd.s32 $0xFFFFFEF7, lr;
	s5 =	simm.s32 $0xFFFFFFFF;
	p2 =	slt.u32 s8, $0xFFFFF086  }
0x1c: {  	p1 =	slt.u32 s9, $0xF7A;
	s5 =	simm.s32 @!p2 $0x0  }
0x1d: {  	s5 =	simm.s32 @p1 $0x1;
	p0 =	seq.s32 s7, s2  }
0x1e: {  	s7 =	smul.u32 @!p0 $0xF7A, s2;
	p2 =	seq.s32 @!p0 s5, $0x0  }
0x1f: {  	s9 =	smul.u32 $0xF7A, s1;
	s8 =	simm.s32 @!p0 $0x1BF5;
	p2 =	por !p2, p0  }
0x20: {  	[sflag:s8] =	ssyncset.s32 @!p0 $0xFFFFF086;
	s6 =	sadd.s32 @!p0 s3, s7;
	s7 =	simm.s32 @!p0 $0x108  }
0x21: {  	s3 =	sadd.s32 s3, s9;
	s6 =	sadd.s32 @!p0 $0x88, s6;
	s7 =	simm.s32 @p2 $0x1082  }
0x22: {  	[simem:s7], [sflag:s8] =	dma.local @!p0 [hbm:s6], $0xF7A  }
0x23: {  	s9 =	sor.u32 $0xD0000000, s2;
	s6 =	simm.s32 $0x108;
	_ =	swait.ge @!p0 [sflag:s8], $0x0  }
0x24: {  	s3 =	sadd.s32 $0x88, s3;
	s6 =	simm.s32 @!p1 $0x1082;
	[sflag:s4] =	ssyncset.s32 $0xFFFFF086  }
0x25: {  	[simem:s6], [sflag:s4] =	dma.local [hbm:s3], $0xF7A  }
0x26: {  	[smem:$0x3F80] =	sst s1;
	(tag) =	ssettag s2;
	_ =	strace s9  }
0x27: {  	s1 =	sld [smem:$0x3F90]  }
0x28: {  	s2 =	sld [smem:$0x3F91]  }
0x29: {  	s4 =	sld [smem:$0x3F93]  }
0x2a: {  	p0 =	seq.s32 s5, $0x0;
	s5 =	sld [smem:$0x3F94]  }
0x2b: {  	s6 =	sld [smem:$0x3F95]  }
0x2c: {  	s7 =	sld [smem:$0x3F96]  }
0x2d: {  	s3 =	simm.s32 $0x108;
	s8 =	sld [smem:$0x3F97]  }
0x2e: {  	s3 =	simm.s32 @!p0 $0x1082;
	s9 =	sld [smem:$0x3F98]  }
0x2f: {  	lr =	sadd.s32 s0, s3;
	s0 =	sld [smem:$0x3F8F]  }
0x30: {  	s3 =	sld [smem:$0x3F92]  }
0x31: {  	[smem:$0x3F9B] =	sst s10  }
0x32: {  	s10 =	sld [smem:$0x3F99];
	_ =	sdelay $0x3  }
0x33: {  	p0 =	seq.s32 s10, $0x1;
	s10 =	sld [smem:$0x3F9B];
	_ =	sdelay $0x3  }
0x34: {  	[smem:$0x3F9B] =	sst s10  }
0x35: {  	s10 =	sld [smem:$0x3F9A];
	_ =	sdelay $0x3  }
0x36: {  	p1 =	seq.s32 s10, $0x1;
	s10 =	sld [smem:$0x3F9B];
	_ =	sdelay $0x3  }
0x37: {  	[smem:$0x3F9B] =	sst s10  }
0x38: {  	s10 =	sld [smem:$0x3F9C]  }
0x39: {  	_ = 	snop;
	(pc) =	sbr.ind lr, $3  }
0x3a: {  	_ = 	snop  }
0x3b: {  	_ = 	snop  }
0x3c: {  	p2 =	seq.s32 s10, $0x1;
	s10 =	sld [smem:$0x3F9B]  }
0x3d: {  	_ =	shalt  }
0x3e: {  	_ =	shalt  }
0x3f: {  	_ =	shalt  }
0x40: {  	_ =	shalt  }
0x41: {  	_ =	shalt  }
0x42: {  	_ =	shalt  }
0x43: {  	_ =	shalt  }
0x44: {  	_ =	shalt  }
0x45: {  	_ =	shalt  }
0x46: {  	_ =	shalt  }
0x47: {  	_ =	shalt  }
0x48: {  	_ =	shalt  }
0x49: {  	_ =	shalt  }
0x4a: {  	_ =	shalt  }
0x4b: {  	_ =	shalt  }
0x4c: {  	_ =	shalt  }
0x4d: {  	_ =	shalt  }
0x4e: {  	_ =	shalt  }
0x4f: {  	_ =	shalt  }
0x50: {  	_ =	shalt  }
0x51: {  	_ =	shalt  }
0x52: {  	_ =	shalt  }
0x53: {  	_ =	shalt  }
0x54: {  	_ =	shalt  }
0x55: {  	_ =	shalt  }
0x56: {  	_ =	shalt  }
0x57: {  	_ =	shalt  }
0x58: {  	_ =	shalt  }
0x59: {  	_ =	shalt  }
0x5a: {  	_ =	shalt  }
0x5b: {  	_ =	shalt  }
0x5c: {  	_ =	shalt  }
0x5d: {  	_ =	shalt  }
0x5e: {  	_ =	shalt  }
0x5f: {  	_ =	shalt  }
0x60: {  	_ =	shalt  }
0x61: {  	_ =	shalt  }
0x62: {  	_ =	shalt  }
0x63: {  	_ =	shalt  }
0x64: {  	_ =	shalt  }
0x65: {  	_ =	shalt  }
0x66: {  	_ =	shalt  }
0x67: {  	_ =	shalt  }
0x68: {  	_ =	shalt  }
0x69: {  	_ =	shalt  }
0x6a: {  	_ =	shalt  }
0x6b: {  	_ =	shalt  }
0x6c: {  	_ =	shalt  }
0x6d: {  	_ =	shalt  }
0x6e: {  	_ =	shalt  }
0x6f: {  	_ =	shalt  }
0x70: {  	_ =	shalt  }
0x71: {  	_ =	shalt  }
0x72: {  	_ =	shalt  }
0x73: {  	_ =	shalt  }
0x74: {  	_ =	shalt  }
0x75: {  	_ =	shalt  }
0x76: {  	_ =	shalt  }
0x77: {  	_ =	shalt  }
0x78: {  	_ =	shalt  }
0x79: {  	_ =	shalt  }
0x7a: {  	_ =	shalt  }
0x7b: {  	_ =	shalt  }
0x7c: {  	_ =	shalt  }
0x7d: {  	_ =	shalt  }
0x7e: {  	_ =	shalt  }
0x7f: {  	_ =	shalt  }
0x80: {  	_ =	shalt  }
0x81: {  	_ =	shalt  }
0x82: {  	_ =	shalt  }
0x83: {  	_ =	shalt  }
0x84: {  	_ =	shalt  }
0x85: {  	_ =	shalt  }
0x86: {  	_ =	shalt  }
0x87: {  	_ =	shalt  }
.Lfunc_end0:
.L_simem_size_0:
called_computation_lowered:
.L_overlay_start_0:
0x88: {  	s2 =	sld [smem:$0x3FD9]  }
0x89: {  	s3 =	sld [smem:$0x3FFE];
	_ =	sdelay $0x1  }
0x8a: {  	s1 =	srdreg.scid  }
0x8b: {  	s0 =	sand.u32 $0x1, s1  }
0x8c: {  	s14 =	sshll.u32 s0, $0xA;
	s2 =	sadd.s32 s3, s2  }
0x8d: {  	s2 =	sadd.s32 s2, s14  }
0x8e: {  	[smem:$0x3FA7] =	sst s2  }
0x8f: {  	_ = 	snop  }
0x90: {  	s2 =	sld [smem:$0x3FD0];
	_ =	sdelay $0x2  }
0x91: {  	s15 =	simm.s32 $0xA;
	s4 =	simm.s32 $0x10  }
0x92: {  	[smem:s4], [sflag:s15] =	dma.local [hbm:s2], $0x1  }
0x93: {  	_ =	swait.eq [sflag:s15], $0x1  }
0x94: {  	[sflag:s15] =	ssyncset.done $0x0  }
0x95: {  	s16 =	sld [smem:$0x11];
	[sflag:s15] =	ssyncadd.s32 $0xFFFFFFFF  }
0x96: {  	s17 =	sld [smem:$0x13];
	(tm) =	ssettm $0x1  }
0x97: {  	s18 =	sld [smem:$0x3FFB];
	_ =	sdelay $0x3  }
0x98: {  	_ =	strace s18  }
0x99: {  	s4 =	sld [smem:$0x3FFC];
	_ =	sdelay $0x3  }
0x9a: {  	_ =	strace s4  }
0x9b: {  	s4 =	sld [smem:$0x3FFD];
	_ =	sdelay $0x3  }
0x9c: {  	_ =	strace s4  }
0x9d: {  	_ =	strace $0x8FFFFFFF  }
0x9e: {  	s19 =	sld [smem:$0x3FDB];
	_ =	sdelay $0x1  }
0x9f: {  	s5 =	simm.s32 $_scs_section_size  }
0xa0: {  	s6 =	simm.s32 $_size__tile_overlayer_lowered;
	s7 =	simm.s32 $_tile_overlayer_lowered  }
0xa1: {  	s22 =	simm.s32 $0x1BFF;
	s21 =	sshll.u32 s7, $0x1;
	s4 =	sadd.s32 s5, s19  }
0xa2: {  	s8 =	simm.s32 $0x0;
	s20 =	sshll.u32 s6, $0x1;
	s6 =	sadd.s32 s21, s4  }
0xa3: {  	[timem:s8], [sflag:s22] =	dma.local [hbm:s6], s20  }
0xa4: {  	_ =	swait.ge [sflag:s22], s20  }
0xa5: {  	s5 =	ssub.s32 $0x0, s20;
	[sflag:s22] =	ssyncset.done $0x0  }
0xa6: {  	[sflag:s22] =	ssyncadd.s32 s5;
	_ =	sdelay $0x1  }
0xa7: {  	s23 =	simm.s32 $0x1B8B  }
0xa8: {  	_ =	swait.ge [sflag:s23], $0x1  }
0xa9: {  	[sflag:s23] =	ssyncset.done $0x0  }
0xaa: {  	s25 =	simm.s32 $0x1B8E;
	s24 =	sld [smem:$0x3FFE];
	[sflag:s23] =	ssyncadd.s32 $0xFFFFFFFF  }
0xab: {  	s26 =	simm.s32 $execute0_lowered;
	[smem:$0x3FD2] =	sst s25  }
0xac: {  	s6 =	sshll.u32 s26, $0x1;
	_ =	strace $0x80000046;
	[dreg:$0x1] =	wrdreg $0xFFFFFFFF  }
0xad: {  	s28 =	simm.s32 $_size_execute0_lowered;
	s4 =	sadd.s32 s4, s6;
	[dreg:$0x0] =	wrdreg $0x0  }
0xae: {  	s6 =	sshll.u32 s28, $0x1;
	[dreg:$0x2] =	wrdreg s4  }
0xaf: {  	[dreg:$0x3] =	wrdreg s6  }
0xb0: {  	[dreg:$0x4] =	wrdreg $0xC0  }
0xb1: {  	_ =	task [dreg:s8], $0x5FFFF  }
0xb2: {  	[dreg:$0x1] =	wrdreg $0xFFFFFFFF  }
0xb3: {  	[dreg:$0x0] =	wrdreg $0x60  }
0xb4: {  	[dreg:$0x2] =	wrdreg s17  }
0xb5: {  	[dreg:$0x3] =	wrdreg s16  }
0xb6: {  	[dreg:$0x4] =	wrdreg s24  }
0xb7: {  	[dreg:$0x5] =	wrdreg $0x9  }
0xb8: {  	_ =	task.clear_ibuf [dreg:s8], $0x6FFFF;
	_ =	strace $0x90000046  }
0xb9: {  	s29 =	simm.s32 $0x9;
	_ =	strace $0x80000048  }
0xba: {  	_ =	swait.ge [sflag:s29], $0x1  }
0xbb: {  	[sflag:s29] =	ssyncadd.s32 $0xFFFFFFFF  }
0xbc: {  	_ =	strace $0x90000048  }
0xbd: {  	_ =	sfence  }
0xbe: {  	s30 =	sld [smem:$0x0];
	_ =	sdelay $0x2  }
0xbf: {  	s31 =	sshll.u32 s1, $0xD;
	s1 =	sshrl.u32 s1, $0x2  }
0xc0: {  	s3 =	sand.u32 $0x4000, s31;
	s1 =	sadd.s32 s1, s30  }
0xc1: {  	s0 =	sor.u32 s3, s0;
	s1 =	sshll.u32 s1, $0x11  }
0xc2: {  	s0 =	sor.u32 s1, s0  }
0xc3: {  	s0 =	sadd.s32 $0x8F2B, s0  }
0xc4: {  	[sflag:s0] =	ssyncadd.remote.s32 $0x1  }
0xc5: {  	_ =	sfence.sel $0xFFFF  }
0xc6: {  	[dreg:$0x0] =	wrdreg $0xFFFFFFFF;
	(pc) =	sbr.abs _section_cstart, $3  }
0xc7: {  	[dreg:$0x1] =	wrdreg $0xFFFFFFFF  }
0xc8: {  	_ =	task.clear_ibuf [dreg:s8], $0x2FFFF;
	_ =	strace $0x9FFFFFFF  }
0xc9: {  	(tm) =	ssettm $0x7FFFFFFF  }
tec
execute0_lowered:
.L_overlay_start_1:
0x0: {  	(tag) =	ssettag $0x1  }
0x1: {  	s1 =	rddreg [dreg:$0x0]  }
0x2: {  	s2 =	rddreg [dreg:$0x1]  }
0x3: {  	s0 =	rddreg [dreg:$0x2];
	s4 =	simm.s32 $0x0  }
0x4: {  	s3 =	srdreg.scid;
	s15 =	stileid.u32;
	s16 =	simm.s32 $0x50  }
0x5: {  	s17 =	simm.s32 $0x100;
	s18 =	simm.s32 $0x5100;
	s19 =	simm.s32 $0x5200  }
0x6: {  	s20 =	simm.s32 $0x80;
	s21 =	simm.s32 $0x2900;
	s22 =	simm.s32 $0x5180  }
0x7: {  	s28 =	simm.s32 $0x4;
	s29 =	simm.s32 $0x0;
	[smem:$0x7FF] =	sst s4  }
0x8: {  	s3 =	sand.u32 $0x1, s3;
	s6 =	sshll.u32 s15, $0x1;
	s13 =	smul.u32 $0x4E20, s15  }
0x9: {  	s5 =	sadd.s32 $0x11400, s0;
	s12 =	sadd.s32 $0x1B200, s0;
	s15 =	smul.u32 $0x4E200, s15  }
0xa: {  	_ =	strace $0x80000047;
	s7 =	sor.u32 s3, s6;
	s14 =	smul.u32 $0x2710, s3  }
0xb: {  	s6 =	sadd.s32 $0x7600, s0;
	s9 =	ssub.s32 $0x2, s3;
	s8 =	smul.u32 $0x2710, s7  }
0xc: {  	s0 =	sadd.s32 $0x4FD200, s0;
	s10 =	smul.u32 $0x27100, s7;
	s23 =	sshrl.u32 s9, $0x1  }
0xd: {  	s3 =	smul.u32 $0x27100, s3;
	s11 =	ssub.s32 s9, s23;
	s13 =	sadd.s32 s14, s13  }
0xe: {  	s23 =	simm.s32 $0x7A00;
	s8 =	sshrl.u32 s8, $0x3;
	s10 =	sadd.s32 $0x26C00, s10  }
0xf: {  	s11 =	smax.u32 s11, $0x1;
	s14 =	sadd.s32 $0x50, s13;
	s24 =	sadd.s32 s5, s8  }
0x10: {  	s25 =	sadd.s32 s6, s8;
	s26 =	sadd.s32 s12, s10;
	[dreg:$0x6] =	wrdreg s24  }
0x11: {  	s30 =	sadd.s32 s0, s10;
	s12 =	sadd.s32 s15, s12;
	[dreg:$0x7] =	wrdreg s25  }
0x12: {  	s0 =	sadd.s32 s15, s0;
	s31 =	sshrl.u32 s14, $0x3;
	[dreg:$0x8] =	wrdreg s26  }
0x13: {  	s15 =	simm.s32 $0x5;
	[dreg:$0x9] =	wrdreg s30;
	s12 =	sadd.s32 s3, s12  }
0x14: {  	s3 =	sadd.s32 s3, s0;
	s0 =	sadd.s32 $0xA0, s13;
	s14 =	sadd.s32 s31, s5  }
0x15: {  	s24 =	simm.s32 $0x1;
	s25 =	simm.s32 $0x3;
	[dreg:$0x4] =	wrdreg s12  }
0x16: {  	s26 =	simm.s32 $0x2;
	[dreg:$0x5] =	wrdreg s3;
	s3 =	sadd.s32 s31, s6  }
.LBB2_1:
0x17: {  	s7 =	rddreg [dreg:$0x6]  }
0x18: {  	[tilespmem:s4], [sflag:$0x5] =	stream.linear.gather [hbm4b:s7+s4], $0x50, $0x38;
	[tilespmem:$0xA200] =	vst v63  }
0x19: {  	_ =	swait.ge [sflag:s15], $0x50  }
0x1a: {  	[sflag:s15] =	ssyncset.done $0x0  }
0x1b: {  	[sflag:s15] =	ssyncadd.s32 $0xFFFFFFB0  }
0x1c: {  	[tilespmem:s17], [sflag:$0x1] =	stream.indirect.gather [hbm4b:s1+s16], $0x80, s4, s16, $0xb8;
	[tilespmem:$0xA200] =	vst v63  }
0x1d: {  	s12 =	rddreg [dreg:$0x7]  }
0x1e: {  	[tilespmem:s18], [sflag:$0x5] =	stream.linear.gather [hbm4b:s12+s4], $0x50, $0x38;
	[tilespmem:$0xA200] =	vst v63  }
0x1f: {  	_ =	swait.ge [sflag:s15], $0x50  }
0x20: {  	[sflag:s15] =	ssyncset.done $0x0  }
0x21: {  	[sflag:s15] =	ssyncadd.s32 $0xFFFFFFB0  }
0x22: {  	[tilespmem:s19], [sflag:$0x3] =	stream.indirect.gather [hbm4b:s2+s16], $0x80, s18, s16, $0xb8;
	[tilespmem:$0xA200] =	vst v63  }
0x23: {  	_ = 	snop  }
0x24: {  	[tilespmem:s20], [sflag:$0x5] =	stream.linear.gather [hbm4b:s14+s4], $0x50, $0x38;
	[tilespmem:$0xA200] =	vst v63  }
0x25: {  	_ =	swait.ge [sflag:s15], $0x50  }
0x26: {  	[sflag:s15] =	ssyncset.done $0x0  }
0x27: {  	[sflag:s15] =	ssyncadd.s32 $0xFFFFFFB0  }
0x28: {  	[tilespmem:s21], [sflag:$0x2] =	stream.indirect.gather [hbm4b:s1+s16], $0x80, s20, s16, $0xb8;
	[tilespmem:$0xA200] =	vst v63  }
0x29: {  	_ = 	snop  }
0x2a: {  	[tilespmem:s22], [sflag:$0x5] =	stream.linear.gather [hbm4b:s3+s4], $0x50, $0x38;
	[tilespmem:$0xA200] =	vst v63  }
0x2b: {  	_ =	swait.ge [sflag:s15], $0x50  }
0x2c: {  	[sflag:s15] =	ssyncset.done $0x0  }
0x2d: {  	[sflag:s15] =	ssyncadd.s32 $0xFFFFFFB0  }
0x2e: {  	[tilespmem:s23], [sflag:$0x4] =	stream.indirect.gather [hbm4b:s2+s16], $0x80, s22, s16, $0xb8;
	[tilespmem:$0xA200] =	vst v63  }
0x2f: {  	_ =	swait.ge [sflag:s24], $0x2800  }
0x30: {  	s12 =	rddreg [dreg:$0x4];
	[sflag:s24] =	ssyncset.done $0x0  }
0x31: {  	[sflag:s24] =	ssyncadd.s32 $0xFFFFD800;
	s12 =	sadd.s32 $0x0, s12  }
0x32: {  	[hbm4b:s12+s4] =	stream.linear.scatter [tilespmem:s17], [sflag:$0x5], $0x2800, $0x38;
	[tilespmem:$0xA200] =	vst v63  }
0x33: {  	_ =	swait.ge [sflag:s15], $0x2800  }
0x34: {  	[sflag:s15] =	ssyncset.done $0x0  }
0x35: {  	[sflag:s15] =	ssyncadd.s32 $0xFFFFD800  }
0x36: {  	_ =	swait.ge [sflag:s25], $0x2800  }
0x37: {  	s13 =	rddreg [dreg:$0x5];
	[sflag:s25] =	ssyncset.done $0x0  }
0x38: {  	[sflag:s25] =	ssyncadd.s32 $0xFFFFD800;
	s13 =	sadd.s32 $0x0, s13  }
0x39: {  	[hbm4b:s13+s4] =	stream.linear.scatter [tilespmem:s19], [sflag:$0x5], $0x2800, $0x38;
	[tilespmem:$0xA200] =	vst v63  }
0x3a: {  	_ =	swait.ge [sflag:s15], $0x2800  }
0x3b: {  	s30 =	sshrl.u32 s0, $0x3;
	[sflag:s15] =	ssyncset.done $0x0  }
0x3c: {  	s31 =	sadd.s32 s5, s30;
	[sflag:s15] =	ssyncadd.s32 $0xFFFFD800  }
0x3d: {  	[tilespmem:s4], [sflag:$0x5] =	stream.linear.gather [hbm4b:s31+s4], $0x50, $0x38;
	[tilespmem:$0xA200] =	vst v63  }
0x3e: {  	_ =	swait.ge [sflag:s15], $0x50  }
0x3f: {  	[sflag:s15] =	ssyncset.done $0x0  }
0x40: {  	[sflag:s15] =	ssyncadd.s32 $0xFFFFFFB0  }
0x41: {  	[tilespmem:s17], [sflag:$0x1] =	stream.indirect.gather [hbm4b:s1+s16], $0x80, s4, s16, $0xb8;
	[tilespmem:$0xA200] =	vst v63  }
0x42: {  	s30 =	sadd.s32 s6, s30  }
0x43: {  	[tilespmem:s18], [sflag:$0x5] =	stream.linear.gather [hbm4b:s30+s4], $0x50, $0x38;
	[tilespmem:$0xA200] =	vst v63  }
0x44: {  	_ =	swait.ge [sflag:s15], $0x50  }
0x45: {  	[sflag:s15] =	ssyncset.done $0x0  }
0x46: {  	[sflag:s15] =	ssyncadd.s32 $0xFFFFFFB0  }
0x47: {  	[tilespmem:s19], [sflag:$0x3] =	stream.indirect.gather [hbm4b:s2+s16], $0x80, s18, s16, $0xb8;
	[tilespmem:$0xA200] =	vst v63  }
0x48: {  	_ =	swait.ge [sflag:s26], $0x2800  }
0x49: {  	[sflag:s26] =	ssyncset.done $0x0  }
0x4a: {  	s12 =	sadd.s32 $0x500, s12;
	[sflag:s26] =	ssyncadd.s32 $0xFFFFD800  }
0x4b: {  	[hbm4b:s12+s4] =	stream.linear.scatter [tilespmem:s21], [sflag:$0x5], $0x2800, $0x38;
	[tilespmem:$0xA200] =	vst v63  }
0x4c: {  	_ =	swait.ge [sflag:s15], $0x2800  }
0x4d: {  	[sflag:s15] =	ssyncset.done $0x0  }
0x4e: {  	[sflag:s15] =	ssyncadd.s32 $0xFFFFD800  }
0x4f: {  	_ =	swait.ge [sflag:s28], $0x2800  }
0x50: {  	[sflag:s28] =	ssyncset.done $0x0  }
0x51: {  	s13 =	sadd.s32 $0x500, s13;
	[sflag:s28] =	ssyncadd.s32 $0xFFFFD800  }
0x52: {  	[hbm4b:s13+s4] =	stream.linear.scatter [tilespmem:s23], [sflag:$0x5], $0x2800, $0x38;
	[tilespmem:$0xA200] =	vst v63  }
0x53: {  	s31 =	sadd.s32 $0x14, s14;
	s30 =	simm.s32 $0xA00;
	_ =	swait.ge [sflag:s15], $0x2800  }
0x54: {  	s12 =	smov.u32 s0;
	s13 =	smov.u32 s3;
	[sflag:s15] =	ssyncset.done $0x0  }
.LBB2_2:
0x55: {  	[sflag:s15] =	ssyncadd.s32 $0xFFFFD800  }
0x56: {  	[tilespmem:s20], [sflag:$0x5] =	stream.linear.gather [hbm4b:s31+s4], $0x50, $0x38;
	[tilespmem:$0xA200] =	vst v63  }
0x57: {  	_ =	swait.ge [sflag:s15], $0x50  }
0x58: {  	[sflag:s15] =	ssyncset.done $0x0  }
0x59: {  	[sflag:s15] =	ssyncadd.s32 $0xFFFFFFB0  }
0x5a: {  	[tilespmem:s21], [sflag:$0x2] =	stream.indirect.gather [hbm4b:s1+s16], $0x80, s20, s16, $0xb8;
	[tilespmem:$0xA200] =	vst v63  }
0x5b: {  	s13 =	sadd.s32 $0x14, s13  }
0x5c: {  	[tilespmem:s22], [sflag:$0x5] =	stream.linear.gather [hbm4b:s13+s4], $0x50, $0x38;
	[tilespmem:$0xA200] =	vst v63  }
0x5d: {  	_ =	swait.ge [sflag:s15], $0x50  }
0x5e: {  	[sflag:s15] =	ssyncset.done $0x0  }
0x5f: {  	[sflag:s15] =	ssyncadd.s32 $0xFFFFFFB0  }
0x60: {  	[tilespmem:s23], [sflag:$0x4] =	stream.indirect.gather [hbm4b:s2+s16], $0x80, s22, s16, $0xb8;
	[tilespmem:$0xA200] =	vst v63  }
0x61: {  	_ =	swait.ge [sflag:s24], $0x2800  }
0x62: {  	s7 =	smov.u32 s30;
	s8 =	rddreg [dreg:$0x4];
	[sflag:s24] =	ssyncset.done $0x0  }
0x63: {  	[sflag:s24] =	ssyncadd.s32 $0xFFFFD800;
	s8 =	sadd.s32 s7, s8  }
0x64: {  	[hbm4b:s8+s4] =	stream.linear.scatter [tilespmem:s17], [sflag:$0x5], $0x2800, $0x38;
	[tilespmem:$0xA200] =	vst v63  }
0x65: {  	_ =	swait.ge [sflag:s15], $0x2800  }
0x66: {  	[sflag:s15] =	ssyncset.done $0x0  }
0x67: {  	[sflag:s15] =	ssyncadd.s32 $0xFFFFD800  }
0x68: {  	_ =	swait.ge [sflag:s25], $0x2800  }
0x69: {  	s9 =	rddreg [dreg:$0x5];
	[sflag:s25] =	ssyncset.done $0x0  }
0x6a: {  	[sflag:s25] =	ssyncadd.s32 $0xFFFFD800;
	s7 =	sadd.s32 s7, s9  }
0x6b: {  	[hbm4b:s7+s4] =	stream.linear.scatter [tilespmem:s19], [sflag:$0x5], $0x2800, $0x38;
	[tilespmem:$0xA200] =	vst v63  }
0x6c: {  	s12 =	sadd.s32 $0xA0, s12;
	_ =	swait.ge [sflag:s15], $0x2800  }
0x6d: {  	s9 =	sshrl.u32 s12, $0x3;
	[sflag:s15] =	ssyncset.done $0x0  }
0x6e: {  	s10 =	sadd.s32 s5, s9;
	[sflag:s15] =	ssyncadd.s32 $0xFFFFD800  }
0x6f: {  	[tilespmem:s4], [sflag:$0x5] =	stream.linear.gather [hbm4b:s10+s4], $0x50, $0x38;
	[tilespmem:$0xA200] =	vst v63  }
0x70: {  	_ =	swait.ge [sflag:s15], $0x50  }
0x71: {  	[sflag:s15] =	ssyncset.done $0x0  }
0x72: {  	[sflag:s15] =	ssyncadd.s32 $0xFFFFFFB0  }
0x73: {  	[tilespmem:s17], [sflag:$0x1] =	stream.indirect.gather [hbm4b:s1+s16], $0x80, s4, s16, $0xb8;
	[tilespmem:$0xA200] =	vst v63  }
0x74: {  	s9 =	sadd.s32 s6, s9  }
0x75: {  	[tilespmem:s18], [sflag:$0x5] =	stream.linear.gather [hbm4b:s9+s4], $0x50, $0x38;
	[tilespmem:$0xA200] =	vst v63  }
0x76: {  	_ =	swait.ge [sflag:s15], $0x50  }
0x77: {  	[sflag:s15] =	ssyncset.done $0x0  }
0x78: {  	[sflag:s15] =	ssyncadd.s32 $0xFFFFFFB0  }
0x79: {  	[tilespmem:s19], [sflag:$0x3] =	stream.indirect.gather [hbm4b:s2+s16], $0x80, s18, s16, $0xb8;
	[tilespmem:$0xA200] =	vst v63  }
0x7a: {  	_ =	swait.ge [sflag:s26], $0x2800  }
0x7b: {  	[sflag:s26] =	ssyncset.done $0x0  }
0x7c: {  	s8 =	sadd.s32 $0x500, s8;
	[sflag:s26] =	ssyncadd.s32 $0xFFFFD800  }
0x7d: {  	[hbm4b:s8+s4] =	stream.linear.scatter [tilespmem:s21], [sflag:$0x5], $0x2800, $0x38;
	[tilespmem:$0xA200] =	vst v63  }
0x7e: {  	_ =	swait.ge [sflag:s15], $0x2800  }
0x7f: {  	[sflag:s15] =	ssyncset.done $0x0  }
0x80: {  	[sflag:s15] =	ssyncadd.s32 $0xFFFFD800  }
0x81: {  	p0 =	sne.s32 s30, $0x26200;
	_ =	swait.ge [sflag:s28], $0x2800  }
.Ltmp0:
0x82: {  	[sflag:s28] =	ssyncset.done $0x0;
	(pc) =	sbr.rel @p0 .LBB2_2-.Ltmp0, $4  }
0x83: {  	s7 =	sadd.s32 $0x500, s7;
	[sflag:s28] =	ssyncadd.s32 $0xFFFFD800  }
0x84: {  	[hbm4b:s7+s4] =	stream.linear.scatter [tilespmem:s23], [sflag:$0x5], $0x2800, $0x38;
	[tilespmem:$0xA200] =	vst v63  }
0x85: {  	_ =	swait.ge [sflag:s15], $0x2800  }
0x86: {  	s30 =	sadd.s32 $0xA00, s30;
	s31 =	sadd.s32 $0x14, s31;
	[sflag:s15] =	ssyncset.done $0x0  }
0x87: {  	[sflag:s15] =	ssyncadd.s32 $0xFFFFD800  }
0x88: {  	_ =	swait.ge [sflag:s24], $0x2800  }
0x89: {  	[sflag:s24] =	ssyncset.done $0x0  }
0x8a: {  	s7 =	rddreg [dreg:$0x8];
	[sflag:s24] =	ssyncadd.s32 $0xFFFFD800  }
0x8b: {  	[hbm4b:s7+s4] =	stream.linear.scatter [tilespmem:s17], [sflag:$0x5], $0x2800, $0x38;
	[tilespmem:$0xA200] =	vst v63  }
0x8c: {  	_ =	swait.ge [sflag:s15], $0x2800  }
0x8d: {  	[sflag:s15] =	ssyncset.done $0x0  }
0x8e: {  	[sflag:s15] =	ssyncadd.s32 $0xFFFFD800  }
0x8f: {  	s29 =	sadd.s32 $0x1, s29;
	_ =	swait.ge [sflag:s25], $0x2800  }
0x90: {  	p0 =	sne.s32 s29, s11;
	[sflag:s25] =	ssyncset.done $0x0  }
.Ltmp1:
0x91: {  	s31 =	rddreg [dreg:$0x9];
	[sflag:s25] =	ssyncadd.s32 $0xFFFFD800;
	(pc) =	sbr.rel @p0 .LBB2_1-.Ltmp1, $4  }
0x92: {  	[hbm4b:s31+s4] =	stream.linear.scatter [tilespmem:s19], [sflag:$0x5], $0x2800, $0x38;
	[tilespmem:$0xA200] =	vst v63  }
0x93: {  	_ =	swait.ge [sflag:s15], $0x2800  }
0x94: {  	[sflag:s15] =	ssyncset.done $0x0  }
0x95: {  	[sflag:s15] =	ssyncadd.s32 $0xFFFFD800  }
0x96: {  	_ =	sfence.sel $0x180000  }
0x97: {  	[bflag:$0x0] =	sbarrier.arrive $0xFFFF  }
0x98: {  	_ =	strace $0x90000047  }
0x99: {  	s0 =	stileid.u32;
	[bflag:$0x2] =	sbarrier.arrive $0xFFFF  }
0x9a: {  	p0 =	sne.s32 s0, $0x0;
	s0 =	rddreg [dreg:$0x3]  }
0x9b: {  	s0 =	sadd.s32 @!p0 $0x100000, s0  }
0x9c: {  	[sflag:s0] =	ssyncadd.tile.s32 @!p0 $0x1;
	_ =	shalt  }
.Lfunc_end2:
_tile_overlayer_lowered:
.L_overlay_start_2:
0x9d: {  	(tag) =	ssettag $0x2  }
0x9e: {  	s0 =	rddreg [dreg:$0x0];
	s2 =	stileid.u32  }
0x9f: {  	s1 =	rddreg [dreg:$0x1];
	p0 =	sne.s32 s2, $0x0  }
0xa0: {  	s3 =	rddreg [dreg:$0x2];
	[bflag:$0x3] =	sbarrier.arrive $0xFFFF;
	s2 =	simm.s32 @!p0 $0x1C05  }
0xa1: {  	[timem:s3], [sflag:s2] =	dma.local @!p0 [hbm:s0], s1  }
0xa2: {  	s0 =	simm.s32 @!p0 $0x5  }
0xa3: {  	_ =	swait.ge @!p0 [sflag:s0], s1  }
0xa4: {  	s1 =	ssub.s32 @!p0 $0x0, s1;
	[sflag:s0] =	ssyncset.done @!p0 $0x0  }
0xa5: {  	[sflag:s0] =	ssyncadd.s32 @!p0 s1  }
0xa6: {  	[bflag:$0x3] =	sbarrier.arrive $0xFFFF  }
0xa7: {  	_ =	shalt  }

// kernel: kernel.22.cloned.1.call-start
scs
__scs_entry_jumppad:
0x0: {  	(pc) =	sbr.rel $0x88, $3  }
0x1: {  	(tag) =	ssettag $0x0;
	lr =	simm.s32 $0x1  }
0x2: {  	[smem:$0x3F80] =	sst lr;
	_ =	strace $0xD0000000  }
0x3: {  	_ = 	snop  }
0x4: {  	_ = 	snop  }
0x5: {  	_ = 	snop  }
0x6: {  	_ = 	snop  }
0x7: {  	_ = 	snop  }
__scs_overlays_trampoline_lowered:
0x8: {  	[smem:$0x3F8F] =	sst s0  }
0x9: {  	[smem:$0x3F90] =	sst s1  }
0xa: {  	[smem:$0x3F91] =	sst s2  }
0xb: {  	[smem:$0x3F92] =	sst s3  }
0xc: {  	[smem:$0x3F93] =	sst s4  }
0xd: {  	[smem:$0x3F94] =	sst s5  }
0xe: {  	[smem:$0x3F95] =	sst s6  }
0xf: {  	[smem:$0x3F96] =	sst s7  }
0x10: {  	[smem:$0x3F97] =	sst s8  }
0x11: {  	[smem:$0x3F98] =	sst s9;
	s0 =	simm.s32 @!p0 $0x0  }
0x12: {  	s1 =	sld [smem:$0x3F7E];
	s0 =	simm.s32 @p0 $0x1  }
0x13: {  	[smem:$0x3F99] =	sst s0;
	s0 =	simm.s32 @!p1 $0x0  }
0x14: {  	s2 =	sld [smem:$0x3F7D];
	s0 =	simm.s32 @p1 $0x1  }
0x15: {  	[smem:$0x3F9A] =	sst s0;
	s0 =	simm.s32 @!p2 $0x0  }
0x16: {  	s3 =	sld [smem:$0x3FDB];
	s0 =	simm.s32 @p2 $0x1  }
0x17: {  	s4 =	simm.s32 $0x1BF5;
	[smem:$0x3F9C] =	sst s0  }
0x18: {  	s0 =	sld [smem:$0x3F7F];
	_ =	swait.ge [sflag:s4], $0x0  }
0x19: {  	s7 =	sld [smem:$0x3F80]  }
0x1a: {  	s8 =	sadd.s32 $0xFFFFE003, lr  }
0x1b: {  	s9 =	sadd.s32 $0xFFFFFEF7, lr;
	s5 =	simm.s32 $0xFFFFFFFF;
	p2 =	slt.u32 s8, $0xFFFFF086  }
0x1c: {  	p1 =	slt.u32 s9, $0xF7A;
	s5 =	simm.s32 @!p2 $0x0  }
0x1d: {  	s5 =	simm.s32 @p1 $0x1;
	p0 =	seq.s32 s7, s2  }
0x1e: {  	s7 =	smul.u32 @!p0 $0xF7A, s2;
	p2 =	seq.s32 @!p0 s5, $0x0  }
0x1f: {  	s9 =	smul.u32 $0xF7A, s1;
	s8 =	simm.s32 @!p0 $0x1BF5;
	p2 =	por !p2, p0  }
0x20: {  	[sflag:s8] =	ssyncset.s32 @!p0 $0xFFFFF086;
	s6 =	sadd.s32 @!p0 s3, s7;
	s7 =	simm.s32 @!p0 $0x108  }
0x21: {  	s3 =	sadd.s32 s3, s9;
	s6 =	sadd.s32 @!p0 $0x88, s6;
	s7 =	simm.s32 @p2 $0x1082  }
0x22: {  	[simem:s7], [sflag:s8] =	dma.local @!p0 [hbm:s6], $0xF7A  }
0x23: {  	s9 =	sor.u32 $0xD0000000, s2;
	s6 =	simm.s32 $0x108;
	_ =	swait.ge @!p0 [sflag:s8], $0x0  }
0x24: {  	s3 =	sadd.s32 $0x88, s3;
	s6 =	simm.s32 @!p1 $0x1082;
	[sflag:s4] =	ssyncset.s32 $0xFFFFF086  }
0x25: {  	[simem:s6], [sflag:s4] =	dma.local [hbm:s3], $0xF7A  }
0x26: {  	[smem:$0x3F80] =	sst s1;
	(tag) =	ssettag s2;
	_ =	strace s9  }
0x27: {  	s1 =	sld [smem:$0x3F90]  }
0x28: {  	s2 =	sld [smem:$0x3F91]  }
0x29: {  	s4 =	sld [smem:$0x3F93]  }
0x2a: {  	p0 =	seq.s32 s5, $0x0;
	s5 =	sld [smem:$0x3F94]  }
0x2b: {  	s6 =	sld [smem:$0x3F95]  }
0x2c: {  	s7 =	sld [smem:$0x3F96]  }
0x2d: {  	s3 =	simm.s32 $0x108;
	s8 =	sld [smem:$0x3F97]  }
0x2e: {  	s3 =	simm.s32 @!p0 $0x1082;
	s9 =	sld [smem:$0x3F98]  }
0x2f: {  	lr =	sadd.s32 s0, s3;
	s0 =	sld [smem:$0x3F8F]  }
0x30: {  	s3 =	sld [smem:$0x3F92]  }
0x31: {  	[smem:$0x3F9B] =	sst s10  }
0x32: {  	s10 =	sld [smem:$0x3F99];
	_ =	sdelay $0x3  }
0x33: {  	p0 =	seq.s32 s10, $0x1;
	s10 =	sld [smem:$0x3F9B];
	_ =	sdelay $0x3  }
0x34: {  	[smem:$0x3F9B] =	sst s10  }
0x35: {  	s10 =	sld [smem:$0x3F9A];
	_ =	sdelay $0x3  }
0x36: {  	p1 =	seq.s32 s10, $0x1;
	s10 =	sld [smem:$0x3F9B];
	_ =	sdelay $0x3  }
0x37: {  	[smem:$0x3F9B] =	sst s10  }
0x38: {  	s10 =	sld [smem:$0x3F9C]  }
0x39: {  	_ = 	snop;
	(pc) =	sbr.ind lr, $3  }
0x3a: {  	_ = 	snop  }
0x3b: {  	_ = 	snop  }
0x3c: {  	p2 =	seq.s32 s10, $0x1;
	s10 =	sld [smem:$0x3F9B]  }
0x3d: {  	_ =	shalt  }
0x3e: {  	_ =	shalt  }
0x3f: {  	_ =	shalt  }
0x40: {  	_ =	shalt  }
0x41: {  	_ =	shalt  }
0x42: {  	_ =	shalt  }
0x43: {  	_ =	shalt  }
0x44: {  	_ =	shalt  }
0x45: {  	_ =	shalt  }
0x46: {  	_ =	shalt  }
0x47: {  	_ =	shalt  }
0x48: {  	_ =	shalt  }
0x49: {  	_ =	shalt  }
0x4a: {  	_ =	shalt  }
0x4b: {  	_ =	shalt  }
0x4c: {  	_ =	shalt  }
0x4d: {  	_ =	shalt  }
0x4e: {  	_ =	shalt  }
0x4f: {  	_ =	shalt  }
0x50: {  	_ =	shalt  }
0x51: {  	_ =	shalt  }
0x52: {  	_ =	shalt  }
0x53: {  	_ =	shalt  }
0x54: {  	_ =	shalt  }
0x55: {  	_ =	shalt  }
0x56: {  	_ =	shalt  }
0x57: {  	_ =	shalt  }
0x58: {  	_ =	shalt  }
0x59: {  	_ =	shalt  }
0x5a: {  	_ =	shalt  }
0x5b: {  	_ =	shalt  }
0x5c: {  	_ =	shalt  }
0x5d: {  	_ =	shalt  }
0x5e: {  	_ =	shalt  }
0x5f: {  	_ =	shalt  }
0x60: {  	_ =	shalt  }
0x61: {  	_ =	shalt  }
0x62: {  	_ =	shalt  }
0x63: {  	_ =	shalt  }
0x64: {  	_ =	shalt  }
0x65: {  	_ =	shalt  }
0x66: {  	_ =	shalt  }
0x67: {  	_ =	shalt  }
0x68: {  	_ =	shalt  }
0x69: {  	_ =	shalt  }
0x6a: {  	_ =	shalt  }
0x6b: {  	_ =	shalt  }
0x6c: {  	_ =	shalt  }
0x6d: {  	_ =	shalt  }
0x6e: {  	_ =	shalt  }
0x6f: {  	_ =	shalt  }
0x70: {  	_ =	shalt  }
0x71: {  	_ =	shalt  }
0x72: {  	_ =	shalt  }
0x73: {  	_ =	shalt  }
0x74: {  	_ =	shalt  }
0x75: {  	_ =	shalt  }
0x76: {  	_ =	shalt  }
0x77: {  	_ =	shalt  }
0x78: {  	_ =	shalt  }
0x79: {  	_ =	shalt  }
0x7a: {  	_ =	shalt  }
0x7b: {  	_ =	shalt  }
0x7c: {  	_ =	shalt  }
0x7d: {  	_ =	shalt  }
0x7e: {  	_ =	shalt  }
0x7f: {  	_ =	shalt  }
0x80: {  	_ =	shalt  }
0x81: {  	_ =	shalt  }
0x82: {  	_ =	shalt  }
0x83: {  	_ =	shalt  }
0x84: {  	_ =	shalt  }
0x85: {  	_ =	shalt  }
0x86: {  	_ =	shalt  }
0x87: {  	_ =	shalt  }
.Lfunc_end0:
.L_simem_size_0:
called_computation.1_lowered:
.L_overlay_start_0:
0x88: {  	s2 =	sld [smem:$0x3FD9]  }
0x89: {  	s3 =	sld [smem:$0x3FFE];
	_ =	sdelay $0x1  }
0x8a: {  	s1 =	srdreg.scid  }
0x8b: {  	s0 =	sand.u32 $0x1, s1  }
0x8c: {  	s16 =	sshll.u32 s0, $0xA;
	s2 =	sadd.s32 s3, s2  }
0x8d: {  	s2 =	sadd.s32 s2, s16  }
0x8e: {  	[smem:$0x3FA7] =	sst s2  }
0x8f: {  	_ = 	snop  }
0x90: {  	(tm) =	ssettm $0x1  }
0x91: {  	s17 =	sld [smem:$0x3FFB];
	_ =	sdelay $0x3  }
0x92: {  	_ =	strace s17  }
0x93: {  	s2 =	sld [smem:$0x3FFC];
	_ =	sdelay $0x3  }
0x94: {  	_ =	strace s2  }
0x95: {  	s2 =	sld [smem:$0x3FFD];
	_ =	sdelay $0x3  }
0x96: {  	_ =	strace s2  }
0x97: {  	_ =	strace $0x8FFFFFFF  }
0x98: {  	s18 =	sld [smem:$0x3FDB];
	_ =	sdelay $0x1  }
0x99: {  	s19 =	simm.s32 $_scs_section_size  }
0x9a: {  	s4 =	simm.s32 $_size__tile_overlayer_lowered;
	s5 =	simm.s32 $_tile_overlayer_lowered  }
0x9b: {  	s22 =	simm.s32 $0x1BFF;
	s21 =	sshll.u32 s5, $0x1;
	s2 =	sadd.s32 s19, s18  }
0x9c: {  	s6 =	simm.s32 $0x0;
	s20 =	sshll.u32 s4, $0x1;
	s4 =	sadd.s32 s21, s2  }
0x9d: {  	[timem:s6], [sflag:s22] =	dma.local [hbm:s4], s20  }
0x9e: {  	_ =	swait.ge [sflag:s22], s20  }
0x9f: {  	s3 =	ssub.s32 $0x0, s20;
	[sflag:s22] =	ssyncset.done $0x0  }
0xa0: {  	[sflag:s22] =	ssyncadd.s32 s3;
	_ =	sdelay $0x1  }
0xa1: {  	s23 =	simm.s32 $0x1B8B  }
0xa2: {  	_ =	swait.ge [sflag:s23], $0x1  }
0xa3: {  	[sflag:s23] =	ssyncset.done $0x0  }
0xa4: {  	s25 =	simm.s32 $0x1B8E;
	s24 =	sld [smem:$0x3FFE];
	[sflag:s23] =	ssyncadd.s32 $0xFFFFFFFF  }
0xa5: {  	s26 =	simm.s32 $execute0_lowered;
	[smem:$0x3FD2] =	sst s25  }
0xa6: {  	s4 =	sshll.u32 s26, $0x1;
	_ =	strace $0x80000049;
	[dreg:$0x1] =	wrdreg $0xFFFFFFFF  }
0xa7: {  	s28 =	simm.s32 $_size_execute0_lowered;
	s2 =	sadd.s32 s2, s4;
	[dreg:$0x0] =	wrdreg $0x0  }
0xa8: {  	s4 =	sshll.u32 s28, $0x1;
	[dreg:$0x2] =	wrdreg s2  }
0xa9: {  	[dreg:$0x3] =	wrdreg s4  }
0xaa: {  	[dreg:$0x4] =	wrdreg $0xC0  }
0xab: {  	_ =	task [dreg:s6], $0x5FFFF  }
0xac: {  	[dreg:$0x1] =	wrdreg $0xFFFFFFFF  }
0xad: {  	[dreg:$0x0] =	wrdreg $0x60  }
0xae: {  	[dreg:$0x2] =	wrdreg s24  }
0xaf: {  	[dreg:$0x3] =	wrdreg $0x9  }
0xb0: {  	_ =	task.clear_ibuf [dreg:s6], $0x4FFFF;
	_ =	strace $0x90000049  }
0xb1: {  	s29 =	simm.s32 $0x9;
	_ =	strace $0x8000004B  }
0xb2: {  	_ =	swait.ge [sflag:s29], $0x1  }
0xb3: {  	[sflag:s29] =	ssyncadd.s32 $0xFFFFFFFF  }
0xb4: {  	_ =	strace $0x9000004B  }
0xb5: {  	_ =	sfence  }
0xb6: {  	s30 =	sld [smem:$0x0];
	_ =	sdelay $0x2  }
0xb7: {  	s31 =	sshll.u32 s1, $0xD;
	s1 =	sshrl.u32 s1, $0x2  }
0xb8: {  	s3 =	sand.u32 $0x4000, s31;
	s1 =	sadd.s32 s1, s30  }
0xb9: {  	s0 =	sor.u32 s3, s0;
	s1 =	sshll.u32 s1, $0x11  }
0xba: {  	s0 =	sor.u32 s1, s0  }
0xbb: {  	s0 =	sadd.s32 $0x8F2B, s0  }
0xbc: {  	[sflag:s0] =	ssyncadd.remote.s32 $0x1  }
0xbd: {  	_ =	sfence.sel $0xFFFF  }
0xbe: {  	[dreg:$0x0] =	wrdreg $0xFFFFFFFF;
	(pc) =	sbr.abs _section_cstart, $3  }
0xbf: {  	[dreg:$0x1] =	wrdreg $0xFFFFFFFF  }
0xc0: {  	_ =	task.clear_ibuf [dreg:s6], $0x2FFFF;
	_ =	strace $0x9FFFFFFF  }
0xc1: {  	(tm) =	ssettm $0x7FFFFFFF  }
tec
execute0_lowered:
.L_overlay_start_1:
0x0: {  	(tag) =	ssettag $0x1  }
0x1: {  	s1 =	srdreg.scid  }
0x2: {  	s0 =	stileid.u32;
	s5 =	rddreg [dreg:$0x0]  }
0x3: {  	s2 =	simm.s32 $0x0;
	s12 =	simm.s32 $0x271000;
	s13 =	simm.s32 $0x5000  }
0x4: {  	s14 =	simm.s32 $0x2800;
	s15 =	simm.s32 $0x5280;
	s16 =	simm.s32 $0x1  }
0x5: {  	s17 =	simm.s32 $0x5500;
	s18 =	simm.s32 $0x2;
	s20 =	simm.s32 $0x400  }
0x6: {  	s21 =	simm.s32 $0x3;
	s4 =	sand.u32 $0x1, s1;
	s8 =	smul.u32 $0x4E2000, s0  }
0x7: {  	s22 =	simm.s32 $0x0;
	s6 =	sshrl.u32 s0, $0x3;
	s3 =	smul.u32 $0x168000, s4  }
0x8: {  	[smem:$0x7FF] =	sst s2;
	s7 =	sshll.u32 s0, $0x7;
	s6 =	smul.u32 $0xB4000, s6  }
0x9: {  	s9 =	sadd.s32 $0x1B200, s5;
	s26 =	sand.u32 $0x380, s7;
	s28 =	smul.u32 $0x138800, s4  }
0xa: {  	_ =	strace $0x8000004A;
	s10 =	ssub.s32 $0x2, s4;
	s4 =	smul.u32 $0x27100, s4  }
0xb: {  	s29 =	sshrl.u32 s10, $0x1;
	s3 =	sadd.s32 s3, s6;
	s7 =	sadd.s32 s28, s8  }
0xc: {  	s10 =	ssub.s32 s10, s29;
	s31 =	sshrl.u32 s4, $0x3;
	s8 =	sshrl.u32 s8, $0x3  }
0xd: {  	s6 =	sor.u32 s26, s3;
	s3 =	sadd.s32 $0x7600, s5;
	s30 =	sshrl.u32 s7, $0x3  }
0xe: {  	s7 =	sadd.s32 $0x280, s4;
	s8 =	sadd.s32 s9, s8;
	s6 =	sshrl.u32 s6, $0x3  }
0xf: {  	s10 =	smax.u32 s10, $0x1;
	s11 =	sadd.s32 s6, s5;
	s5 =	sadd.s32 s9, s30  }
0x10: {  	v0 =	vimm.f32 $0.0e+00;
	s6 =	sadd.s32 s3, s31;
	s9 =	sadd.s32 $0x9DF400, s11;
	s11 =	simm.s32 $0x1400  }
.LBB2_1:
0x11: {  	[tilespmem:s2], [sflag:$0x1] =	stream.strided.gather [hbm4b:s5+s11], $0x2800, s12, s11, $0x38;
	[tilespmem:$0x1BD00] =	vst v63  }
0x12: {  	s23 =	simm.s32 $0x40;
	s24 =	simm.s32 $0x0  }
0x13: {  	[tilespmem:s13], [sflag:$0x1] =	stream.linear.gather [hbm4b:s6+s2], $0x280, $0x38;
	[tilespmem:$0x1BD00] =	vst v63  }
.LBB2_2:
0x14: {  	p0 =	sne.s32 s23, $0x59FC0;
	[tilespmem:s24+$0x5500] =	vst v0;
	s24 =	smov.u32 s23;
	s23 =	sadd.s32 $0x40, s23  }
.Ltmp0:
0x15: {  	(pc) =	sbr.rel @p0 .LBB2_2-.Ltmp0, $2  }
0x16: {  	_ =	sdelay $0x2  }
0x17: {  	s24 =	sshra.s32 s24, $0x2  }
0x18: {  	[tilespmem:s24+$0x5500] =	vst v0;
	s23 =	simm.s32 $0x0;
	s24 =	simm.s32 $0x0  }
.LBB2_4:
0x19: {  	s25 =	smul.u32 $0x500, s24;
	_ =	sdelay $0x1  }
0x1a: {  	s25 =	sadd.s32 s25, s7  }
0x1b: {  	s26 =	sadd.s32 s25, s8;
	s25 =	sshrl.u32 s25, $0x3  }
0x1c: {  	[tilespmem:s14], [sflag:$0x2] =	stream.strided.gather [hbm4b:s26+s11], $0x2800, s12, s11, $0x38;
	[tilespmem:$0x1BD00] =	vst v63  }
0x1d: {  	s25 =	sadd.s32 s3, s25  }
0x1e: {  	[tilespmem:s15], [sflag:$0x2] =	stream.linear.gather [hbm4b:s25+s23], $0x280, $0x38;
	[tilespmem:$0x1BD00] =	vst v63  }
0x1f: {  	_ =	swait.ge [sflag:s16], $0x2800  }
0x20: {  	[sflag:s16] =	ssyncset.done $0x0  }
0x21: {  	[sflag:s16] =	ssyncadd.s32 $0xFFFFD800  }
0x22: {  	_ =	swait.ge [sflag:s16], $0x280  }
0x23: {  	s28 =	simm.s32 $0x0;
	s29 =	simm.s32 $0x0;
	[sflag:s16] =	ssyncset.done $0x0  }
0x24: {  	s26 =	simm.s32 $0x0;
	s25 =	simm.s32 $0x5000;
	[sflag:s16] =	ssyncadd.s32 $0xFFFFFD80  }
.LBB2_5:
0x25: {  	v1 =	vld [tilespmem:s25+$0x0];
	_ =	sdelay $0x3  }
0x26: {  	s30 =	sand.u32 $0x60, s29;
	s31 =	sand.u32 $0x1C00, s28  }
0x27: {  	s1 =	sor.u32 s30, s31;
	v1 =	vmul.u32 $0x9, v1  }
0x28: {  	v2 =	vld [tilespmem:s1+$0x0];
	_ =	sdelay $0x4  }
0x29: {  	[tilespmem:v1+s17+$0x0] =	vst.idx.add.f32.msk $0xffff, v2  }
0x2a: {  	v2 =	vadd.s32 $0x1, v1;
	v3 =	vld [tilespmem:s1+$0x80];
	_ =	sdelay $0x4  }
0x2b: {  	[tilespmem:v2+s17+$0x0] =	vst.idx.add.f32.msk $0xffff, v3  }
0x2c: {  	v2 =	vadd.s32 $0x2, v1;
	v3 =	vld [tilespmem:s1+$0x100];
	_ =	sdelay $0x4  }
0x2d: {  	[tilespmem:v2+s17+$0x0] =	vst.idx.add.f32.msk $0xffff, v3  }
0x2e: {  	v2 =	vadd.s32 $0x3, v1;
	v3 =	vld [tilespmem:s1+$0x180];
	_ =	sdelay $0x4  }
0x2f: {  	[tilespmem:v2+s17+$0x0] =	vst.idx.add.f32.msk $0xffff, v3  }
0x30: {  	v2 =	vadd.s32 $0x4, v1;
	v3 =	vld [tilespmem:s1+$0x200];
	_ =	sdelay $0x4  }
0x31: {  	[tilespmem:v2+s17+$0x0] =	vst.idx.add.f32.msk $0xffff, v3  }
0x32: {  	v2 =	vadd.s32 $0x5, v1;
	v3 =	vld [tilespmem:s1+$0x280];
	_ =	sdelay $0x1  }
0x33: {  	s0 =	sand.u32 $0x3, s26  }
0x34: {  	s1 =	sshll.u32 s0, $0x5  }
0x35: {  	s1 =	sadd.s32 s1, s28  }
0x36: {  	s0 =	sor.u32 $0x300, s1;
	[tilespmem:v2+s17+$0x0] =	vst.idx.add.f32.msk $0xffff, v3  }
0x37: {  	v2 =	vadd.s32 $0x6, v1;
	v3 =	vld [tilespmem:s0+$0x0];
	_ =	sdelay $0x3  }
0x38: {  	s19 =	sor.u32 s28, s29  }
0x39: {  	s0 =	sor.u32 $0x380, s19;
	[tilespmem:v2+s17+$0x0] =	vst.idx.add.f32.msk $0xffff, v3  }
0x3a: {  	v2 =	vadd.s32 $0x7, v1;
	v3 =	vld [tilespmem:s0+$0x0];
	_ =	sdelay $0x3  }
0x3b: {  	s0 =	sadd.s32 $0x1400, s31  }
0x3c: {  	s19 =	sor.u32 s30, s0;
	[tilespmem:v2+s17+$0x0] =	vst.idx.add.f32.msk $0xffff, v3  }
0x3d: {  	v1 =	vadd.s32 $0x8, v1;
	v2 =	vld [tilespmem:s19+$0x0];
	_ =	sdelay $0x3  }
0x3e: {  	s19 =	sor.u32 $0x10, s30;
	s30 =	sand.u32 $0x380, s29  }
0x3f: {  	s30 =	sor.u32 s19, s30;
	[tilespmem:v1+s17+$0x0] =	vst.idx.add.f32.msk $0xffff, v2  }
0x40: {  	v1 =	vld [tilespmem:s30+$0x5000];
	_ =	sdelay $0x4  }
0x41: {  	s31 =	sor.u32 s19, s31;
	v1 =	vmul.u32 $0x9, v1  }
0x42: {  	v2 =	vld [tilespmem:s31+$0x0];
	_ =	sdelay $0x4  }
0x43: {  	[tilespmem:v1+s17+$0x0] =	vst.idx.add.f32.msk $0xffff, v2  }
0x44: {  	v2 =	vadd.s32 $0x1, v1;
	v3 =	vld [tilespmem:s31+$0x80];
	_ =	sdelay $0x4  }
0x45: {  	[tilespmem:v2+s17+$0x0] =	vst.idx.add.f32.msk $0xffff, v3  }
0x46: {  	v2 =	vadd.s32 $0x2, v1;
	v3 =	vld [tilespmem:s31+$0x100];
	_ =	sdelay $0x4  }
0x47: {  	[tilespmem:v2+s17+$0x0] =	vst.idx.add.f32.msk $0xffff, v3  }
0x48: {  	v2 =	vadd.s32 $0x3, v1;
	v3 =	vld [tilespmem:s31+$0x180];
	_ =	sdelay $0x4  }
0x49: {  	[tilespmem:v2+s17+$0x0] =	vst.idx.add.f32.msk $0xffff, v3  }
0x4a: {  	v2 =	vadd.s32 $0x4, v1;
	v3 =	vld [tilespmem:s31+$0x200];
	_ =	sdelay $0x4  }
0x4b: {  	[tilespmem:v2+s17+$0x0] =	vst.idx.add.f32.msk $0xffff, v3  }
0x4c: {  	v2 =	vadd.s32 $0x5, v1;
	v3 =	vld [tilespmem:s31+$0x280];
	_ =	sdelay $0x3  }
0x4d: {  	s1 =	sadd.s32 $0x10, s1  }
0x4e: {  	s31 =	sor.u32 $0x300, s1;
	[tilespmem:v2+s17+$0x0] =	vst.idx.add.f32.msk $0xffff, v3  }
0x4f: {  	v2 =	vadd.s32 $0x6, v1;
	v3 =	vld [tilespmem:s31+$0x0];
	_ =	sdelay $0x4  }
0x50: {  	s1 =	sor.u32 $0x380, s1;
	[tilespmem:v2+s17+$0x0] =	vst.idx.add.f32.msk $0xffff, v3  }
0x51: {  	v2 =	vadd.s32 $0x7, v1;
	v3 =	vld [tilespmem:s1+$0x0];
	_ =	sdelay $0x4  }
0x52: {  	s0 =	sor.u32 s19, s0;
	[tilespmem:v2+s17+$0x0] =	vst.idx.add.f32.msk $0xffff, v3  }
0x53: {  	p0 =	sne.s32 s29, $0x260;
	v1 =	vadd.s32 $0x8, v1;
	v2 =	vld [tilespmem:s0+$0x0]  }
.Ltmp1:
0x54: {  	_ = 	snop;
	(pc) =	sbr.rel @p0 .LBB2_5-.Ltmp1, $3  }
0x55: {  	_ =	sdelay $0x1  }
0x56: {  	s26 =	sadd.s32 $0x1, s26  }
0x57: {  	s25 =	sadd.s32 $0x20, s25;
	s28 =	sadd.s32 $0x100, s28;
	s29 =	sadd.s32 $0x20, s29;
	[tilespmem:v1+s17+$0x0] =	vst.idx.add.f32.msk $0xffff, v2  }
0x58: {  	s0 =	sshll.u32 s24, $0x1  }
0x59: {  	s0 =	sadd.s32 $0x2, s0  }
0x5a: {  	s1 =	smul.u32 $0x280, s0  }
0x5b: {  	p0 =	seq.s32 s0, $0xFA  }
0x5c: {  	s1 =	simm.s32 @p0 $0x0  }
0x5d: {  	s31 =	sadd.s32 s4, s1  }
0x5e: {  	s25 =	simm.s32 $0x0;
	s1 =	sadd.s32 s31, s8;
	s0 =	sshrl.u32 s31, $0x3  }
0x5f: {  	[tilespmem:s25], [sflag:$0x1] =	stream.strided.gather [hbm4b:s1+s11], $0x2800, s12, s11, $0x38;
	[tilespmem:$0x1BD00] =	vst v63  }
0x60: {  	s0 =	sadd.s32 s3, s0  }
0x61: {  	[tilespmem:s13], [sflag:$0x1] =	stream.linear.gather [hbm4b:s0+s25], $0x280, $0x38;
	[tilespmem:$0x1BD00] =	vst v63  }
0x62: {  	_ =	swait.ge [sflag:s18], $0x2800  }
0x63: {  	[sflag:s18] =	ssyncset.done $0x0  }
0x64: {  	[sflag:s18] =	ssyncadd.s32 $0xFFFFD800  }
0x65: {  	_ =	swait.ge [sflag:s18], $0x280  }
0x66: {  	s26 =	simm.s32 $0x5280;
	[sflag:s18] =	ssyncset.done $0x0  }
0x67: {  	s28 =	simm.s32 $0x0;
	s29 =	simm.s32 $0x0;
	[sflag:s18] =	ssyncadd.s32 $0xFFFFFD80  }
.LBB2_7:
0x68: {  	v1 =	vld [tilespmem:s26+$0x0];
	_ =	sdelay $0x2  }
0x69: {  	s0 =	sand.u32 $0x1C00, s28  }
0x6a: {  	s1 =	sand.u32 $0x60, s29;
	s19 =	sadd.s32 $0x2800, s0  }
0x6b: {  	s30 =	sor.u32 s1, s19;
	v1 =	vmul.u32 $0x9, v1  }
0x6c: {  	v2 =	vld [tilespmem:s30+$0x0];
	_ =	sdelay $0x4  }
0x6d: {  	[tilespmem:v1+s17+$0x0] =	vst.idx.add.f32.msk $0xffff, v2  }
0x6e: {  	v2 =	vadd.s32 $0x1, v1;
	v3 =	vld [tilespmem:s30+$0x80];
	_ =	sdelay $0x4  }
0x6f: {  	[tilespmem:v2+s17+$0x0] =	vst.idx.add.f32.msk $0xffff, v3  }
0x70: {  	v2 =	vadd.s32 $0x2, v1;
	v3 =	vld [tilespmem:s30+$0x100];
	_ =	sdelay $0x4  }
0x71: {  	[tilespmem:v2+s17+$0x0] =	vst.idx.add.f32.msk $0xffff, v3  }
0x72: {  	v2 =	vadd.s32 $0x3, v1;
	v3 =	vld [tilespmem:s30+$0x180];
	_ =	sdelay $0x4  }
0x73: {  	[tilespmem:v2+s17+$0x0] =	vst.idx.add.f32.msk $0xffff, v3  }
0x74: {  	v2 =	vadd.s32 $0x4, v1;
	v3 =	vld [tilespmem:s30+$0x200];
	_ =	sdelay $0x4  }
0x75: {  	[tilespmem:v2+s17+$0x0] =	vst.idx.add.f32.msk $0xffff, v3  }
0x76: {  	v2 =	vadd.s32 $0x5, v1;
	v3 =	vld [tilespmem:s30+$0x280];
	_ =	sdelay $0x1  }
0x77: {  	s31 =	sand.u32 $0x3, s25  }
0x78: {  	s30 =	sshll.u32 s31, $0x5  }
0x79: {  	s30 =	sadd.s32 s30, s28  }
0x7a: {  	s31 =	sor.u32 $0x300, s30;
	[tilespmem:v2+s17+$0x0] =	vst.idx.add.f32.msk $0xffff, v3  }
0x7b: {  	v2 =	vadd.s32 $0x6, v1;
	v3 =	vld [tilespmem:s31+$0x2800];
	_ =	sdelay $0x3  }
0x7c: {  	s31 =	sor.u32 s28, s29  }
0x7d: {  	s31 =	sor.u32 $0x380, s31;
	[tilespmem:v2+s17+$0x0] =	vst.idx.add.f32.msk $0xffff, v3  }
0x7e: {  	v2 =	vadd.s32 $0x7, v1;
	v3 =	vld [tilespmem:s31+$0x2800];
	_ =	sdelay $0x3  }
0x7f: {  	s0 =	sadd.s32 $0x3C00, s0  }
0x80: {  	s31 =	sor.u32 s1, s0;
	[tilespmem:v2+s17+$0x0] =	vst.idx.add.f32.msk $0xffff, v3  }
0x81: {  	v1 =	vadd.s32 $0x8, v1;
	v2 =	vld [tilespmem:s31+$0x0];
	_ =	sdelay $0x3  }
0x82: {  	s1 =	sor.u32 $0x10, s1;
	s31 =	sand.u32 $0x380, s29  }
0x83: {  	s31 =	sor.u32 s1, s31;
	[tilespmem:v1+s17+$0x0] =	vst.idx.add.f32.msk $0xffff, v2  }
0x84: {  	v1 =	vld [tilespmem:s31+$0x5280];
	_ =	sdelay $0x4  }
0x85: {  	s19 =	sor.u32 s1, s19;
	v1 =	vmul.u32 $0x9, v1  }
0x86: {  	v2 =	vld [tilespmem:s19+$0x0];
	_ =	sdelay $0x4  }
0x87: {  	[tilespmem:v1+s17+$0x0] =	vst.idx.add.f32.msk $0xffff, v2  }
0x88: {  	v2 =	vadd.s32 $0x1, v1;
	v3 =	vld [tilespmem:s19+$0x80];
	_ =	sdelay $0x4  }
0x89: {  	[tilespmem:v2+s17+$0x0] =	vst.idx.add.f32.msk $0xffff, v3  }
0x8a: {  	v2 =	vadd.s32 $0x2, v1;
	v3 =	vld [tilespmem:s19+$0x100];
	_ =	sdelay $0x4  }
0x8b: {  	[tilespmem:v2+s17+$0x0] =	vst.idx.add.f32.msk $0xffff, v3  }
0x8c: {  	v2 =	vadd.s32 $0x3, v1;
	v3 =	vld [tilespmem:s19+$0x180];
	_ =	sdelay $0x4  }
0x8d: {  	[tilespmem:v2+s17+$0x0] =	vst.idx.add.f32.msk $0xffff, v3  }
0x8e: {  	v2 =	vadd.s32 $0x4, v1;
	v3 =	vld [tilespmem:s19+$0x200];
	_ =	sdelay $0x4  }
0x8f: {  	[tilespmem:v2+s17+$0x0] =	vst.idx.add.f32.msk $0xffff, v3  }
0x90: {  	v2 =	vadd.s32 $0x5, v1;
	v3 =	vld [tilespmem:s19+$0x280];
	_ =	sdelay $0x3  }
0x91: {  	s31 =	sadd.s32 $0x10, s30  }
0x92: {  	s30 =	sor.u32 $0x300, s31;
	[tilespmem:v2+s17+$0x0] =	vst.idx.add.f32.msk $0xffff, v3  }
0x93: {  	v2 =	vadd.s32 $0x6, v1;
	v3 =	vld [tilespmem:s30+$0x2800];
	_ =	sdelay $0x4  }
0x94: {  	s19 =	sor.u32 $0x380, s31;
	[tilespmem:v2+s17+$0x0] =	vst.idx.add.f32.msk $0xffff, v3  }
0x95: {  	v2 =	vadd.s32 $0x7, v1;
	v3 =	vld [tilespmem:s19+$0x2800];
	_ =	sdelay $0x4  }
0x96: {  	s0 =	sor.u32 s1, s0;
	[tilespmem:v2+s17+$0x0] =	vst.idx.add.f32.msk $0xffff, v3  }
0x97: {  	p0 =	sne.s32 s29, $0x260;
	v1 =	vadd.s32 $0x8, v1;
	v2 =	vld [tilespmem:s0+$0x0]  }
.Ltmp2:
0x98: {  	_ = 	snop;
	(pc) =	sbr.rel @p0 .LBB2_7-.Ltmp2, $3  }
0x99: {  	_ =	sdelay $0x1  }
0x9a: {  	s25 =	sadd.s32 $0x1, s25  }
0x9b: {  	s26 =	sadd.s32 $0x20, s26;
	s28 =	sadd.s32 $0x100, s28;
	s29 =	sadd.s32 $0x20, s29;
	[tilespmem:v1+s17+$0x0] =	vst.idx.add.f32.msk $0xffff, v2  }
0x9c: {  	s24 =	sadd.s32 $0x1, s24  }
0x9d: {  	p0 =	sne.s32 s24, $0x7D  }
.Ltmp3:
0x9e: {  	_ = 	snop;
	(pc) =	sbr.rel @p0 .LBB2_4-.Ltmp3, $1  }
0x9f: {  	_ =	sdelay $0x3  }
0xa0: {  	_ =	swait.ge [sflag:s16], $0x2800  }
0xa1: {  	[sflag:s16] =	ssyncset.done $0x0  }
0xa2: {  	[sflag:s16] =	ssyncadd.s32 $0xFFFFD800  }
0xa3: {  	s22 =	sadd.s32 $0x1, s22;
	_ =	swait.ge [sflag:s16], $0x280  }
0xa4: {  	p0 =	sne.s32 s22, s10;
	[sflag:s16] =	ssyncset.done $0x0  }
.Ltmp4:
0xa5: {  	s0 =	simm.s32 $0x80;
	[sflag:s16] =	ssyncadd.s32 $0xFFFFFD80;
	(pc) =	sbr.rel @p0 .LBB2_1-.Ltmp4, $4  }
0xa6: {  	[hbm4b:s9+s0] =	stream.strided.scatter [tilespmem:s17], [sflag:$0x3], $0x16800, s20, s0, $0x38;
	[tilespmem:$0x1BD00] =	vst v63  }
0xa7: {  	_ =	swait.ge [sflag:s21], $0x16800  }
0xa8: {  	[sflag:s21] =	ssyncset.done $0x0  }
0xa9: {  	[sflag:s21] =	ssyncadd.s32 $0xFFFE9800  }
0xaa: {  	_ =	sfence.sel $0x180000  }
0xab: {  	[bflag:$0x0] =	sbarrier.arrive $0xFFFF  }
0xac: {  	_ =	strace $0x9000004A  }
0xad: {  	s0 =	stileid.u32;
	[bflag:$0x2] =	sbarrier.arrive $0xFFFF  }
0xae: {  	p0 =	sne.s32 s0, $0x0;
	s0 =	rddreg [dreg:$0x1]  }
0xaf: {  	s0 =	sadd.s32 @!p0 $0x100000, s0  }
0xb0: {  	[sflag:s0] =	ssyncadd.tile.s32 @!p0 $0x1;
	_ =	shalt  }
.Lfunc_end2:
_tile_overlayer_lowered:
.L_overlay_start_2:
0xb1: {  	(tag) =	ssettag $0x2  }
0xb2: {  	s0 =	rddreg [dreg:$0x0];
	s2 =	stileid.u32  }
0xb3: {  	s1 =	rddreg [dreg:$0x1];
	p0 =	sne.s32 s2, $0x0  }
0xb4: {  	s3 =	rddreg [dreg:$0x2];
	[bflag:$0x3] =	sbarrier.arrive $0xFFFF;
	s2 =	simm.s32 @!p0 $0x1C03  }
0xb5: {  	[timem:s3], [sflag:s2] =	dma.local @!p0 [hbm:s0], s1  }
0xb6: {  	s0 =	simm.s32 @!p0 $0x3  }
0xb7: {  	_ =	swait.ge @!p0 [sflag:s0], s1  }
0xb8: {  	s1 =	ssub.s32 @!p0 $0x0, s1;
	[sflag:s0] =	ssyncset.done @!p0 $0x0  }
0xb9: {  	[sflag:s0] =	ssyncadd.s32 @!p0 s1  }
0xba: {  	[bflag:$0x3] =	sbarrier.arrive $0xFFFF  }
0xbb: {  	_ =	shalt  }

// kernel: kernel.25.cloned.1.call-start
scs
__scs_entry_jumppad:
0x0: {  	(pc) =	sbr.rel $0x88, $3  }
0x1: {  	(tag) =	ssettag $0x0;
	lr =	simm.s32 $0x1  }
0x2: {  	[smem:$0x3F80] =	sst lr;
	_ =	strace $0xD0000000  }
0x3: {  	_ = 	snop  }
0x4: {  	_ = 	snop  }
0x5: {  	_ = 	snop  }
0x6: {  	_ = 	snop  }
0x7: {  	_ = 	snop  }
__scs_overlays_trampoline_lowered:
0x8: {  	[smem:$0x3F8F] =	sst s0  }
0x9: {  	[smem:$0x3F90] =	sst s1  }
0xa: {  	[smem:$0x3F91] =	sst s2  }
0xb: {  	[smem:$0x3F92] =	sst s3  }
0xc: {  	[smem:$0x3F93] =	sst s4  }
0xd: {  	[smem:$0x3F94] =	sst s5  }
0xe: {  	[smem:$0x3F95] =	sst s6  }
0xf: {  	[smem:$0x3F96] =	sst s7  }
0x10: {  	[smem:$0x3F97] =	sst s8  }
0x11: {  	[smem:$0x3F98] =	sst s9;
	s0 =	simm.s32 @!p0 $0x0  }
0x12: {  	s1 =	sld [smem:$0x3F7E];
	s0 =	simm.s32 @p0 $0x1  }
0x13: {  	[smem:$0x3F99] =	sst s0;
	s0 =	simm.s32 @!p1 $0x0  }
0x14: {  	s2 =	sld [smem:$0x3F7D];
	s0 =	simm.s32 @p1 $0x1  }
0x15: {  	[smem:$0x3F9A] =	sst s0;
	s0 =	simm.s32 @!p2 $0x0  }
0x16: {  	s3 =	sld [smem:$0x3FDB];
	s0 =	simm.s32 @p2 $0x1  }
0x17: {  	s4 =	simm.s32 $0x1BF5;
	[smem:$0x3F9C] =	sst s0  }
0x18: {  	s0 =	sld [smem:$0x3F7F];
	_ =	swait.ge [sflag:s4], $0x0  }
0x19: {  	s7 =	sld [smem:$0x3F80]  }
0x1a: {  	s8 =	sadd.s32 $0xFFFFE003, lr  }
0x1b: {  	s9 =	sadd.s32 $0xFFFFFEF7, lr;
	s5 =	simm.s32 $0xFFFFFFFF;
	p2 =	slt.u32 s8, $0xFFFFF086  }
0x1c: {  	p1 =	slt.u32 s9, $0xF7A;
	s5 =	simm.s32 @!p2 $0x0  }
0x1d: {  	s5 =	simm.s32 @p1 $0x1;
	p0 =	seq.s32 s7, s2  }
0x1e: {  	s7 =	smul.u32 @!p0 $0xF7A, s2;
	p2 =	seq.s32 @!p0 s5, $0x0  }
0x1f: {  	s9 =	smul.u32 $0xF7A, s1;
	s8 =	simm.s32 @!p0 $0x1BF5;
	p2 =	por !p2, p0  }
0x20: {  	[sflag:s8] =	ssyncset.s32 @!p0 $0xFFFFF086;
	s6 =	sadd.s32 @!p0 s3, s7;
	s7 =	simm.s32 @!p0 $0x108  }
0x21: {  	s3 =	sadd.s32 s3, s9;
	s6 =	sadd.s32 @!p0 $0x88, s6;
	s7 =	simm.s32 @p2 $0x1082  }
0x22: {  	[simem:s7], [sflag:s8] =	dma.local @!p0 [hbm:s6], $0xF7A  }
0x23: {  	s9 =	sor.u32 $0xD0000000, s2;
	s6 =	simm.s32 $0x108;
	_ =	swait.ge @!p0 [sflag:s8], $0x0  }
0x24: {  	s3 =	sadd.s32 $0x88, s3;
	s6 =	simm.s32 @!p1 $0x1082;
	[sflag:s4] =	ssyncset.s32 $0xFFFFF086  }
0x25: {  	[simem:s6], [sflag:s4] =	dma.local [hbm:s3], $0xF7A  }
0x26: {  	[smem:$0x3F80] =	sst s1;
	(tag) =	ssettag s2;
	_ =	strace s9  }
0x27: {  	s1 =	sld [smem:$0x3F90]  }
0x28: {  	s2 =	sld [smem:$0x3F91]  }
0x29: {  	s4 =	sld [smem:$0x3F93]  }
0x2a: {  	p0 =	seq.s32 s5, $0x0;
	s5 =	sld [smem:$0x3F94]  }
0x2b: {  	s6 =	sld [smem:$0x3F95]  }
0x2c: {  	s7 =	sld [smem:$0x3F96]  }
0x2d: {  	s3 =	simm.s32 $0x108;
	s8 =	sld [smem:$0x3F97]  }
0x2e: {  	s3 =	simm.s32 @!p0 $0x1082;
	s9 =	sld [smem:$0x3F98]  }
0x2f: {  	lr =	sadd.s32 s0, s3;
	s0 =	sld [smem:$0x3F8F]  }
0x30: {  	s3 =	sld [smem:$0x3F92]  }
0x31: {  	[smem:$0x3F9B] =	sst s10  }
0x32: {  	s10 =	sld [smem:$0x3F99];
	_ =	sdelay $0x3  }
0x33: {  	p0 =	seq.s32 s10, $0x1;
	s10 =	sld [smem:$0x3F9B];
	_ =	sdelay $0x3  }
0x34: {  	[smem:$0x3F9B] =	sst s10  }
0x35: {  	s10 =	sld [smem:$0x3F9A];
	_ =	sdelay $0x3  }
0x36: {  	p1 =	seq.s32 s10, $0x1;
	s10 =	sld [smem:$0x3F9B];
	_ =	sdelay $0x3  }
0x37: {  	[smem:$0x3F9B] =	sst s10  }
0x38: {  	s10 =	sld [smem:$0x3F9C]  }
0x39: {  	_ = 	snop;
	(pc) =	sbr.ind lr, $3  }
0x3a: {  	_ = 	snop  }
0x3b: {  	_ = 	snop  }
0x3c: {  	p2 =	seq.s32 s10, $0x1;
	s10 =	sld [smem:$0x3F9B]  }
0x3d: {  	_ =	shalt  }
0x3e: {  	_ =	shalt  }
0x3f: {  	_ =	shalt  }
0x40: {  	_ =	shalt  }
0x41: {  	_ =	shalt  }
0x42: {  	_ =	shalt  }
0x43: {  	_ =	shalt  }
0x44: {  	_ =	shalt  }
0x45: {  	_ =	shalt  }
0x46: {  	_ =	shalt  }
0x47: {  	_ =	shalt  }
0x48: {  	_ =	shalt  }
0x49: {  	_ =	shalt  }
0x4a: {  	_ =	shalt  }
0x4b: {  	_ =	shalt  }
0x4c: {  	_ =	shalt  }
0x4d: {  	_ =	shalt  }
0x4e: {  	_ =	shalt  }
0x4f: {  	_ =	shalt  }
0x50: {  	_ =	shalt  }
0x51: {  	_ =	shalt  }
0x52: {  	_ =	shalt  }
0x53: {  	_ =	shalt  }
0x54: {  	_ =	shalt  }
0x55: {  	_ =	shalt  }
0x56: {  	_ =	shalt  }
0x57: {  	_ =	shalt  }
0x58: {  	_ =	shalt  }
0x59: {  	_ =	shalt  }
0x5a: {  	_ =	shalt  }
0x5b: {  	_ =	shalt  }
0x5c: {  	_ =	shalt  }
0x5d: {  	_ =	shalt  }
0x5e: {  	_ =	shalt  }
0x5f: {  	_ =	shalt  }
0x60: {  	_ =	shalt  }
0x61: {  	_ =	shalt  }
0x62: {  	_ =	shalt  }
0x63: {  	_ =	shalt  }
0x64: {  	_ =	shalt  }
0x65: {  	_ =	shalt  }
0x66: {  	_ =	shalt  }
0x67: {  	_ =	shalt  }
0x68: {  	_ =	shalt  }
0x69: {  	_ =	shalt  }
0x6a: {  	_ =	shalt  }
0x6b: {  	_ =	shalt  }
0x6c: {  	_ =	shalt  }
0x6d: {  	_ =	shalt  }
0x6e: {  	_ =	shalt  }
0x6f: {  	_ =	shalt  }
0x70: {  	_ =	shalt  }
0x71: {  	_ =	shalt  }
0x72: {  	_ =	shalt  }
0x73: {  	_ =	shalt  }
0x74: {  	_ =	shalt  }
0x75: {  	_ =	shalt  }
0x76: {  	_ =	shalt  }
0x77: {  	_ =	shalt  }
0x78: {  	_ =	shalt  }
0x79: {  	_ =	shalt  }
0x7a: {  	_ =	shalt  }
0x7b: {  	_ =	shalt  }
0x7c: {  	_ =	shalt  }
0x7d: {  	_ =	shalt  }
0x7e: {  	_ =	shalt  }
0x7f: {  	_ =	shalt  }
0x80: {  	_ =	shalt  }
0x81: {  	_ =	shalt  }
0x82: {  	_ =	shalt  }
0x83: {  	_ =	shalt  }
0x84: {  	_ =	shalt  }
0x85: {  	_ =	shalt  }
0x86: {  	_ =	shalt  }
0x87: {  	_ =	shalt  }
.Lfunc_end0:
.L_simem_size_0:
called_computation.2_lowered:
.L_overlay_start_0:
0x88: {  	s2 =	sld [smem:$0x3FD9]  }
0x89: {  	s3 =	sld [smem:$0x3FFE];
	_ =	sdelay $0x1  }
0x8a: {  	s1 =	srdreg.scid  }
0x8b: {  	s0 =	sand.u32 $0x1, s1  }
0x8c: {  	s14 =	sshll.u32 s0, $0xA;
	s2 =	sadd.s32 s3, s2  }
0x8d: {  	s2 =	sadd.s32 s2, s14  }
0x8e: {  	[smem:$0x3FA7] =	sst s2  }
0x8f: {  	_ = 	snop  }
0x90: {  	s2 =	sld [smem:$0x3FD0];
	_ =	sdelay $0x2  }
0x91: {  	s15 =	simm.s32 $0xA;
	s4 =	simm.s32 $0x10  }
0x92: {  	[smem:s4], [sflag:s15] =	dma.local [hbm:s2], $0x1  }
0x93: {  	_ =	swait.eq [sflag:s15], $0x1  }
0x94: {  	[sflag:s15] =	ssyncset.done $0x0  }
0x95: {  	s16 =	sld [smem:$0x11];
	[sflag:s15] =	ssyncadd.s32 $0xFFFFFFFF  }
0x96: {  	s17 =	sld [smem:$0x13];
	(tm) =	ssettm $0x1  }
0x97: {  	s18 =	sld [smem:$0x3FFB];
	_ =	sdelay $0x3  }
0x98: {  	_ =	strace s18  }
0x99: {  	s4 =	sld [smem:$0x3FFC];
	_ =	sdelay $0x3  }
0x9a: {  	_ =	strace s4  }
0x9b: {  	s4 =	sld [smem:$0x3FFD];
	_ =	sdelay $0x3  }
0x9c: {  	_ =	strace s4  }
0x9d: {  	_ =	strace $0x8FFFFFFF  }
0x9e: {  	s19 =	sld [smem:$0x3FDB];
	_ =	sdelay $0x1  }
0x9f: {  	s5 =	simm.s32 $_scs_section_size  }
0xa0: {  	s6 =	simm.s32 $_size__tile_overlayer_lowered;
	s7 =	simm.s32 $_tile_overlayer_lowered  }
0xa1: {  	s22 =	simm.s32 $0x1BFF;
	s21 =	sshll.u32 s7, $0x1;
	s4 =	sadd.s32 s5, s19  }
0xa2: {  	s8 =	simm.s32 $0x0;
	s20 =	sshll.u32 s6, $0x1;
	s6 =	sadd.s32 s21, s4  }
0xa3: {  	[timem:s8], [sflag:s22] =	dma.local [hbm:s6], s20  }
0xa4: {  	_ =	swait.ge [sflag:s22], s20  }
0xa5: {  	s5 =	ssub.s32 $0x0, s20;
	[sflag:s22] =	ssyncset.done $0x0  }
0xa6: {  	[sflag:s22] =	ssyncadd.s32 s5;
	_ =	sdelay $0x1  }
0xa7: {  	s23 =	simm.s32 $0x1B8B  }
0xa8: {  	_ =	swait.ge [sflag:s23], $0x1  }
0xa9: {  	[sflag:s23] =	ssyncset.done $0x0  }
0xaa: {  	s25 =	simm.s32 $0x1B8E;
	s24 =	sld [smem:$0x3FFE];
	[sflag:s23] =	ssyncadd.s32 $0xFFFFFFFF  }
0xab: {  	s26 =	simm.s32 $execute0_lowered;
	[smem:$0x3FD2] =	sst s25  }
0xac: {  	s6 =	sshll.u32 s26, $0x1;
	_ =	strace $0x8000004C;
	[dreg:$0x1] =	wrdreg $0xFFFFFFFF  }
0xad: {  	s28 =	simm.s32 $_size_execute0_lowered;
	s4 =	sadd.s32 s4, s6;
	[dreg:$0x0] =	wrdreg $0x0  }
0xae: {  	s6 =	sshll.u32 s28, $0x1;
	[dreg:$0x2] =	wrdreg s4  }
0xaf: {  	[dreg:$0x3] =	wrdreg s6  }
0xb0: {  	[dreg:$0x4] =	wrdreg $0xC0  }
0xb1: {  	_ =	task [dreg:s8], $0x5FFFF  }
0xb2: {  	[dreg:$0x1] =	wrdreg $0xFFFFFFFF  }
0xb3: {  	[dreg:$0x0] =	wrdreg $0x60  }
0xb4: {  	[dreg:$0x2] =	wrdreg s17  }
0xb5: {  	[dreg:$0x3] =	wrdreg s16  }
0xb6: {  	[dreg:$0x4] =	wrdreg s24  }
0xb7: {  	[dreg:$0x5] =	wrdreg $0x9  }
0xb8: {  	_ =	task.clear_ibuf [dreg:s8], $0x6FFFF;
	_ =	strace $0x9000004C  }
0xb9: {  	s29 =	simm.s32 $0x9;
	_ =	strace $0x8000004E  }
0xba: {  	_ =	swait.ge [sflag:s29], $0x1  }
0xbb: {  	[sflag:s29] =	ssyncadd.s32 $0xFFFFFFFF  }
0xbc: {  	_ =	strace $0x9000004E  }
0xbd: {  	_ =	sfence  }
0xbe: {  	s30 =	sld [smem:$0x0];
	_ =	sdelay $0x2  }
0xbf: {  	s31 =	sshll.u32 s1, $0xD;
	s1 =	sshrl.u32 s1, $0x2  }
0xc0: {  	s3 =	sand.u32 $0x4000, s31;
	s1 =	sadd.s32 s1, s30  }
0xc1: {  	s0 =	sor.u32 s3, s0;
	s1 =	sshll.u32 s1, $0x11  }
0xc2: {  	s0 =	sor.u32 s1, s0  }
0xc3: {  	s0 =	sadd.s32 $0x8F2B, s0  }
0xc4: {  	[sflag:s0] =	ssyncadd.remote.s32 $0x1  }
0xc5: {  	_ =	sfence.sel $0xFFFF  }
0xc6: {  	[dreg:$0x0] =	wrdreg $0xFFFFFFFF;
	(pc) =	sbr.abs _section_cstart, $3  }
0xc7: {  	[dreg:$0x1] =	wrdreg $0xFFFFFFFF  }
0xc8: {  	_ =	task.clear_ibuf [dreg:s8], $0x2FFFF;
	_ =	strace $0x9FFFFFFF  }
0xc9: {  	(tm) =	ssettm $0x7FFFFFFF  }
tec
execute0_lowered:
.L_overlay_start_1:
0x0: {  	(tag) =	ssettag $0x1  }
0x1: {  	s1 =	rddreg [dreg:$0x0]  }
0x2: {  	s2 =	rddreg [dreg:$0x1]  }
0x3: {  	s0 =	rddreg [dreg:$0x2];
	s4 =	simm.s32 $0x0  }
0x4: {  	s3 =	srdreg.scid;
	s15 =	stileid.u32;
	s16 =	simm.s32 $0x50  }
0x5: {  	s17 =	simm.s32 $0x100;
	s18 =	simm.s32 $0x5100;
	s19 =	simm.s32 $0x5200  }
0x6: {  	s20 =	simm.s32 $0x80;
	s21 =	simm.s32 $0x2900;
	s22 =	simm.s32 $0x5180  }
0x7: {  	s28 =	simm.s32 $0x4;
	s29 =	simm.s32 $0x0;
	[smem:$0x7FF] =	sst s4  }
0x8: {  	s3 =	sand.u32 $0x1, s3;
	s6 =	sshll.u32 s15, $0x1;
	s13 =	smul.u32 $0x4E20, s15  }
0x9: {  	s5 =	sadd.s32 $0x11400, s0;
	s12 =	sadd.s32 $0x1B200, s0;
	s15 =	smul.u32 $0x4E200, s15  }
0xa: {  	_ =	strace $0x8000004D;
	s7 =	sor.u32 s3, s6;
	s14 =	smul.u32 $0x2710, s3  }
0xb: {  	s6 =	sadd.s32 $0x7600, s0;
	s9 =	ssub.s32 $0x2, s3;
	s8 =	smul.u32 $0x2710, s7  }
0xc: {  	s0 =	sadd.s32 $0x4FD200, s0;
	s10 =	smul.u32 $0x27100, s7;
	s23 =	sshrl.u32 s9, $0x1  }
0xd: {  	s3 =	smul.u32 $0x27100, s3;
	s11 =	ssub.s32 s9, s23;
	s13 =	sadd.s32 s14, s13  }
0xe: {  	s23 =	simm.s32 $0x7A00;
	s8 =	sshrl.u32 s8, $0x3;
	s10 =	sadd.s32 $0x26C00, s10  }
0xf: {  	s11 =	smax.u32 s11, $0x1;
	s14 =	sadd.s32 $0x50, s13;
	s24 =	sadd.s32 s5, s8  }
0x10: {  	s25 =	sadd.s32 s6, s8;
	s26 =	sadd.s32 s12, s10;
	[dreg:$0x6] =	wrdreg s24  }
0x11: {  	s30 =	sadd.s32 s0, s10;
	s12 =	sadd.s32 s15, s12;
	[dreg:$0x7] =	wrdreg s25  }
0x12: {  	s0 =	sadd.s32 s15, s0;
	s31 =	sshrl.u32 s14, $0x3;
	[dreg:$0x8] =	wrdreg s26  }
0x13: {  	s15 =	simm.s32 $0x5;
	[dreg:$0x9] =	wrdreg s30;
	s12 =	sadd.s32 s3, s12  }
0x14: {  	s3 =	sadd.s32 s3, s0;
	s0 =	sadd.s32 $0xA0, s13;
	s14 =	sadd.s32 s31, s5  }
0x15: {  	s24 =	simm.s32 $0x1;
	s25 =	simm.s32 $0x3;
	[dreg:$0x4] =	wrdreg s12  }
0x16: {  	s26 =	simm.s32 $0x2;
	[dreg:$0x5] =	wrdreg s3;
	s3 =	sadd.s32 s31, s6  }
.LBB2_1:
0x17: {  	s7 =	rddreg [dreg:$0x6]  }
0x18: {  	[tilespmem:s4], [sflag:$0x5] =	stream.linear.gather [hbm4b:s7+s4], $0x50, $0x38;
	[tilespmem:$0xA200] =	vst v63  }
0x19: {  	_ =	swait.ge [sflag:s15], $0x50  }
0x1a: {  	[sflag:s15] =	ssyncset.done $0x0  }
0x1b: {  	[sflag:s15] =	ssyncadd.s32 $0xFFFFFFB0  }
0x1c: {  	[tilespmem:s17], [sflag:$0x1] =	stream.indirect.gather [hbm4b:s1+s16], $0x80, s4, s16, $0xb8;
	[tilespmem:$0xA200] =	vst v63  }
0x1d: {  	s12 =	rddreg [dreg:$0x7]  }
0x1e: {  	[tilespmem:s18], [sflag:$0x5] =	stream.linear.gather [hbm4b:s12+s4], $0x50, $0x38;
	[tilespmem:$0xA200] =	vst v63  }
0x1f: {  	_ =	swait.ge [sflag:s15], $0x50  }
0x20: {  	[sflag:s15] =	ssyncset.done $0x0  }
0x21: {  	[sflag:s15] =	ssyncadd.s32 $0xFFFFFFB0  }
0x22: {  	[tilespmem:s19], [sflag:$0x3] =	stream.indirect.gather [hbm4b:s2+s16], $0x80, s18, s16, $0xb8;
	[tilespmem:$0xA200] =	vst v63  }
0x23: {  	_ = 	snop  }
0x24: {  	[tilespmem:s20], [sflag:$0x5] =	stream.linear.gather [hbm4b:s14+s4], $0x50, $0x38;
	[tilespmem:$0xA200] =	vst v63  }
0x25: {  	_ =	swait.ge [sflag:s15], $0x50  }
0x26: {  	[sflag:s15] =	ssyncset.done $0x0  }
0x27: {  	[sflag:s15] =	ssyncadd.s32 $0xFFFFFFB0  }
0x28: {  	[tilespmem:s21], [sflag:$0x2] =	stream.indirect.gather [hbm4b:s1+s16], $0x80, s20, s16, $0xb8;
	[tilespmem:$0xA200] =	vst v63  }
0x29: {  	_ = 	snop  }
0x2a: {  	[tilespmem:s22], [sflag:$0x5] =	stream.linear.gather [hbm4b:s3+s4], $0x50, $0x38;
	[tilespmem:$0xA200] =	vst v63  }
0x2b: {  	_ =	swait.ge [sflag:s15], $0x50  }
0x2c: {  	[sflag:s15] =	ssyncset.done $0x0  }
0x2d: {  	[sflag:s15] =	ssyncadd.s32 $0xFFFFFFB0  }
0x2e: {  	[tilespmem:s23], [sflag:$0x4] =	stream.indirect.gather [hbm4b:s2+s16], $0x80, s22, s16, $0xb8;
	[tilespmem:$0xA200] =	vst v63  }
0x2f: {  	_ =	swait.ge [sflag:s24], $0x2800  }
0x30: {  	s12 =	rddreg [dreg:$0x4];
	[sflag:s24] =	ssyncset.done $0x0  }
0x31: {  	[sflag:s24] =	ssyncadd.s32 $0xFFFFD800;
	s12 =	sadd.s32 $0x0, s12  }
0x32: {  	[hbm4b:s12+s4] =	stream.linear.scatter [tilespmem:s17], [sflag:$0x5], $0x2800, $0x38;
	[tilespmem:$0xA200] =	vst v63  }
0x33: {  	_ =	swait.ge [sflag:s15], $0x2800  }
0x34: {  	[sflag:s15] =	ssyncset.done $0x0  }
0x35: {  	[sflag:s15] =	ssyncadd.s32 $0xFFFFD800  }
0x36: {  	_ =	swait.ge [sflag:s25], $0x2800  }
0x37: {  	s13 =	rddreg [dreg:$0x5];
	[sflag:s25] =	ssyncset.done $0x0  }
0x38: {  	[sflag:s25] =	ssyncadd.s32 $0xFFFFD800;
	s13 =	sadd.s32 $0x0, s13  }
0x39: {  	[hbm4b:s13+s4] =	stream.linear.scatter [tilespmem:s19], [sflag:$0x5], $0x2800, $0x38;
	[tilespmem:$0xA200] =	vst v63  }
0x3a: {  	_ =	swait.ge [sflag:s15], $0x2800  }
0x3b: {  	s30 =	sshrl.u32 s0, $0x3;
	[sflag:s15] =	ssyncset.done $0x0  }
0x3c: {  	s31 =	sadd.s32 s5, s30;
	[sflag:s15] =	ssyncadd.s32 $0xFFFFD800  }
0x3d: {  	[tilespmem:s4], [sflag:$0x5] =	stream.linear.gather [hbm4b:s31+s4], $0x50, $0x38;
	[tilespmem:$0xA200] =	vst v63  }
0x3e: {  	_ =	swait.ge [sflag:s15], $0x50  }
0x3f: {  	[sflag:s15] =	ssyncset.done $0x0  }
0x40: {  	[sflag:s15] =	ssyncadd.s32 $0xFFFFFFB0  }
0x41: {  	[tilespmem:s17], [sflag:$0x1] =	stream.indirect.gather [hbm4b:s1+s16], $0x80, s4, s16, $0xb8;
	[tilespmem:$0xA200] =	vst v63  }
0x42: {  	s30 =	sadd.s32 s6, s30  }
0x43: {  	[tilespmem:s18], [sflag:$0x5] =	stream.linear.gather [hbm4b:s30+s4], $0x50, $0x38;
	[tilespmem:$0xA200] =	vst v63  }
0x44: {  	_ =	swait.ge [sflag:s15], $0x50  }
0x45: {  	[sflag:s15] =	ssyncset.done $0x0  }
0x46: {  	[sflag:s15] =	ssyncadd.s32 $0xFFFFFFB0  }
0x47: {  	[tilespmem:s19], [sflag:$0x3] =	stream.indirect.gather [hbm4b:s2+s16], $0x80, s18, s16, $0xb8;
	[tilespmem:$0xA200] =	vst v63  }
0x48: {  	_ =	swait.ge [sflag:s26], $0x2800  }
0x49: {  	[sflag:s26] =	ssyncset.done $0x0  }
0x4a: {  	s12 =	sadd.s32 $0x500, s12;
	[sflag:s26] =	ssyncadd.s32 $0xFFFFD800  }
0x4b: {  	[hbm4b:s12+s4] =	stream.linear.scatter [tilespmem:s21], [sflag:$0x5], $0x2800, $0x38;
	[tilespmem:$0xA200] =	vst v63  }
0x4c: {  	_ =	swait.ge [sflag:s15], $0x2800  }
0x4d: {  	[sflag:s15] =	ssyncset.done $0x0  }
0x4e: {  	[sflag:s15] =	ssyncadd.s32 $0xFFFFD800  }
0x4f: {  	_ =	swait.ge [sflag:s28], $0x2800  }
0x50: {  	[sflag:s28] =	ssyncset.done $0x0  }
0x51: {  	s13 =	sadd.s32 $0x500, s13;
	[sflag:s28] =	ssyncadd.s32 $0xFFFFD800  }
0x52: {  	[hbm4b:s13+s4] =	stream.linear.scatter [tilespmem:s23], [sflag:$0x5], $0x2800, $0x38;
	[tilespmem:$0xA200] =	vst v63  }
0x53: {  	s31 =	sadd.s32 $0x14, s14;
	s30 =	simm.s32 $0xA00;
	_ =	swait.ge [sflag:s15], $0x2800  }
0x54: {  	s12 =	smov.u32 s0;
	s13 =	smov.u32 s3;
	[sflag:s15] =	ssyncset.done $0x0  }
.LBB2_2:
0x55: {  	[sflag:s15] =	ssyncadd.s32 $0xFFFFD800  }
0x56: {  	[tilespmem:s20], [sflag:$0x5] =	stream.linear.gather [hbm4b:s31+s4], $0x50, $0x38;
	[tilespmem:$0xA200] =	vst v63  }
0x57: {  	_ =	swait.ge [sflag:s15], $0x50  }
0x58: {  	[sflag:s15] =	ssyncset.done $0x0  }
0x59: {  	[sflag:s15] =	ssyncadd.s32 $0xFFFFFFB0  }
0x5a: {  	[tilespmem:s21], [sflag:$0x2] =	stream.indirect.gather [hbm4b:s1+s16], $0x80, s20, s16, $0xb8;
	[tilespmem:$0xA200] =	vst v63  }
0x5b: {  	s13 =	sadd.s32 $0x14, s13  }
0x5c: {  	[tilespmem:s22], [sflag:$0x5] =	stream.linear.gather [hbm4b:s13+s4], $0x50, $0x38;
	[tilespmem:$0xA200] =	vst v63  }
0x5d: {  	_ =	swait.ge [sflag:s15], $0x50  }
0x5e: {  	[sflag:s15] =	ssyncset.done $0x0  }
0x5f: {  	[sflag:s15] =	ssyncadd.s32 $0xFFFFFFB0  }
0x60: {  	[tilespmem:s23], [sflag:$0x4] =	stream.indirect.gather [hbm4b:s2+s16], $0x80, s22, s16, $0xb8;
	[tilespmem:$0xA200] =	vst v63  }
0x61: {  	_ =	swait.ge [sflag:s24], $0x2800  }
0x62: {  	s7 =	smov.u32 s30;
	s8 =	rddreg [dreg:$0x4];
	[sflag:s24] =	ssyncset.done $0x0  }
0x63: {  	[sflag:s24] =	ssyncadd.s32 $0xFFFFD800;
	s8 =	sadd.s32 s7, s8  }
0x64: {  	[hbm4b:s8+s4] =	stream.linear.scatter [tilespmem:s17], [sflag:$0x5], $0x2800, $0x38;
	[tilespmem:$0xA200] =	vst v63  }
0x65: {  	_ =	swait.ge [sflag:s15], $0x2800  }
0x66: {  	[sflag:s15] =	ssyncset.done $0x0  }
0x67: {  	[sflag:s15] =	ssyncadd.s32 $0xFFFFD800  }
0x68: {  	_ =	swait.ge [sflag:s25], $0x2800  }
0x69: {  	s9 =	rddreg [dreg:$0x5];
	[sflag:s25] =	ssyncset.done $0x0  }
0x6a: {  	[sflag:s25] =	ssyncadd.s32 $0xFFFFD800;
	s7 =	sadd.s32 s7, s9  }
0x6b: {  	[hbm4b:s7+s4] =	stream.linear.scatter [tilespmem:s19], [sflag:$0x5], $0x2800, $0x38;
	[tilespmem:$0xA200] =	vst v63  }
0x6c: {  	s12 =	sadd.s32 $0xA0, s12;
	_ =	swait.ge [sflag:s15], $0x2800  }
0x6d: {  	s9 =	sshrl.u32 s12, $0x3;
	[sflag:s15] =	ssyncset.done $0x0  }
0x6e: {  	s10 =	sadd.s32 s5, s9;
	[sflag:s15] =	ssyncadd.s32 $0xFFFFD800  }
0x6f: {  	[tilespmem:s4], [sflag:$0x5] =	stream.linear.gather [hbm4b:s10+s4], $0x50, $0x38;
	[tilespmem:$0xA200] =	vst v63  }
0x70: {  	_ =	swait.ge [sflag:s15], $0x50  }
0x71: {  	[sflag:s15] =	ssyncset.done $0x0  }
0x72: {  	[sflag:s15] =	ssyncadd.s32 $0xFFFFFFB0  }
0x73: {  	[tilespmem:s17], [sflag:$0x1] =	stream.indirect.gather [hbm4b:s1+s16], $0x80, s4, s16, $0xb8;
	[tilespmem:$0xA200] =	vst v63  }
0x74: {  	s9 =	sadd.s32 s6, s9  }
0x75: {  	[tilespmem:s18], [sflag:$0x5] =	stream.linear.gather [hbm4b:s9+s4], $0x50, $0x38;
	[tilespmem:$0xA200] =	vst v63  }
0x76: {  	_ =	swait.ge [sflag:s15], $0x50  }
0x77: {  	[sflag:s15] =	ssyncset.done $0x0  }
0x78: {  	[sflag:s15] =	ssyncadd.s32 $0xFFFFFFB0  }
0x79: {  	[tilespmem:s19], [sflag:$0x3] =	stream.indirect.gather [hbm4b:s2+s16], $0x80, s18, s16, $0xb8;
	[tilespmem:$0xA200] =	vst v63  }
0x7a: {  	_ =	swait.ge [sflag:s26], $0x2800  }
0x7b: {  	[sflag:s26] =	ssyncset.done $0x0  }
0x7c: {  	s8 =	sadd.s32 $0x500, s8;
	[sflag:s26] =	ssyncadd.s32 $0xFFFFD800  }
0x7d: {  	[hbm4b:s8+s4] =	stream.linear.scatter [tilespmem:s21], [sflag:$0x5], $0x2800, $0x38;
	[tilespmem:$0xA200] =	vst v63  }
0x7e: {  	_ =	swait.ge [sflag:s15], $0x2800  }
0x7f: {  	[sflag:s15] =	ssyncset.done $0x0  }
0x80: {  	[sflag:s15] =	ssyncadd.s32 $0xFFFFD800  }
0x81: {  	p0 =	sne.s32 s30, $0x26200;
	_ =	swait.ge [sflag:s28], $0x2800  }
.Ltmp0:
0x82: {  	[sflag:s28] =	ssyncset.done $0x0;
	(pc) =	sbr.rel @p0 .LBB2_2-.Ltmp0, $4  }
0x83: {  	s7 =	sadd.s32 $0x500, s7;
	[sflag:s28] =	ssyncadd.s32 $0xFFFFD800  }
0x84: {  	[hbm4b:s7+s4] =	stream.linear.scatter [tilespmem:s23], [sflag:$0x5], $0x2800, $0x38;
	[tilespmem:$0xA200] =	vst v63  }
0x85: {  	_ =	swait.ge [sflag:s15], $0x2800  }
0x86: {  	s30 =	sadd.s32 $0xA00, s30;
	s31 =	sadd.s32 $0x14, s31;
	[sflag:s15] =	ssyncset.done $0x0  }
0x87: {  	[sflag:s15] =	ssyncadd.s32 $0xFFFFD800  }
0x88: {  	_ =	swait.ge [sflag:s24], $0x2800  }
0x89: {  	[sflag:s24] =	ssyncset.done $0x0  }
0x8a: {  	s7 =	rddreg [dreg:$0x8];
	[sflag:s24] =	ssyncadd.s32 $0xFFFFD800  }
0x8b: {  	[hbm4b:s7+s4] =	stream.linear.scatter [tilespmem:s17], [sflag:$0x5], $0x2800, $0x38;
	[tilespmem:$0xA200] =	vst v63  }
0x8c: {  	_ =	swait.ge [sflag:s15], $0x2800  }
0x8d: {  	[sflag:s15] =	ssyncset.done $0x0  }
0x8e: {  	[sflag:s15] =	ssyncadd.s32 $0xFFFFD800  }
0x8f: {  	s29 =	sadd.s32 $0x1, s29;
	_ =	swait.ge [sflag:s25], $0x2800  }
0x90: {  	p0 =	sne.s32 s29, s11;
	[sflag:s25] =	ssyncset.done $0x0  }
.Ltmp1:
0x91: {  	s31 =	rddreg [dreg:$0x9];
	[sflag:s25] =	ssyncadd.s32 $0xFFFFD800;
	(pc) =	sbr.rel @p0 .LBB2_1-.Ltmp1, $4  }
0x92: {  	[hbm4b:s31+s4] =	stream.linear.scatter [tilespmem:s19], [sflag:$0x5], $0x2800, $0x38;
	[tilespmem:$0xA200] =	vst v63  }
0x93: {  	_ =	swait.ge [sflag:s15], $0x2800  }
0x94: {  	[sflag:s15] =	ssyncset.done $0x0  }
0x95: {  	[sflag:s15] =	ssyncadd.s32 $0xFFFFD800  }
0x96: {  	_ =	sfence.sel $0x180000  }
0x97: {  	[bflag:$0x0] =	sbarrier.arrive $0xFFFF  }
0x98: {  	_ =	strace $0x9000004D  }
0x99: {  	s0 =	stileid.u32;
	[bflag:$0x2] =	sbarrier.arrive $0xFFFF  }
0x9a: {  	p0 =	sne.s32 s0, $0x0;
	s0 =	rddreg [dreg:$0x3]  }
0x9b: {  	s0 =	sadd.s32 @!p0 $0x100000, s0  }
0x9c: {  	[sflag:s0] =	ssyncadd.tile.s32 @!p0 $0x1;
	_ =	shalt  }
.Lfunc_end2:
_tile_overlayer_lowered:
.L_overlay_start_2:
0x9d: {  	(tag) =	ssettag $0x2  }
0x9e: {  	s0 =	rddreg [dreg:$0x0];
	s2 =	stileid.u32  }
0x9f: {  	s1 =	rddreg [dreg:$0x1];
	p0 =	sne.s32 s2, $0x0  }
0xa0: {  	s3 =	rddreg [dreg:$0x2];
	[bflag:$0x3] =	sbarrier.arrive $0xFFFF;
	s2 =	simm.s32 @!p0 $0x1C05  }
0xa1: {  	[timem:s3], [sflag:s2] =	dma.local @!p0 [hbm:s0], s1  }
0xa2: {  	s0 =	simm.s32 @!p0 $0x5  }
0xa3: {  	_ =	swait.ge @!p0 [sflag:s0], s1  }
0xa4: {  	s1 =	ssub.s32 @!p0 $0x0, s1;
	[sflag:s0] =	ssyncset.done @!p0 $0x0  }
0xa5: {  	[sflag:s0] =	ssyncadd.s32 @!p0 s1  }
0xa6: {  	[bflag:$0x3] =	sbarrier.arrive $0xFFFF  }
0xa7: {  	_ =	shalt  }

// kernel: kernel.28.cloned.1.call-start
scs
__scs_entry_jumppad:
0x0: {  	(pc) =	sbr.rel $0x88, $3  }
0x1: {  	(tag) =	ssettag $0x0;
	lr =	simm.s32 $0x1  }
0x2: {  	[smem:$0x3F80] =	sst lr;
	_ =	strace $0xD0000000  }
0x3: {  	_ = 	snop  }
0x4: {  	_ = 	snop  }
0x5: {  	_ = 	snop  }
0x6: {  	_ = 	snop  }
0x7: {  	_ = 	snop  }
__scs_overlays_trampoline_lowered:
0x8: {  	[smem:$0x3F8F] =	sst s0  }
0x9: {  	[smem:$0x3F90] =	sst s1  }
0xa: {  	[smem:$0x3F91] =	sst s2  }
0xb: {  	[smem:$0x3F92] =	sst s3  }
0xc: {  	[smem:$0x3F93] =	sst s4  }
0xd: {  	[smem:$0x3F94] =	sst s5  }
0xe: {  	[smem:$0x3F95] =	sst s6  }
0xf: {  	[smem:$0x3F96] =	sst s7  }
0x10: {  	[smem:$0x3F97] =	sst s8  }
0x11: {  	[smem:$0x3F98] =	sst s9;
	s0 =	simm.s32 @!p0 $0x0  }
0x12: {  	s1 =	sld [smem:$0x3F7E];
	s0 =	simm.s32 @p0 $0x1  }
0x13: {  	[smem:$0x3F99] =	sst s0;
	s0 =	simm.s32 @!p1 $0x0  }
0x14: {  	s2 =	sld [smem:$0x3F7D];
	s0 =	simm.s32 @p1 $0x1  }
0x15: {  	[smem:$0x3F9A] =	sst s0;
	s0 =	simm.s32 @!p2 $0x0  }
0x16: {  	s3 =	sld [smem:$0x3FDB];
	s0 =	simm.s32 @p2 $0x1  }
0x17: {  	s4 =	simm.s32 $0x1BF5;
	[smem:$0x3F9C] =	sst s0  }
0x18: {  	s0 =	sld [smem:$0x3F7F];
	_ =	swait.ge [sflag:s4], $0x0  }
0x19: {  	s7 =	sld [smem:$0x3F80]  }
0x1a: {  	s8 =	sadd.s32 $0xFFFFE003, lr  }
0x1b: {  	s9 =	sadd.s32 $0xFFFFFEF7, lr;
	s5 =	simm.s32 $0xFFFFFFFF;
	p2 =	slt.u32 s8, $0xFFFFF086  }
0x1c: {  	p1 =	slt.u32 s9, $0xF7A;
	s5 =	simm.s32 @!p2 $0x0  }
0x1d: {  	s5 =	simm.s32 @p1 $0x1;
	p0 =	seq.s32 s7, s2  }
0x1e: {  	s7 =	smul.u32 @!p0 $0xF7A, s2;
	p2 =	seq.s32 @!p0 s5, $0x0  }
0x1f: {  	s9 =	smul.u32 $0xF7A, s1;
	s8 =	simm.s32 @!p0 $0x1BF5;
	p2 =	por !p2, p0  }
0x20: {  	[sflag:s8] =	ssyncset.s32 @!p0 $0xFFFFF086;
	s6 =	sadd.s32 @!p0 s3, s7;
	s7 =	simm.s32 @!p0 $0x108  }
0x21: {  	s3 =	sadd.s32 s3, s9;
	s6 =	sadd.s32 @!p0 $0x88, s6;
	s7 =	simm.s32 @p2 $0x1082  }
0x22: {  	[simem:s7], [sflag:s8] =	dma.local @!p0 [hbm:s6], $0xF7A  }
0x23: {  	s9 =	sor.u32 $0xD0000000, s2;
	s6 =	simm.s32 $0x108;
	_ =	swait.ge @!p0 [sflag:s8], $0x0  }
0x24: {  	s3 =	sadd.s32 $0x88, s3;
	s6 =	simm.s32 @!p1 $0x1082;
	[sflag:s4] =	ssyncset.s32 $0xFFFFF086  }
0x25: {  	[simem:s6], [sflag:s4] =	dma.local [hbm:s3], $0xF7A  }
0x26: {  	[smem:$0x3F80] =	sst s1;
	(tag) =	ssettag s2;
	_ =	strace s9  }
0x27: {  	s1 =	sld [smem:$0x3F90]  }
0x28: {  	s2 =	sld [smem:$0x3F91]  }
0x29: {  	s4 =	sld [smem:$0x3F93]  }
0x2a: {  	p0 =	seq.s32 s5, $0x0;
	s5 =	sld [smem:$0x3F94]  }
0x2b: {  	s6 =	sld [smem:$0x3F95]  }
0x2c: {  	s7 =	sld [smem:$0x3F96]  }
0x2d: {  	s3 =	simm.s32 $0x108;
	s8 =	sld [smem:$0x3F97]  }
0x2e: {  	s3 =	simm.s32 @!p0 $0x1082;
	s9 =	sld [smem:$0x3F98]  }
0x2f: {  	lr =	sadd.s32 s0, s3;
	s0 =	sld [smem:$0x3F8F]  }
0x30: {  	s3 =	sld [smem:$0x3F92]  }
0x31: {  	[smem:$0x3F9B] =	sst s10  }
0x32: {  	s10 =	sld [smem:$0x3F99];
	_ =	sdelay $0x3  }
0x33: {  	p0 =	seq.s32 s10, $0x1;
	s10 =	sld [smem:$0x3F9B];
	_ =	sdelay $0x3  }
0x34: {  	[smem:$0x3F9B] =	sst s10  }
0x35: {  	s10 =	sld [smem:$0x3F9A];
	_ =	sdelay $0x3  }
0x36: {  	p1 =	seq.s32 s10, $0x1;
	s10 =	sld [smem:$0x3F9B];
	_ =	sdelay $0x3  }
0x37: {  	[smem:$0x3F9B] =	sst s10  }
0x38: {  	s10 =	sld [smem:$0x3F9C]  }
0x39: {  	_ = 	snop;
	(pc) =	sbr.ind lr, $3  }
0x3a: {  	_ = 	snop  }
0x3b: {  	_ = 	snop  }
0x3c: {  	p2 =	seq.s32 s10, $0x1;
	s10 =	sld [smem:$0x3F9B]  }
0x3d: {  	_ =	shalt  }
0x3e: {  	_ =	shalt  }
0x3f: {  	_ =	shalt  }
0x40: {  	_ =	shalt  }
0x41: {  	_ =	shalt  }
0x42: {  	_ =	shalt  }
0x43: {  	_ =	shalt  }
0x44: {  	_ =	shalt  }
0x45: {  	_ =	shalt  }
0x46: {  	_ =	shalt  }
0x47: {  	_ =	shalt  }
0x48: {  	_ =	shalt  }
0x49: {  	_ =	shalt  }
0x4a: {  	_ =	shalt  }
0x4b: {  	_ =	shalt  }
0x4c: {  	_ =	shalt  }
0x4d: {  	_ =	shalt  }
0x4e: {  	_ =	shalt  }
0x4f: {  	_ =	shalt  }
0x50: {  	_ =	shalt  }
0x51: {  	_ =	shalt  }
0x52: {  	_ =	shalt  }
0x53: {  	_ =	shalt  }
0x54: {  	_ =	shalt  }
0x55: {  	_ =	shalt  }
0x56: {  	_ =	shalt  }
0x57: {  	_ =	shalt  }
0x58: {  	_ =	shalt  }
0x59: {  	_ =	shalt  }
0x5a: {  	_ =	shalt  }
0x5b: {  	_ =	shalt  }
0x5c: {  	_ =	shalt  }
0x5d: {  	_ =	shalt  }
0x5e: {  	_ =	shalt  }
0x5f: {  	_ =	shalt  }
0x60: {  	_ =	shalt  }
0x61: {  	_ =	shalt  }
0x62: {  	_ =	shalt  }
0x63: {  	_ =	shalt  }
0x64: {  	_ =	shalt  }
0x65: {  	_ =	shalt  }
0x66: {  	_ =	shalt  }
0x67: {  	_ =	shalt  }
0x68: {  	_ =	shalt  }
0x69: {  	_ =	shalt  }
0x6a: {  	_ =	shalt  }
0x6b: {  	_ =	shalt  }
0x6c: {  	_ =	shalt  }
0x6d: {  	_ =	shalt  }
0x6e: {  	_ =	shalt  }
0x6f: {  	_ =	shalt  }
0x70: {  	_ =	shalt  }
0x71: {  	_ =	shalt  }
0x72: {  	_ =	shalt  }
0x73: {  	_ =	shalt  }
0x74: {  	_ =	shalt  }
0x75: {  	_ =	shalt  }
0x76: {  	_ =	shalt  }
0x77: {  	_ =	shalt  }
0x78: {  	_ =	shalt  }
0x79: {  	_ =	shalt  }
0x7a: {  	_ =	shalt  }
0x7b: {  	_ =	shalt  }
0x7c: {  	_ =	shalt  }
0x7d: {  	_ =	shalt  }
0x7e: {  	_ =	shalt  }
0x7f: {  	_ =	shalt  }
0x80: {  	_ =	shalt  }
0x81: {  	_ =	shalt  }
0x82: {  	_ =	shalt  }
0x83: {  	_ =	shalt  }
0x84: {  	_ =	shalt  }
0x85: {  	_ =	shalt  }
0x86: {  	_ =	shalt  }
0x87: {  	_ =	shalt  }
.Lfunc_end0:
.L_simem_size_0:
called_computation.3_lowered:
.L_overlay_start_0:
0x88: {  	s2 =	sld [smem:$0x3FD9]  }
0x89: {  	s3 =	sld [smem:$0x3FFE];
	_ =	sdelay $0x1  }
0x8a: {  	s1 =	srdreg.scid  }
0x8b: {  	s0 =	sand.u32 $0x1, s1  }
0x8c: {  	s16 =	sshll.u32 s0, $0xA;
	s2 =	sadd.s32 s3, s2  }
0x8d: {  	s2 =	sadd.s32 s2, s16  }
0x8e: {  	[smem:$0x3FA7] =	sst s2  }
0x8f: {  	_ = 	snop  }
0x90: {  	(tm) =	ssettm $0x1  }
0x91: {  	s17 =	sld [smem:$0x3FFB];
	_ =	sdelay $0x3  }
0x92: {  	_ =	strace s17  }
0x93: {  	s2 =	sld [smem:$0x3FFC];
	_ =	sdelay $0x3  }
0x94: {  	_ =	strace s2  }
0x95: {  	s2 =	sld [smem:$0x3FFD];
	_ =	sdelay $0x3  }
0x96: {  	_ =	strace s2  }
0x97: {  	_ =	strace $0x8FFFFFFF  }
0x98: {  	s18 =	sld [smem:$0x3FDB];
	_ =	sdelay $0x1  }
0x99: {  	s19 =	simm.s32 $_scs_section_size  }
0x9a: {  	s4 =	simm.s32 $_size__tile_overlayer_lowered;
	s5 =	simm.s32 $_tile_overlayer_lowered  }
0x9b: {  	s22 =	simm.s32 $0x1BFF;
	s21 =	sshll.u32 s5, $0x1;
	s2 =	sadd.s32 s19, s18  }
0x9c: {  	s6 =	simm.s32 $0x0;
	s20 =	sshll.u32 s4, $0x1;
	s4 =	sadd.s32 s21, s2  }
0x9d: {  	[timem:s6], [sflag:s22] =	dma.local [hbm:s4], s20  }
0x9e: {  	_ =	swait.ge [sflag:s22], s20  }
0x9f: {  	s3 =	ssub.s32 $0x0, s20;
	[sflag:s22] =	ssyncset.done $0x0  }
0xa0: {  	[sflag:s22] =	ssyncadd.s32 s3;
	_ =	sdelay $0x1  }
0xa1: {  	s23 =	simm.s32 $0x1B8B  }
0xa2: {  	_ =	swait.ge [sflag:s23], $0x1  }
0xa3: {  	[sflag:s23] =	ssyncset.done $0x0  }
0xa4: {  	s25 =	simm.s32 $0x1B8E;
	s24 =	sld [smem:$0x3FFE];
	[sflag:s23] =	ssyncadd.s32 $0xFFFFFFFF  }
0xa5: {  	s26 =	simm.s32 $execute0_lowered;
	[smem:$0x3FD2] =	sst s25  }
0xa6: {  	s4 =	sshll.u32 s26, $0x1;
	_ =	strace $0x8000004F;
	[dreg:$0x1] =	wrdreg $0xFFFFFFFF  }
0xa7: {  	s28 =	simm.s32 $_size_execute0_lowered;
	s2 =	sadd.s32 s2, s4;
	[dreg:$0x0] =	wrdreg $0x0  }
0xa8: {  	s4 =	sshll.u32 s28, $0x1;
	[dreg:$0x2] =	wrdreg s2  }
0xa9: {  	[dreg:$0x3] =	wrdreg s4  }
0xaa: {  	[dreg:$0x4] =	wrdreg $0xC0  }
0xab: {  	_ =	task [dreg:s6], $0x5FFFF  }
0xac: {  	[dreg:$0x1] =	wrdreg $0xFFFFFFFF  }
0xad: {  	[dreg:$0x0] =	wrdreg $0x60  }
0xae: {  	[dreg:$0x2] =	wrdreg s24  }
0xaf: {  	[dreg:$0x3] =	wrdreg $0x9  }
0xb0: {  	_ =	task.clear_ibuf [dreg:s6], $0x4FFFF;
	_ =	strace $0x9000004F  }
0xb1: {  	s29 =	simm.s32 $0x9;
	_ =	strace $0x80000051  }
0xb2: {  	_ =	swait.ge [sflag:s29], $0x1  }
0xb3: {  	[sflag:s29] =	ssyncadd.s32 $0xFFFFFFFF  }
0xb4: {  	_ =	strace $0x90000051  }
0xb5: {  	_ =	sfence  }
0xb6: {  	s30 =	sld [smem:$0x0];
	_ =	sdelay $0x2  }
0xb7: {  	s31 =	sshll.u32 s1, $0xD;
	s1 =	sshrl.u32 s1, $0x2  }
0xb8: {  	s3 =	sand.u32 $0x4000, s31;
	s1 =	sadd.s32 s1, s30  }
0xb9: {  	s0 =	sor.u32 s3, s0;
	s1 =	sshll.u32 s1, $0x11  }
0xba: {  	s0 =	sor.u32 s1, s0  }
0xbb: {  	s0 =	sadd.s32 $0x8F2B, s0  }
0xbc: {  	[sflag:s0] =	ssyncadd.remote.s32 $0x1  }
0xbd: {  	_ =	sfence.sel $0xFFFF  }
0xbe: {  	[dreg:$0x0] =	wrdreg $0xFFFFFFFF;
	(pc) =	sbr.abs _section_cstart, $3  }
0xbf: {  	[dreg:$0x1] =	wrdreg $0xFFFFFFFF  }
0xc0: {  	_ =	task.clear_ibuf [dreg:s6], $0x2FFFF;
	_ =	strace $0x9FFFFFFF  }
0xc1: {  	(tm) =	ssettm $0x7FFFFFFF  }
tec
execute0_lowered:
.L_overlay_start_1:
0x0: {  	(tag) =	ssettag $0x1  }
0x1: {  	s1 =	srdreg.scid  }
0x2: {  	s0 =	stileid.u32;
	s5 =	rddreg [dreg:$0x0]  }
0x3: {  	s2 =	simm.s32 $0x0;
	s12 =	simm.s32 $0x271000;
	s13 =	simm.s32 $0x5000  }
0x4: {  	s14 =	simm.s32 $0x2800;
	s15 =	simm.s32 $0x5280;
	s16 =	simm.s32 $0x1  }
0x5: {  	s17 =	simm.s32 $0x5500;
	s18 =	simm.s32 $0x2;
	s20 =	simm.s32 $0x400  }
0x6: {  	s21 =	simm.s32 $0x3;
	s4 =	sand.u32 $0x1, s1;
	s8 =	smul.u32 $0x4E2000, s0  }
0x7: {  	s22 =	simm.s32 $0x0;
	s6 =	sshrl.u32 s0, $0x3;
	s3 =	smul.u32 $0x168000, s4  }
0x8: {  	[smem:$0x7FF] =	sst s2;
	s7 =	sshll.u32 s0, $0x7;
	s6 =	smul.u32 $0xB4000, s6  }
0x9: {  	s9 =	sadd.s32 $0x1B200, s5;
	s26 =	sand.u32 $0x380, s7;
	s28 =	smul.u32 $0x138800, s4  }
0xa: {  	_ =	strace $0x80000050;
	s10 =	ssub.s32 $0x2, s4;
	s4 =	smul.u32 $0x27100, s4  }
0xb: {  	s29 =	sshrl.u32 s10, $0x1;
	s3 =	sadd.s32 s3, s6;
	s7 =	sadd.s32 s28, s8  }
0xc: {  	s10 =	ssub.s32 s10, s29;
	s31 =	sshrl.u32 s4, $0x3;
	s8 =	sshrl.u32 s8, $0x3  }
0xd: {  	s6 =	sor.u32 s26, s3;
	s3 =	sadd.s32 $0x7600, s5;
	s30 =	sshrl.u32 s7, $0x3  }
0xe: {  	s7 =	sadd.s32 $0x280, s4;
	s8 =	sadd.s32 s9, s8;
	s6 =	sshrl.u32 s6, $0x3  }
0xf: {  	s10 =	smax.u32 s10, $0x1;
	s11 =	sadd.s32 s6, s5;
	s5 =	sadd.s32 s9, s30  }
0x10: {  	v0 =	vimm.f32 $0.0e+00;
	s6 =	sadd.s32 s3, s31;
	s9 =	sadd.s32 $0x9DF200, s11;
	s11 =	simm.s32 $0x1400  }
.LBB2_1:
0x11: {  	[tilespmem:s2], [sflag:$0x1] =	stream.strided.gather [hbm4b:s5+s11], $0x2800, s12, s11, $0x38;
	[tilespmem:$0x1BD00] =	vst v63  }
0x12: {  	s23 =	simm.s32 $0x40;
	s24 =	simm.s32 $0x0  }
0x13: {  	[tilespmem:s13], [sflag:$0x1] =	stream.linear.gather [hbm4b:s6+s2], $0x280, $0x38;
	[tilespmem:$0x1BD00] =	vst v63  }
.LBB2_2:
0x14: {  	p0 =	sne.s32 s23, $0x59FC0;
	[tilespmem:s24+$0x5500] =	vst v0;
	s24 =	smov.u32 s23;
	s23 =	sadd.s32 $0x40, s23  }
.Ltmp0:
0x15: {  	(pc) =	sbr.rel @p0 .LBB2_2-.Ltmp0, $2  }
0x16: {  	_ =	sdelay $0x2  }
0x17: {  	s24 =	sshra.s32 s24, $0x2  }
0x18: {  	[tilespmem:s24+$0x5500] =	vst v0;
	s23 =	simm.s32 $0x0;
	s24 =	simm.s32 $0x0  }
.LBB2_4:
0x19: {  	s25 =	smul.u32 $0x500, s24;
	_ =	sdelay $0x1  }
0x1a: {  	s25 =	sadd.s32 s25, s7  }
0x1b: {  	s26 =	sadd.s32 s25, s8;
	s25 =	sshrl.u32 s25, $0x3  }
0x1c: {  	[tilespmem:s14], [sflag:$0x2] =	stream.strided.gather [hbm4b:s26+s11], $0x2800, s12, s11, $0x38;
	[tilespmem:$0x1BD00] =	vst v63  }
0x1d: {  	s25 =	sadd.s32 s3, s25  }
0x1e: {  	[tilespmem:s15], [sflag:$0x2] =	stream.linear.gather [hbm4b:s25+s23], $0x280, $0x38;
	[tilespmem:$0x1BD00] =	vst v63  }
0x1f: {  	_ =	swait.ge [sflag:s16], $0x2800  }
0x20: {  	[sflag:s16] =	ssyncset.done $0x0  }
0x21: {  	[sflag:s16] =	ssyncadd.s32 $0xFFFFD800  }
0x22: {  	_ =	swait.ge [sflag:s16], $0x280  }
0x23: {  	s28 =	simm.s32 $0x0;
	s29 =	simm.s32 $0x0;
	[sflag:s16] =	ssyncset.done $0x0  }
0x24: {  	s26 =	simm.s32 $0x0;
	s25 =	simm.s32 $0x5000;
	[sflag:s16] =	ssyncadd.s32 $0xFFFFFD80  }
.LBB2_5:
0x25: {  	v1 =	vld [tilespmem:s25+$0x0];
	_ =	sdelay $0x3  }
0x26: {  	s30 =	sand.u32 $0x60, s29;
	s31 =	sand.u32 $0x1C00, s28  }
0x27: {  	s1 =	sor.u32 s30, s31;
	v1 =	vmul.u32 $0x9, v1  }
0x28: {  	v2 =	vld [tilespmem:s1+$0x0];
	_ =	sdelay $0x4  }
0x29: {  	[tilespmem:v1+s17+$0x0] =	vst.idx.add.f32.msk $0xffff, v2  }
0x2a: {  	v2 =	vadd.s32 $0x1, v1;
	v3 =	vld [tilespmem:s1+$0x80];
	_ =	sdelay $0x4  }
0x2b: {  	[tilespmem:v2+s17+$0x0] =	vst.idx.add.f32.msk $0xffff, v3  }
0x2c: {  	v2 =	vadd.s32 $0x2, v1;
	v3 =	vld [tilespmem:s1+$0x100];
	_ =	sdelay $0x4  }
0x2d: {  	[tilespmem:v2+s17+$0x0] =	vst.idx.add.f32.msk $0xffff, v3  }
0x2e: {  	v2 =	vadd.s32 $0x3, v1;
	v3 =	vld [tilespmem:s1+$0x180];
	_ =	sdelay $0x4  }
0x2f: {  	[tilespmem:v2+s17+$0x0] =	vst.idx.add.f32.msk $0xffff, v3  }
0x30: {  	v2 =	vadd.s32 $0x4, v1;
	v3 =	vld [tilespmem:s1+$0x200];
	_ =	sdelay $0x4  }
0x31: {  	[tilespmem:v2+s17+$0x0] =	vst.idx.add.f32.msk $0xffff, v3  }
0x32: {  	v2 =	vadd.s32 $0x5, v1;
	v3 =	vld [tilespmem:s1+$0x280];
	_ =	sdelay $0x1  }
0x33: {  	s0 =	sand.u32 $0x3, s26  }
0x34: {  	s1 =	sshll.u32 s0, $0x5  }
0x35: {  	s1 =	sadd.s32 s1, s28  }
0x36: {  	s0 =	sor.u32 $0x300, s1;
	[tilespmem:v2+s17+$0x0] =	vst.idx.add.f32.msk $0xffff, v3  }
0x37: {  	v2 =	vadd.s32 $0x6, v1;
	v3 =	vld [tilespmem:s0+$0x0];
	_ =	sdelay $0x3  }
0x38: {  	s19 =	sor.u32 s28, s29  }
0x39: {  	s0 =	sor.u32 $0x380, s19;
	[tilespmem:v2+s17+$0x0] =	vst.idx.add.f32.msk $0xffff, v3  }
0x3a: {  	v2 =	vadd.s32 $0x7, v1;
	v3 =	vld [tilespmem:s0+$0x0];
	_ =	sdelay $0x3  }
0x3b: {  	s0 =	sadd.s32 $0x1400, s31  }
0x3c: {  	s19 =	sor.u32 s30, s0;
	[tilespmem:v2+s17+$0x0] =	vst.idx.add.f32.msk $0xffff, v3  }
0x3d: {  	v1 =	vadd.s32 $0x8, v1;
	v2 =	vld [tilespmem:s19+$0x0];
	_ =	sdelay $0x3  }
0x3e: {  	s19 =	sor.u32 $0x10, s30;
	s30 =	sand.u32 $0x380, s29  }
0x3f: {  	s30 =	sor.u32 s19, s30;
	[tilespmem:v1+s17+$0x0] =	vst.idx.add.f32.msk $0xffff, v2  }
0x40: {  	v1 =	vld [tilespmem:s30+$0x5000];
	_ =	sdelay $0x4  }
0x41: {  	s31 =	sor.u32 s19, s31;
	v1 =	vmul.u32 $0x9, v1  }
0x42: {  	v2 =	vld [tilespmem:s31+$0x0];
	_ =	sdelay $0x4  }
0x43: {  	[tilespmem:v1+s17+$0x0] =	vst.idx.add.f32.msk $0xffff, v2  }
0x44: {  	v2 =	vadd.s32 $0x1, v1;
	v3 =	vld [tilespmem:s31+$0x80];
	_ =	sdelay $0x4  }
0x45: {  	[tilespmem:v2+s17+$0x0] =	vst.idx.add.f32.msk $0xffff, v3  }
0x46: {  	v2 =	vadd.s32 $0x2, v1;
	v3 =	vld [tilespmem:s31+$0x100];
	_ =	sdelay $0x4  }
0x47: {  	[tilespmem:v2+s17+$0x0] =	vst.idx.add.f32.msk $0xffff, v3  }
0x48: {  	v2 =	vadd.s32 $0x3, v1;
	v3 =	vld [tilespmem:s31+$0x180];
	_ =	sdelay $0x4  }
0x49: {  	[tilespmem:v2+s17+$0x0] =	vst.idx.add.f32.msk $0xffff, v3  }
0x4a: {  	v2 =	vadd.s32 $0x4, v1;
	v3 =	vld [tilespmem:s31+$0x200];
	_ =	sdelay $0x4  }
0x4b: {  	[tilespmem:v2+s17+$0x0] =	vst.idx.add.f32.msk $0xffff, v3  }
0x4c: {  	v2 =	vadd.s32 $0x5, v1;
	v3 =	vld [tilespmem:s31+$0x280];
	_ =	sdelay $0x3  }
0x4d: {  	s1 =	sadd.s32 $0x10, s1  }
0x4e: {  	s31 =	sor.u32 $0x300, s1;
	[tilespmem:v2+s17+$0x0] =	vst.idx.add.f32.msk $0xffff, v3  }
0x4f: {  	v2 =	vadd.s32 $0x6, v1;
	v3 =	vld [tilespmem:s31+$0x0];
	_ =	sdelay $0x4  }
0x50: {  	s1 =	sor.u32 $0x380, s1;
	[tilespmem:v2+s17+$0x0] =	vst.idx.add.f32.msk $0xffff, v3  }
0x51: {  	v2 =	vadd.s32 $0x7, v1;
	v3 =	vld [tilespmem:s1+$0x0];
	_ =	sdelay $0x4  }
0x52: {  	s0 =	sor.u32 s19, s0;
	[tilespmem:v2+s17+$0x0] =	vst.idx.add.f32.msk $0xffff, v3  }
0x53: {  	p0 =	sne.s32 s29, $0x260;
	v1 =	vadd.s32 $0x8, v1;
	v2 =	vld [tilespmem:s0+$0x0]  }
.Ltmp1:
0x54: {  	_ = 	snop;
	(pc) =	sbr.rel @p0 .LBB2_5-.Ltmp1, $3  }
0x55: {  	_ =	sdelay $0x1  }
0x56: {  	s26 =	sadd.s32 $0x1, s26  }
0x57: {  	s25 =	sadd.s32 $0x20, s25;
	s28 =	sadd.s32 $0x100, s28;
	s29 =	sadd.s32 $0x20, s29;
	[tilespmem:v1+s17+$0x0] =	vst.idx.add.f32.msk $0xffff, v2  }
0x58: {  	s0 =	sshll.u32 s24, $0x1  }
0x59: {  	s0 =	sadd.s32 $0x2, s0  }
0x5a: {  	s1 =	smul.u32 $0x280, s0  }
0x5b: {  	p0 =	seq.s32 s0, $0xFA  }
0x5c: {  	s1 =	simm.s32 @p0 $0x0  }
0x5d: {  	s31 =	sadd.s32 s4, s1  }
0x5e: {  	s25 =	simm.s32 $0x0;
	s1 =	sadd.s32 s31, s8;
	s0 =	sshrl.u32 s31, $0x3  }
0x5f: {  	[tilespmem:s25], [sflag:$0x1] =	stream.strided.gather [hbm4b:s1+s11], $0x2800, s12, s11, $0x38;
	[tilespmem:$0x1BD00] =	vst v63  }
0x60: {  	s0 =	sadd.s32 s3, s0  }
0x61: {  	[tilespmem:s13], [sflag:$0x1] =	stream.linear.gather [hbm4b:s0+s25], $0x280, $0x38;
	[tilespmem:$0x1BD00] =	vst v63  }
0x62: {  	_ =	swait.ge [sflag:s18], $0x2800  }
0x63: {  	[sflag:s18] =	ssyncset.done $0x0  }
0x64: {  	[sflag:s18] =	ssyncadd.s32 $0xFFFFD800  }
0x65: {  	_ =	swait.ge [sflag:s18], $0x280  }
0x66: {  	s26 =	simm.s32 $0x5280;
	[sflag:s18] =	ssyncset.done $0x0  }
0x67: {  	s28 =	simm.s32 $0x0;
	s29 =	simm.s32 $0x0;
	[sflag:s18] =	ssyncadd.s32 $0xFFFFFD80  }
.LBB2_7:
0x68: {  	v1 =	vld [tilespmem:s26+$0x0];
	_ =	sdelay $0x2  }
0x69: {  	s0 =	sand.u32 $0x1C00, s28  }
0x6a: {  	s1 =	sand.u32 $0x60, s29;
	s19 =	sadd.s32 $0x2800, s0  }
0x6b: {  	s30 =	sor.u32 s1, s19;
	v1 =	vmul.u32 $0x9, v1  }
0x6c: {  	v2 =	vld [tilespmem:s30+$0x0];
	_ =	sdelay $0x4  }
0x6d: {  	[tilespmem:v1+s17+$0x0] =	vst.idx.add.f32.msk $0xffff, v2  }
0x6e: {  	v2 =	vadd.s32 $0x1, v1;
	v3 =	vld [tilespmem:s30+$0x80];
	_ =	sdelay $0x4  }
0x6f: {  	[tilespmem:v2+s17+$0x0] =	vst.idx.add.f32.msk $0xffff, v3  }
0x70: {  	v2 =	vadd.s32 $0x2, v1;
	v3 =	vld [tilespmem:s30+$0x100];
	_ =	sdelay $0x4  }
0x71: {  	[tilespmem:v2+s17+$0x0] =	vst.idx.add.f32.msk $0xffff, v3  }
0x72: {  	v2 =	vadd.s32 $0x3, v1;
	v3 =	vld [tilespmem:s30+$0x180];
	_ =	sdelay $0x4  }
0x73: {  	[tilespmem:v2+s17+$0x0] =	vst.idx.add.f32.msk $0xffff, v3  }
0x74: {  	v2 =	vadd.s32 $0x4, v1;
	v3 =	vld [tilespmem:s30+$0x200];
	_ =	sdelay $0x4  }
0x75: {  	[tilespmem:v2+s17+$0x0] =	vst.idx.add.f32.msk $0xffff, v3  }
0x76: {  	v2 =	vadd.s32 $0x5, v1;
	v3 =	vld [tilespmem:s30+$0x280];
	_ =	sdelay $0x1  }
0x77: {  	s31 =	sand.u32 $0x3, s25  }
0x78: {  	s30 =	sshll.u32 s31, $0x5  }
0x79: {  	s30 =	sadd.s32 s30, s28  }
0x7a: {  	s31 =	sor.u32 $0x300, s30;
	[tilespmem:v2+s17+$0x0] =	vst.idx.add.f32.msk $0xffff, v3  }
0x7b: {  	v2 =	vadd.s32 $0x6, v1;
	v3 =	vld [tilespmem:s31+$0x2800];
	_ =	sdelay $0x3  }
0x7c: {  	s31 =	sor.u32 s28, s29  }
0x7d: {  	s31 =	sor.u32 $0x380, s31;
	[tilespmem:v2+s17+$0x0] =	vst.idx.add.f32.msk $0xffff, v3  }
0x7e: {  	v2 =	vadd.s32 $0x7, v1;
	v3 =	vld [tilespmem:s31+$0x2800];
	_ =	sdelay $0x3  }
0x7f: {  	s0 =	sadd.s32 $0x3C00, s0  }
0x80: {  	s31 =	sor.u32 s1, s0;
	[tilespmem:v2+s17+$0x0] =	vst.idx.add.f32.msk $0xffff, v3  }
0x81: {  	v1 =	vadd.s32 $0x8, v1;
	v2 =	vld [tilespmem:s31+$0x0];
	_ =	sdelay $0x3  }
0x82: {  	s1 =	sor.u32 $0x10, s1;
	s31 =	sand.u32 $0x380, s29  }
0x83: {  	s31 =	sor.u32 s1, s31;
	[tilespmem:v1+s17+$0x0] =	vst.idx.add.f32.msk $0xffff, v2  }
0x84: {  	v1 =	vld [tilespmem:s31+$0x5280];
	_ =	sdelay $0x4  }
0x85: {  	s19 =	sor.u32 s1, s19;
	v1 =	vmul.u32 $0x9, v1  }
0x86: {  	v2 =	vld [tilespmem:s19+$0x0];
	_ =	sdelay $0x4  }
0x87: {  	[tilespmem:v1+s17+$0x0] =	vst.idx.add.f32.msk $0xffff, v2  }
0x88: {  	v2 =	vadd.s32 $0x1, v1;
	v3 =	vld [tilespmem:s19+$0x80];
	_ =	sdelay $0x4  }
0x89: {  	[tilespmem:v2+s17+$0x0] =	vst.idx.add.f32.msk $0xffff, v3  }
0x8a: {  	v2 =	vadd.s32 $0x2, v1;
	v3 =	vld [tilespmem:s19+$0x100];
	_ =	sdelay $0x4  }
0x8b: {  	[tilespmem:v2+s17+$0x0] =	vst.idx.add.f32.msk $0xffff, v3  }
0x8c: {  	v2 =	vadd.s32 $0x3, v1;
	v3 =	vld [tilespmem:s19+$0x180];
	_ =	sdelay $0x4  }
0x8d: {  	[tilespmem:v2+s17+$0x0] =	vst.idx.add.f32.msk $0xffff, v3  }
0x8e: {  	v2 =	vadd.s32 $0x4, v1;
	v3 =	vld [tilespmem:s19+$0x200];
	_ =	sdelay $0x4  }
0x8f: {  	[tilespmem:v2+s17+$0x0] =	vst.idx.add.f32.msk $0xffff, v3  }
0x90: {  	v2 =	vadd.s32 $0x5, v1;
	v3 =	vld [tilespmem:s19+$0x280];
	_ =	sdelay $0x3  }
0x91: {  	s31 =	sadd.s32 $0x10, s30  }
0x92: {  	s30 =	sor.u32 $0x300, s31;
	[tilespmem:v2+s17+$0x0] =	vst.idx.add.f32.msk $0xffff, v3  }
0x93: {  	v2 =	vadd.s32 $0x6, v1;
	v3 =	vld [tilespmem:s30+$0x2800];
	_ =	sdelay $0x4  }
0x94: {  	s19 =	sor.u32 $0x380, s31;
	[tilespmem:v2+s17+$0x0] =	vst.idx.add.f32.msk $0xffff, v3  }
0x95: {  	v2 =	vadd.s32 $0x7, v1;
	v3 =	vld [tilespmem:s19+$0x2800];
	_ =	sdelay $0x4  }
0x96: {  	s0 =	sor.u32 s1, s0;
	[tilespmem:v2+s17+$0x0] =	vst.idx.add.f32.msk $0xffff, v3  }
0x97: {  	p0 =	sne.s32 s29, $0x260;
	v1 =	vadd.s32 $0x8, v1;
	v2 =	vld [tilespmem:s0+$0x0]  }
.Ltmp2:
0x98: {  	_ = 	snop;
	(pc) =	sbr.rel @p0 .LBB2_7-.Ltmp2, $3  }
0x99: {  	_ =	sdelay $0x1  }
0x9a: {  	s25 =	sadd.s32 $0x1, s25  }
0x9b: {  	s26 =	sadd.s32 $0x20, s26;
	s28 =	sadd.s32 $0x100, s28;
	s29 =	sadd.s32 $0x20, s29;
	[tilespmem:v1+s17+$0x0] =	vst.idx.add.f32.msk $0xffff, v2  }
0x9c: {  	s24 =	sadd.s32 $0x1, s24  }
0x9d: {  	p0 =	sne.s32 s24, $0x7D  }
.Ltmp3:
0x9e: {  	_ = 	snop;
	(pc) =	sbr.rel @p0 .LBB2_4-.Ltmp3, $1  }
0x9f: {  	_ =	sdelay $0x3  }
0xa0: {  	_ =	swait.ge [sflag:s16], $0x2800  }
0xa1: {  	[sflag:s16] =	ssyncset.done $0x0  }
0xa2: {  	[sflag:s16] =	ssyncadd.s32 $0xFFFFD800  }
0xa3: {  	s22 =	sadd.s32 $0x1, s22;
	_ =	swait.ge [sflag:s16], $0x280  }
0xa4: {  	p0 =	sne.s32 s22, s10;
	[sflag:s16] =	ssyncset.done $0x0  }
.Ltmp4:
0xa5: {  	s0 =	simm.s32 $0x80;
	[sflag:s16] =	ssyncadd.s32 $0xFFFFFD80;
	(pc) =	sbr.rel @p0 .LBB2_1-.Ltmp4, $4  }
0xa6: {  	[hbm4b:s9+s0] =	stream.strided.scatter [tilespmem:s17], [sflag:$0x3], $0x16800, s20, s0, $0x38;
	[tilespmem:$0x1BD00] =	vst v63  }
0xa7: {  	_ =	swait.ge [sflag:s21], $0x16800  }
0xa8: {  	[sflag:s21] =	ssyncset.done $0x0  }
0xa9: {  	[sflag:s21] =	ssyncadd.s32 $0xFFFE9800  }
0xaa: {  	_ =	sfence.sel $0x180000  }
0xab: {  	[bflag:$0x0] =	sbarrier.arrive $0xFFFF  }
0xac: {  	_ =	strace $0x90000050  }
0xad: {  	s0 =	stileid.u32;
	[bflag:$0x2] =	sbarrier.arrive $0xFFFF  }
0xae: {  	p0 =	sne.s32 s0, $0x0;
	s0 =	rddreg [dreg:$0x1]  }
0xaf: {  	s0 =	sadd.s32 @!p0 $0x100000, s0  }
0xb0: {  	[sflag:s0] =	ssyncadd.tile.s32 @!p0 $0x1;
	_ =	shalt  }
.Lfunc_end2:
_tile_overlayer_lowered:
.L_overlay_start_2:
0xb1: {  	(tag) =	ssettag $0x2  }
0xb2: {  	s0 =	rddreg [dreg:$0x0];
	s2 =	stileid.u32  }
0xb3: {  	s1 =	rddreg [dreg:$0x1];
	p0 =	sne.s32 s2, $0x0  }
0xb4: {  	s3 =	rddreg [dreg:$0x2];
	[bflag:$0x3] =	sbarrier.arrive $0xFFFF;
	s2 =	simm.s32 @!p0 $0x1C03  }
0xb5: {  	[timem:s3], [sflag:s2] =	dma.local @!p0 [hbm:s0], s1  }
0xb6: {  	s0 =	simm.s32 @!p0 $0x3  }
0xb7: {  	_ =	swait.ge @!p0 [sflag:s0], s1  }
0xb8: {  	s1 =	ssub.s32 @!p0 $0x0, s1;
	[sflag:s0] =	ssyncset.done @!p0 $0x0  }
0xb9: {  	[sflag:s0] =	ssyncadd.s32 @!p0 s1  }
0xba: {  	[bflag:$0x3] =	sbarrier.arrive $0xFFFF  }
0xbb: {  	_ =	shalt  }

// kernel: kernel.31.cloned.1.call-start
scs
__scs_entry_jumppad:
0x0: {  	(pc) =	sbr.rel $0x88, $3  }
0x1: {  	(tag) =	ssettag $0x0;
	lr =	simm.s32 $0x1  }
0x2: {  	[smem:$0x3F80] =	sst lr;
	_ =	strace $0xD0000000  }
0x3: {  	_ = 	snop  }
0x4: {  	_ = 	snop  }
0x5: {  	_ = 	snop  }
0x6: {  	_ = 	snop  }
0x7: {  	_ = 	snop  }
__scs_overlays_trampoline_lowered:
0x8: {  	[smem:$0x3F8F] =	sst s0  }
0x9: {  	[smem:$0x3F90] =	sst s1  }
0xa: {  	[smem:$0x3F91] =	sst s2  }
0xb: {  	[smem:$0x3F92] =	sst s3  }
0xc: {  	[smem:$0x3F93] =	sst s4  }
0xd: {  	[smem:$0x3F94] =	sst s5  }
0xe: {  	[smem:$0x3F95] =	sst s6  }
0xf: {  	[smem:$0x3F96] =	sst s7  }
0x10: {  	[smem:$0x3F97] =	sst s8  }
0x11: {  	[smem:$0x3F98] =	sst s9;
	s0 =	simm.s32 @!p0 $0x0  }
0x12: {  	s1 =	sld [smem:$0x3F7E];
	s0 =	simm.s32 @p0 $0x1  }
0x13: {  	[smem:$0x3F99] =	sst s0;
	s0 =	simm.s32 @!p1 $0x0  }
0x14: {  	s2 =	sld [smem:$0x3F7D];
	s0 =	simm.s32 @p1 $0x1  }
0x15: {  	[smem:$0x3F9A] =	sst s0;
	s0 =	simm.s32 @!p2 $0x0  }
0x16: {  	s3 =	sld [smem:$0x3FDB];
	s0 =	simm.s32 @p2 $0x1  }
0x17: {  	s4 =	simm.s32 $0x1BF5;
	[smem:$0x3F9C] =	sst s0  }
0x18: {  	s0 =	sld [smem:$0x3F7F];
	_ =	swait.ge [sflag:s4], $0x0  }
0x19: {  	s7 =	sld [smem:$0x3F80]  }
0x1a: {  	s8 =	sadd.s32 $0xFFFFE003, lr  }
0x1b: {  	s9 =	sadd.s32 $0xFFFFFEF7, lr;
	s5 =	simm.s32 $0xFFFFFFFF;
	p2 =	slt.u32 s8, $0xFFFFF086  }
0x1c: {  	p1 =	slt.u32 s9, $0xF7A;
	s5 =	simm.s32 @!p2 $0x0  }
0x1d: {  	s5 =	simm.s32 @p1 $0x1;
	p0 =	seq.s32 s7, s2  }
0x1e: {  	s7 =	smul.u32 @!p0 $0xF7A, s2;
	p2 =	seq.s32 @!p0 s5, $0x0  }
0x1f: {  	s9 =	smul.u32 $0xF7A, s1;
	s8 =	simm.s32 @!p0 $0x1BF5;
	p2 =	por !p2, p0  }
0x20: {  	[sflag:s8] =	ssyncset.s32 @!p0 $0xFFFFF086;
	s6 =	sadd.s32 @!p0 s3, s7;
	s7 =	simm.s32 @!p0 $0x108  }
0x21: {  	s3 =	sadd.s32 s3, s9;
	s6 =	sadd.s32 @!p0 $0x88, s6;
	s7 =	simm.s32 @p2 $0x1082  }
0x22: {  	[simem:s7], [sflag:s8] =	dma.local @!p0 [hbm:s6], $0xF7A  }
0x23: {  	s9 =	sor.u32 $0xD0000000, s2;
	s6 =	simm.s32 $0x108;
	_ =	swait.ge @!p0 [sflag:s8], $0x0  }
0x24: {  	s3 =	sadd.s32 $0x88, s3;
	s6 =	simm.s32 @!p1 $0x1082;
	[sflag:s4] =	ssyncset.s32 $0xFFFFF086  }
0x25: {  	[simem:s6], [sflag:s4] =	dma.local [hbm:s3], $0xF7A  }
0x26: {  	[smem:$0x3F80] =	sst s1;
	(tag) =	ssettag s2;
	_ =	strace s9  }
0x27: {  	s1 =	sld [smem:$0x3F90]  }
0x28: {  	s2 =	sld [smem:$0x3F91]  }
0x29: {  	s4 =	sld [smem:$0x3F93]  }
0x2a: {  	p0 =	seq.s32 s5, $0x0;
	s5 =	sld [smem:$0x3F94]  }
0x2b: {  	s6 =	sld [smem:$0x3F95]  }
0x2c: {  	s7 =	sld [smem:$0x3F96]  }
0x2d: {  	s3 =	simm.s32 $0x108;
	s8 =	sld [smem:$0x3F97]  }
0x2e: {  	s3 =	simm.s32 @!p0 $0x1082;
	s9 =	sld [smem:$0x3F98]  }
0x2f: {  	lr =	sadd.s32 s0, s3;
	s0 =	sld [smem:$0x3F8F]  }
0x30: {  	s3 =	sld [smem:$0x3F92]  }
0x31: {  	[smem:$0x3F9B] =	sst s10  }
0x32: {  	s10 =	sld [smem:$0x3F99];
	_ =	sdelay $0x3  }
0x33: {  	p0 =	seq.s32 s10, $0x1;
	s10 =	sld [smem:$0x3F9B];
	_ =	sdelay $0x3  }
0x34: {  	[smem:$0x3F9B] =	sst s10  }
0x35: {  	s10 =	sld [smem:$0x3F9A];
	_ =	sdelay $0x3  }
0x36: {  	p1 =	seq.s32 s10, $0x1;
	s10 =	sld [smem:$0x3F9B];
	_ =	sdelay $0x3  }
0x37: {  	[smem:$0x3F9B] =	sst s10  }
0x38: {  	s10 =	sld [smem:$0x3F9C]  }
0x39: {  	_ = 	snop;
	(pc) =	sbr.ind lr, $3  }
0x3a: {  	_ = 	snop  }
0x3b: {  	_ = 	snop  }
0x3c: {  	p2 =	seq.s32 s10, $0x1;
	s10 =	sld [smem:$0x3F9B]  }
0x3d: {  	_ =	shalt  }
0x3e: {  	_ =	shalt  }
0x3f: {  	_ =	shalt  }
0x40: {  	_ =	shalt  }
0x41: {  	_ =	shalt  }
0x42: {  	_ =	shalt  }
0x43: {  	_ =	shalt  }
0x44: {  	_ =	shalt  }
0x45: {  	_ =	shalt  }
0x46: {  	_ =	shalt  }
0x47: {  	_ =	shalt  }
0x48: {  	_ =	shalt  }
0x49: {  	_ =	shalt  }
0x4a: {  	_ =	shalt  }
0x4b: {  	_ =	shalt  }
0x4c: {  	_ =	shalt  }
0x4d: {  	_ =	shalt  }
0x4e: {  	_ =	shalt  }
0x4f: {  	_ =	shalt  }
0x50: {  	_ =	shalt  }
0x51: {  	_ =	shalt  }
0x52: {  	_ =	shalt  }
0x53: {  	_ =	shalt  }
0x54: {  	_ =	shalt  }
0x55: {  	_ =	shalt  }
0x56: {  	_ =	shalt  }
0x57: {  	_ =	shalt  }
0x58: {  	_ =	shalt  }
0x59: {  	_ =	shalt  }
0x5a: {  	_ =	shalt  }
0x5b: {  	_ =	shalt  }
0x5c: {  	_ =	shalt  }
0x5d: {  	_ =	shalt  }
0x5e: {  	_ =	shalt  }
0x5f: {  	_ =	shalt  }
0x60: {  	_ =	shalt  }
0x61: {  	_ =	shalt  }
0x62: {  	_ =	shalt  }
0x63: {  	_ =	shalt  }
0x64: {  	_ =	shalt  }
0x65: {  	_ =	shalt  }
0x66: {  	_ =	shalt  }
0x67: {  	_ =	shalt  }
0x68: {  	_ =	shalt  }
0x69: {  	_ =	shalt  }
0x6a: {  	_ =	shalt  }
0x6b: {  	_ =	shalt  }
0x6c: {  	_ =	shalt  }
0x6d: {  	_ =	shalt  }
0x6e: {  	_ =	shalt  }
0x6f: {  	_ =	shalt  }
0x70: {  	_ =	shalt  }
0x71: {  	_ =	shalt  }
0x72: {  	_ =	shalt  }
0x73: {  	_ =	shalt  }
0x74: {  	_ =	shalt  }
0x75: {  	_ =	shalt  }
0x76: {  	_ =	shalt  }
0x77: {  	_ =	shalt  }
0x78: {  	_ =	shalt  }
0x79: {  	_ =	shalt  }
0x7a: {  	_ =	shalt  }
0x7b: {  	_ =	shalt  }
0x7c: {  	_ =	shalt  }
0x7d: {  	_ =	shalt  }
0x7e: {  	_ =	shalt  }
0x7f: {  	_ =	shalt  }
0x80: {  	_ =	shalt  }
0x81: {  	_ =	shalt  }
0x82: {  	_ =	shalt  }
0x83: {  	_ =	shalt  }
0x84: {  	_ =	shalt  }
0x85: {  	_ =	shalt  }
0x86: {  	_ =	shalt  }
0x87: {  	_ =	shalt  }
.Lfunc_end0:
.L_simem_size_0:
called_computation.4_lowered:
.L_overlay_start_0:
0x88: {  	s2 =	sld [smem:$0x3FD9]  }
0x89: {  	s3 =	sld [smem:$0x3FFE];
	_ =	sdelay $0x1  }
0x8a: {  	s1 =	srdreg.scid  }
0x8b: {  	s0 =	sand.u32 $0x1, s1  }
0x8c: {  	s14 =	sshll.u32 s0, $0xA;
	s2 =	sadd.s32 s3, s2  }
0x8d: {  	s2 =	sadd.s32 s2, s14  }
0x8e: {  	[smem:$0x3FA7] =	sst s2  }
0x8f: {  	_ = 	snop  }
0x90: {  	s2 =	sld [smem:$0x3FD0];
	_ =	sdelay $0x2  }
0x91: {  	s15 =	simm.s32 $0xA;
	s4 =	simm.s32 $0x10  }
0x92: {  	[smem:s4], [sflag:s15] =	dma.local [hbm:s2], $0x1  }
0x93: {  	_ =	swait.eq [sflag:s15], $0x1  }
0x94: {  	[sflag:s15] =	ssyncset.done $0x0  }
0x95: {  	[sflag:s15] =	ssyncadd.s32 $0xFFFFFFFF  }
0x96: {  	s16 =	sld [smem:$0x11];
	(tm) =	ssettm $0x1  }
0x97: {  	s17 =	sld [smem:$0x3FFB];
	_ =	sdelay $0x3  }
0x98: {  	_ =	strace s17  }
0x99: {  	s3 =	sld [smem:$0x3FFC];
	_ =	sdelay $0x3  }
0x9a: {  	_ =	strace s3  }
0x9b: {  	s3 =	sld [smem:$0x3FFD];
	_ =	sdelay $0x3  }
0x9c: {  	_ =	strace s3  }
0x9d: {  	_ =	strace $0x8FFFFFFF  }
0x9e: {  	s18 =	sld [smem:$0x3FDB];
	_ =	sdelay $0x1  }
0x9f: {  	s19 =	simm.s32 $_scs_section_size  }
0xa0: {  	s5 =	simm.s32 $_size__tile_overlayer_lowered;
	s6 =	simm.s32 $_tile_overlayer_lowered  }
0xa1: {  	s22 =	simm.s32 $0x1BFF;
	s21 =	sshll.u32 s6, $0x1;
	s3 =	sadd.s32 s19, s18  }
0xa2: {  	s7 =	simm.s32 $0x0;
	s20 =	sshll.u32 s5, $0x1;
	s5 =	sadd.s32 s21, s3  }
0xa3: {  	[timem:s7], [sflag:s22] =	dma.local [hbm:s5], s20  }
0xa4: {  	_ =	swait.ge [sflag:s22], s20  }
0xa5: {  	s4 =	ssub.s32 $0x0, s20;
	[sflag:s22] =	ssyncset.done $0x0  }
0xa6: {  	[sflag:s22] =	ssyncadd.s32 s4;
	_ =	sdelay $0x1  }
0xa7: {  	s23 =	simm.s32 $0x1B8B  }
0xa8: {  	_ =	swait.ge [sflag:s23], $0x1  }
0xa9: {  	[sflag:s23] =	ssyncset.done $0x0  }
0xaa: {  	s25 =	simm.s32 $0x1B8E;
	s24 =	sld [smem:$0x3FFE];
	[sflag:s23] =	ssyncadd.s32 $0xFFFFFFFF  }
0xab: {  	s26 =	simm.s32 $execute0_lowered;
	[smem:$0x3FD2] =	sst s25  }
0xac: {  	s5 =	sshll.u32 s26, $0x1;
	_ =	strace $0x80000052;
	[dreg:$0x1] =	wrdreg $0xFFFFFFFF  }
0xad: {  	s28 =	simm.s32 $_size_execute0_lowered;
	s3 =	sadd.s32 s3, s5;
	[dreg:$0x0] =	wrdreg $0x0  }
0xae: {  	s5 =	sshll.u32 s28, $0x1;
	[dreg:$0x2] =	wrdreg s3  }
0xaf: {  	[dreg:$0x3] =	wrdreg s5  }
0xb0: {  	[dreg:$0x4] =	wrdreg $0xC0  }
0xb1: {  	_ =	task [dreg:s7], $0x5FFFF  }
0xb2: {  	[dreg:$0x1] =	wrdreg $0xFFFFFFFF  }
0xb3: {  	[dreg:$0x0] =	wrdreg $0x60  }
0xb4: {  	[dreg:$0x2] =	wrdreg s16  }
0xb5: {  	[dreg:$0x3] =	wrdreg s24  }
0xb6: {  	[dreg:$0x4] =	wrdreg $0x9  }
0xb7: {  	_ =	task.clear_ibuf [dreg:s7], $0x5FFFF;
	_ =	strace $0x90000052  }
0xb8: {  	s29 =	simm.s32 $0x9;
	_ =	strace $0x80000054  }
0xb9: {  	_ =	swait.ge [sflag:s29], $0x1  }
0xba: {  	[sflag:s29] =	ssyncadd.s32 $0xFFFFFFFF  }
0xbb: {  	_ =	strace $0x90000054  }
0xbc: {  	_ =	sfence  }
0xbd: {  	s30 =	sld [smem:$0x0];
	_ =	sdelay $0x2  }
0xbe: {  	s31 =	sshll.u32 s1, $0xD;
	s1 =	sshrl.u32 s1, $0x2  }
0xbf: {  	s3 =	sand.u32 $0x4000, s31;
	s1 =	sadd.s32 s1, s30  }
0xc0: {  	s0 =	sor.u32 s3, s0;
	s1 =	sshll.u32 s1, $0x11  }
0xc1: {  	s0 =	sor.u32 s1, s0  }
0xc2: {  	s0 =	sadd.s32 $0x8F2B, s0  }
0xc3: {  	[sflag:s0] =	ssyncadd.remote.s32 $0x1  }
0xc4: {  	_ =	sfence.sel $0xFFFF  }
0xc5: {  	[dreg:$0x0] =	wrdreg $0xFFFFFFFF;
	(pc) =	sbr.abs _section_cstart, $3  }
0xc6: {  	[dreg:$0x1] =	wrdreg $0xFFFFFFFF  }
0xc7: {  	_ =	task.clear_ibuf [dreg:s7], $0x2FFFF;
	_ =	strace $0x9FFFFFFF  }
0xc8: {  	(tm) =	ssettm $0x7FFFFFFF  }
0xc9: {  	_ =	shalt  }
tec
execute0_lowered:
.L_overlay_start_1:
0x0: {  	(tag) =	ssettag $0x1  }
0x1: {  	s1 =	rddreg [dreg:$0x0]  }
0x2: {  	s0 =	rddreg [dreg:$0x1];
	s3 =	simm.s32 $0x0;
	s2 =	srdreg.scid  }
0x3: {  	s14 =	stileid.u32;
	s16 =	simm.s32 $0x80;
	s17 =	simm.s32 $0x5900  }
0x4: {  	s18 =	simm.s32 $0x6100;
	s19 =	simm.s32 $0x6900;
	s20 =	simm.s32 $0x900  }
0x5: {  	s28 =	simm.s32 $0xA100;
	s29 =	simm.s32 $0x50;
	s30 =	simm.s32 $0xA200  }
0x6: {  	s31 =	simm.s32 $0x5100;
	[smem:$0x7FF] =	sst s3;
	s22 =	smul.u32 $0x4E20, s14  }
0x7: {  	s2 =	sand.u32 $0x1, s2;
	s4 =	sshll.u32 s14, $0x1;
	s13 =	smul.u32 $0x4E200, s14  }
0x8: {  	s5 =	sadd.s32 $0x11400, s0;
	s8 =	sadd.s32 $0x42400, s0;
	s26 =	smul.u32 $0x9C400, s14  }
0x9: {  	_ =	strace $0x80000053;
	s6 =	sor.u32 s2, s4;
	s23 =	smul.u32 $0x2710, s2  }
0xa: {  	s4 =	sadd.s32 $0x1B200, s0;
	s24 =	smul.u32 $0x27100, s2;
	[dreg:$0x4] =	wrdreg s16  }
0xb: {  	s9 =	ssub.s32 $0x2, s2;
	s2 =	smul.u32 $0x4E200, s2;
	[dreg:$0x5] =	wrdreg s17  }
0xc: {  	s16 =	simm.s32 $0x5;
	s17 =	simm.s32 $0x100;
	[dreg:$0x6] =	wrdreg s18  }
0xd: {  	[dreg:$0x7] =	wrdreg s19;
	s18 =	simm.s32 $0x3100;
	s19 =	simm.s32 $0x3900  }
0xe: {  	s7 =	smul.u32 $0x2710, s6;
	s6 =	sadd.s32 $0x7600, s0;
	s10 =	sshrl.u32 s9, $0x1  }
0xf: {  	s0 =	sadd.s32 $0xA06400, s0;
	s9 =	ssub.s32 s9, s10;
	s25 =	sadd.s32 s23, s22  }
0x10: {  	s22 =	simm.s32 $0x7900;
	s23 =	simm.s32 $0x8100;
	s10 =	simm.s32 $0x4  }
0x11: {  	s11 =	sshrl.u32 s7, $0x3;
	s7 =	sadd.s32 $0x26C0, s7;
	[dreg:$0x9] =	wrdreg s22  }
0x12: {  	s9 =	smax.u32 s9, $0x1;
	[dreg:$0xa] =	wrdreg s23;
	s22 =	simm.s32 $0x4900  }
0x13: {  	s23 =	simm.s32 $0x0;
	s21 =	sadd.s32 s5, s11;
	[dreg:$0x12] =	wrdreg s9  }
0x14: {  	s11 =	sadd.s32 s6, s11;
	s12 =	sshll.u32 s7, $0x5;
	[dreg:$0xe] =	wrdreg s21  }
0x15: {  	s7 =	sshll.u32 s7, $0x4;
	[dreg:$0xf] =	wrdreg s11;
	s12 =	sadd.s32 s8, s12  }
0x16: {  	s9 =	simm.s32 $0x2;
	s7 =	sadd.s32 s0, s7;
	[dreg:$0x10] =	wrdreg s12  }
0x17: {  	s11 =	sadd.s32 $0xA0, s25;
	s0 =	sadd.s32 s13, s0;
	[dreg:$0x11] =	wrdreg s7  }
0x18: {  	s21 =	simm.s32 $0x7100;
	[dreg:$0x13] =	wrdreg s11;
	s0 =	sadd.s32 s24, s0  }
0x19: {  	s11 =	sadd.s32 s26, s8;
	s12 =	sadd.s32 $0x50, s25;
	[dreg:$0x8] =	wrdreg s21  }
0x1a: {  	s24 =	simm.s32 $0x8900;
	s25 =	simm.s32 $0x9100;
	s26 =	simm.s32 $0x9900  }
0x1b: {  	s21 =	simm.s32 $0x4100;
	s7 =	simm.s32 $0x1;
	[dreg:$0x3] =	wrdreg s0  }
0x1c: {  	s8 =	simm.s32 $0x3;
	s13 =	sadd.s32 s2, s11;
	[dreg:$0xb] =	wrdreg s24  }
0x1d: {  	s14 =	sshrl.u32 s12, $0x3;
	s12 =	simm.s32 $0x1100;
	[dreg:$0xc] =	wrdreg s25  }
0x1e: {  	[dreg:$0xd] =	wrdreg s26;
	s24 =	simm.s32 $0x4100;
	s0 =	sadd.s32 $0xA00, s13  }
0x1f: {  	s25 =	simm.s32 $0x3100;
	s15 =	sadd.s32 s14, s6;
	[dreg:$0x14] =	wrdreg s0  }
0x20: {  	v2 =	vlaneseq.u32;
	s26 =	simm.s32 $0x3900;
	s2 =	sadd.s32 s14, s5;
	[dreg:$0x15] =	wrdreg s15  }
0x21: {  	vm0 =	vmmov $0xffff;
	v1 =	vshrl.u32 v2, $0x3;
	s13 =	simm.s32 $0x1900;
	s14 =	simm.s32 $0x2100;
	[dreg:$0x16] =	wrdreg s2  }
0x22: {  	v0 =	vand.u32 $0x7, v2;
	v2 =	vor.u32 $0x8, v2;
	v1 =	vmul.u32 $0x8, v1;
	s15 =	simm.s32 $0x2900;
	s0 =	simm.s32 $0xA180;
	s2 =	simm.s32 $0xCA00  }
.LBB2_1:
0x23: {  	[dreg:$0x17] =	wrdreg s23  }
0x24: {  	s11 =	rddreg [dreg:$0xe]  }
0x25: {  	[tilespmem:s3], [sflag:$0x5] =	stream.linear.gather [hbm4b:s11+s3], $0x50, $0x38;
	[tilespmem:$0xF200] =	vst v63  }
0x26: {  	_ =	swait.ge [sflag:s16], $0x50  }
0x27: {  	[sflag:s16] =	ssyncset.done $0x0  }
0x28: {  	[sflag:s16] =	ssyncadd.s32 $0xFFFFFFB0  }
0x29: {  	v3 =	vld [tilespmem:$0x0];
	_ =	sdelay $0x4  }
0x2a: {  	v4 =	vshll.u32 v3, $0x1  }
0x2b: {  	v3 =	vand.u32 $0x7, v3;
	v4 =	vand.u32 $0xFFFFFFF0, v4  }
0x2c: {  	v3 =	vor.u32 v3, v4  }
0x2d: {  	v4 =	vperm.xlane v3, v0;
	_ =	sdelay $0x1  }
0x2e: {  	v3 =	vperm.xlane v3, v2;
	v4 =	vadd.s32 v1, v4;
	_ =	sdelay $0x1  }
0x2f: {  	v3 =	vadd.s32 v1, v3;
	_ =	sdelay $0x2  }
0x30: {  	[tilespmem:s17], [sflag:$0x1] =	stream.indirect_vreg.gather [hbm4b:s1+s3], $0x80, v4, vm0, $0xb8;
	[tilespmem:$0xF200] =	vst v63  }
0x31: {  	_ = 	snop  }
0x32: {  	[tilespmem:s20], [sflag:$0x1] =	stream.indirect_vreg.gather [hbm4b:s1+s3], $0x80, v3, vm0, $0xb8;
	[tilespmem:$0xF200] =	vst v63  }
0x33: {  	v3 =	vld [tilespmem:$0x10];
	_ =	sdelay $0x4  }
0x34: {  	v60 =	vshll.u32 v3, $0x1  }
0x35: {  	v3 =	vand.u32 $0x7, v3;
	v4 =	vand.u32 $0xFFFFFFF0, v60  }
0x36: {  	v3 =	vor.u32 v3, v4  }
0x37: {  	v4 =	vperm.xlane v3, v0;
	_ =	sdelay $0x1  }
0x38: {  	v3 =	vperm.xlane v3, v2;
	v4 =	vadd.s32 v1, v4;
	_ =	sdelay $0x1  }
0x39: {  	v3 =	vadd.s32 v1, v3;
	_ =	sdelay $0x2  }
0x3a: {  	[tilespmem:s12], [sflag:$0x1] =	stream.indirect_vreg.gather [hbm4b:s1+s3], $0x80, v4, vm0, $0xb8;
	[tilespmem:$0xF200] =	vst v63  }
0x3b: {  	_ = 	snop  }
0x3c: {  	[tilespmem:s13], [sflag:$0x1] =	stream.indirect_vreg.gather [hbm4b:s1+s3], $0x80, v3, vm0, $0xb8;
	[tilespmem:$0xF200] =	vst v63  }
0x3d: {  	v3 =	vld [tilespmem:$0x20];
	_ =	sdelay $0x4  }
0x3e: {  	v61 =	vshll.u32 v3, $0x1  }
0x3f: {  	v3 =	vand.u32 $0x7, v3;
	v4 =	vand.u32 $0xFFFFFFF0, v61  }
0x40: {  	v3 =	vor.u32 v3, v4  }
0x41: {  	v4 =	vperm.xlane v3, v0;
	_ =	sdelay $0x1  }
0x42: {  	v3 =	vperm.xlane v3, v2;
	v4 =	vadd.s32 v1, v4;
	_ =	sdelay $0x1  }
0x43: {  	v3 =	vadd.s32 v1, v3;
	_ =	sdelay $0x2  }
0x44: {  	[tilespmem:s14], [sflag:$0x1] =	stream.indirect_vreg.gather [hbm4b:s1+s3], $0x80, v4, vm0, $0xb8;
	[tilespmem:$0xF200] =	vst v63  }
0x45: {  	_ = 	snop  }
0x46: {  	[tilespmem:s15], [sflag:$0x1] =	stream.indirect_vreg.gather [hbm4b:s1+s3], $0x80, v3, vm0, $0xb8;
	[tilespmem:$0xF200] =	vst v63  }
0x47: {  	v3 =	vld [tilespmem:$0x30];
	_ =	sdelay $0x4  }
0x48: {  	v62 =	vshll.u32 v3, $0x1  }
0x49: {  	v3 =	vand.u32 $0x7, v3;
	v4 =	vand.u32 $0xFFFFFFF0, v62  }
0x4a: {  	v3 =	vor.u32 v3, v4  }
0x4b: {  	v4 =	vperm.xlane v3, v0;
	_ =	sdelay $0x1  }
0x4c: {  	v3 =	vperm.xlane v3, v2;
	v4 =	vadd.s32 v1, v4;
	_ =	sdelay $0x1  }
0x4d: {  	v3 =	vadd.s32 v1, v3;
	_ =	sdelay $0x2  }
0x4e: {  	[tilespmem:s18], [sflag:$0x1] =	stream.indirect_vreg.gather [hbm4b:s1+s3], $0x80, v4, vm0, $0xb8;
	[tilespmem:$0xF200] =	vst v63  }
0x4f: {  	_ = 	snop  }
0x50: {  	[tilespmem:s19], [sflag:$0x1] =	stream.indirect_vreg.gather [hbm4b:s1+s3], $0x80, v3, vm0, $0xb8;
	[tilespmem:$0xF200] =	vst v63  }
0x51: {  	v3 =	vld [tilespmem:$0x40];
	_ =	sdelay $0x4  }
0x52: {  	v63 =	vshll.u32 v3, $0x1  }
0x53: {  	v3 =	vand.u32 $0x7, v3;
	v4 =	vand.u32 $0xFFFFFFF0, v63  }
0x54: {  	v3 =	vor.u32 v3, v4  }
0x55: {  	v4 =	vperm.xlane v3, v0;
	_ =	sdelay $0x1  }
0x56: {  	v3 =	vperm.xlane v3, v2;
	v4 =	vadd.s32 v1, v4;
	_ =	sdelay $0x1  }
0x57: {  	v3 =	vadd.s32 v1, v3;
	_ =	sdelay $0x2  }
0x58: {  	[tilespmem:s21], [sflag:$0x1] =	stream.indirect_vreg.gather [hbm4b:s1+s3], $0x80, v4, vm0, $0xb8;
	[tilespmem:$0xF200] =	vst v63  }
0x59: {  	_ = 	snop  }
0x5a: {  	[tilespmem:s22], [sflag:$0x1] =	stream.indirect_vreg.gather [hbm4b:s1+s3], $0x80, v3, vm0, $0xb8;
	[tilespmem:$0xF200] =	vst v63  }
0x5b: {  	s23 =	rddreg [dreg:$0xf]  }
0x5c: {  	[tilespmem:s28], [sflag:$0x5] =	stream.linear.gather [hbm4b:s23+s3], $0x50, $0x38;
	[tilespmem:$0xF200] =	vst v63  }
0x5d: {  	_ =	swait.ge [sflag:s16], $0x50  }
0x5e: {  	s15 =	rddreg [dreg:$0x16]  }
0x5f: {  	s11 =	simm.s32 $0x0;
	s14 =	rddreg [dreg:$0x15]  }
0x60: {  	s21 =	simm.s32 $0x1100;
	[sflag:s16] =	ssyncset.done $0x0;
	s13 =	rddreg [dreg:$0x14]  }
0x61: {  	s22 =	simm.s32 $0x1900;
	s12 =	rddreg [dreg:$0x13];
	[sflag:s16] =	ssyncadd.s32 $0xFFFFFFB0  }
0x62: {  	[tilespmem:s30], [sflag:$0x3] =	stream.indirect.gather [hbm4b:s4+s29], $0x80, s28, s29, $0xb8;
	[tilespmem:$0xF200] =	vst v63  }
.LBB2_2:
0x63: {  	s18 =	rddreg [dreg:$0x4]  }
0x64: {  	[tilespmem:s18], [sflag:$0x5] =	stream.linear.gather [hbm4b:s15+s3], $0x50, $0x38;
	[tilespmem:$0xF200] =	vst v63  }
0x65: {  	_ =	swait.ge [sflag:s16], $0x50  }
0x66: {  	[sflag:s16] =	ssyncset.done $0x0  }
0x67: {  	[sflag:s16] =	ssyncadd.s32 $0xFFFFFFB0  }
0x68: {  	v3 =	vld [tilespmem:$0x80];
	_ =	sdelay $0x4  }
0x69: {  	v4 =	vshll.u32 v3, $0x1  }
0x6a: {  	v3 =	vand.u32 $0x7, v3;
	v4 =	vand.u32 $0xFFFFFFF0, v4  }
0x6b: {  	v3 =	vor.u32 v3, v4  }
0x6c: {  	v4 =	vperm.xlane v3, v0;
	_ =	sdelay $0x1  }
0x6d: {  	v3 =	vperm.xlane v3, v2;
	v4 =	vadd.s32 v1, v4;
	_ =	sdelay $0x1  }
0x6e: {  	v3 =	vadd.s32 v1, v3;
	_ =	sdelay $0x2  }
0x6f: {  	[tilespmem:s31], [sflag:$0x2] =	stream.indirect_vreg.gather [hbm4b:s1+s3], $0x80, v4, vm0, $0xb8;
	[tilespmem:$0xF200] =	vst v63  }
0x70: {  	s20 =	rddreg [dreg:$0x5]  }
0x71: {  	[tilespmem:s20], [sflag:$0x2] =	stream.indirect_vreg.gather [hbm4b:s1+s3], $0x80, v3, vm0, $0xb8;
	[tilespmem:$0xF200] =	vst v63  }
0x72: {  	v3 =	vld [tilespmem:$0x90];
	_ =	sdelay $0x4  }
0x73: {  	v55 =	vshll.u32 v3, $0x1  }
0x74: {  	v3 =	vand.u32 $0x7, v3;
	v4 =	vand.u32 $0xFFFFFFF0, v55  }
0x75: {  	v3 =	vor.u32 v3, v4  }
0x76: {  	v4 =	vperm.xlane v3, v0;
	_ =	sdelay $0x1  }
0x77: {  	v3 =	vperm.xlane v3, v2;
	v4 =	vadd.s32 v1, v4;
	_ =	sdelay $0x1  }
0x78: {  	v3 =	vadd.s32 v1, v3;
	_ =	sdelay $0x1  }
0x79: {  	s23 =	rddreg [dreg:$0x6]  }
0x7a: {  	[tilespmem:s23], [sflag:$0x2] =	stream.indirect_vreg.gather [hbm4b:s1+s3], $0x80, v4, vm0, $0xb8;
	[tilespmem:$0xF200] =	vst v63  }
0x7b: {  	s19 =	rddreg [dreg:$0x7]  }
0x7c: {  	[tilespmem:s19], [sflag:$0x2] =	stream.indirect_vreg.gather [hbm4b:s1+s3], $0x80, v3, vm0, $0xb8;
	[tilespmem:$0xF200] =	vst v63  }
0x7d: {  	v3 =	vld [tilespmem:$0xA0];
	_ =	sdelay $0x4  }
0x7e: {  	v56 =	vshll.u32 v3, $0x1  }
0x7f: {  	v3 =	vand.u32 $0x7, v3;
	v4 =	vand.u32 $0xFFFFFFF0, v56  }
0x80: {  	v3 =	vor.u32 v3, v4  }
0x81: {  	v4 =	vperm.xlane v3, v0;
	_ =	sdelay $0x1  }
0x82: {  	v3 =	vperm.xlane v3, v2;
	v4 =	vadd.s32 v1, v4;
	_ =	sdelay $0x1  }
0x83: {  	v3 =	vadd.s32 v1, v3;
	_ =	sdelay $0x1  }
0x84: {  	s20 =	rddreg [dreg:$0x8]  }
0x85: {  	[tilespmem:s20], [sflag:$0x2] =	stream.indirect_vreg.gather [hbm4b:s1+s3], $0x80, v4, vm0, $0xb8;
	[tilespmem:$0xF200] =	vst v63  }
0x86: {  	s23 =	rddreg [dreg:$0x9]  }
0x87: {  	[tilespmem:s23], [sflag:$0x2] =	stream.indirect_vreg.gather [hbm4b:s1+s3], $0x80, v3, vm0, $0xb8;
	[tilespmem:$0xF200] =	vst v63  }
0x88: {  	v3 =	vld [tilespmem:$0xB0];
	_ =	sdelay $0x4  }
0x89: {  	v57 =	vshll.u32 v3, $0x1  }
0x8a: {  	v3 =	vand.u32 $0x7, v3;
	v4 =	vand.u32 $0xFFFFFFF0, v57  }
0x8b: {  	v3 =	vor.u32 v3, v4  }
0x8c: {  	v4 =	vperm.xlane v3, v0;
	_ =	sdelay $0x1  }
0x8d: {  	v3 =	vperm.xlane v3, v2;
	v4 =	vadd.s32 v1, v4;
	_ =	sdelay $0x1  }
0x8e: {  	v3 =	vadd.s32 v1, v3;
	_ =	sdelay $0x1  }
0x8f: {  	s20 =	rddreg [dreg:$0xa]  }
0x90: {  	[tilespmem:s20], [sflag:$0x2] =	stream.indirect_vreg.gather [hbm4b:s1+s3], $0x80, v4, vm0, $0xb8;
	[tilespmem:$0xF200] =	vst v63  }
0x91: {  	s23 =	rddreg [dreg:$0xb]  }
0x92: {  	[tilespmem:s23], [sflag:$0x2] =	stream.indirect_vreg.gather [hbm4b:s1+s3], $0x80, v3, vm0, $0xb8;
	[tilespmem:$0xF200] =	vst v63  }
0x93: {  	v3 =	vld [tilespmem:$0xC0];
	_ =	sdelay $0x4  }
0x94: {  	v58 =	vshll.u32 v3, $0x1  }
0x95: {  	v3 =	vand.u32 $0x7, v3;
	v4 =	vand.u32 $0xFFFFFFF0, v58  }
0x96: {  	v3 =	vor.u32 v3, v4  }
0x97: {  	v4 =	vperm.xlane v3, v0;
	_ =	sdelay $0x1  }
0x98: {  	v3 =	vperm.xlane v3, v2;
	v4 =	vadd.s32 v1, v4;
	_ =	sdelay $0x1  }
0x99: {  	v3 =	vadd.s32 v1, v3;
	_ =	sdelay $0x1  }
0x9a: {  	s20 =	rddreg [dreg:$0xc]  }
0x9b: {  	[tilespmem:s20], [sflag:$0x2] =	stream.indirect_vreg.gather [hbm4b:s1+s3], $0x80, v4, vm0, $0xb8;
	[tilespmem:$0xF200] =	vst v63  }
0x9c: {  	s23 =	rddreg [dreg:$0xd]  }
0x9d: {  	[tilespmem:s23], [sflag:$0x2] =	stream.indirect_vreg.gather [hbm4b:s1+s3], $0x80, v3, vm0, $0xb8;
	[tilespmem:$0xF200] =	vst v63  }
0x9e: {  	_ = 	snop  }
0x9f: {  	[tilespmem:s0], [sflag:$0x5] =	stream.linear.gather [hbm4b:s14+s3], $0x50, $0x38;
	[tilespmem:$0xF200] =	vst v63  }
0xa0: {  	_ =	swait.ge [sflag:s16], $0x50  }
0xa1: {  	[sflag:s16] =	ssyncset.done $0x0  }
0xa2: {  	[sflag:s16] =	ssyncadd.s32 $0xFFFFFFB0  }
0xa3: {  	[tilespmem:s2], [sflag:$0x4] =	stream.indirect.gather [hbm4b:s4+s29], $0x80, s0, s29, $0xb8;
	[tilespmem:$0xF200] =	vst v63  }
0xa4: {  	_ =	swait.ge [sflag:s7], $0x5000  }
0xa5: {  	[sflag:s7] =	ssyncset.done $0x0  }
0xa6: {  	s20 =	sadd.s32 $0xFFFFF600, s13;
	[sflag:s7] =	ssyncadd.s32 $0xFFFFB000  }
0xa7: {  	[hbm4b:s20+s3] =	stream.linear.scatter [tilespmem:s17], [sflag:$0x5], $0x5000, $0x38;
	[tilespmem:$0xF200] =	vst v63  }
0xa8: {  	_ =	swait.ge [sflag:s16], $0x5000  }
0xa9: {  	[sflag:s16] =	ssyncset.done $0x0  }
0xaa: {  	[sflag:s16] =	ssyncadd.s32 $0xFFFFB000  }
0xab: {  	_ =	swait.ge [sflag:s8], $0x2800  }
0xac: {  	s23 =	rddreg [dreg:$0x3];
	[sflag:s8] =	ssyncset.done $0x0  }
0xad: {  	[sflag:s8] =	ssyncadd.s32 $0xFFFFD800;
	s18 =	sadd.s32 s11, s23  }
0xae: {  	[hbm4b:s18+s3] =	stream.linear.scatter [tilespmem:s30], [sflag:$0x5], $0x2800, $0x38;
	[tilespmem:$0xF200] =	vst v63  }
0xaf: {  	_ =	swait.ge [sflag:s16], $0x2800  }
0xb0: {  	s19 =	sshrl.u32 s12, $0x3;
	[sflag:s16] =	ssyncset.done $0x0  }
0xb1: {  	s20 =	sadd.s32 s5, s19;
	[sflag:s16] =	ssyncadd.s32 $0xFFFFD800  }
0xb2: {  	[tilespmem:s3], [sflag:$0x5] =	stream.linear.gather [hbm4b:s20+s3], $0x50, $0x38;
	[tilespmem:$0xF200] =	vst v63  }
0xb3: {  	_ =	swait.ge [sflag:s16], $0x50  }
0xb4: {  	[sflag:s16] =	ssyncset.done $0x0  }
0xb5: {  	[sflag:s16] =	ssyncadd.s32 $0xFFFFFFB0  }
0xb6: {  	v3 =	vld [tilespmem:$0x0];
	_ =	sdelay $0x4  }
0xb7: {  	v59 =	vshll.u32 v3, $0x1  }
0xb8: {  	v3 =	vand.u32 $0x7, v3;
	v4 =	vand.u32 $0xFFFFFFF0, v59  }
0xb9: {  	v3 =	vor.u32 v3, v4  }
0xba: {  	v4 =	vperm.xlane v3, v0;
	_ =	sdelay $0x1  }
0xbb: {  	v3 =	vperm.xlane v3, v2;
	v4 =	vadd.s32 v1, v4;
	_ =	sdelay $0x1  }
0xbc: {  	v3 =	vadd.s32 v1, v3;
	_ =	sdelay $0x2  }
0xbd: {  	[tilespmem:s17], [sflag:$0x1] =	stream.indirect_vreg.gather [hbm4b:s1+s3], $0x80, v4, vm0, $0xb8;
	[tilespmem:$0xF200] =	vst v63  }
0xbe: {  	s20 =	simm.s32 $0x900  }
0xbf: {  	[tilespmem:s20], [sflag:$0x1] =	stream.indirect_vreg.gather [hbm4b:s1+s3], $0x80, v3, vm0, $0xb8;
	[tilespmem:$0xF200] =	vst v63  }
0xc0: {  	v3 =	vld [tilespmem:$0x10];
	_ =	sdelay $0x4  }
0xc1: {  	v60 =	vshll.u32 v3, $0x1  }
0xc2: {  	v3 =	vand.u32 $0x7, v3;
	v4 =	vand.u32 $0xFFFFFFF0, v60  }
0xc3: {  	v3 =	vor.u32 v3, v4  }
0xc4: {  	v4 =	vperm.xlane v3, v0;
	_ =	sdelay $0x1  }
0xc5: {  	v3 =	vperm.xlane v3, v2;
	v4 =	vadd.s32 v1, v4;
	_ =	sdelay $0x1  }
0xc6: {  	v3 =	vadd.s32 v1, v3;
	_ =	sdelay $0x2  }
0xc7: {  	[tilespmem:s21], [sflag:$0x1] =	stream.indirect_vreg.gather [hbm4b:s1+s3], $0x80, v4, vm0, $0xb8;
	[tilespmem:$0xF200] =	vst v63  }
0xc8: {  	_ = 	snop  }
0xc9: {  	[tilespmem:s22], [sflag:$0x1] =	stream.indirect_vreg.gather [hbm4b:s1+s3], $0x80, v3, vm0, $0xb8;
	[tilespmem:$0xF200] =	vst v63  }
0xca: {  	v3 =	vld [tilespmem:$0x20];
	_ =	sdelay $0x4  }
0xcb: {  	v61 =	vshll.u32 v3, $0x1  }
0xcc: {  	v3 =	vand.u32 $0x7, v3;
	v4 =	vand.u32 $0xFFFFFFF0, v61  }
0xcd: {  	v3 =	vor.u32 v3, v4  }
0xce: {  	v4 =	vperm.xlane v3, v0;
	_ =	sdelay $0x1  }
0xcf: {  	v3 =	vperm.xlane v3, v2;
	v4 =	vadd.s32 v1, v4;
	_ =	sdelay $0x1  }
0xd0: {  	v3 =	vadd.s32 v1, v3;
	_ =	sdelay $0x1  }
0xd1: {  	s23 =	simm.s32 $0x2100  }
0xd2: {  	[tilespmem:s23], [sflag:$0x1] =	stream.indirect_vreg.gather [hbm4b:s1+s3], $0x80, v4, vm0, $0xb8;
	[tilespmem:$0xF200] =	vst v63  }
0xd3: {  	s23 =	simm.s32 $0x2900  }
0xd4: {  	[tilespmem:s23], [sflag:$0x1] =	stream.indirect_vreg.gather [hbm4b:s1+s3], $0x80, v3, vm0, $0xb8;
	[tilespmem:$0xF200] =	vst v63  }
0xd5: {  	v3 =	vld [tilespmem:$0x30];
	_ =	sdelay $0x4  }
0xd6: {  	v62 =	vshll.u32 v3, $0x1  }
0xd7: {  	v3 =	vand.u32 $0x7, v3;
	v4 =	vand.u32 $0xFFFFFFF0, v62  }
0xd8: {  	v3 =	vor.u32 v3, v4  }
0xd9: {  	v4 =	vperm.xlane v3, v0;
	_ =	sdelay $0x1  }
0xda: {  	v3 =	vperm.xlane v3, v2;
	v4 =	vadd.s32 v1, v4;
	_ =	sdelay $0x1  }
0xdb: {  	v3 =	vadd.s32 v1, v3;
	_ =	sdelay $0x2  }
0xdc: {  	[tilespmem:s25], [sflag:$0x1] =	stream.indirect_vreg.gather [hbm4b:s1+s3], $0x80, v4, vm0, $0xb8;
	[tilespmem:$0xF200] =	vst v63  }
0xdd: {  	_ = 	snop  }
0xde: {  	[tilespmem:s26], [sflag:$0x1] =	stream.indirect_vreg.gather [hbm4b:s1+s3], $0x80, v3, vm0, $0xb8;
	[tilespmem:$0xF200] =	vst v63  }
0xdf: {  	v3 =	vld [tilespmem:$0x40];
	_ =	sdelay $0x4  }
0xe0: {  	v63 =	vshll.u32 v3, $0x1  }
0xe1: {  	v3 =	vand.u32 $0x7, v3;
	v4 =	vand.u32 $0xFFFFFFF0, v63  }
0xe2: {  	v3 =	vor.u32 v3, v4  }
0xe3: {  	v4 =	vperm.xlane v3, v0;
	_ =	sdelay $0x1  }
0xe4: {  	v3 =	vperm.xlane v3, v2;
	v4 =	vadd.s32 v1, v4;
	_ =	sdelay $0x1  }
0xe5: {  	v3 =	vadd.s32 v1, v3;
	_ =	sdelay $0x2  }
0xe6: {  	[tilespmem:s24], [sflag:$0x1] =	stream.indirect_vreg.gather [hbm4b:s1+s3], $0x80, v4, vm0, $0xb8;
	[tilespmem:$0xF200] =	vst v63  }
0xe7: {  	s23 =	simm.s32 $0x4900  }
0xe8: {  	[tilespmem:s23], [sflag:$0x1] =	stream.indirect_vreg.gather [hbm4b:s1+s3], $0x80, v3, vm0, $0xb8;
	[tilespmem:$0xF200] =	vst v63  }
0xe9: {  	s19 =	sadd.s32 s6, s19  }
0xea: {  	[tilespmem:s28], [sflag:$0x5] =	stream.linear.gather [hbm4b:s19+s3], $0x50, $0x38;
	[tilespmem:$0xF200] =	vst v63  }
0xeb: {  	_ =	swait.ge [sflag:s16], $0x50  }
0xec: {  	[sflag:s16] =	ssyncset.done $0x0  }
0xed: {  	[sflag:s16] =	ssyncadd.s32 $0xFFFFFFB0  }
0xee: {  	[tilespmem:s30], [sflag:$0x3] =	stream.indirect.gather [hbm4b:s4+s29], $0x80, s28, s29, $0xb8;
	[tilespmem:$0xF200] =	vst v63  }
0xef: {  	_ =	swait.ge [sflag:s9], $0x5000  }
0xf0: {  	[sflag:s9] =	ssyncset.done $0x0  }
0xf1: {  	[sflag:s9] =	ssyncadd.s32 $0xFFFFB000  }
0xf2: {  	[hbm4b:s13+s3] =	stream.linear.scatter [tilespmem:s31], [sflag:$0x5], $0x5000, $0x38;
	[tilespmem:$0xF200] =	vst v63  }
0xf3: {  	_ =	swait.ge [sflag:s16], $0x5000  }
0xf4: {  	[sflag:s16] =	ssyncset.done $0x0  }
0xf5: {  	[sflag:s16] =	ssyncadd.s32 $0xFFFFB000  }
0xf6: {  	_ =	swait.ge [sflag:s10], $0x2800  }
0xf7: {  	p0 =	sne.s32 s11, $0x26200;
	[sflag:s10] =	ssyncset.done $0x0  }
.Ltmp0:
0xf8: {  	s18 =	sadd.s32 $0x500, s18;
	[sflag:s10] =	ssyncadd.s32 $0xFFFFD800;
	(pc) =	sbr.rel @p0 .LBB2_2-.Ltmp0, $4  }
0xf9: {  	[hbm4b:s18+s3] =	stream.linear.scatter [tilespmem:s2], [sflag:$0x5], $0x2800, $0x38;
	[tilespmem:$0xF200] =	vst v63  }
0xfa: {  	s15 =	sadd.s32 $0x14, s15;
	_ =	swait.ge [sflag:s16], $0x2800  }
0xfb: {  	s12 =	sadd.s32 $0xA0, s12;
	s14 =	sadd.s32 $0x14, s14;
	[sflag:s16] =	ssyncset.done $0x0  }
0xfc: {  	s11 =	sadd.s32 $0xA00, s11;
	s13 =	sadd.s32 $0x1400, s13;
	[sflag:s16] =	ssyncadd.s32 $0xFFFFD800  }
0xfd: {  	_ =	swait.ge [sflag:s7], $0x5000  }
0xfe: {  	[sflag:s7] =	ssyncset.done $0x0  }
0xff: {  	s11 =	rddreg [dreg:$0x10];
	[sflag:s7] =	ssyncadd.s32 $0xFFFFB000  }
0x100: {  	[hbm4b:s11+s3] =	stream.linear.scatter [tilespmem:s17], [sflag:$0x5], $0x5000, $0x38;
	[tilespmem:$0xF200] =	vst v63  }
0x101: {  	_ =	swait.ge [sflag:s16], $0x5000  }
0x102: {  	[sflag:s16] =	ssyncset.done $0x0  }
0x103: {  	[sflag:s16] =	ssyncadd.s32 $0xFFFFB000  }
0x104: {  	_ =	swait.ge [sflag:s8], $0x2800  }
0x105: {  	[sflag:s8] =	ssyncset.done $0x0  }
0x106: {  	s21 =	rddreg [dreg:$0x11];
	[sflag:s8] =	ssyncadd.s32 $0xFFFFD800  }
0x107: {  	[hbm4b:s21+s3] =	stream.linear.scatter [tilespmem:s30], [sflag:$0x5], $0x2800, $0x38;
	[tilespmem:$0xF200] =	vst v63  }
0x108: {  	_ =	swait.ge [sflag:s16], $0x2800  }
0x109: {  	s23 =	rddreg [dreg:$0x17]  }
0x10a: {  	s22 =	rddreg [dreg:$0x12];
	s23 =	sadd.s32 $0x1, s23  }
0x10b: {  	p0 =	sne.s32 s23, s22  }
.Ltmp1:
0x10c: {  	_ = 	snop;
	(pc) =	sbr.rel @p0 .LBB2_1-.Ltmp1, $4  }
0x10d: {  	s12 =	simm.s32 $0x1100  }
0x10e: {  	s13 =	simm.s32 $0x1900;
	s14 =	simm.s32 $0x2100;
	s15 =	simm.s32 $0x2900  }
0x10f: {  	s18 =	simm.s32 $0x3100;
	s19 =	simm.s32 $0x3900;
	[sflag:s16] =	ssyncset.done $0x0  }
0x110: {  	s21 =	simm.s32 $0x4100;
	[sflag:s16] =	ssyncadd.s32 $0xFFFFD800;
	s22 =	simm.s32 $0x4900  }
0x111: {  	_ =	sfence.sel $0x180000  }
0x112: {  	[bflag:$0x0] =	sbarrier.arrive $0xFFFF  }
0x113: {  	_ =	strace $0x90000053  }
0x114: {  	s0 =	stileid.u32;
	[bflag:$0x2] =	sbarrier.arrive $0xFFFF  }
0x115: {  	p0 =	sne.s32 s0, $0x0;
	s0 =	rddreg [dreg:$0x2]  }
0x116: {  	s0 =	sadd.s32 @!p0 $0x100000, s0  }
0x117: {  	[sflag:s0] =	ssyncadd.tile.s32 @!p0 $0x1;
	_ =	shalt  }
.Lfunc_end2:
_tile_overlayer_lowered:
.L_overlay_start_2:
0x118: {  	(tag) =	ssettag $0x2  }
0x119: {  	s0 =	rddreg [dreg:$0x0];
	s2 =	stileid.u32  }
0x11a: {  	s1 =	rddreg [dreg:$0x1];
	p0 =	sne.s32 s2, $0x0  }
0x11b: {  	s3 =	rddreg [dreg:$0x2];
	[bflag:$0x3] =	sbarrier.arrive $0xFFFF;
	s2 =	simm.s32 @!p0 $0x1C05  }
0x11c: {  	[timem:s3], [sflag:s2] =	dma.local @!p0 [hbm:s0], s1  }
0x11d: {  	s0 =	simm.s32 @!p0 $0x5  }
0x11e: {  	_ =	swait.ge @!p0 [sflag:s0], s1  }
0x11f: {  	s1 =	ssub.s32 @!p0 $0x0, s1;
	[sflag:s0] =	ssyncset.done @!p0 $0x0  }
0x120: {  	[sflag:s0] =	ssyncadd.s32 @!p0 s1  }
0x121: {  	[bflag:$0x3] =	sbarrier.arrive $0xFFFF  }
0x122: {  	_ =	shalt  }

</sc_bundles>
